<compile_context>
chip_gen: v7x
topology: tpu7x:2x2x1
jax: 0.10.2.dev20260603
libtpu: 0.0.44.dev20260713+nightly
codegen_flags: <defaults>
</compile_context>

<pallas_src>
import functools

import jax
import jax.numpy as jnp
from jax import lax
from jax.experimental import pallas as pl
from jax.experimental.pallas import tpu as pltpu
from jax.experimental.pallas import tpu_sc as plsc

VOCAB = 151936
HIDDEN = 1536

NC = 2
NS = 16
NW = NC * NS

B_TOTAL = 4 * 4096
B_PER_W = B_TOTAL // NW
CHUNK = 16
NBUF = 4
NCHUNK = B_PER_W // CHUNK


def _gather_body(table_hbm, idx_hbm, out_hbm, idx_v, rows_v, gsem, osem):
  wid = lax.axis_index("s") * NC + lax.axis_index("c")
  base = wid * B_PER_W
  pltpu.sync_copy(idx_hbm.at[pl.ds(base, B_PER_W)], idx_v)

  gathers = [None] * NCHUNK
  outs = [None] * NCHUNK
  for i in range(NCHUNK):
    b = i % NBUF
    if i >= NBUF:
      outs[i - NBUF].wait()
    gathers[i] = pltpu.async_copy(
        table_hbm.at[idx_v.at[pl.ds(i * CHUNK, CHUNK)]], rows_v.at[b], gsem)
    if i >= 1:
      gathers[i - 1].wait()
      outs[i - 1] = pltpu.async_copy(
          rows_v.at[(i - 1) % NBUF],
          out_hbm.at[pl.ds(base + (i - 1) * CHUNK, CHUNK)], osem)
  gathers[NCHUNK - 1].wait()
  outs[NCHUNK - 1] = pltpu.async_copy(
      rows_v.at[(NCHUNK - 1) % NBUF],
      out_hbm.at[pl.ds(base + (NCHUNK - 1) * CHUNK, CHUNK)], osem)
  for i in range(NBUF):
    outs[NCHUNK - NBUF + i].wait()


@jax.jit
def _gather(table, idx):
  mesh = plsc.VectorSubcoreMesh(core_axis_name="c", subcore_axis_name="s")
  f = pl.kernel(
      _gather_body,
      out_type=jax.ShapeDtypeStruct((B_TOTAL, HIDDEN), jnp.float32),
      mesh=mesh,
      scratch_types=[
          pltpu.VMEM((B_PER_W,), jnp.int32),
          pltpu.VMEM((NBUF, CHUNK, HIDDEN), jnp.float32),
          pltpu.SemaphoreType.DMA,
          pltpu.SemaphoreType.DMA,
      ],
  )
  return f(table, idx)


def kernel(input_ids, table):
  ids = input_ids.reshape(-1).astype(jnp.int32)
  out = _gather(table, ids)
  return out.reshape(input_ids.shape + (HIDDEN,))

# --- scband reference (transcript-rebuilt; emitter-appended) ---
"""Pipeline reference for scband-placeholder-custom-embedding-layer-87316685128603 (READ-ONLY COPY).

The authoritative reference and input builder live on the scoring server;
editing this copy changes nothing except your own understanding.
"""

import jax, jax.numpy as jnp
import numpy as np

VOCAB = 151936
HIDDEN = 1536
PAD_IDX = 0


def setup_inputs(seed: int = 0) -> dict:
    key = jax.random.key(seed)
    k_ids, k_tab = jax.random.split(key)
    input_ids = jax.random.randint(k_ids, (4, 4096), 0, VOCAB, dtype=jnp.int64 if jax.config.jax_enable_x64 else jnp.int32)
    table = jax.random.normal(k_tab, (VOCAB, HIDDEN), dtype=jnp.float32)
    # nn.Embedding with padding_idx zeroes the padding row at init
    table = table.at[PAD_IDX].set(0.0)
    return {"input_ids": input_ids, "table": table}


def reference(input_ids, table):
    # PlaceholderCustomEmbeddingLayer.forward: self.embed_tokens(input_ids)
    return jnp.take(table, input_ids, axis=0)

if __name__ == "__main__":
    import jax
    _d = setup_inputs()
    print(jax.jit(kernel)(*tuple(_d.values())))

</pallas_src>

<mosaic_0001>
#map = affine_map<(d0, d1) -> (0, 0)>
#map1 = affine_map<(d0, d1) -> (0)>
module attributes {stable_mosaic.version = 14 : i64} {
  func.func @_gather_body(%arg0: i32, %arg1: i32, %arg2: memref<151936x1536xf32, #tpu.memory_space<hbm>>, %arg3: memref<16384xi32, #tpu.memory_space<hbm>>, %arg4: memref<16384x1536xf32, #tpu.memory_space<hbm>>, %arg5: memref<512xi32, #tpu.memory_space<vmem>>, %arg6: memref<4x16x1536xf32, #tpu.memory_space<vmem>>, %arg7: memref<!tpu.dma_semaphore, #tpu.memory_space<semaphore_mem>>, %arg8: memref<!tpu.dma_semaphore, #tpu.memory_space<semaphore_mem>>) attributes {dimension_semantics = [#tpu.dimension_semantics<core_parallel>, #tpu.dimension_semantics<subcore_parallel>], iteration_bounds = array<i64: 2, 16>, scalar_prefetch = 0 : i64, scratch_operands = 4 : i64, tpu.core_type = #tpu.core_type<sc_vector_subcore>, window_params = [{transform_indices = #map}, {transform_indices = #map1}, {transform_indices = #map}]} {
    %mul3A = arith.constant 2 : i32
    %mul3A_0 = arith.muli %arg1, %mul3A : i32
    %add3A = arith.addi %mul3A_0, %arg0 : i32
    %mul3A_1 = arith.constant 512 : i32
    %mul3A_2 = arith.muli %add3A, %mul3A_1 : i32
    "tpu.region"() ({
      %run_scoped3A = tpu.sem_alloc : memref<!tpu.dma_semaphore, #tpu.memory_space<semaphore_mem>>
      %dma_start3A_1537 = tpu.memref_slice %arg3[%mul3A_2] : memref<16384xi32, #tpu.memory_space<hbm>> -> memref<512xi32, #tpu.memory_space<hbm>>
      %dma_start3A_1538 = tpu.memref_slice %arg3[%mul3A_2] : memref<16384xi32, #tpu.memory_space<hbm>> -> memref<512xi32, #tpu.memory_space<hbm>>
      tpu.enqueue_dma source(%dma_start3A_1538 : memref<512xi32, #tpu.memory_space<hbm>>) target(%arg5 : memref<512xi32, #tpu.memory_space<vmem>>) target_semaphore(%run_scoped3A : memref<!tpu.dma_semaphore, #tpu.memory_space<semaphore_mem>>)
      %dma_wait3A_1539 = tpu.memref_slice %arg3[%mul3A_2] : memref<16384xi32, #tpu.memory_space<hbm>> -> memref<512xi32, #tpu.memory_space<hbm>>
      %dma_wait3A_1540 = tpu.memref_slice %arg3[%mul3A_2] : memref<16384xi32, #tpu.memory_space<hbm>> -> memref<512xi32, #tpu.memory_space<hbm>>
      tpu.wait_dma2 semaphore(%run_scoped3A : memref<!tpu.dma_semaphore, #tpu.memory_space<semaphore_mem>>) src(%dma_wait3A_1540 : memref<512xi32, #tpu.memory_space<hbm>>) dst(%arg5 : memref<512xi32, #tpu.memory_space<vmem>>)
      tpu.yield
    }) : () -> ()
    %dma_start3A = arith.constant 0 : i32
    %dma_start3A_3 = arith.constant 0 : i32
    %dma_start3A_4 = arith.constant 0 : i32
    %dma_start3A_5 = tpu.memref_slice %arg6[%dma_start3A, %dma_start3A_3, %dma_start3A_4] : memref<4x16x1536xf32, #tpu.memory_space<vmem>> -> memref<1x16x1536xf32, #tpu.memory_space<vmem>>
    %dma_start3A_6 = tpu.memref_squeeze %dma_start3A_5 : memref<1x16x1536xf32, #tpu.memory_space<vmem>> -> memref<16x1536xf32, #tpu.memory_space<vmem>>
    %dma_start3A_7 = arith.constant 0 : i32
    %dma_start3A_8 = tpu.memref_slice %arg5[%dma_start3A_7] : memref<512xi32, #tpu.memory_space<vmem>> -> memref<16xi32, #tpu.memory_space<vmem>>
    %dma_start3A_9 = arith.constant 0 : i32
    %dma_start3A_10 = arith.constant 0 : i32
    %dma_start3A_11 = tpu.memref_slice %arg2[%dma_start3A_9, %dma_start3A_10] : memref<151936x1536xf32, #tpu.memory_space<hbm>> -> memref<151936x1536xf32, #tpu.memory_space<hbm>>
    tpu.enqueue_indirect_dma source(%dma_start3A_11 : memref<151936x1536xf32, #tpu.memory_space<hbm>>) target(%dma_start3A_6 : memref<16x1536xf32, #tpu.memory_space<vmem>>) offsets(%dma_start3A_8 : memref<16xi32, #tpu.memory_space<vmem>>) semaphore(%arg7 : memref<!tpu.dma_semaphore, #tpu.memory_space<semaphore_mem>>)
    %dma_start3A_12 = arith.constant 1 : i32
    %dma_start3A_13 = arith.constant 0 : i32
    %dma_start3A_14 = arith.constant 0 : i32
    %dma_start3A_15 = tpu.memref_slice %arg6[%dma_start3A_12, %dma_start3A_13, %dma_start3A_14] : memref<4x16x1536xf32, #tpu.memory_space<vmem>> -> memref<1x16x1536xf32, #tpu.memory_space<vmem>>
    %dma_start3A_16 = tpu.memref_squeeze %dma_start3A_15 : memref<1x16x1536xf32, #tpu.memory_space<vmem>> -> memref<16x1536xf32, #tpu.memory_space<vmem>>
    %dma_start3A_17 = arith.constant 16 : i32
    %dma_start3A_18 = tpu.memref_slice %arg5[%dma_start3A_17] : memref<512xi32, #tpu.memory_space<vmem>> -> memref<16xi32, #tpu.memory_space<vmem>>
    %dma_start3A_19 = arith.constant 0 : i32
    %dma_start3A_20 = arith.constant 0 : i32
    %dma_start3A_21 = tpu.memref_slice %arg2[%dma_start3A_19, %dma_start3A_20] : memref<151936x1536xf32, #tpu.memory_space<hbm>> -> memref<151936x1536xf32, #tpu.memory_space<hbm>>
    tpu.enqueue_indirect_dma source(%dma_start3A_21 : memref<151936x1536xf32, #tpu.memory_space<hbm>>) target(%dma_start3A_16 : memref<16x1536xf32, #tpu.memory_space<vmem>>) offsets(%dma_start3A_18 : memref<16xi32, #tpu.memory_space<vmem>>) semaphore(%arg7 : memref<!tpu.dma_semaphore, #tpu.memory_space<semaphore_mem>>)
    %dma_wait3A = arith.constant 0 : i32
    %dma_wait3A_22 = arith.constant 0 : i32
    %dma_wait3A_23 = arith.constant 0 : i32
    %dma_wait3A_24 = tpu.memref_slice %arg6[%dma_wait3A, %dma_wait3A_22, %dma_wait3A_23] : memref<4x16x1536xf32, #tpu.memory_space<vmem>> -> memref<1x16x1536xf32, #tpu.memory_space<vmem>>
    %dma_wait3A_25 = tpu.memref_squeeze %dma_wait3A_24 : memref<1x16x1536xf32, #tpu.memory_space<vmem>> -> memref<16x1536xf32, #tpu.memory_space<vmem>>
    %dma_wait3A_26 = arith.constant 0 : i32
    %dma_wait3A_27 = tpu.memref_slice %arg5[%dma_wait3A_26] : memref<512xi32, #tpu.memory_space<vmem>> -> memref<16xi32, #tpu.memory_space<vmem>>
    %dma_wait3A_28 = arith.constant 0 : i32
    %dma_wait3A_29 = arith.constant 0 : i32
    %dma_wait3A_30 = tpu.memref_slice %arg2[%dma_wait3A_28, %dma_wait3A_29] : memref<151936x1536xf32, #tpu.memory_space<hbm>> -> memref<151936x1536xf32, #tpu.memory_space<hbm>>
    tpu.wait_indirect_dma semaphore(%arg7 : memref<!tpu.dma_semaphore, #tpu.memory_space<semaphore_mem>>) src(%dma_wait3A_30 : memref<151936x1536xf32, #tpu.memory_space<hbm>>) dst(%dma_wait3A_25 : memref<16x1536xf32, #tpu.memory_space<vmem>>)
    %add3A_31 = arith.constant 0 : i32
    %add3A_32 = arith.addi %mul3A_2, %add3A_31 : i32
    %dma_start3A_33 = arith.constant 0 : i32
    %dma_start3A_34 = arith.constant 0 : i32
    %dma_start3A_35 = arith.constant 0 : i32
    %dma_start3A_36 = tpu.memref_slice %arg6[%dma_start3A_33, %dma_start3A_34, %dma_start3A_35] : memref<4x16x1536xf32, #tpu.memory_space<vmem>> -> memref<1x16x1536xf32, #tpu.memory_space<vmem>>
    %dma_start3A_37 = tpu.memref_squeeze %dma_start3A_36 : memref<1x16x1536xf32, #tpu.memory_space<vmem>> -> memref<16x1536xf32, #tpu.memory_space<vmem>>
    %dma_start3A_38 = arith.constant 0 : i32
    %dma_start3A_39 = tpu.memref_slice %arg4[%add3A_32, %dma_start3A_38] : memref<16384x1536xf32, #tpu.memory_space<hbm>> -> memref<16x1536xf32, #tpu.memory_space<hbm>>
    %dma_start3A_40 = arith.constant 0 : i32
    %dma_start3A_41 = tpu.memref_slice %arg4[%add3A_32, %dma_start3A_40] : memref<16384x1536xf32, #tpu.memory_space<hbm>> -> memref<16x1536xf32, #tpu.memory_space<hbm>>
    %dma_start3A_42 = arith.constant 0 : i32
    %dma_start3A_43 = arith.constant 0 : i32
    %dma_start3A_44 = tpu.memref_slice %arg6[%dma_start3A_33, %dma_start3A_42, %dma_start3A_43] : memref<4x16x1536xf32, #tpu.memory_space<vmem>> -> memref<1x16x1536xf32, #tpu.memory_space<vmem>>
    %dma_start3A_45 = tpu.memref_squeeze %dma_start3A_44 : memref<1x16x1536xf32, #tpu.memory_space<vmem>> -> memref<16x1536xf32, #tpu.memory_space<vmem>>
    tpu.enqueue_dma source(%dma_start3A_45 : memref<16x1536xf32, #tpu.memory_space<vmem>>) target(%dma_start3A_41 : memref<16x1536xf32, #tpu.memory_space<hbm>>) target_semaphore(%arg8 : memref<!tpu.dma_semaphore, #tpu.memory_space<semaphore_mem>>)
    %dma_start3A_46 = arith.constant 2 : i32
    %dma_start3A_47 = arith.constant 0 : i32
    %dma_start3A_48 = arith.constant 0 : i32
    %dma_start3A_49 = tpu.memref_slice %arg6[%dma_start3A_46, %dma_start3A_47, %dma_start3A_48] : memref<4x16x1536xf32, #tpu.memory_space<vmem>> -> memref<1x16x1536xf32, #tpu.memory_space<vmem>>
    %dma_start3A_50 = tpu.memref_squeeze %dma_start3A_49 : memref<1x16x1536xf32, #tpu.memory_space<vmem>> -> memref<16x1536xf32, #tpu.memory_space<vmem>>
    %dma_start3A_51 = arith.constant 32 : i32
    %dma_start3A_52 = tpu.memref_slice %arg5[%dma_start3A_51] : memref<512xi32, #tpu.memory_space<vmem>> -> memref<16xi32, #tpu.memory_space<vmem>>
    %dma_start3A_53 = arith.constant 0 : i32
    %dma_start3A_54 = arith.constant 0 : i32
    %dma_start3A_55 = tpu.memref_slice %arg2[%dma_start3A_53, %dma_start3A_54] : memref<151936x1536xf32, #tpu.memory_space<hbm>> -> memref<151936x1536xf32, #tpu.memory_space<hbm>>
    tpu.enqueue_indirect_dma source(%dma_start3A_55 : memref<151936x1536xf32, #tpu.memory_space<hbm>>) target(%dma_start3A_50 : memref<16x1536xf32, #tpu.memory_space<vmem>>) offsets(%dma_start3A_52 : memref<16xi32, #tpu.memory_space<vmem>>) semaphore(%arg7 : memref<!tpu.dma_semaphore, #tpu.memory_space<semaphore_mem>>)
    %dma_wait3A_56 = arith.constant 1 : i32
    %dma_wait3A_57 = arith.constant 0 : i32
    %dma_wait3A_58 = arith.constant 0 : i32
    %dma_wait3A_59 = tpu.memref_slice %arg6[%dma_wait3A_56, %dma_wait3A_57, %dma_wait3A_58] : memref<4x16x1536xf32, #tpu.memory_space<vmem>> -> memref<1x16x1536xf32, #tpu.memory_space<vmem>>
    %dma_wait3A_60 = tpu.memref_squeeze %dma_wait3A_59 : memref<1x16x1536xf32, #tpu.memory_space<vmem>> -> memref<16x1536xf32, #tpu.memory_space<vmem>>
    %dma_wait3A_61 = arith.constant 16 : i32
    %dma_wait3A_62 = tpu.memref_slice %arg5[%dma_wait3A_61] : memref<512xi32, #tpu.memory_space<vmem>> -> memref<16xi32, #tpu.memory_space<vmem>>
    %dma_wait3A_63 = arith.constant 0 : i32
    %dma_wait3A_64 = arith.constant 0 : i32
    %dma_wait3A_65 = tpu.memref_slice %arg2[%dma_wait3A_63, %dma_wait3A_64] : memref<151936x1536xf32, #tpu.memory_space<hbm>> -> memref<151936x1536xf32, #tpu.memory_space<hbm>>
    tpu.wait_indirect_dma semaphore(%arg7 : memref<!tpu.dma_semaphore, #tpu.memory_space<semaphore_mem>>) src(%dma_wait3A_65 : memref<151936x1536xf32, #tpu.memory_space<hbm>>) dst(%dma_wait3A_60 : memref<16x1536xf32, #tpu.memory_space<vmem>>)
    %add3A_66 = arith.constant 16 : i32
    %add3A_67 = arith.addi %mul3A_2, %add3A_66 : i32
    %dma_start3A_68 = arith.constant 1 : i32
    %dma_start3A_69 = arith.constant 0 : i32
    %dma_start3A_70 = arith.constant 0 : i32
    %dma_start3A_71 = tpu.memref_slice %arg6[%dma_start3A_68, %dma_start3A_69, %dma_start3A_70] : memref<4x16x1536xf32, #tpu.memory_space<vmem>> -> memref<1x16x1536xf32, #tpu.memory_space<vmem>>
    %dma_start3A_72 = tpu.memref_squeeze %dma_start3A_71 : memref<1x16x1536xf32, #tpu.memory_space<vmem>> -> memref<16x1536xf32, #tpu.memory_space<vmem>>
    %dma_start3A_73 = arith.constant 0 : i32
    %dma_start3A_74 = tpu.memref_slice %arg4[%add3A_67, %dma_start3A_73] : memref<16384x1536xf32, #tpu.memory_space<hbm>> -> memref<16x1536xf32, #tpu.memory_space<hbm>>
    %dma_start3A_75 = arith.constant 0 : i32
    %dma_start3A_76 = tpu.memref_slice %arg4[%add3A_67, %dma_start3A_75] : memref<16384x1536xf32, #tpu.memory_space<hbm>> -> memref<16x1536xf32, #tpu.memory_space<hbm>>
    %dma_start3A_77 = arith.constant 0 : i32
    %dma_start3A_78 = arith.constant 0 : i32
    %dma_start3A_79 = tpu.memref_slice %arg6[%dma_start3A_68, %dma_start3A_77, %dma_start3A_78] : memref<4x16x1536xf32, #tpu.memory_space<vmem>> -> memref<1x16x1536xf32, #tpu.memory_space<vmem>>
    %dma_start3A_80 = tpu.memref_squeeze %dma_start3A_79 : memref<1x16x1536xf32, #tpu.memory_space<vmem>> -> memref<16x1536xf32, #tpu.memory_space<vmem>>
    tpu.enqueue_dma source(%dma_start3A_80 : memref<16x1536xf32, #tpu.memory_space<vmem>>) target(%dma_start3A_76 : memref<16x1536xf32, #tpu.memory_space<hbm>>) target_semaphore(%arg8 : memref<!tpu.dma_semaphore, #tpu.memory_space<semaphore_mem>>)
    %dma_start3A_81 = arith.constant 3 : i32
    %dma_start3A_82 = arith.constant 0 : i32
    %dma_start3A_83 = arith.constant 0 : i32
    %dma_start3A_84 = tpu.memref_slice %arg6[%dma_start3A_81, %dma_start3A_82, %dma_start3A_83] : memref<4x16x1536xf32, #tpu.memory_space<vmem>> -> memref<1x16x1536xf32, #tpu.memory_space<vmem>>
    %dma_start3A_85 = tpu.memref_squeeze %dma_start3A_84 : memref<1x16x1536xf32, #tpu.memory_space<vmem>> -> memref<16x1536xf32, #tpu.memory_space<vmem>>
    %dma_start3A_86 = arith.constant 48 : i32
    %dma_start3A_87 = tpu.memref_slice %arg5[%dma_start3A_86] : memref<512xi32, #tpu.memory_space<vmem>> -> memref<16xi32, #tpu.memory_space<vmem>>
    %dma_start3A_88 = arith.constant 0 : i32
    %dma_start3A_89 = arith.constant 0 : i32
    %dma_start3A_90 = tpu.memref_slice %arg2[%dma_start3A_88, %dma_start3A_89] : memref<151936x1536xf32, #tpu.memory_space<hbm>> -> memref<151936x1536xf32, #tpu.memory_space<hbm>>
    tpu.enqueue_indirect_dma source(%dma_start3A_90 : memref<151936x1536xf32, #tpu.memory_space<hbm>>) target(%dma_start3A_85 : memref<16x1536xf32, #tpu.memory_space<vmem>>) offsets(%dma_start3A_87 : memref<16xi32, #tpu.memory_space<vmem>>) semaphore(%arg7 : memref<!tpu.dma_semaphore, #tpu.memory_space<semaphore_mem>>)
    %dma_wait3A_91 = arith.constant 2 : i32
    %dma_wait3A_92 = arith.constant 0 : i32
    %dma_wait3A_93 = arith.constant 0 : i32
    %dma_wait3A_94 = tpu.memref_slice %arg6[%dma_wait3A_91, %dma_wait3A_92, %dma_wait3A_93] : memref<4x16x1536xf32, #tpu.memory_space<vmem>> -> memref<1x16x1536xf32, #tpu.memory_space<vmem>>
    %dma_wait3A_95 = tpu.memref_squeeze %dma_wait3A_94 : memref<1x16x1536xf32, #tpu.memory_space<vmem>> -> memref<16x1536xf32, #tpu.memory_space<vmem>>
    %dma_wait3A_96 = arith.constant 32 : i32
    %dma_wait3A_97 = tpu.memref_slice %arg5[%dma_wait3A_96] : memref<512xi32, #tpu.memory_space<vmem>> -> memref<16xi32, #tpu.memory_space<vmem>>
    %dma_wait3A_98 = arith.constant 0 : i32
    %dma_wait3A_99 = arith.constant 0 : i32
    %dma_wait3A_100 = tpu.memref_slice %arg2[%dma_wait3A_98, %dma_wait3A_99] : memref<151936x1536xf32, #tpu.memory_space<hbm>> -> memref<151936x1536xf32, #tpu.memory_space<hbm>>
    tpu.wait_indirect_dma semaphore(%arg7 : memref<!tpu.dma_semaphore, #tpu.memory_space<semaphore_mem>>) src(%dma_wait3A_100 : memref<151936x1536xf32, #tpu.memory_space<hbm>>) dst(%dma_wait3A_95 : memref<16x1536xf32, #tpu.memory_space<vmem>>)
    %add3A_101 = arith.constant 32 : i32
    %add3A_102 = arith.addi %mul3A_2, %add3A_101 : i32
    %dma_start3A_103 = arith.constant 2 : i32
    %dma_start3A_104 = arith.constant 0 : i32
    %dma_start3A_105 = arith.constant 0 : i32
    %dma_start3A_106 = tpu.memref_slice %arg6[%dma_start3A_103, %dma_start3A_104, %dma_start3A_105] : memref<4x16x1536xf32, #tpu.memory_space<vmem>> -> memref<1x16x1536xf32, #tpu.memory_space<vmem>>
    %dma_start3A_107 = tpu.memref_squeeze %dma_start3A_106 : memref<1x16x1536xf32, #tpu.memory_space<vmem>> -> memref<16x1536xf32, #tpu.memory_space<vmem>>
    %dma_start3A_108 = arith.constant 0 : i32
    %dma_start3A_109 = tpu.memref_slice %arg4[%add3A_102, %dma_start3A_108] : memref<16384x1536xf32, #tpu.memory_space<hbm>> -> memref<16x1536xf32, #tpu.memory_space<hbm>>
    %dma_start3A_110 = arith.constant 0 : i32
    %dma_start3A_111 = tpu.memref_slice %arg4[%add3A_102, %dma_start3A_110] : memref<16384x1536xf32, #tpu.memory_space<hbm>> -> memref<16x1536xf32, #tpu.memory_space<hbm>>
    %dma_start3A_112 = arith.constant 0 : i32
    %dma_start3A_113 = arith.constant 0 : i32
    %dma_start3A_114 = tpu.memref_slice %arg6[%dma_start3A_103, %dma_start3A_112, %dma_start3A_113] : memref<4x16x1536xf32, #tpu.memory_space<vmem>> -> memref<1x16x1536xf32, #tpu.memory_space<vmem>>
    %dma_start3A_115 = tpu.memref_squeeze %dma_start3A_114 : memref<1x16x1536xf32, #tpu.memory_space<vmem>> -> memref<16x1536xf32, #tpu.memory_space<vmem>>
    tpu.enqueue_dma source(%dma_start3A_115 : memref<16x1536xf32, #tpu.memory_space<vmem>>) target(%dma_start3A_111 : memref<16x1536xf32, #tpu.memory_space<hbm>>) target_semaphore(%arg8 : memref<!tpu.dma_semaphore, #tpu.memory_space<semaphore_mem>>)
    %dma_wait3A_116 = arith.constant 0 : i32
    %dma_wait3A_117 = arith.constant 0 : i32
    %dma_wait3A_118 = arith.constant 0 : i32
    %dma_wait3A_119 = tpu.memref_slice %arg6[%dma_wait3A_116, %dma_wait3A_117, %dma_wait3A_118] : memref<4x16x1536xf32, #tpu.memory_space<vmem>> -> memref<1x16x1536xf32, #tpu.memory_space<vmem>>
    %dma_wait3A_120 = tpu.memref_squeeze %dma_wait3A_119 : memref<1x16x1536xf32, #tpu.memory_space<vmem>> -> memref<16x1536xf32, #tpu.memory_space<vmem>>
    %dma_wait3A_121 = arith.constant 0 : i32
    %dma_wait3A_122 = tpu.memref_slice %arg4[%add3A_32, %dma_wait3A_121] : memref<16384x1536xf32, #tpu.memory_space<hbm>> -> memref<16x1536xf32, #tpu.memory_space<hbm>>
    %dma_wait3A_123 = arith.constant 0 : i32
    %dma_wait3A_124 = tpu.memref_slice %arg4[%add3A_32, %dma_wait3A_123] : memref<16384x1536xf32, #tpu.memory_space<hbm>> -> memref<16x1536xf32, #tpu.memory_space<hbm>>
    %dma_wait3A_125 = arith.constant 0 : i32
    %dma_wait3A_126 = arith.constant 0 : i32
    %dma_wait3A_127 = tpu.memref_slice %arg6[%dma_wait3A_116, %dma_wait3A_125, %dma_wait3A_126] : memref<4x16x1536xf32, #tpu.memory_space<vmem>> -> memref<1x16x1536xf32, #tpu.memory_space<vmem>>
    %dma_wait3A_128 = tpu.memref_squeeze %dma_wait3A_127 : memref<1x16x1536xf32, #tpu.memory_space<vmem>> -> memref<16x1536xf32, #tpu.memory_space<vmem>>
    tpu.wait_dma2 semaphore(%arg8 : memref<!tpu.dma_semaphore, #tpu.memory_space<semaphore_mem>>) src(%dma_wait3A_128 : memref<16x1536xf32, #tpu.memory_space<vmem>>) dst(%dma_wait3A_124 : memref<16x1536xf32, #tpu.memory_space<hbm>>)
    %dma_start3A_129 = arith.constant 0 : i32
    %dma_start3A_130 = arith.constant 0 : i32
    %dma_start3A_131 = arith.constant 0 : i32
    %dma_start3A_132 = tpu.memref_slice %arg6[%dma_start3A_129, %dma_start3A_130, %dma_start3A_131] : memref<4x16x1536xf32, #tpu.memory_space<vmem>> -> memref<1x16x1536xf32, #tpu.memory_space<vmem>>
    %dma_start3A_133 = tpu.memref_squeeze %dma_start3A_132 : memref<1x16x1536xf32, #tpu.memory_space<vmem>> -> memref<16x1536xf32, #tpu.memory_space<vmem>>
    %dma_start3A_134 = arith.constant 64 : i32
    %dma_start3A_135 = tpu.memref_slice %arg5[%dma_start3A_134] : memref<512xi32, #tpu.memory_space<vmem>> -> memref<16xi32, #tpu.memory_space<vmem>>
    %dma_start3A_136 = arith.constant 0 : i32
    %dma_start3A_137 = arith.constant 0 : i32
    %dma_start3A_138 = tpu.memref_slice %arg2[%dma_start3A_136, %dma_start3A_137] : memref<151936x1536xf32, #tpu.memory_space<hbm>> -> memref<151936x1536xf32, #tpu.memory_space<hbm>>
    tpu.enqueue_indirect_dma source(%dma_start3A_138 : memref<151936x1536xf32, #tpu.memory_space<hbm>>) target(%dma_start3A_133 : memref<16x1536xf32, #tpu.memory_space<vmem>>) offsets(%dma_start3A_135 : memref<16xi32, #tpu.memory_space<vmem>>) semaphore(%arg7 : memref<!tpu.dma_semaphore, #tpu.memory_space<semaphore_mem>>)
    %dma_wait3A_139 = arith.constant 3 : i32
    %dma_wait3A_140 = arith.constant 0 : i32
    %dma_wait3A_141 = arith.constant 0 : i32
    %dma_wait3A_142 = tpu.memref_slice %arg6[%dma_wait3A_139, %dma_wait3A_140, %dma_wait3A_141] : memref<4x16x1536xf32, #tpu.memory_space<vmem>> -> memref<1x16x1536xf32, #tpu.memory_space<vmem>>
    %dma_wait3A_143 = tpu.memref_squeeze %dma_wait3A_142 : memref<1x16x1536xf32, #tpu.memory_space<vmem>> -> memref<16x1536xf32, #tpu.memory_space<vmem>>
    %dma_wait3A_144 = arith.constant 48 : i32
    %dma_wait3A_145 = tpu.memref_slice %arg5[%dma_wait3A_144] : memref<512xi32, #tpu.memory_space<vmem>> -> memref<16xi32, #tpu.memory_space<vmem>>
    %dma_wait3A_146 = arith.constant 0 : i32
    %dma_wait3A_147 = arith.constant 0 : i32
    %dma_wait3A_148 = tpu.memref_slice %arg2[%dma_wait3A_146, %dma_wait3A_147] : memref<151936x1536xf32, #tpu.memory_space<hbm>> -> memref<151936x1536xf32, #tpu.memory_space<hbm>>
    tpu.wait_indirect_dma semaphore(%arg7 : memref<!tpu.dma_semaphore, #tpu.memory_space<semaphore_mem>>) src(%dma_wait3A_148 : memref<151936x1536xf32, #tpu.memory_space<hbm>>) dst(%dma_wait3A_143 : memref<16x1536xf32, #tpu.memory_space<vmem>>)
    %add3A_149 = arith.constant 48 : i32
    %add3A_150 = arith.addi %mul3A_2, %add3A_149 : i32
    %dma_start3A_151 = arith.constant 3 : i32
    %dma_start3A_152 = arith.constant 0 : i32
    %dma_start3A_153 = arith.constant 0 : i32
    %dma_start3A_154 = tpu.memref_slice %arg6[%dma_start3A_151, %dma_start3A_152, %dma_start3A_153] : memref<4x16x1536xf32, #tpu.memory_space<vmem>> -> memref<1x16x1536xf32, #tpu.memory_space<vmem>>
    %dma_start3A_155 = tpu.memref_squeeze %dma_start3A_154 : memref<1x16x1536xf32, #tpu.memory_space<vmem>> -> memref<16x1536xf32, #tpu.memory_space<vmem>>
    %dma_start3A_156 = arith.constant 0 : i32
    %dma_start3A_157 = tpu.memref_slice %arg4[%add3A_150, %dma_start3A_156] : memref<16384x1536xf32, #tpu.memory_space<hbm>> -> memref<16x1536xf32, #tpu.memory_space<hbm>>
    %dma_start3A_158 = arith.constant 0 : i32
    %dma_start3A_159 = tpu.memref_slice %arg4[%add3A_150, %dma_start3A_158] : memref<16384x1536xf32, #tpu.memory_space<hbm>> -> memref<16x1536xf32, #tpu.memory_space<hbm>>
    %dma_start3A_160 = arith.constant 0 : i32
    %dma_start3A_161 = arith.constant 0 : i32
    %dma_start3A_162 = tpu.memref_slice %arg6[%dma_start3A_151, %dma_start3A_160, %dma_start3A_161] : memref<4x16x1536xf32, #tpu.memory_space<vmem>> -> memref<1x16x1536xf32, #tpu.memory_space<vmem>>
    %dma_start3A_163 = tpu.memref_squeeze %dma_start3A_162 : memref<1x16x1536xf32, #tpu.memory_space<vmem>> -> memref<16x1536xf32, #tpu.memory_space<vmem>>
    tpu.enqueue_dma source(%dma_start3A_163 : memref<16x1536xf32, #tpu.memory_space<vmem>>) target(%dma_start3A_159 : memref<16x1536xf32, #tpu.memory_space<hbm>>) target_semaphore(%arg8 : memref<!tpu.dma_semaphore, #tpu.memory_space<semaphore_mem>>)
    %dma_wait3A_164 = arith.constant 1 : i32
    %dma_wait3A_165 = arith.constant 0 : i32
    %dma_wait3A_166 = arith.constant 0 : i32
    %dma_wait3A_167 = tpu.memref_slice %arg6[%dma_wait3A_164, %dma_wait3A_165, %dma_wait3A_166] : memref<4x16x1536xf32, #tpu.memory_space<vmem>> -> memref<1x16x1536xf32, #tpu.memory_space<vmem>>
    %dma_wait3A_168 = tpu.memref_squeeze %dma_wait3A_167 : memref<1x16x1536xf32, #tpu.memory_space<vmem>> -> memref<16x1536xf32, #tpu.memory_space<vmem>>
    %dma_wait3A_169 = arith.constant 0 : i32
    %dma_wait3A_170 = tpu.memref_slice %arg4[%add3A_67, %dma_wait3A_169] : memref<16384x1536xf32, #tpu.memory_space<hbm>> -> memref<16x1536xf32, #tpu.memory_space<hbm>>
    %dma_wait3A_171 = arith.constant 0 : i32
    %dma_wait3A_172 = tpu.memref_slice %arg4[%add3A_67, %dma_wait3A_171] : memref<16384x1536xf32, #tpu.memory_space<hbm>> -> memref<16x1536xf32, #tpu.memory_space<hbm>>
    %dma_wait3A_173 = arith.constant 0 : i32
    %dma_wait3A_174 = arith.constant 0 : i32
    %dma_wait3A_175 = tpu.memref_slice %arg6[%dma_wait3A_164, %dma_wait3A_173, %dma_wait3A_174] : memref<4x16x1536xf32, #tpu.memory_space<vmem>> -> memref<1x16x1536xf32, #tpu.memory_space<vmem>>
    %dma_wait3A_176 = tpu.memref_squeeze %dma_wait3A_175 : memref<1x16x1536xf32, #tpu.memory_space<vmem>> -> memref<16x1536xf32, #tpu.memory_space<vmem>>
    tpu.wait_dma2 semaphore(%arg8 : memref<!tpu.dma_semaphore, #tpu.memory_space<semaphore_mem>>) src(%dma_wait3A_176 : memref<16x1536xf32, #tpu.memory_space<vmem>>) dst(%dma_wait3A_172 : memref<16x1536xf32, #tpu.memory_space<hbm>>)
    %dma_start3A_177 = arith.constant 1 : i32
    %dma_start3A_178 = arith.constant 0 : i32
    %dma_start3A_179 = arith.constant 0 : i32
    %dma_start3A_180 = tpu.memref_slice %arg6[%dma_start3A_177, %dma_start3A_178, %dma_start3A_179] : memref<4x16x1536xf32, #tpu.memory_space<vmem>> -> memref<1x16x1536xf32, #tpu.memory_space<vmem>>
    %dma_start3A_181 = tpu.memref_squeeze %dma_start3A_180 : memref<1x16x1536xf32, #tpu.memory_space<vmem>> -> memref<16x1536xf32, #tpu.memory_space<vmem>>
    %dma_start3A_182 = arith.constant 80 : i32
    %dma_start3A_183 = tpu.memref_slice %arg5[%dma_start3A_182] : memref<512xi32, #tpu.memory_space<vmem>> -> memref<16xi32, #tpu.memory_space<vmem>>
    %dma_start3A_184 = arith.constant 0 : i32
    %dma_start3A_185 = arith.constant 0 : i32
    %dma_start3A_186 = tpu.memref_slice %arg2[%dma_start3A_184, %dma_start3A_185] : memref<151936x1536xf32, #tpu.memory_space<hbm>> -> memref<151936x1536xf32, #tpu.memory_space<hbm>>
    tpu.enqueue_indirect_dma source(%dma_start3A_186 : memref<151936x1536xf32, #tpu.memory_space<hbm>>) target(%dma_start3A_181 : memref<16x1536xf32, #tpu.memory_space<vmem>>) offsets(%dma_start3A_183 : memref<16xi32, #tpu.memory_space<vmem>>) semaphore(%arg7 : memref<!tpu.dma_semaphore, #tpu.memory_space<semaphore_mem>>)
    %dma_wait3A_187 = arith.constant 0 : i32
    %dma_wait3A_188 = arith.constant 0 : i32
    %dma_wait3A_189 = arith.constant 0 : i32
    %dma_wait3A_190 = tpu.memref_slice %arg6[%dma_wait3A_187, %dma_wait3A_188, %dma_wait3A_189] : memref<4x16x1536xf32, #tpu.memory_space<vmem>> -> memref<1x16x1536xf32, #tpu.memory_space<vmem>>
    %dma_wait3A_191 = tpu.memref_squeeze %dma_wait3A_190 : memref<1x16x1536xf32, #tpu.memory_space<vmem>> -> memref<16x1536xf32, #tpu.memory_space<vmem>>
    %dma_wait3A_192 = arith.constant 64 : i32
    %dma_wait3A_193 = tpu.memref_slice %arg5[%dma_wait3A_192] : memref<512xi32, #tpu.memory_space<vmem>> -> memref<16xi32, #tpu.memory_space<vmem>>
    %dma_wait3A_194 = arith.constant 0 : i32
    %dma_wait3A_195 = arith.constant 0 : i32
    %dma_wait3A_196 = tpu.memref_slice %arg2[%dma_wait3A_194, %dma_wait3A_195] : memref<151936x1536xf32, #tpu.memory_space<hbm>> -> memref<151936x1536xf32, #tpu.memory_space<hbm>>
    tpu.wait_indirect_dma semaphore(%arg7 : memref<!tpu.dma_semaphore, #tpu.memory_space<semaphore_mem>>) src(%dma_wait3A_196 : memref<151936x1536xf32, #tpu.memory_space<hbm>>) dst(%dma_wait3A_191 : memref<16x1536xf32, #tpu.memory_space<vmem>>)
    %add3A_197 = arith.constant 64 : i32
    %add3A_198 = arith.addi %mul3A_2, %add3A_197 : i32
    %dma_start3A_199 = arith.constant 0 : i32
    %dma_start3A_200 = arith.constant 0 : i32
    %dma_start3A_201 = arith.constant 0 : i32
    %dma_start3A_202 = tpu.memref_slice %arg6[%dma_start3A_199, %dma_start3A_200, %dma_start3A_201] : memref<4x16x1536xf32, #tpu.memory_space<vmem>> -> memref<1x16x1536xf32, #tpu.memory_space<vmem>>
    %dma_start3A_203 = tpu.memref_squeeze %dma_start3A_202 : memref<1x16x1536xf32, #tpu.memory_space<vmem>> -> memref<16x1536xf32, #tpu.memory_space<vmem>>
    %dma_start3A_204 = arith.constant 0 : i32
    %dma_start3A_205 = tpu.memref_slice %arg4[%add3A_198, %dma_start3A_204] : memref<16384x1536xf32, #tpu.memory_space<hbm>> -> memref<16x1536xf32, #tpu.memory_space<hbm>>
    %dma_start3A_206 = arith.constant 0 : i32
    %dma_start3A_207 = tpu.memref_slice %arg4[%add3A_198, %dma_start3A_206] : memref<16384x1536xf32, #tpu.memory_space<hbm>> -> memref<16x1536xf32, #tpu.memory_space<hbm>>
    %dma_start3A_208 = arith.constant 0 : i32
    %dma_start3A_209 = arith.constant 0 : i32
    %dma_start3A_210 = tpu.memref_slice %arg6[%dma_start3A_199, %dma_start3A_208, %dma_start3A_209] : memref<4x16x1536xf32, #tpu.memory_space<vmem>> -> memref<1x16x1536xf32, #tpu.memory_space<vmem>>
    %dma_start3A_211 = tpu.memref_squeeze %dma_start3A_210 : memref<1x16x1536xf32, #tpu.memory_space<vmem>> -> memref<16x1536xf32, #tpu.memory_space<vmem>>
    tpu.enqueue_dma source(%dma_start3A_211 : memref<16x1536xf32, #tpu.memory_space<vmem>>) target(%dma_start3A_207 : memref<16x1536xf32, #tpu.memory_space<hbm>>) target_semaphore(%arg8 : memref<!tpu.dma_semaphore, #tpu.memory_space<semaphore_mem>>)
    %dma_wait3A_212 = arith.constant 2 : i32
    %dma_wait3A_213 = arith.constant 0 : i32
    %dma_wait3A_214 = arith.constant 0 : i32
    %dma_wait3A_215 = tpu.memref_slice %arg6[%dma_wait3A_212, %dma_wait3A_213, %dma_wait3A_214] : memref<4x16x1536xf32, #tpu.memory_space<vmem>> -> memref<1x16x1536xf32, #tpu.memory_space<vmem>>
    %dma_wait3A_216 = tpu.memref_squeeze %dma_wait3A_215 : memref<1x16x1536xf32, #tpu.memory_space<vmem>> -> memref<16x1536xf32, #tpu.memory_space<vmem>>
    %dma_wait3A_217 = arith.constant 0 : i32
    %dma_wait3A_218 = tpu.memref_slice %arg4[%add3A_102, %dma_wait3A_217] : memref<16384x1536xf32, #tpu.memory_space<hbm>> -> memref<16x1536xf32, #tpu.memory_space<hbm>>
    %dma_wait3A_219 = arith.constant 0 : i32
    %dma_wait3A_220 = tpu.memref_slice %arg4[%add3A_102, %dma_wait3A_219] : memref<16384x1536xf32, #tpu.memory_space<hbm>> -> memref<16x1536xf32, #tpu.memory_space<hbm>>
    %dma_wait3A_221 = arith.constant 0 : i32
    %dma_wait3A_222 = arith.constant 0 : i32
    %dma_wait3A_223 = tpu.memref_slice %arg6[%dma_wait3A_212, %dma_wait3A_221, %dma_wait3A_222] : memref<4x16x1536xf32, #tpu.memory_space<vmem>> -> memref<1x16x1536xf32, #tpu.memory_space<vmem>>
    %dma_wait3A_224 = tpu.memref_squeeze %dma_wait3A_223 : memref<1x16x1536xf32, #tpu.memory_space<vmem>> -> memref<16x1536xf32, #tpu.memory_space<vmem>>
    tpu.wait_dma2 semaphore(%arg8 : memref<!tpu.dma_semaphore, #tpu.memory_space<semaphore_mem>>) src(%dma_wait3A_224 : memref<16x1536xf32, #tpu.memory_space<vmem>>) dst(%dma_wait3A_220 : memref<16x1536xf32, #tpu.memory_space<hbm>>)
    %dma_start3A_225 = arith.constant 2 : i32
    %dma_start3A_226 = arith.constant 0 : i32
    %dma_start3A_227 = arith.constant 0 : i32
    %dma_start3A_228 = tpu.memref_slice %arg6[%dma_start3A_225, %dma_start3A_226, %dma_start3A_227] : memref<4x16x1536xf32, #tpu.memory_space<vmem>> -> memref<1x16x1536xf32, #tpu.memory_space<vmem>>
    %dma_start3A_229 = tpu.memref_squeeze %dma_start3A_228 : memref<1x16x1536xf32, #tpu.memory_space<vmem>> -> memref<16x1536xf32, #tpu.memory_space<vmem>>
    %dma_start3A_230 = arith.constant 96 : i32
    %dma_start3A_231 = tpu.memref_slice %arg5[%dma_start3A_230] : memref<512xi32, #tpu.memory_space<vmem>> -> memref<16xi32, #tpu.memory_space<vmem>>
    %dma_start3A_232 = arith.constant 0 : i32
    %dma_start3A_233 = arith.constant 0 : i32
    %dma_start3A_234 = tpu.memref_slice %arg2[%dma_start3A_232, %dma_start3A_233] : memref<151936x1536xf32, #tpu.memory_space<hbm>> -> memref<151936x1536xf32, #tpu.memory_space<hbm>>
    tpu.enqueue_indirect_dma source(%dma_start3A_234 : memref<151936x1536xf32, #tpu.memory_space<hbm>>) target(%dma_start3A_229 : memref<16x1536xf32, #tpu.memory_space<vmem>>) offsets(%dma_start3A_231 : memref<16xi32, #tpu.memory_space<vmem>>) semaphore(%arg7 : memref<!tpu.dma_semaphore, #tpu.memory_space<semaphore_mem>>)
    %dma_wait3A_235 = arith.constant 1 : i32
    %dma_wait3A_236 = arith.constant 0 : i32
    %dma_wait3A_237 = arith.constant 0 : i32
    %dma_wait3A_238 = tpu.memref_slice %arg6[%dma_wait3A_235, %dma_wait3A_236, %dma_wait3A_237] : memref<4x16x1536xf32, #tpu.memory_space<vmem>> -> memref<1x16x1536xf32, #tpu.memory_space<vmem>>
    %dma_wait3A_239 = tpu.memref_squeeze %dma_wait3A_238 : memref<1x16x1536xf32, #tpu.memory_space<vmem>> -> memref<16x1536xf32, #tpu.memory_space<vmem>>
    %dma_wait3A_240 = arith.constant 80 : i32
    %dma_wait3A_241 = tpu.memref_slice %arg5[%dma_wait3A_240] : memref<512xi32, #tpu.memory_space<vmem>> -> memref<16xi32, #tpu.memory_space<vmem>>
    %dma_wait3A_242 = arith.constant 0 : i32
    %dma_wait3A_243 = arith.constant 0 : i32
    %dma_wait3A_244 = tpu.memref_slice %arg2[%dma_wait3A_242, %dma_wait3A_243] : memref<151936x1536xf32, #tpu.memory_space<hbm>> -> memref<151936x1536xf32, #tpu.memory_space<hbm>>
    tpu.wait_indirect_dma semaphore(%arg7 : memref<!tpu.dma_semaphore, #tpu.memory_space<semaphore_mem>>) src(%dma_wait3A_244 : memref<151936x1536xf32, #tpu.memory_space<hbm>>) dst(%dma_wait3A_239 : memref<16x1536xf32, #tpu.memory_space<vmem>>)
    %add3A_245 = arith.constant 80 : i32
    %add3A_246 = arith.addi %mul3A_2, %add3A_245 : i32
    %dma_start3A_247 = arith.constant 1 : i32
    %dma_start3A_248 = arith.constant 0 : i32
    %dma_start3A_249 = arith.constant 0 : i32
    %dma_start3A_250 = tpu.memref_slice %arg6[%dma_start3A_247, %dma_start3A_248, %dma_start3A_249] : memref<4x16x1536xf32, #tpu.memory_space<vmem>> -> memref<1x16x1536xf32, #tpu.memory_space<vmem>>
    %dma_start3A_251 = tpu.memref_squeeze %dma_start3A_250 : memref<1x16x1536xf32, #tpu.memory_space<vmem>> -> memref<16x1536xf32, #tpu.memory_space<vmem>>
    %dma_start3A_252 = arith.constant 0 : i32
    %dma_start3A_253 = tpu.memref_slice %arg4[%add3A_246, %dma_start3A_252] : memref<16384x1536xf32, #tpu.memory_space<hbm>> -> memref<16x1536xf32, #tpu.memory_space<hbm>>
    %dma_start3A_254 = arith.constant 0 : i32
    %dma_start3A_255 = tpu.memref_slice %arg4[%add3A_246, %dma_start3A_254] : memref<16384x1536xf32, #tpu.memory_space<hbm>> -> memref<16x1536xf32, #tpu.memory_space<hbm>>
    %dma_start3A_256 = arith.constant 0 : i32
    %dma_start3A_257 = arith.constant 0 : i32
    %dma_start3A_258 = tpu.memref_slice %arg6[%dma_start3A_247, %dma_start3A_256, %dma_start3A_257] : memref<4x16x1536xf32, #tpu.memory_space<vmem>> -> memref<1x16x1536xf32, #tpu.memory_space<vmem>>
    %dma_start3A_259 = tpu.memref_squeeze %dma_start3A_258 : memref<1x16x1536xf32, #tpu.memory_space<vmem>> -> memref<16x1536xf32, #tpu.memory_space<vmem>>
    tpu.enqueue_dma source(%dma_start3A_259 : memref<16x1536xf32, #tpu.memory_space<vmem>>) target(%dma_start3A_255 : memref<16x1536xf32, #tpu.memory_space<hbm>>) target_semaphore(%arg8 : memref<!tpu.dma_semaphore, #tpu.memory_space<semaphore_mem>>)
    %dma_wait3A_260 = arith.constant 3 : i32
    %dma_wait3A_261 = arith.constant 0 : i32
    %dma_wait3A_262 = arith.constant 0 : i32
    %dma_wait3A_263 = tpu.memref_slice %arg6[%dma_wait3A_260, %dma_wait3A_261, %dma_wait3A_262] : memref<4x16x1536xf32, #tpu.memory_space<vmem>> -> memref<1x16x1536xf32, #tpu.memory_space<vmem>>
    %dma_wait3A_264 = tpu.memref_squeeze %dma_wait3A_263 : memref<1x16x1536xf32, #tpu.memory_space<vmem>> -> memref<16x1536xf32, #tpu.memory_space<vmem>>
    %dma_wait3A_265 = arith.constant 0 : i32
    %dma_wait3A_266 = tpu.memref_slice %arg4[%add3A_150, %dma_wait3A_265] : memref<16384x1536xf32, #tpu.memory_space<hbm>> -> memref<16x1536xf32, #tpu.memory_space<hbm>>
    %dma_wait3A_267 = arith.constant 0 : i32
    %dma_wait3A_268 = tpu.memref_slice %arg4[%add3A_150, %dma_wait3A_267] : memref<16384x1536xf32, #tpu.memory_space<hbm>> -> memref<16x1536xf32, #tpu.memory_space<hbm>>
    %dma_wait3A_269 = arith.constant 0 : i32
    %dma_wait3A_270 = arith.constant 0 : i32
    %dma_wait3A_271 = tpu.memref_slice %arg6[%dma_wait3A_260, %dma_wait3A_269, %dma_wait3A_270] : memref<4x16x1536xf32, #tpu.memory_space<vmem>> -> memref<1x16x1536xf32, #tpu.memory_space<vmem>>
    %dma_wait3A_272 = tpu.memref_squeeze %dma_wait3A_271 : memref<1x16x1536xf32, #tpu.memory_space<vmem>> -> memref<16x1536xf32, #tpu.memory_space<vmem>>
    tpu.wait_dma2 semaphore(%arg8 : memref<!tpu.dma_semaphore, #tpu.memory_space<semaphore_mem>>) src(%dma_wait3A_272 : memref<16x1536xf32, #tpu.memory_space<vmem>>) dst(%dma_wait3A_268 : memref<16x1536xf32, #tpu.memory_space<hbm>>)
    %dma_start3A_273 = arith.constant 3 : i32
    %dma_start3A_274 = arith.constant 0 : i32
    %dma_start3A_275 = arith.constant 0 : i32
    %dma_start3A_276 = tpu.memref_slice %arg6[%dma_start3A_273, %dma_start3A_274, %dma_start3A_275] : memref<4x16x1536xf32, #tpu.memory_space<vmem>> -> memref<1x16x1536xf32, #tpu.memory_space<vmem>>
    %dma_start3A_277 = tpu.memref_squeeze %dma_start3A_276 : memref<1x16x1536xf32, #tpu.memory_space<vmem>> -> memref<16x1536xf32, #tpu.memory_space<vmem>>
    %dma_start3A_278 = arith.constant 112 : i32
    %dma_start3A_279 = tpu.memref_slice %arg5[%dma_start3A_278] : memref<512xi32, #tpu.memory_space<vmem>> -> memref<16xi32, #tpu.memory_space<vmem>>
    %dma_start3A_280 = arith.constant 0 : i32
    %dma_start3A_281 = arith.constant 0 : i32
    %dma_start3A_282 = tpu.memref_slice %arg2[%dma_start3A_280, %dma_start3A_281] : memref<151936x1536xf32, #tpu.memory_space<hbm>> -> memref<151936x1536xf32, #tpu.memory_space<hbm>>
    tpu.enqueue_indirect_dma source(%dma_start3A_282 : memref<151936x1536xf32, #tpu.memory_space<hbm>>) target(%dma_start3A_277 : memref<16x1536xf32, #tpu.memory_space<vmem>>) offsets(%dma_start3A_279 : memref<16xi32, #tpu.memory_space<vmem>>) semaphore(%arg7 : memref<!tpu.dma_semaphore, #tpu.memory_space<semaphore_mem>>)
    %dma_wait3A_283 = arith.constant 2 : i32
    %dma_wait3A_284 = arith.constant 0 : i32
    %dma_wait3A_285 = arith.constant 0 : i32
    %dma_wait3A_286 = tpu.memref_slice %arg6[%dma_wait3A_283, %dma_wait3A_284, %dma_wait3A_285] : memref<4x16x1536xf32, #tpu.memory_space<vmem>> -> memref<1x16x1536xf32, #tpu.memory_space<vmem>>
    %dma_wait3A_287 = tpu.memref_squeeze %dma_wait3A_286 : memref<1x16x1536xf32, #tpu.memory_space<vmem>> -> memref<16x1536xf32, #tpu.memory_space<vmem>>
    %dma_wait3A_288 = arith.constant 96 : i32
    %dma_wait3A_289 = tpu.memref_slice %arg5[%dma_wait3A_288] : memref<512xi32, #tpu.memory_space<vmem>> -> memref<16xi32, #tpu.memory_space<vmem>>
    %dma_wait3A_290 = arith.constant 0 : i32
    %dma_wait3A_291 = arith.constant 0 : i32
    %dma_wait3A_292 = tpu.memref_slice %arg2[%dma_wait3A_290, %dma_wait3A_291] : memref<151936x1536xf32, #tpu.memory_space<hbm>> -> memref<151936x1536xf32, #tpu.memory_space<hbm>>
    tpu.wait_indirect_dma semaphore(%arg7 : memref<!tpu.dma_semaphore, #tpu.memory_space<semaphore_mem>>) src(%dma_wait3A_292 : memref<151936x1536xf32, #tpu.memory_space<hbm>>) dst(%dma_wait3A_287 : memref<16x1536xf32, #tpu.memory_space<vmem>>)
    %add3A_293 = arith.constant 96 : i32
    %add3A_294 = arith.addi %mul3A_2, %add3A_293 : i32
    %dma_start3A_295 = arith.constant 2 : i32
    %dma_start3A_296 = arith.constant 0 : i32
    %dma_start3A_297 = arith.constant 0 : i32
    %dma_start3A_298 = tpu.memref_slice %arg6[%dma_start3A_295, %dma_start3A_296, %dma_start3A_297] : memref<4x16x1536xf32, #tpu.memory_space<vmem>> -> memref<1x16x1536xf32, #tpu.memory_space<vmem>>
    %dma_start3A_299 = tpu.memref_squeeze %dma_start3A_298 : memref<1x16x1536xf32, #tpu.memory_space<vmem>> -> memref<16x1536xf32, #tpu.memory_space<vmem>>
    %dma_start3A_300 = arith.constant 0 : i32
    %dma_start3A_301 = tpu.memref_slice %arg4[%add3A_294, %dma_start3A_300] : memref<16384x1536xf32, #tpu.memory_space<hbm>> -> memref<16x1536xf32, #tpu.memory_space<hbm>>
    %dma_start3A_302 = arith.constant 0 : i32
    %dma_start3A_303 = tpu.memref_slice %arg4[%add3A_294, %dma_start3A_302] : memref<16384x1536xf32, #tpu.memory_space<hbm>> -> memref<16x1536xf32, #tpu.memory_space<hbm>>
    %dma_start3A_304 = arith.constant 0 : i32
    %dma_start3A_305 = arith.constant 0 : i32
    %dma_start3A_306 = tpu.memref_slice %arg6[%dma_start3A_295, %dma_start3A_304, %dma_start3A_305] : memref<4x16x1536xf32, #tpu.memory_space<vmem>> -> memref<1x16x1536xf32, #tpu.memory_space<vmem>>
    %dma_start3A_307 = tpu.memref_squeeze %dma_start3A_306 : memref<1x16x1536xf32, #tpu.memory_space<vmem>> -> memref<16x1536xf32, #tpu.memory_space<vmem>>
    tpu.enqueue_dma source(%dma_start3A_307 : memref<16x1536xf32, #tpu.memory_space<vmem>>) target(%dma_start3A_303 : memref<16x1536xf32, #tpu.memory_space<hbm>>) target_semaphore(%arg8 : memref<!tpu.dma_semaphore, #tpu.memory_space<semaphore_mem>>)
    %dma_wait3A_308 = arith.constant 0 : i32
    %dma_wait3A_309 = arith.constant 0 : i32
    %dma_wait3A_310 = arith.constant 0 : i32
    %dma_wait3A_311 = tpu.memref_slice %arg6[%dma_wait3A_308, %dma_wait3A_309, %dma_wait3A_310] : memref<4x16x1536xf32, #tpu.memory_space<vmem>> -> memref<1x16x1536xf32, #tpu.memory_space<vmem>>
    %dma_wait3A_312 = tpu.memref_squeeze %dma_wait3A_311 : memref<1x16x1536xf32, #tpu.memory_space<vmem>> -> memref<16x1536xf32, #tpu.memory_space<vmem>>
    %dma_wait3A_313 = arith.constant 0 : i32
    %dma_wait3A_314 = tpu.memref_slice %arg4[%add3A_198, %dma_wait3A_313] : memref<16384x1536xf32, #tpu.memory_space<hbm>> -> memref<16x1536xf32, #tpu.memory_space<hbm>>
    %dma_wait3A_315 = arith.constant 0 : i32
    %dma_wait3A_316 = tpu.memref_slice %arg4[%add3A_198, %dma_wait3A_315] : memref<16384x1536xf32, #tpu.memory_space<hbm>> -> memref<16x1536xf32, #tpu.memory_space<hbm>>
    %dma_wait3A_317 = arith.constant 0 : i32
    %dma_wait3A_318 = arith.constant 0 : i32
    %dma_wait3A_319 = tpu.memref_slice %arg6[%dma_wait3A_308, %dma_wait3A_317, %dma_wait3A_318] : memref<4x16x1536xf32, #tpu.memory_space<vmem>> -> memref<1x16x1536xf32, #tpu.memory_space<vmem>>
    %dma_wait3A_320 = tpu.memref_squeeze %dma_wait3A_319 : memref<1x16x1536xf32, #tpu.memory_space<vmem>> -> memref<16x1536xf32, #tpu.memory_space<vmem>>
    tpu.wait_dma2 semaphore(%arg8 : memref<!tpu.dma_semaphore, #tpu.memory_space<semaphore_mem>>) src(%dma_wait3A_320 : memref<16x1536xf32, #tpu.memory_space<vmem>>) dst(%dma_wait3A_316 : memref<16x1536xf32, #tpu.memory_space<hbm>>)
    %dma_start3A_321 = arith.constant 0 : i32
    %dma_start3A_322 = arith.constant 0 : i32
    %dma_start3A_323 = arith.constant 0 : i32
    %dma_start3A_324 = tpu.memref_slice %arg6[%dma_start3A_321, %dma_start3A_322, %dma_start3A_323] : memref<4x16x1536xf32, #tpu.memory_space<vmem>> -> memref<1x16x1536xf32, #tpu.memory_space<vmem>>
    %dma_start3A_325 = tpu.memref_squeeze %dma_start3A_324 : memref<1x16x1536xf32, #tpu.memory_space<vmem>> -> memref<16x1536xf32, #tpu.memory_space<vmem>>
    %dma_start3A_326 = arith.constant 128 : i32
    %dma_start3A_327 = tpu.memref_slice %arg5[%dma_start3A_326] : memref<512xi32, #tpu.memory_space<vmem>> -> memref<16xi32, #tpu.memory_space<vmem>>
    %dma_start3A_328 = arith.constant 0 : i32
    %dma_start3A_329 = arith.constant 0 : i32
    %dma_start3A_330 = tpu.memref_slice %arg2[%dma_start3A_328, %dma_start3A_329] : memref<151936x1536xf32, #tpu.memory_space<hbm>> -> memref<151936x1536xf32, #tpu.memory_space<hbm>>
    tpu.enqueue_indirect_dma source(%dma_start3A_330 : memref<151936x1536xf32, #tpu.memory_space<hbm>>) target(%dma_start3A_325 : memref<16x1536xf32, #tpu.memory_space<vmem>>) offsets(%dma_start3A_327 : memref<16xi32, #tpu.memory_space<vmem>>) semaphore(%arg7 : memref<!tpu.dma_semaphore, #tpu.memory_space<semaphore_mem>>)
    %dma_wait3A_331 = arith.constant 3 : i32
    %dma_wait3A_332 = arith.constant 0 : i32
    %dma_wait3A_333 = arith.constant 0 : i32
    %dma_wait3A_334 = tpu.memref_slice %arg6[%dma_wait3A_331, %dma_wait3A_332, %dma_wait3A_333] : memref<4x16x1536xf32, #tpu.memory_space<vmem>> -> memref<1x16x1536xf32, #tpu.memory_space<vmem>>
    %dma_wait3A_335 = tpu.memref_squeeze %dma_wait3A_334 : memref<1x16x1536xf32, #tpu.memory_space<vmem>> -> memref<16x1536xf32, #tpu.memory_space<vmem>>
    %dma_wait3A_336 = arith.constant 112 : i32
    %dma_wait3A_337 = tpu.memref_slice %arg5[%dma_wait3A_336] : memref<512xi32, #tpu.memory_space<vmem>> -> memref<16xi32, #tpu.memory_space<vmem>>
    %dma_wait3A_338 = arith.constant 0 : i32
    %dma_wait3A_339 = arith.constant 0 : i32
    %dma_wait3A_340 = tpu.memref_slice %arg2[%dma_wait3A_338, %dma_wait3A_339] : memref<151936x1536xf32, #tpu.memory_space<hbm>> -> memref<151936x1536xf32, #tpu.memory_space<hbm>>
    tpu.wait_indirect_dma semaphore(%arg7 : memref<!tpu.dma_semaphore, #tpu.memory_space<semaphore_mem>>) src(%dma_wait3A_340 : memref<151936x1536xf32, #tpu.memory_space<hbm>>) dst(%dma_wait3A_335 : memref<16x1536xf32, #tpu.memory_space<vmem>>)
    %add3A_341 = arith.constant 112 : i32
    %add3A_342 = arith.addi %mul3A_2, %add3A_341 : i32
    %dma_start3A_343 = arith.constant 3 : i32
    %dma_start3A_344 = arith.constant 0 : i32
    %dma_start3A_345 = arith.constant 0 : i32
    %dma_start3A_346 = tpu.memref_slice %arg6[%dma_start3A_343, %dma_start3A_344, %dma_start3A_345] : memref<4x16x1536xf32, #tpu.memory_space<vmem>> -> memref<1x16x1536xf32, #tpu.memory_space<vmem>>
    %dma_start3A_347 = tpu.memref_squeeze %dma_start3A_346 : memref<1x16x1536xf32, #tpu.memory_space<vmem>> -> memref<16x1536xf32, #tpu.memory_space<vmem>>
    %dma_start3A_348 = arith.constant 0 : i32
    %dma_start3A_349 = tpu.memref_slice %arg4[%add3A_342, %dma_start3A_348] : memref<16384x1536xf32, #tpu.memory_space<hbm>> -> memref<16x1536xf32, #tpu.memory_space<hbm>>
    %dma_start3A_350 = arith.constant 0 : i32
    %dma_start3A_351 = tpu.memref_slice %arg4[%add3A_342, %dma_start3A_350] : memref<16384x1536xf32, #tpu.memory_space<hbm>> -> memref<16x1536xf32, #tpu.memory_space<hbm>>
    %dma_start3A_352 = arith.constant 0 : i32
    %dma_start3A_353 = arith.constant 0 : i32
    %dma_start3A_354 = tpu.memref_slice %arg6[%dma_start3A_343, %dma_start3A_352, %dma_start3A_353] : memref<4x16x1536xf32, #tpu.memory_space<vmem>> -> memref<1x16x1536xf32, #tpu.memory_space<vmem>>
    %dma_start3A_355 = tpu.memref_squeeze %dma_start3A_354 : memref<1x16x1536xf32, #tpu.memory_space<vmem>> -> memref<16x1536xf32, #tpu.memory_space<vmem>>
    tpu.enqueue_dma source(%dma_start3A_355 : memref<16x1536xf32, #tpu.memory_space<vmem>>) target(%dma_start3A_351 : memref<16x1536xf32, #tpu.memory_space<hbm>>) target_semaphore(%arg8 : memref<!tpu.dma_semaphore, #tpu.memory_space<semaphore_mem>>)
    %dma_wait3A_356 = arith.constant 1 : i32
    %dma_wait3A_357 = arith.constant 0 : i32
    %dma_wait3A_358 = arith.constant 0 : i32
    %dma_wait3A_359 = tpu.memref_slice %arg6[%dma_wait3A_356, %dma_wait3A_357, %dma_wait3A_358] : memref<4x16x1536xf32, #tpu.memory_space<vmem>> -> memref<1x16x1536xf32, #tpu.memory_space<vmem>>
    %dma_wait3A_360 = tpu.memref_squeeze %dma_wait3A_359 : memref<1x16x1536xf32, #tpu.memory_space<vmem>> -> memref<16x1536xf32, #tpu.memory_space<vmem>>
    %dma_wait3A_361 = arith.constant 0 : i32
    %dma_wait3A_362 = tpu.memref_slice %arg4[%add3A_246, %dma_wait3A_361] : memref<16384x1536xf32, #tpu.memory_space<hbm>> -> memref<16x1536xf32, #tpu.memory_space<hbm>>
    %dma_wait3A_363 = arith.constant 0 : i32
    %dma_wait3A_364 = tpu.memref_slice %arg4[%add3A_246, %dma_wait3A_363] : memref<16384x1536xf32, #tpu.memory_space<hbm>> -> memref<16x1536xf32, #tpu.memory_space<hbm>>
    %dma_wait3A_365 = arith.constant 0 : i32
    %dma_wait3A_366 = arith.constant 0 : i32
    %dma_wait3A_367 = tpu.memref_slice %arg6[%dma_wait3A_356, %dma_wait3A_365, %dma_wait3A_366] : memref<4x16x1536xf32, #tpu.memory_space<vmem>> -> memref<1x16x1536xf32, #tpu.memory_space<vmem>>
    %dma_wait3A_368 = tpu.memref_squeeze %dma_wait3A_367 : memref<1x16x1536xf32, #tpu.memory_space<vmem>> -> memref<16x1536xf32, #tpu.memory_space<vmem>>
    tpu.wait_dma2 semaphore(%arg8 : memref<!tpu.dma_semaphore, #tpu.memory_space<semaphore_mem>>) src(%dma_wait3A_368 : memref<16x1536xf32, #tpu.memory_space<vmem>>) dst(%dma_wait3A_364 : memref<16x1536xf32, #tpu.memory_space<hbm>>)
    %dma_start3A_369 = arith.constant 1 : i32
    %dma_start3A_370 = arith.constant 0 : i32
    %dma_start3A_371 = arith.constant 0 : i32
    %dma_start3A_372 = tpu.memref_slice %arg6[%dma_start3A_369, %dma_start3A_370, %dma_start3A_371] : memref<4x16x1536xf32, #tpu.memory_space<vmem>> -> memref<1x16x1536xf32, #tpu.memory_space<vmem>>
    %dma_start3A_373 = tpu.memref_squeeze %dma_start3A_372 : memref<1x16x1536xf32, #tpu.memory_space<vmem>> -> memref<16x1536xf32, #tpu.memory_space<vmem>>
    %dma_start3A_374 = arith.constant 144 : i32
    %dma_start3A_375 = tpu.memref_slice %arg5[%dma_start3A_374] : memref<512xi32, #tpu.memory_space<vmem>> -> memref<16xi32, #tpu.memory_space<vmem>>
    %dma_start3A_376 = arith.constant 0 : i32
    %dma_start3A_377 = arith.constant 0 : i32
    %dma_start3A_378 = tpu.memref_slice %arg2[%dma_start3A_376, %dma_start3A_377] : memref<151936x1536xf32, #tpu.memory_space<hbm>> -> memref<151936x1536xf32, #tpu.memory_space<hbm>>
    tpu.enqueue_indirect_dma source(%dma_start3A_378 : memref<151936x1536xf32, #tpu.memory_space<hbm>>) target(%dma_start3A_373 : memref<16x1536xf32, #tpu.memory_space<vmem>>) offsets(%dma_start3A_375 : memref<16xi32, #tpu.memory_space<vmem>>) semaphore(%arg7 : memref<!tpu.dma_semaphore, #tpu.memory_space<semaphore_mem>>)
    %dma_wait3A_379 = arith.constant 0 : i32
    %dma_wait3A_380 = arith.constant 0 : i32
    %dma_wait3A_381 = arith.constant 0 : i32
    %dma_wait3A_382 = tpu.memref_slice %arg6[%dma_wait3A_379, %dma_wait3A_380, %dma_wait3A_381] : memref<4x16x1536xf32, #tpu.memory_space<vmem>> -> memref<1x16x1536xf32, #tpu.memory_space<vmem>>
    %dma_wait3A_383 = tpu.memref_squeeze %dma_wait3A_382 : memref<1x16x1536xf32, #tpu.memory_space<vmem>> -> memref<16x1536xf32, #tpu.memory_space<vmem>>
    %dma_wait3A_384 = arith.constant 128 : i32
    %dma_wait3A_385 = tpu.memref_slice %arg5[%dma_wait3A_384] : memref<512xi32, #tpu.memory_space<vmem>> -> memref<16xi32, #tpu.memory_space<vmem>>
    %dma_wait3A_386 = arith.constant 0 : i32
    %dma_wait3A_387 = arith.constant 0 : i32
    %dma_wait3A_388 = tpu.memref_slice %arg2[%dma_wait3A_386, %dma_wait3A_387] : memref<151936x1536xf32, #tpu.memory_space<hbm>> -> memref<151936x1536xf32, #tpu.memory_space<hbm>>
    tpu.wait_indirect_dma semaphore(%arg7 : memref<!tpu.dma_semaphore, #tpu.memory_space<semaphore_mem>>) src(%dma_wait3A_388 : memref<151936x1536xf32, #tpu.memory_space<hbm>>) dst(%dma_wait3A_383 : memref<16x1536xf32, #tpu.memory_space<vmem>>)
    %add3A_389 = arith.constant 128 : i32
    %add3A_390 = arith.addi %mul3A_2, %add3A_389 : i32
    %dma_start3A_391 = arith.constant 0 : i32
    %dma_start3A_392 = arith.constant 0 : i32
    %dma_start3A_393 = arith.constant 0 : i32
    %dma_start3A_394 = tpu.memref_slice %arg6[%dma_start3A_391, %dma_start3A_392, %dma_start3A_393] : memref<4x16x1536xf32, #tpu.memory_space<vmem>> -> memref<1x16x1536xf32, #tpu.memory_space<vmem>>
    %dma_start3A_395 = tpu.memref_squeeze %dma_start3A_394 : memref<1x16x1536xf32, #tpu.memory_space<vmem>> -> memref<16x1536xf32, #tpu.memory_space<vmem>>
    %dma_start3A_396 = arith.constant 0 : i32
    %dma_start3A_397 = tpu.memref_slice %arg4[%add3A_390, %dma_start3A_396] : memref<16384x1536xf32, #tpu.memory_space<hbm>> -> memref<16x1536xf32, #tpu.memory_space<hbm>>
    %dma_start3A_398 = arith.constant 0 : i32
    %dma_start3A_399 = tpu.memref_slice %arg4[%add3A_390, %dma_start3A_398] : memref<16384x1536xf32, #tpu.memory_space<hbm>> -> memref<16x1536xf32, #tpu.memory_space<hbm>>
    %dma_start3A_400 = arith.constant 0 : i32
    %dma_start3A_401 = arith.constant 0 : i32
    %dma_start3A_402 = tpu.memref_slice %arg6[%dma_start3A_391, %dma_start3A_400, %dma_start3A_401] : memref<4x16x1536xf32, #tpu.memory_space<vmem>> -> memref<1x16x1536xf32, #tpu.memory_space<vmem>>
    %dma_start3A_403 = tpu.memref_squeeze %dma_start3A_402 : memref<1x16x1536xf32, #tpu.memory_space<vmem>> -> memref<16x1536xf32, #tpu.memory_space<vmem>>
    tpu.enqueue_dma source(%dma_start3A_403 : memref<16x1536xf32, #tpu.memory_space<vmem>>) target(%dma_start3A_399 : memref<16x1536xf32, #tpu.memory_space<hbm>>) target_semaphore(%arg8 : memref<!tpu.dma_semaphore, #tpu.memory_space<semaphore_mem>>)
    %dma_wait3A_404 = arith.constant 2 : i32
    %dma_wait3A_405 = arith.constant 0 : i32
    %dma_wait3A_406 = arith.constant 0 : i32
    %dma_wait3A_407 = tpu.memref_slice %arg6[%dma_wait3A_404, %dma_wait3A_405, %dma_wait3A_406] : memref<4x16x1536xf32, #tpu.memory_space<vmem>> -> memref<1x16x1536xf32, #tpu.memory_space<vmem>>
    %dma_wait3A_408 = tpu.memref_squeeze %dma_wait3A_407 : memref<1x16x1536xf32, #tpu.memory_space<vmem>> -> memref<16x1536xf32, #tpu.memory_space<vmem>>
    %dma_wait3A_409 = arith.constant 0 : i32
    %dma_wait3A_410 = tpu.memref_slice %arg4[%add3A_294, %dma_wait3A_409] : memref<16384x1536xf32, #tpu.memory_space<hbm>> -> memref<16x1536xf32, #tpu.memory_space<hbm>>
    %dma_wait3A_411 = arith.constant 0 : i32
    %dma_wait3A_412 = tpu.memref_slice %arg4[%add3A_294, %dma_wait3A_411] : memref<16384x1536xf32, #tpu.memory_space<hbm>> -> memref<16x1536xf32, #tpu.memory_space<hbm>>
    %dma_wait3A_413 = arith.constant 0 : i32
    %dma_wait3A_414 = arith.constant 0 : i32
    %dma_wait3A_415 = tpu.memref_slice %arg6[%dma_wait3A_404, %dma_wait3A_413, %dma_wait3A_414] : memref<4x16x1536xf32, #tpu.memory_space<vmem>> -> memref<1x16x1536xf32, #tpu.memory_space<vmem>>
    %dma_wait3A_416 = tpu.memref_squeeze %dma_wait3A_415 : memref<1x16x1536xf32, #tpu.memory_space<vmem>> -> memref<16x1536xf32, #tpu.memory_space<vmem>>
    tpu.wait_dma2 semaphore(%arg8 : memref<!tpu.dma_semaphore, #tpu.memory_space<semaphore_mem>>) src(%dma_wait3A_416 : memref<16x1536xf32, #tpu.memory_space<vmem>>) dst(%dma_wait3A_412 : memref<16x1536xf32, #tpu.memory_space<hbm>>)
    %dma_start3A_417 = arith.constant 2 : i32
    %dma_start3A_418 = arith.constant 0 : i32
    %dma_start3A_419 = arith.constant 0 : i32
    %dma_start3A_420 = tpu.memref_slice %arg6[%dma_start3A_417, %dma_start3A_418, %dma_start3A_419] : memref<4x16x1536xf32, #tpu.memory_space<vmem>> -> memref<1x16x1536xf32, #tpu.memory_space<vmem>>
    %dma_start3A_421 = tpu.memref_squeeze %dma_start3A_420 : memref<1x16x1536xf32, #tpu.memory_space<vmem>> -> memref<16x1536xf32, #tpu.memory_space<vmem>>
    %dma_start3A_422 = arith.constant 160 : i32
    %dma_start3A_423 = tpu.memref_slice %arg5[%dma_start3A_422] : memref<512xi32, #tpu.memory_space<vmem>> -> memref<16xi32, #tpu.memory_space<vmem>>
    %dma_start3A_424 = arith.constant 0 : i32
    %dma_start3A_425 = arith.constant 0 : i32
    %dma_start3A_426 = tpu.memref_slice %arg2[%dma_start3A_424, %dma_start3A_425] : memref<151936x1536xf32, #tpu.memory_space<hbm>> -> memref<151936x1536xf32, #tpu.memory_space<hbm>>
    tpu.enqueue_indirect_dma source(%dma_start3A_426 : memref<151936x1536xf32, #tpu.memory_space<hbm>>) target(%dma_start3A_421 : memref<16x1536xf32, #tpu.memory_space<vmem>>) offsets(%dma_start3A_423 : memref<16xi32, #tpu.memory_space<vmem>>) semaphore(%arg7 : memref<!tpu.dma_semaphore, #tpu.memory_space<semaphore_mem>>)
    %dma_wait3A_427 = arith.constant 1 : i32
    %dma_wait3A_428 = arith.constant 0 : i32
    %dma_wait3A_429 = arith.constant 0 : i32
    %dma_wait3A_430 = tpu.memref_slice %arg6[%dma_wait3A_427, %dma_wait3A_428, %dma_wait3A_429] : memref<4x16x1536xf32, #tpu.memory_space<vmem>> -> memref<1x16x1536xf32, #tpu.memory_space<vmem>>
    %dma_wait3A_431 = tpu.memref_squeeze %dma_wait3A_430 : memref<1x16x1536xf32, #tpu.memory_space<vmem>> -> memref<16x1536xf32, #tpu.memory_space<vmem>>
    %dma_wait3A_432 = arith.constant 144 : i32
    %dma_wait3A_433 = tpu.memref_slice %arg5[%dma_wait3A_432] : memref<512xi32, #tpu.memory_space<vmem>> -> memref<16xi32, #tpu.memory_space<vmem>>
    %dma_wait3A_434 = arith.constant 0 : i32
    %dma_wait3A_435 = arith.constant 0 : i32
    %dma_wait3A_436 = tpu.memref_slice %arg2[%dma_wait3A_434, %dma_wait3A_435] : memref<151936x1536xf32, #tpu.memory_space<hbm>> -> memref<151936x1536xf32, #tpu.memory_space<hbm>>
    tpu.wait_indirect_dma semaphore(%arg7 : memref<!tpu.dma_semaphore, #tpu.memory_space<semaphore_mem>>) src(%dma_wait3A_436 : memref<151936x1536xf32, #tpu.memory_space<hbm>>) dst(%dma_wait3A_431 : memref<16x1536xf32, #tpu.memory_space<vmem>>)
    %add3A_437 = arith.constant 144 : i32
    %add3A_438 = arith.addi %mul3A_2, %add3A_437 : i32
    %dma_start3A_439 = arith.constant 1 : i32
    %dma_start3A_440 = arith.constant 0 : i32
    %dma_start3A_441 = arith.constant 0 : i32
    %dma_start3A_442 = tpu.memref_slice %arg6[%dma_start3A_439, %dma_start3A_440, %dma_start3A_441] : memref<4x16x1536xf32, #tpu.memory_space<vmem>> -> memref<1x16x1536xf32, #tpu.memory_space<vmem>>
    %dma_start3A_443 = tpu.memref_squeeze %dma_start3A_442 : memref<1x16x1536xf32, #tpu.memory_space<vmem>> -> memref<16x1536xf32, #tpu.memory_space<vmem>>
    %dma_start3A_444 = arith.constant 0 : i32
    %dma_start3A_445 = tpu.memref_slice %arg4[%add3A_438, %dma_start3A_444] : memref<16384x1536xf32, #tpu.memory_space<hbm>> -> memref<16x1536xf32, #tpu.memory_space<hbm>>
    %dma_start3A_446 = arith.constant 0 : i32
    %dma_start3A_447 = tpu.memref_slice %arg4[%add3A_438, %dma_start3A_446] : memref<16384x1536xf32, #tpu.memory_space<hbm>> -> memref<16x1536xf32, #tpu.memory_space<hbm>>
    %dma_start3A_448 = arith.constant 0 : i32
    %dma_start3A_449 = arith.constant 0 : i32
    %dma_start3A_450 = tpu.memref_slice %arg6[%dma_start3A_439, %dma_start3A_448, %dma_start3A_449] : memref<4x16x1536xf32, #tpu.memory_space<vmem>> -> memref<1x16x1536xf32, #tpu.memory_space<vmem>>
    %dma_start3A_451 = tpu.memref_squeeze %dma_start3A_450 : memref<1x16x1536xf32, #tpu.memory_space<vmem>> -> memref<16x1536xf32, #tpu.memory_space<vmem>>
    tpu.enqueue_dma source(%dma_start3A_451 : memref<16x1536xf32, #tpu.memory_space<vmem>>) target(%dma_start3A_447 : memref<16x1536xf32, #tpu.memory_space<hbm>>) target_semaphore(%arg8 : memref<!tpu.dma_semaphore, #tpu.memory_space<semaphore_mem>>)
    %dma_wait3A_452 = arith.constant 3 : i32
    %dma_wait3A_453 = arith.constant 0 : i32
    %dma_wait3A_454 = arith.constant 0 : i32
    %dma_wait3A_455 = tpu.memref_slice %arg6[%dma_wait3A_452, %dma_wait3A_453, %dma_wait3A_454] : memref<4x16x1536xf32, #tpu.memory_space<vmem>> -> memref<1x16x1536xf32, #tpu.memory_space<vmem>>
    %dma_wait3A_456 = tpu.memref_squeeze %dma_wait3A_455 : memref<1x16x1536xf32, #tpu.memory_space<vmem>> -> memref<16x1536xf32, #tpu.memory_space<vmem>>
    %dma_wait3A_457 = arith.constant 0 : i32
    %dma_wait3A_458 = tpu.memref_slice %arg4[%add3A_342, %dma_wait3A_457] : memref<16384x1536xf32, #tpu.memory_space<hbm>> -> memref<16x1536xf32, #tpu.memory_space<hbm>>
    %dma_wait3A_459 = arith.constant 0 : i32
    %dma_wait3A_460 = tpu.memref_slice %arg4[%add3A_342, %dma_wait3A_459] : memref<16384x1536xf32, #tpu.memory_space<hbm>> -> memref<16x1536xf32, #tpu.memory_space<hbm>>
    %dma_wait3A_461 = arith.constant 0 : i32
    %dma_wait3A_462 = arith.constant 0 : i32
    %dma_wait3A_463 = tpu.memref_slice %arg6[%dma_wait3A_452, %dma_wait3A_461, %dma_wait3A_462] : memref<4x16x1536xf32, #tpu.memory_space<vmem>> -> memref<1x16x1536xf32, #tpu.memory_space<vmem>>
    %dma_wait3A_464 = tpu.memref_squeeze %dma_wait3A_463 : memref<1x16x1536xf32, #tpu.memory_space<vmem>> -> memref<16x1536xf32, #tpu.memory_space<vmem>>
    tpu.wait_dma2 semaphore(%arg8 : memref<!tpu.dma_semaphore, #tpu.memory_space<semaphore_mem>>) src(%dma_wait3A_464 : memref<16x1536xf32, #tpu.memory_space<vmem>>) dst(%dma_wait3A_460 : memref<16x1536xf32, #tpu.memory_space<hbm>>)
    %dma_start3A_465 = arith.constant 3 : i32
    %dma_start3A_466 = arith.constant 0 : i32
    %dma_start3A_467 = arith.constant 0 : i32
    %dma_start3A_468 = tpu.memref_slice %arg6[%dma_start3A_465, %dma_start3A_466, %dma_start3A_467] : memref<4x16x1536xf32, #tpu.memory_space<vmem>> -> memref<1x16x1536xf32, #tpu.memory_space<vmem>>
    %dma_start3A_469 = tpu.memref_squeeze %dma_start3A_468 : memref<1x16x1536xf32, #tpu.memory_space<vmem>> -> memref<16x1536xf32, #tpu.memory_space<vmem>>
    %dma_start3A_470 = arith.constant 176 : i32
    %dma_start3A_471 = tpu.memref_slice %arg5[%dma_start3A_470] : memref<512xi32, #tpu.memory_space<vmem>> -> memref<16xi32, #tpu.memory_space<vmem>>
    %dma_start3A_472 = arith.constant 0 : i32
    %dma_start3A_473 = arith.constant 0 : i32
    %dma_start3A_474 = tpu.memref_slice %arg2[%dma_start3A_472, %dma_start3A_473] : memref<151936x1536xf32, #tpu.memory_space<hbm>> -> memref<151936x1536xf32, #tpu.memory_space<hbm>>
    tpu.enqueue_indirect_dma source(%dma_start3A_474 : memref<151936x1536xf32, #tpu.memory_space<hbm>>) target(%dma_start3A_469 : memref<16x1536xf32, #tpu.memory_space<vmem>>) offsets(%dma_start3A_471 : memref<16xi32, #tpu.memory_space<vmem>>) semaphore(%arg7 : memref<!tpu.dma_semaphore, #tpu.memory_space<semaphore_mem>>)
    %dma_wait3A_475 = arith.constant 2 : i32
    %dma_wait3A_476 = arith.constant 0 : i32
    %dma_wait3A_477 = arith.constant 0 : i32
    %dma_wait3A_478 = tpu.memref_slice %arg6[%dma_wait3A_475, %dma_wait3A_476, %dma_wait3A_477] : memref<4x16x1536xf32, #tpu.memory_space<vmem>> -> memref<1x16x1536xf32, #tpu.memory_space<vmem>>
    %dma_wait3A_479 = tpu.memref_squeeze %dma_wait3A_478 : memref<1x16x1536xf32, #tpu.memory_space<vmem>> -> memref<16x1536xf32, #tpu.memory_space<vmem>>
    %dma_wait3A_480 = arith.constant 160 : i32
    %dma_wait3A_481 = tpu.memref_slice %arg5[%dma_wait3A_480] : memref<512xi32, #tpu.memory_space<vmem>> -> memref<16xi32, #tpu.memory_space<vmem>>
    %dma_wait3A_482 = arith.constant 0 : i32
    %dma_wait3A_483 = arith.constant 0 : i32
    %dma_wait3A_484 = tpu.memref_slice %arg2[%dma_wait3A_482, %dma_wait3A_483] : memref<151936x1536xf32, #tpu.memory_space<hbm>> -> memref<151936x1536xf32, #tpu.memory_space<hbm>>
    tpu.wait_indirect_dma semaphore(%arg7 : memref<!tpu.dma_semaphore, #tpu.memory_space<semaphore_mem>>) src(%dma_wait3A_484 : memref<151936x1536xf32, #tpu.memory_space<hbm>>) dst(%dma_wait3A_479 : memref<16x1536xf32, #tpu.memory_space<vmem>>)
    %add3A_485 = arith.constant 160 : i32
    %add3A_486 = arith.addi %mul3A_2, %add3A_485 : i32
    %dma_start3A_487 = arith.constant 2 : i32
    %dma_start3A_488 = arith.constant 0 : i32
    %dma_start3A_489 = arith.constant 0 : i32
    %dma_start3A_490 = tpu.memref_slice %arg6[%dma_start3A_487, %dma_start3A_488, %dma_start3A_489] : memref<4x16x1536xf32, #tpu.memory_space<vmem>> -> memref<1x16x1536xf32, #tpu.memory_space<vmem>>
    %dma_start3A_491 = tpu.memref_squeeze %dma_start3A_490 : memref<1x16x1536xf32, #tpu.memory_space<vmem>> -> memref<16x1536xf32, #tpu.memory_space<vmem>>
    %dma_start3A_492 = arith.constant 0 : i32
    %dma_start3A_493 = tpu.memref_slice %arg4[%add3A_486, %dma_start3A_492] : memref<16384x1536xf32, #tpu.memory_space<hbm>> -> memref<16x1536xf32, #tpu.memory_space<hbm>>
    %dma_start3A_494 = arith.constant 0 : i32
    %dma_start3A_495 = tpu.memref_slice %arg4[%add3A_486, %dma_start3A_494] : memref<16384x1536xf32, #tpu.memory_space<hbm>> -> memref<16x1536xf32, #tpu.memory_space<hbm>>
    %dma_start3A_496 = arith.constant 0 : i32
    %dma_start3A_497 = arith.constant 0 : i32
    %dma_start3A_498 = tpu.memref_slice %arg6[%dma_start3A_487, %dma_start3A_496, %dma_start3A_497] : memref<4x16x1536xf32, #tpu.memory_space<vmem>> -> memref<1x16x1536xf32, #tpu.memory_space<vmem>>
    %dma_start3A_499 = tpu.memref_squeeze %dma_start3A_498 : memref<1x16x1536xf32, #tpu.memory_space<vmem>> -> memref<16x1536xf32, #tpu.memory_space<vmem>>
    tpu.enqueue_dma source(%dma_start3A_499 : memref<16x1536xf32, #tpu.memory_space<vmem>>) target(%dma_start3A_495 : memref<16x1536xf32, #tpu.memory_space<hbm>>) target_semaphore(%arg8 : memref<!tpu.dma_semaphore, #tpu.memory_space<semaphore_mem>>)
    %dma_wait3A_500 = arith.constant 0 : i32
    %dma_wait3A_501 = arith.constant 0 : i32
    %dma_wait3A_502 = arith.constant 0 : i32
    %dma_wait3A_503 = tpu.memref_slice %arg6[%dma_wait3A_500, %dma_wait3A_501, %dma_wait3A_502] : memref<4x16x1536xf32, #tpu.memory_space<vmem>> -> memref<1x16x1536xf32, #tpu.memory_space<vmem>>
    %dma_wait3A_504 = tpu.memref_squeeze %dma_wait3A_503 : memref<1x16x1536xf32, #tpu.memory_space<vmem>> -> memref<16x1536xf32, #tpu.memory_space<vmem>>
    %dma_wait3A_505 = arith.constant 0 : i32
    %dma_wait3A_506 = tpu.memref_slice %arg4[%add3A_390, %dma_wait3A_505] : memref<16384x1536xf32, #tpu.memory_space<hbm>> -> memref<16x1536xf32, #tpu.memory_space<hbm>>
    %dma_wait3A_507 = arith.constant 0 : i32
    %dma_wait3A_508 = tpu.memref_slice %arg4[%add3A_390, %dma_wait3A_507] : memref<16384x1536xf32, #tpu.memory_space<hbm>> -> memref<16x1536xf32, #tpu.memory_space<hbm>>
    %dma_wait3A_509 = arith.constant 0 : i32
    %dma_wait3A_510 = arith.constant 0 : i32
    %dma_wait3A_511 = tpu.memref_slice %arg6[%dma_wait3A_500, %dma_wait3A_509, %dma_wait3A_510] : memref<4x16x1536xf32, #tpu.memory_space<vmem>> -> memref<1x16x1536xf32, #tpu.memory_space<vmem>>
    %dma_wait3A_512 = tpu.memref_squeeze %dma_wait3A_511 : memref<1x16x1536xf32, #tpu.memory_space<vmem>> -> memref<16x1536xf32, #tpu.memory_space<vmem>>
    tpu.wait_dma2 semaphore(%arg8 : memref<!tpu.dma_semaphore, #tpu.memory_space<semaphore_mem>>) src(%dma_wait3A_512 : memref<16x1536xf32, #tpu.memory_space<vmem>>) dst(%dma_wait3A_508 : memref<16x1536xf32, #tpu.memory_space<hbm>>)
    %dma_start3A_513 = arith.constant 0 : i32
    %dma_start3A_514 = arith.constant 0 : i32
    %dma_start3A_515 = arith.constant 0 : i32
    %dma_start3A_516 = tpu.memref_slice %arg6[%dma_start3A_513, %dma_start3A_514, %dma_start3A_515] : memref<4x16x1536xf32, #tpu.memory_space<vmem>> -> memref<1x16x1536xf32, #tpu.memory_space<vmem>>
    %dma_start3A_517 = tpu.memref_squeeze %dma_start3A_516 : memref<1x16x1536xf32, #tpu.memory_space<vmem>> -> memref<16x1536xf32, #tpu.memory_space<vmem>>
    %dma_start3A_518 = arith.constant 192 : i32
    %dma_start3A_519 = tpu.memref_slice %arg5[%dma_start3A_518] : memref<512xi32, #tpu.memory_space<vmem>> -> memref<16xi32, #tpu.memory_space<vmem>>
    %dma_start3A_520 = arith.constant 0 : i32
    %dma_start3A_521 = arith.constant 0 : i32
    %dma_start3A_522 = tpu.memref_slice %arg2[%dma_start3A_520, %dma_start3A_521] : memref<151936x1536xf32, #tpu.memory_space<hbm>> -> memref<151936x1536xf32, #tpu.memory_space<hbm>>
    tpu.enqueue_indirect_dma source(%dma_start3A_522 : memref<151936x1536xf32, #tpu.memory_space<hbm>>) target(%dma_start3A_517 : memref<16x1536xf32, #tpu.memory_space<vmem>>) offsets(%dma_start3A_519 : memref<16xi32, #tpu.memory_space<vmem>>) semaphore(%arg7 : memref<!tpu.dma_semaphore, #tpu.memory_space<semaphore_mem>>)
    %dma_wait3A_523 = arith.constant 3 : i32
    %dma_wait3A_524 = arith.constant 0 : i32
    %dma_wait3A_525 = arith.constant 0 : i32
    %dma_wait3A_526 = tpu.memref_slice %arg6[%dma_wait3A_523, %dma_wait3A_524, %dma_wait3A_525] : memref<4x16x1536xf32, #tpu.memory_space<vmem>> -> memref<1x16x1536xf32, #tpu.memory_space<vmem>>
    %dma_wait3A_527 = tpu.memref_squeeze %dma_wait3A_526 : memref<1x16x1536xf32, #tpu.memory_space<vmem>> -> memref<16x1536xf32, #tpu.memory_space<vmem>>
    %dma_wait3A_528 = arith.constant 176 : i32
    %dma_wait3A_529 = tpu.memref_slice %arg5[%dma_wait3A_528] : memref<512xi32, #tpu.memory_space<vmem>> -> memref<16xi32, #tpu.memory_space<vmem>>
    %dma_wait3A_530 = arith.constant 0 : i32
    %dma_wait3A_531 = arith.constant 0 : i32
    %dma_wait3A_532 = tpu.memref_slice %arg2[%dma_wait3A_530, %dma_wait3A_531] : memref<151936x1536xf32, #tpu.memory_space<hbm>> -> memref<151936x1536xf32, #tpu.memory_space<hbm>>
    tpu.wait_indirect_dma semaphore(%arg7 : memref<!tpu.dma_semaphore, #tpu.memory_space<semaphore_mem>>) src(%dma_wait3A_532 : memref<151936x1536xf32, #tpu.memory_space<hbm>>) dst(%dma_wait3A_527 : memref<16x1536xf32, #tpu.memory_space<vmem>>)
    %add3A_533 = arith.constant 176 : i32
    %add3A_534 = arith.addi %mul3A_2, %add3A_533 : i32
    %dma_start3A_535 = arith.constant 3 : i32
    %dma_start3A_536 = arith.constant 0 : i32
    %dma_start3A_537 = arith.constant 0 : i32
    %dma_start3A_538 = tpu.memref_slice %arg6[%dma_start3A_535, %dma_start3A_536, %dma_start3A_537] : memref<4x16x1536xf32, #tpu.memory_space<vmem>> -> memref<1x16x1536xf32, #tpu.memory_space<vmem>>
    %dma_start3A_539 = tpu.memref_squeeze %dma_start3A_538 : memref<1x16x1536xf32, #tpu.memory_space<vmem>> -> memref<16x1536xf32, #tpu.memory_space<vmem>>
    %dma_start3A_540 = arith.constant 0 : i32
    %dma_start3A_541 = tpu.memref_slice %arg4[%add3A_534, %dma_start3A_540] : memref<16384x1536xf32, #tpu.memory_space<hbm>> -> memref<16x1536xf32, #tpu.memory_space<hbm>>
    %dma_start3A_542 = arith.constant 0 : i32
    %dma_start3A_543 = tpu.memref_slice %arg4[%add3A_534, %dma_start3A_542] : memref<16384x1536xf32, #tpu.memory_space<hbm>> -> memref<16x1536xf32, #tpu.memory_space<hbm>>
    %dma_start3A_544 = arith.constant 0 : i32
    %dma_start3A_545 = arith.constant 0 : i32
    %dma_start3A_546 = tpu.memref_slice %arg6[%dma_start3A_535, %dma_start3A_544, %dma_start3A_545] : memref<4x16x1536xf32, #tpu.memory_space<vmem>> -> memref<1x16x1536xf32, #tpu.memory_space<vmem>>
    %dma_start3A_547 = tpu.memref_squeeze %dma_start3A_546 : memref<1x16x1536xf32, #tpu.memory_space<vmem>> -> memref<16x1536xf32, #tpu.memory_space<vmem>>
    tpu.enqueue_dma source(%dma_start3A_547 : memref<16x1536xf32, #tpu.memory_space<vmem>>) target(%dma_start3A_543 : memref<16x1536xf32, #tpu.memory_space<hbm>>) target_semaphore(%arg8 : memref<!tpu.dma_semaphore, #tpu.memory_space<semaphore_mem>>)
    %dma_wait3A_548 = arith.constant 1 : i32
    %dma_wait3A_549 = arith.constant 0 : i32
    %dma_wait3A_550 = arith.constant 0 : i32
    %dma_wait3A_551 = tpu.memref_slice %arg6[%dma_wait3A_548, %dma_wait3A_549, %dma_wait3A_550] : memref<4x16x1536xf32, #tpu.memory_space<vmem>> -> memref<1x16x1536xf32, #tpu.memory_space<vmem>>
    %dma_wait3A_552 = tpu.memref_squeeze %dma_wait3A_551 : memref<1x16x1536xf32, #tpu.memory_space<vmem>> -> memref<16x1536xf32, #tpu.memory_space<vmem>>
    %dma_wait3A_553 = arith.constant 0 : i32
    %dma_wait3A_554 = tpu.memref_slice %arg4[%add3A_438, %dma_wait3A_553] : memref<16384x1536xf32, #tpu.memory_space<hbm>> -> memref<16x1536xf32, #tpu.memory_space<hbm>>
    %dma_wait3A_555 = arith.constant 0 : i32
    %dma_wait3A_556 = tpu.memref_slice %arg4[%add3A_438, %dma_wait3A_555] : memref<16384x1536xf32, #tpu.memory_space<hbm>> -> memref<16x1536xf32, #tpu.memory_space<hbm>>
    %dma_wait3A_557 = arith.constant 0 : i32
    %dma_wait3A_558 = arith.constant 0 : i32
    %dma_wait3A_559 = tpu.memref_slice %arg6[%dma_wait3A_548, %dma_wait3A_557, %dma_wait3A_558] : memref<4x16x1536xf32, #tpu.memory_space<vmem>> -> memref<1x16x1536xf32, #tpu.memory_space<vmem>>
    %dma_wait3A_560 = tpu.memref_squeeze %dma_wait3A_559 : memref<1x16x1536xf32, #tpu.memory_space<vmem>> -> memref<16x1536xf32, #tpu.memory_space<vmem>>
    tpu.wait_dma2 semaphore(%arg8 : memref<!tpu.dma_semaphore, #tpu.memory_space<semaphore_mem>>) src(%dma_wait3A_560 : memref<16x1536xf32, #tpu.memory_space<vmem>>) dst(%dma_wait3A_556 : memref<16x1536xf32, #tpu.memory_space<hbm>>)
    %dma_start3A_561 = arith.constant 1 : i32
    %dma_start3A_562 = arith.constant 0 : i32
    %dma_start3A_563 = arith.constant 0 : i32
    %dma_start3A_564 = tpu.memref_slice %arg6[%dma_start3A_561, %dma_start3A_562, %dma_start3A_563] : memref<4x16x1536xf32, #tpu.memory_space<vmem>> -> memref<1x16x1536xf32, #tpu.memory_space<vmem>>
    %dma_start3A_565 = tpu.memref_squeeze %dma_start3A_564 : memref<1x16x1536xf32, #tpu.memory_space<vmem>> -> memref<16x1536xf32, #tpu.memory_space<vmem>>
    %dma_start3A_566 = arith.constant 208 : i32
    %dma_start3A_567 = tpu.memref_slice %arg5[%dma_start3A_566] : memref<512xi32, #tpu.memory_space<vmem>> -> memref<16xi32, #tpu.memory_space<vmem>>
    %dma_start3A_568 = arith.constant 0 : i32
    %dma_start3A_569 = arith.constant 0 : i32
    %dma_start3A_570 = tpu.memref_slice %arg2[%dma_start3A_568, %dma_start3A_569] : memref<151936x1536xf32, #tpu.memory_space<hbm>> -> memref<151936x1536xf32, #tpu.memory_space<hbm>>
    tpu.enqueue_indirect_dma source(%dma_start3A_570 : memref<151936x1536xf32, #tpu.memory_space<hbm>>) target(%dma_start3A_565 : memref<16x1536xf32, #tpu.memory_space<vmem>>) offsets(%dma_start3A_567 : memref<16xi32, #tpu.memory_space<vmem>>) semaphore(%arg7 : memref<!tpu.dma_semaphore, #tpu.memory_space<semaphore_mem>>)
    %dma_wait3A_571 = arith.constant 0 : i32
    %dma_wait3A_572 = arith.constant 0 : i32
    %dma_wait3A_573 = arith.constant 0 : i32
    %dma_wait3A_574 = tpu.memref_slice %arg6[%dma_wait3A_571, %dma_wait3A_572, %dma_wait3A_573] : memref<4x16x1536xf32, #tpu.memory_space<vmem>> -> memref<1x16x1536xf32, #tpu.memory_space<vmem>>
    %dma_wait3A_575 = tpu.memref_squeeze %dma_wait3A_574 : memref<1x16x1536xf32, #tpu.memory_space<vmem>> -> memref<16x1536xf32, #tpu.memory_space<vmem>>
    %dma_wait3A_576 = arith.constant 192 : i32
    %dma_wait3A_577 = tpu.memref_slice %arg5[%dma_wait3A_576] : memref<512xi32, #tpu.memory_space<vmem>> -> memref<16xi32, #tpu.memory_space<vmem>>
    %dma_wait3A_578 = arith.constant 0 : i32
    %dma_wait3A_579 = arith.constant 0 : i32
    %dma_wait3A_580 = tpu.memref_slice %arg2[%dma_wait3A_578, %dma_wait3A_579] : memref<151936x1536xf32, #tpu.memory_space<hbm>> -> memref<151936x1536xf32, #tpu.memory_space<hbm>>
    tpu.wait_indirect_dma semaphore(%arg7 : memref<!tpu.dma_semaphore, #tpu.memory_space<semaphore_mem>>) src(%dma_wait3A_580 : memref<151936x1536xf32, #tpu.memory_space<hbm>>) dst(%dma_wait3A_575 : memref<16x1536xf32, #tpu.memory_space<vmem>>)
    %add3A_581 = arith.constant 192 : i32
    %add3A_582 = arith.addi %mul3A_2, %add3A_581 : i32
    %dma_start3A_583 = arith.constant 0 : i32
    %dma_start3A_584 = arith.constant 0 : i32
    %dma_start3A_585 = arith.constant 0 : i32
    %dma_start3A_586 = tpu.memref_slice %arg6[%dma_start3A_583, %dma_start3A_584, %dma_start3A_585] : memref<4x16x1536xf32, #tpu.memory_space<vmem>> -> memref<1x16x1536xf32, #tpu.memory_space<vmem>>
    %dma_start3A_587 = tpu.memref_squeeze %dma_start3A_586 : memref<1x16x1536xf32, #tpu.memory_space<vmem>> -> memref<16x1536xf32, #tpu.memory_space<vmem>>
    %dma_start3A_588 = arith.constant 0 : i32
    %dma_start3A_589 = tpu.memref_slice %arg4[%add3A_582, %dma_start3A_588] : memref<16384x1536xf32, #tpu.memory_space<hbm>> -> memref<16x1536xf32, #tpu.memory_space<hbm>>
    %dma_start3A_590 = arith.constant 0 : i32
    %dma_start3A_591 = tpu.memref_slice %arg4[%add3A_582, %dma_start3A_590] : memref<16384x1536xf32, #tpu.memory_space<hbm>> -> memref<16x1536xf32, #tpu.memory_space<hbm>>
    %dma_start3A_592 = arith.constant 0 : i32
    %dma_start3A_593 = arith.constant 0 : i32
    %dma_start3A_594 = tpu.memref_slice %arg6[%dma_start3A_583, %dma_start3A_592, %dma_start3A_593] : memref<4x16x1536xf32, #tpu.memory_space<vmem>> -> memref<1x16x1536xf32, #tpu.memory_space<vmem>>
    %dma_start3A_595 = tpu.memref_squeeze %dma_start3A_594 : memref<1x16x1536xf32, #tpu.memory_space<vmem>> -> memref<16x1536xf32, #tpu.memory_space<vmem>>
    tpu.enqueue_dma source(%dma_start3A_595 : memref<16x1536xf32, #tpu.memory_space<vmem>>) target(%dma_start3A_591 : memref<16x1536xf32, #tpu.memory_space<hbm>>) target_semaphore(%arg8 : memref<!tpu.dma_semaphore, #tpu.memory_space<semaphore_mem>>)
    %dma_wait3A_596 = arith.constant 2 : i32
    %dma_wait3A_597 = arith.constant 0 : i32
    %dma_wait3A_598 = arith.constant 0 : i32
    %dma_wait3A_599 = tpu.memref_slice %arg6[%dma_wait3A_596, %dma_wait3A_597, %dma_wait3A_598] : memref<4x16x1536xf32, #tpu.memory_space<vmem>> -> memref<1x16x1536xf32, #tpu.memory_space<vmem>>
    %dma_wait3A_600 = tpu.memref_squeeze %dma_wait3A_599 : memref<1x16x1536xf32, #tpu.memory_space<vmem>> -> memref<16x1536xf32, #tpu.memory_space<vmem>>
    %dma_wait3A_601 = arith.constant 0 : i32
    %dma_wait3A_602 = tpu.memref_slice %arg4[%add3A_486, %dma_wait3A_601] : memref<16384x1536xf32, #tpu.memory_space<hbm>> -> memref<16x1536xf32, #tpu.memory_space<hbm>>
    %dma_wait3A_603 = arith.constant 0 : i32
    %dma_wait3A_604 = tpu.memref_slice %arg4[%add3A_486, %dma_wait3A_603] : memref<16384x1536xf32, #tpu.memory_space<hbm>> -> memref<16x1536xf32, #tpu.memory_space<hbm>>
    %dma_wait3A_605 = arith.constant 0 : i32
    %dma_wait3A_606 = arith.constant 0 : i32
    %dma_wait3A_607 = tpu.memref_slice %arg6[%dma_wait3A_596, %dma_wait3A_605, %dma_wait3A_606] : memref<4x16x1536xf32, #tpu.memory_space<vmem>> -> memref<1x16x1536xf32, #tpu.memory_space<vmem>>
    %dma_wait3A_608 = tpu.memref_squeeze %dma_wait3A_607 : memref<1x16x1536xf32, #tpu.memory_space<vmem>> -> memref<16x1536xf32, #tpu.memory_space<vmem>>
    tpu.wait_dma2 semaphore(%arg8 : memref<!tpu.dma_semaphore, #tpu.memory_space<semaphore_mem>>) src(%dma_wait3A_608 : memref<16x1536xf32, #tpu.memory_space<vmem>>) dst(%dma_wait3A_604 : memref<16x1536xf32, #tpu.memory_space<hbm>>)
    %dma_start3A_609 = arith.constant 2 : i32
    %dma_start3A_610 = arith.constant 0 : i32
    %dma_start3A_611 = arith.constant 0 : i32
    %dma_start3A_612 = tpu.memref_slice %arg6[%dma_start3A_609, %dma_start3A_610, %dma_start3A_611] : memref<4x16x1536xf32, #tpu.memory_space<vmem>> -> memref<1x16x1536xf32, #tpu.memory_space<vmem>>
    %dma_start3A_613 = tpu.memref_squeeze %dma_start3A_612 : memref<1x16x1536xf32, #tpu.memory_space<vmem>> -> memref<16x1536xf32, #tpu.memory_space<vmem>>
    %dma_start3A_614 = arith.constant 224 : i32
    %dma_start3A_615 = tpu.memref_slice %arg5[%dma_start3A_614] : memref<512xi32, #tpu.memory_space<vmem>> -> memref<16xi32, #tpu.memory_space<vmem>>
    %dma_start3A_616 = arith.constant 0 : i32
    %dma_start3A_617 = arith.constant 0 : i32
    %dma_start3A_618 = tpu.memref_slice %arg2[%dma_start3A_616, %dma_start3A_617] : memref<151936x1536xf32, #tpu.memory_space<hbm>> -> memref<151936x1536xf32, #tpu.memory_space<hbm>>
    tpu.enqueue_indirect_dma source(%dma_start3A_618 : memref<151936x1536xf32, #tpu.memory_space<hbm>>) target(%dma_start3A_613 : memref<16x1536xf32, #tpu.memory_space<vmem>>) offsets(%dma_start3A_615 : memref<16xi32, #tpu.memory_space<vmem>>) semaphore(%arg7 : memref<!tpu.dma_semaphore, #tpu.memory_space<semaphore_mem>>)
    %dma_wait3A_619 = arith.constant 1 : i32
    %dma_wait3A_620 = arith.constant 0 : i32
    %dma_wait3A_621 = arith.constant 0 : i32
    %dma_wait3A_622 = tpu.memref_slice %arg6[%dma_wait3A_619, %dma_wait3A_620, %dma_wait3A_621] : memref<4x16x1536xf32, #tpu.memory_space<vmem>> -> memref<1x16x1536xf32, #tpu.memory_space<vmem>>
    %dma_wait3A_623 = tpu.memref_squeeze %dma_wait3A_622 : memref<1x16x1536xf32, #tpu.memory_space<vmem>> -> memref<16x1536xf32, #tpu.memory_space<vmem>>
    %dma_wait3A_624 = arith.constant 208 : i32
    %dma_wait3A_625 = tpu.memref_slice %arg5[%dma_wait3A_624] : memref<512xi32, #tpu.memory_space<vmem>> -> memref<16xi32, #tpu.memory_space<vmem>>
    %dma_wait3A_626 = arith.constant 0 : i32
    %dma_wait3A_627 = arith.constant 0 : i32
    %dma_wait3A_628 = tpu.memref_slice %arg2[%dma_wait3A_626, %dma_wait3A_627] : memref<151936x1536xf32, #tpu.memory_space<hbm>> -> memref<151936x1536xf32, #tpu.memory_space<hbm>>
    tpu.wait_indirect_dma semaphore(%arg7 : memref<!tpu.dma_semaphore, #tpu.memory_space<semaphore_mem>>) src(%dma_wait3A_628 : memref<151936x1536xf32, #tpu.memory_space<hbm>>) dst(%dma_wait3A_623 : memref<16x1536xf32, #tpu.memory_space<vmem>>)
    %add3A_629 = arith.constant 208 : i32
    %add3A_630 = arith.addi %mul3A_2, %add3A_629 : i32
    %dma_start3A_631 = arith.constant 1 : i32
    %dma_start3A_632 = arith.constant 0 : i32
    %dma_start3A_633 = arith.constant 0 : i32
    %dma_start3A_634 = tpu.memref_slice %arg6[%dma_start3A_631, %dma_start3A_632, %dma_start3A_633] : memref<4x16x1536xf32, #tpu.memory_space<vmem>> -> memref<1x16x1536xf32, #tpu.memory_space<vmem>>
    %dma_start3A_635 = tpu.memref_squeeze %dma_start3A_634 : memref<1x16x1536xf32, #tpu.memory_space<vmem>> -> memref<16x1536xf32, #tpu.memory_space<vmem>>
    %dma_start3A_636 = arith.constant 0 : i32
    %dma_start3A_637 = tpu.memref_slice %arg4[%add3A_630, %dma_start3A_636] : memref<16384x1536xf32, #tpu.memory_space<hbm>> -> memref<16x1536xf32, #tpu.memory_space<hbm>>
    %dma_start3A_638 = arith.constant 0 : i32
    %dma_start3A_639 = tpu.memref_slice %arg4[%add3A_630, %dma_start3A_638] : memref<16384x1536xf32, #tpu.memory_space<hbm>> -> memref<16x1536xf32, #tpu.memory_space<hbm>>
    %dma_start3A_640 = arith.constant 0 : i32
    %dma_start3A_641 = arith.constant 0 : i32
    %dma_start3A_642 = tpu.memref_slice %arg6[%dma_start3A_631, %dma_start3A_640, %dma_start3A_641] : memref<4x16x1536xf32, #tpu.memory_space<vmem>> -> memref<1x16x1536xf32, #tpu.memory_space<vmem>>
    %dma_start3A_643 = tpu.memref_squeeze %dma_start3A_642 : memref<1x16x1536xf32, #tpu.memory_space<vmem>> -> memref<16x1536xf32, #tpu.memory_space<vmem>>
    tpu.enqueue_dma source(%dma_start3A_643 : memref<16x1536xf32, #tpu.memory_space<vmem>>) target(%dma_start3A_639 : memref<16x1536xf32, #tpu.memory_space<hbm>>) target_semaphore(%arg8 : memref<!tpu.dma_semaphore, #tpu.memory_space<semaphore_mem>>)
    %dma_wait3A_644 = arith.constant 3 : i32
    %dma_wait3A_645 = arith.constant 0 : i32
    %dma_wait3A_646 = arith.constant 0 : i32
    %dma_wait3A_647 = tpu.memref_slice %arg6[%dma_wait3A_644, %dma_wait3A_645, %dma_wait3A_646] : memref<4x16x1536xf32, #tpu.memory_space<vmem>> -> memref<1x16x1536xf32, #tpu.memory_space<vmem>>
    %dma_wait3A_648 = tpu.memref_squeeze %dma_wait3A_647 : memref<1x16x1536xf32, #tpu.memory_space<vmem>> -> memref<16x1536xf32, #tpu.memory_space<vmem>>
    %dma_wait3A_649 = arith.constant 0 : i32
    %dma_wait3A_650 = tpu.memref_slice %arg4[%add3A_534, %dma_wait3A_649] : memref<16384x1536xf32, #tpu.memory_space<hbm>> -> memref<16x1536xf32, #tpu.memory_space<hbm>>
    %dma_wait3A_651 = arith.constant 0 : i32
    %dma_wait3A_652 = tpu.memref_slice %arg4[%add3A_534, %dma_wait3A_651] : memref<16384x1536xf32, #tpu.memory_space<hbm>> -> memref<16x1536xf32, #tpu.memory_space<hbm>>
    %dma_wait3A_653 = arith.constant 0 : i32
    %dma_wait3A_654 = arith.constant 0 : i32
    %dma_wait3A_655 = tpu.memref_slice %arg6[%dma_wait3A_644, %dma_wait3A_653, %dma_wait3A_654] : memref<4x16x1536xf32, #tpu.memory_space<vmem>> -> memref<1x16x1536xf32, #tpu.memory_space<vmem>>
    %dma_wait3A_656 = tpu.memref_squeeze %dma_wait3A_655 : memref<1x16x1536xf32, #tpu.memory_space<vmem>> -> memref<16x1536xf32, #tpu.memory_space<vmem>>
    tpu.wait_dma2 semaphore(%arg8 : memref<!tpu.dma_semaphore, #tpu.memory_space<semaphore_mem>>) src(%dma_wait3A_656 : memref<16x1536xf32, #tpu.memory_space<vmem>>) dst(%dma_wait3A_652 : memref<16x1536xf32, #tpu.memory_space<hbm>>)
    %dma_start3A_657 = arith.constant 3 : i32
    %dma_start3A_658 = arith.constant 0 : i32
    %dma_start3A_659 = arith.constant 0 : i32
    %dma_start3A_660 = tpu.memref_slice %arg6[%dma_start3A_657, %dma_start3A_658, %dma_start3A_659] : memref<4x16x1536xf32, #tpu.memory_space<vmem>> -> memref<1x16x1536xf32, #tpu.memory_space<vmem>>
    %dma_start3A_661 = tpu.memref_squeeze %dma_start3A_660 : memref<1x16x1536xf32, #tpu.memory_space<vmem>> -> memref<16x1536xf32, #tpu.memory_space<vmem>>
    %dma_start3A_662 = arith.constant 240 : i32
    %dma_start3A_663 = tpu.memref_slice %arg5[%dma_start3A_662] : memref<512xi32, #tpu.memory_space<vmem>> -> memref<16xi32, #tpu.memory_space<vmem>>
    %dma_start3A_664 = arith.constant 0 : i32
    %dma_start3A_665 = arith.constant 0 : i32
    %dma_start3A_666 = tpu.memref_slice %arg2[%dma_start3A_664, %dma_start3A_665] : memref<151936x1536xf32, #tpu.memory_space<hbm>> -> memref<151936x1536xf32, #tpu.memory_space<hbm>>
    tpu.enqueue_indirect_dma source(%dma_start3A_666 : memref<151936x1536xf32, #tpu.memory_space<hbm>>) target(%dma_start3A_661 : memref<16x1536xf32, #tpu.memory_space<vmem>>) offsets(%dma_start3A_663 : memref<16xi32, #tpu.memory_space<vmem>>) semaphore(%arg7 : memref<!tpu.dma_semaphore, #tpu.memory_space<semaphore_mem>>)
    %dma_wait3A_667 = arith.constant 2 : i32
    %dma_wait3A_668 = arith.constant 0 : i32
    %dma_wait3A_669 = arith.constant 0 : i32
    %dma_wait3A_670 = tpu.memref_slice %arg6[%dma_wait3A_667, %dma_wait3A_668, %dma_wait3A_669] : memref<4x16x1536xf32, #tpu.memory_space<vmem>> -> memref<1x16x1536xf32, #tpu.memory_space<vmem>>
    %dma_wait3A_671 = tpu.memref_squeeze %dma_wait3A_670 : memref<1x16x1536xf32, #tpu.memory_space<vmem>> -> memref<16x1536xf32, #tpu.memory_space<vmem>>
    %dma_wait3A_672 = arith.constant 224 : i32
    %dma_wait3A_673 = tpu.memref_slice %arg5[%dma_wait3A_672] : memref<512xi32, #tpu.memory_space<vmem>> -> memref<16xi32, #tpu.memory_space<vmem>>
    %dma_wait3A_674 = arith.constant 0 : i32
    %dma_wait3A_675 = arith.constant 0 : i32
    %dma_wait3A_676 = tpu.memref_slice %arg2[%dma_wait3A_674, %dma_wait3A_675] : memref<151936x1536xf32, #tpu.memory_space<hbm>> -> memref<151936x1536xf32, #tpu.memory_space<hbm>>
    tpu.wait_indirect_dma semaphore(%arg7 : memref<!tpu.dma_semaphore, #tpu.memory_space<semaphore_mem>>) src(%dma_wait3A_676 : memref<151936x1536xf32, #tpu.memory_space<hbm>>) dst(%dma_wait3A_671 : memref<16x1536xf32, #tpu.memory_space<vmem>>)
    %add3A_677 = arith.constant 224 : i32
    %add3A_678 = arith.addi %mul3A_2, %add3A_677 : i32
    %dma_start3A_679 = arith.constant 2 : i32
    %dma_start3A_680 = arith.constant 0 : i32
    %dma_start3A_681 = arith.constant 0 : i32
    %dma_start3A_682 = tpu.memref_slice %arg6[%dma_start3A_679, %dma_start3A_680, %dma_start3A_681] : memref<4x16x1536xf32, #tpu.memory_space<vmem>> -> memref<1x16x1536xf32, #tpu.memory_space<vmem>>
    %dma_start3A_683 = tpu.memref_squeeze %dma_start3A_682 : memref<1x16x1536xf32, #tpu.memory_space<vmem>> -> memref<16x1536xf32, #tpu.memory_space<vmem>>
    %dma_start3A_684 = arith.constant 0 : i32
    %dma_start3A_685 = tpu.memref_slice %arg4[%add3A_678, %dma_start3A_684] : memref<16384x1536xf32, #tpu.memory_space<hbm>> -> memref<16x1536xf32, #tpu.memory_space<hbm>>
    %dma_start3A_686 = arith.constant 0 : i32
    %dma_start3A_687 = tpu.memref_slice %arg4[%add3A_678, %dma_start3A_686] : memref<16384x1536xf32, #tpu.memory_space<hbm>> -> memref<16x1536xf32, #tpu.memory_space<hbm>>
    %dma_start3A_688 = arith.constant 0 : i32
    %dma_start3A_689 = arith.constant 0 : i32
    %dma_start3A_690 = tpu.memref_slice %arg6[%dma_start3A_679, %dma_start3A_688, %dma_start3A_689] : memref<4x16x1536xf32, #tpu.memory_space<vmem>> -> memref<1x16x1536xf32, #tpu.memory_space<vmem>>
    %dma_start3A_691 = tpu.memref_squeeze %dma_start3A_690 : memref<1x16x1536xf32, #tpu.memory_space<vmem>> -> memref<16x1536xf32, #tpu.memory_space<vmem>>
    tpu.enqueue_dma source(%dma_start3A_691 : memref<16x1536xf32, #tpu.memory_space<vmem>>) target(%dma_start3A_687 : memref<16x1536xf32, #tpu.memory_space<hbm>>) target_semaphore(%arg8 : memref<!tpu.dma_semaphore, #tpu.memory_space<semaphore_mem>>)
    %dma_wait3A_692 = arith.constant 0 : i32
    %dma_wait3A_693 = arith.constant 0 : i32
    %dma_wait3A_694 = arith.constant 0 : i32
    %dma_wait3A_695 = tpu.memref_slice %arg6[%dma_wait3A_692, %dma_wait3A_693, %dma_wait3A_694] : memref<4x16x1536xf32, #tpu.memory_space<vmem>> -> memref<1x16x1536xf32, #tpu.memory_space<vmem>>
    %dma_wait3A_696 = tpu.memref_squeeze %dma_wait3A_695 : memref<1x16x1536xf32, #tpu.memory_space<vmem>> -> memref<16x1536xf32, #tpu.memory_space<vmem>>
    %dma_wait3A_697 = arith.constant 0 : i32
    %dma_wait3A_698 = tpu.memref_slice %arg4[%add3A_582, %dma_wait3A_697] : memref<16384x1536xf32, #tpu.memory_space<hbm>> -> memref<16x1536xf32, #tpu.memory_space<hbm>>
    %dma_wait3A_699 = arith.constant 0 : i32
    %dma_wait3A_700 = tpu.memref_slice %arg4[%add3A_582, %dma_wait3A_699] : memref<16384x1536xf32, #tpu.memory_space<hbm>> -> memref<16x1536xf32, #tpu.memory_space<hbm>>
    %dma_wait3A_701 = arith.constant 0 : i32
    %dma_wait3A_702 = arith.constant 0 : i32
    %dma_wait3A_703 = tpu.memref_slice %arg6[%dma_wait3A_692, %dma_wait3A_701, %dma_wait3A_702] : memref<4x16x1536xf32, #tpu.memory_space<vmem>> -> memref<1x16x1536xf32, #tpu.memory_space<vmem>>
    %dma_wait3A_704 = tpu.memref_squeeze %dma_wait3A_703 : memref<1x16x1536xf32, #tpu.memory_space<vmem>> -> memref<16x1536xf32, #tpu.memory_space<vmem>>
    tpu.wait_dma2 semaphore(%arg8 : memref<!tpu.dma_semaphore, #tpu.memory_space<semaphore_mem>>) src(%dma_wait3A_704 : memref<16x1536xf32, #tpu.memory_space<vmem>>) dst(%dma_wait3A_700 : memref<16x1536xf32, #tpu.memory_space<hbm>>)
    %dma_start3A_705 = arith.constant 0 : i32
    %dma_start3A_706 = arith.constant 0 : i32
    %dma_start3A_707 = arith.constant 0 : i32
    %dma_start3A_708 = tpu.memref_slice %arg6[%dma_start3A_705, %dma_start3A_706, %dma_start3A_707] : memref<4x16x1536xf32, #tpu.memory_space<vmem>> -> memref<1x16x1536xf32, #tpu.memory_space<vmem>>
    %dma_start3A_709 = tpu.memref_squeeze %dma_start3A_708 : memref<1x16x1536xf32, #tpu.memory_space<vmem>> -> memref<16x1536xf32, #tpu.memory_space<vmem>>
    %dma_start3A_710 = arith.constant 256 : i32
    %dma_start3A_711 = tpu.memref_slice %arg5[%dma_start3A_710] : memref<512xi32, #tpu.memory_space<vmem>> -> memref<16xi32, #tpu.memory_space<vmem>>
    %dma_start3A_712 = arith.constant 0 : i32
    %dma_start3A_713 = arith.constant 0 : i32
    %dma_start3A_714 = tpu.memref_slice %arg2[%dma_start3A_712, %dma_start3A_713] : memref<151936x1536xf32, #tpu.memory_space<hbm>> -> memref<151936x1536xf32, #tpu.memory_space<hbm>>
    tpu.enqueue_indirect_dma source(%dma_start3A_714 : memref<151936x1536xf32, #tpu.memory_space<hbm>>) target(%dma_start3A_709 : memref<16x1536xf32, #tpu.memory_space<vmem>>) offsets(%dma_start3A_711 : memref<16xi32, #tpu.memory_space<vmem>>) semaphore(%arg7 : memref<!tpu.dma_semaphore, #tpu.memory_space<semaphore_mem>>)
    %dma_wait3A_715 = arith.constant 3 : i32
    %dma_wait3A_716 = arith.constant 0 : i32
    %dma_wait3A_717 = arith.constant 0 : i32
    %dma_wait3A_718 = tpu.memref_slice %arg6[%dma_wait3A_715, %dma_wait3A_716, %dma_wait3A_717] : memref<4x16x1536xf32, #tpu.memory_space<vmem>> -> memref<1x16x1536xf32, #tpu.memory_space<vmem>>
    %dma_wait3A_719 = tpu.memref_squeeze %dma_wait3A_718 : memref<1x16x1536xf32, #tpu.memory_space<vmem>> -> memref<16x1536xf32, #tpu.memory_space<vmem>>
    %dma_wait3A_720 = arith.constant 240 : i32
    %dma_wait3A_721 = tpu.memref_slice %arg5[%dma_wait3A_720] : memref<512xi32, #tpu.memory_space<vmem>> -> memref<16xi32, #tpu.memory_space<vmem>>
    %dma_wait3A_722 = arith.constant 0 : i32
    %dma_wait3A_723 = arith.constant 0 : i32
    %dma_wait3A_724 = tpu.memref_slice %arg2[%dma_wait3A_722, %dma_wait3A_723] : memref<151936x1536xf32, #tpu.memory_space<hbm>> -> memref<151936x1536xf32, #tpu.memory_space<hbm>>
    tpu.wait_indirect_dma semaphore(%arg7 : memref<!tpu.dma_semaphore, #tpu.memory_space<semaphore_mem>>) src(%dma_wait3A_724 : memref<151936x1536xf32, #tpu.memory_space<hbm>>) dst(%dma_wait3A_719 : memref<16x1536xf32, #tpu.memory_space<vmem>>)
    %add3A_725 = arith.constant 240 : i32
    %add3A_726 = arith.addi %mul3A_2, %add3A_725 : i32
    %dma_start3A_727 = arith.constant 3 : i32
    %dma_start3A_728 = arith.constant 0 : i32
    %dma_start3A_729 = arith.constant 0 : i32
    %dma_start3A_730 = tpu.memref_slice %arg6[%dma_start3A_727, %dma_start3A_728, %dma_start3A_729] : memref<4x16x1536xf32, #tpu.memory_space<vmem>> -> memref<1x16x1536xf32, #tpu.memory_space<vmem>>
    %dma_start3A_731 = tpu.memref_squeeze %dma_start3A_730 : memref<1x16x1536xf32, #tpu.memory_space<vmem>> -> memref<16x1536xf32, #tpu.memory_space<vmem>>
    %dma_start3A_732 = arith.constant 0 : i32
    %dma_start3A_733 = tpu.memref_slice %arg4[%add3A_726, %dma_start3A_732] : memref<16384x1536xf32, #tpu.memory_space<hbm>> -> memref<16x1536xf32, #tpu.memory_space<hbm>>
    %dma_start3A_734 = arith.constant 0 : i32
    %dma_start3A_735 = tpu.memref_slice %arg4[%add3A_726, %dma_start3A_734] : memref<16384x1536xf32, #tpu.memory_space<hbm>> -> memref<16x1536xf32, #tpu.memory_space<hbm>>
    %dma_start3A_736 = arith.constant 0 : i32
    %dma_start3A_737 = arith.constant 0 : i32
    %dma_start3A_738 = tpu.memref_slice %arg6[%dma_start3A_727, %dma_start3A_736, %dma_start3A_737] : memref<4x16x1536xf32, #tpu.memory_space<vmem>> -> memref<1x16x1536xf32, #tpu.memory_space<vmem>>
    %dma_start3A_739 = tpu.memref_squeeze %dma_start3A_738 : memref<1x16x1536xf32, #tpu.memory_space<vmem>> -> memref<16x1536xf32, #tpu.memory_space<vmem>>
    tpu.enqueue_dma source(%dma_start3A_739 : memref<16x1536xf32, #tpu.memory_space<vmem>>) target(%dma_start3A_735 : memref<16x1536xf32, #tpu.memory_space<hbm>>) target_semaphore(%arg8 : memref<!tpu.dma_semaphore, #tpu.memory_space<semaphore_mem>>)
    %dma_wait3A_740 = arith.constant 1 : i32
    %dma_wait3A_741 = arith.constant 0 : i32
    %dma_wait3A_742 = arith.constant 0 : i32
    %dma_wait3A_743 = tpu.memref_slice %arg6[%dma_wait3A_740, %dma_wait3A_741, %dma_wait3A_742] : memref<4x16x1536xf32, #tpu.memory_space<vmem>> -> memref<1x16x1536xf32, #tpu.memory_space<vmem>>
    %dma_wait3A_744 = tpu.memref_squeeze %dma_wait3A_743 : memref<1x16x1536xf32, #tpu.memory_space<vmem>> -> memref<16x1536xf32, #tpu.memory_space<vmem>>
    %dma_wait3A_745 = arith.constant 0 : i32
    %dma_wait3A_746 = tpu.memref_slice %arg4[%add3A_630, %dma_wait3A_745] : memref<16384x1536xf32, #tpu.memory_space<hbm>> -> memref<16x1536xf32, #tpu.memory_space<hbm>>
    %dma_wait3A_747 = arith.constant 0 : i32
    %dma_wait3A_748 = tpu.memref_slice %arg4[%add3A_630, %dma_wait3A_747] : memref<16384x1536xf32, #tpu.memory_space<hbm>> -> memref<16x1536xf32, #tpu.memory_space<hbm>>
    %dma_wait3A_749 = arith.constant 0 : i32
    %dma_wait3A_750 = arith.constant 0 : i32
    %dma_wait3A_751 = tpu.memref_slice %arg6[%dma_wait3A_740, %dma_wait3A_749, %dma_wait3A_750] : memref<4x16x1536xf32, #tpu.memory_space<vmem>> -> memref<1x16x1536xf32, #tpu.memory_space<vmem>>
    %dma_wait3A_752 = tpu.memref_squeeze %dma_wait3A_751 : memref<1x16x1536xf32, #tpu.memory_space<vmem>> -> memref<16x1536xf32, #tpu.memory_space<vmem>>
    tpu.wait_dma2 semaphore(%arg8 : memref<!tpu.dma_semaphore, #tpu.memory_space<semaphore_mem>>) src(%dma_wait3A_752 : memref<16x1536xf32, #tpu.memory_space<vmem>>) dst(%dma_wait3A_748 : memref<16x1536xf32, #tpu.memory_space<hbm>>)
    %dma_start3A_753 = arith.constant 1 : i32
    %dma_start3A_754 = arith.constant 0 : i32
    %dma_start3A_755 = arith.constant 0 : i32
    %dma_start3A_756 = tpu.memref_slice %arg6[%dma_start3A_753, %dma_start3A_754, %dma_start3A_755] : memref<4x16x1536xf32, #tpu.memory_space<vmem>> -> memref<1x16x1536xf32, #tpu.memory_space<vmem>>
    %dma_start3A_757 = tpu.memref_squeeze %dma_start3A_756 : memref<1x16x1536xf32, #tpu.memory_space<vmem>> -> memref<16x1536xf32, #tpu.memory_space<vmem>>
    %dma_start3A_758 = arith.constant 272 : i32
    %dma_start3A_759 = tpu.memref_slice %arg5[%dma_start3A_758] : memref<512xi32, #tpu.memory_space<vmem>> -> memref<16xi32, #tpu.memory_space<vmem>>
    %dma_start3A_760 = arith.constant 0 : i32
    %dma_start3A_761 = arith.constant 0 : i32
    %dma_start3A_762 = tpu.memref_slice %arg2[%dma_start3A_760, %dma_start3A_761] : memref<151936x1536xf32, #tpu.memory_space<hbm>> -> memref<151936x1536xf32, #tpu.memory_space<hbm>>
    tpu.enqueue_indirect_dma source(%dma_start3A_762 : memref<151936x1536xf32, #tpu.memory_space<hbm>>) target(%dma_start3A_757 : memref<16x1536xf32, #tpu.memory_space<vmem>>) offsets(%dma_start3A_759 : memref<16xi32, #tpu.memory_space<vmem>>) semaphore(%arg7 : memref<!tpu.dma_semaphore, #tpu.memory_space<semaphore_mem>>)
    %dma_wait3A_763 = arith.constant 0 : i32
    %dma_wait3A_764 = arith.constant 0 : i32
    %dma_wait3A_765 = arith.constant 0 : i32
    %dma_wait3A_766 = tpu.memref_slice %arg6[%dma_wait3A_763, %dma_wait3A_764, %dma_wait3A_765] : memref<4x16x1536xf32, #tpu.memory_space<vmem>> -> memref<1x16x1536xf32, #tpu.memory_space<vmem>>
    %dma_wait3A_767 = tpu.memref_squeeze %dma_wait3A_766 : memref<1x16x1536xf32, #tpu.memory_space<vmem>> -> memref<16x1536xf32, #tpu.memory_space<vmem>>
    %dma_wait3A_768 = arith.constant 256 : i32
    %dma_wait3A_769 = tpu.memref_slice %arg5[%dma_wait3A_768] : memref<512xi32, #tpu.memory_space<vmem>> -> memref<16xi32, #tpu.memory_space<vmem>>
    %dma_wait3A_770 = arith.constant 0 : i32
    %dma_wait3A_771 = arith.constant 0 : i32
    %dma_wait3A_772 = tpu.memref_slice %arg2[%dma_wait3A_770, %dma_wait3A_771] : memref<151936x1536xf32, #tpu.memory_space<hbm>> -> memref<151936x1536xf32, #tpu.memory_space<hbm>>
    tpu.wait_indirect_dma semaphore(%arg7 : memref<!tpu.dma_semaphore, #tpu.memory_space<semaphore_mem>>) src(%dma_wait3A_772 : memref<151936x1536xf32, #tpu.memory_space<hbm>>) dst(%dma_wait3A_767 : memref<16x1536xf32, #tpu.memory_space<vmem>>)
    %add3A_773 = arith.constant 256 : i32
    %add3A_774 = arith.addi %mul3A_2, %add3A_773 : i32
    %dma_start3A_775 = arith.constant 0 : i32
    %dma_start3A_776 = arith.constant 0 : i32
    %dma_start3A_777 = arith.constant 0 : i32
    %dma_start3A_778 = tpu.memref_slice %arg6[%dma_start3A_775, %dma_start3A_776, %dma_start3A_777] : memref<4x16x1536xf32, #tpu.memory_space<vmem>> -> memref<1x16x1536xf32, #tpu.memory_space<vmem>>
    %dma_start3A_779 = tpu.memref_squeeze %dma_start3A_778 : memref<1x16x1536xf32, #tpu.memory_space<vmem>> -> memref<16x1536xf32, #tpu.memory_space<vmem>>
    %dma_start3A_780 = arith.constant 0 : i32
    %dma_start3A_781 = tpu.memref_slice %arg4[%add3A_774, %dma_start3A_780] : memref<16384x1536xf32, #tpu.memory_space<hbm>> -> memref<16x1536xf32, #tpu.memory_space<hbm>>
    %dma_start3A_782 = arith.constant 0 : i32
    %dma_start3A_783 = tpu.memref_slice %arg4[%add3A_774, %dma_start3A_782] : memref<16384x1536xf32, #tpu.memory_space<hbm>> -> memref<16x1536xf32, #tpu.memory_space<hbm>>
    %dma_start3A_784 = arith.constant 0 : i32
    %dma_start3A_785 = arith.constant 0 : i32
    %dma_start3A_786 = tpu.memref_slice %arg6[%dma_start3A_775, %dma_start3A_784, %dma_start3A_785] : memref<4x16x1536xf32, #tpu.memory_space<vmem>> -> memref<1x16x1536xf32, #tpu.memory_space<vmem>>
    %dma_start3A_787 = tpu.memref_squeeze %dma_start3A_786 : memref<1x16x1536xf32, #tpu.memory_space<vmem>> -> memref<16x1536xf32, #tpu.memory_space<vmem>>
    tpu.enqueue_dma source(%dma_start3A_787 : memref<16x1536xf32, #tpu.memory_space<vmem>>) target(%dma_start3A_783 : memref<16x1536xf32, #tpu.memory_space<hbm>>) target_semaphore(%arg8 : memref<!tpu.dma_semaphore, #tpu.memory_space<semaphore_mem>>)
    %dma_wait3A_788 = arith.constant 2 : i32
    %dma_wait3A_789 = arith.constant 0 : i32
    %dma_wait3A_790 = arith.constant 0 : i32
    %dma_wait3A_791 = tpu.memref_slice %arg6[%dma_wait3A_788, %dma_wait3A_789, %dma_wait3A_790] : memref<4x16x1536xf32, #tpu.memory_space<vmem>> -> memref<1x16x1536xf32, #tpu.memory_space<vmem>>
    %dma_wait3A_792 = tpu.memref_squeeze %dma_wait3A_791 : memref<1x16x1536xf32, #tpu.memory_space<vmem>> -> memref<16x1536xf32, #tpu.memory_space<vmem>>
    %dma_wait3A_793 = arith.constant 0 : i32
    %dma_wait3A_794 = tpu.memref_slice %arg4[%add3A_678, %dma_wait3A_793] : memref<16384x1536xf32, #tpu.memory_space<hbm>> -> memref<16x1536xf32, #tpu.memory_space<hbm>>
    %dma_wait3A_795 = arith.constant 0 : i32
    %dma_wait3A_796 = tpu.memref_slice %arg4[%add3A_678, %dma_wait3A_795] : memref<16384x1536xf32, #tpu.memory_space<hbm>> -> memref<16x1536xf32, #tpu.memory_space<hbm>>
    %dma_wait3A_797 = arith.constant 0 : i32
    %dma_wait3A_798 = arith.constant 0 : i32
    %dma_wait3A_799 = tpu.memref_slice %arg6[%dma_wait3A_788, %dma_wait3A_797, %dma_wait3A_798] : memref<4x16x1536xf32, #tpu.memory_space<vmem>> -> memref<1x16x1536xf32, #tpu.memory_space<vmem>>
    %dma_wait3A_800 = tpu.memref_squeeze %dma_wait3A_799 : memref<1x16x1536xf32, #tpu.memory_space<vmem>> -> memref<16x1536xf32, #tpu.memory_space<vmem>>
    tpu.wait_dma2 semaphore(%arg8 : memref<!tpu.dma_semaphore, #tpu.memory_space<semaphore_mem>>) src(%dma_wait3A_800 : memref<16x1536xf32, #tpu.memory_space<vmem>>) dst(%dma_wait3A_796 : memref<16x1536xf32, #tpu.memory_space<hbm>>)
    %dma_start3A_801 = arith.constant 2 : i32
    %dma_start3A_802 = arith.constant 0 : i32
    %dma_start3A_803 = arith.constant 0 : i32
    %dma_start3A_804 = tpu.memref_slice %arg6[%dma_start3A_801, %dma_start3A_802, %dma_start3A_803] : memref<4x16x1536xf32, #tpu.memory_space<vmem>> -> memref<1x16x1536xf32, #tpu.memory_space<vmem>>
    %dma_start3A_805 = tpu.memref_squeeze %dma_start3A_804 : memref<1x16x1536xf32, #tpu.memory_space<vmem>> -> memref<16x1536xf32, #tpu.memory_space<vmem>>
    %dma_start3A_806 = arith.constant 288 : i32
    %dma_start3A_807 = tpu.memref_slice %arg5[%dma_start3A_806] : memref<512xi32, #tpu.memory_space<vmem>> -> memref<16xi32, #tpu.memory_space<vmem>>
    %dma_start3A_808 = arith.constant 0 : i32
    %dma_start3A_809 = arith.constant 0 : i32
    %dma_start3A_810 = tpu.memref_slice %arg2[%dma_start3A_808, %dma_start3A_809] : memref<151936x1536xf32, #tpu.memory_space<hbm>> -> memref<151936x1536xf32, #tpu.memory_space<hbm>>
    tpu.enqueue_indirect_dma source(%dma_start3A_810 : memref<151936x1536xf32, #tpu.memory_space<hbm>>) target(%dma_start3A_805 : memref<16x1536xf32, #tpu.memory_space<vmem>>) offsets(%dma_start3A_807 : memref<16xi32, #tpu.memory_space<vmem>>) semaphore(%arg7 : memref<!tpu.dma_semaphore, #tpu.memory_space<semaphore_mem>>)
    %dma_wait3A_811 = arith.constant 1 : i32
    %dma_wait3A_812 = arith.constant 0 : i32
    %dma_wait3A_813 = arith.constant 0 : i32
    %dma_wait3A_814 = tpu.memref_slice %arg6[%dma_wait3A_811, %dma_wait3A_812, %dma_wait3A_813] : memref<4x16x1536xf32, #tpu.memory_space<vmem>> -> memref<1x16x1536xf32, #tpu.memory_space<vmem>>
    %dma_wait3A_815 = tpu.memref_squeeze %dma_wait3A_814 : memref<1x16x1536xf32, #tpu.memory_space<vmem>> -> memref<16x1536xf32, #tpu.memory_space<vmem>>
    %dma_wait3A_816 = arith.constant 272 : i32
    %dma_wait3A_817 = tpu.memref_slice %arg5[%dma_wait3A_816] : memref<512xi32, #tpu.memory_space<vmem>> -> memref<16xi32, #tpu.memory_space<vmem>>
    %dma_wait3A_818 = arith.constant 0 : i32
    %dma_wait3A_819 = arith.constant 0 : i32
    %dma_wait3A_820 = tpu.memref_slice %arg2[%dma_wait3A_818, %dma_wait3A_819] : memref<151936x1536xf32, #tpu.memory_space<hbm>> -> memref<151936x1536xf32, #tpu.memory_space<hbm>>
    tpu.wait_indirect_dma semaphore(%arg7 : memref<!tpu.dma_semaphore, #tpu.memory_space<semaphore_mem>>) src(%dma_wait3A_820 : memref<151936x1536xf32, #tpu.memory_space<hbm>>) dst(%dma_wait3A_815 : memref<16x1536xf32, #tpu.memory_space<vmem>>)
    %add3A_821 = arith.constant 272 : i32
    %add3A_822 = arith.addi %mul3A_2, %add3A_821 : i32
    %dma_start3A_823 = arith.constant 1 : i32
    %dma_start3A_824 = arith.constant 0 : i32
    %dma_start3A_825 = arith.constant 0 : i32
    %dma_start3A_826 = tpu.memref_slice %arg6[%dma_start3A_823, %dma_start3A_824, %dma_start3A_825] : memref<4x16x1536xf32, #tpu.memory_space<vmem>> -> memref<1x16x1536xf32, #tpu.memory_space<vmem>>
    %dma_start3A_827 = tpu.memref_squeeze %dma_start3A_826 : memref<1x16x1536xf32, #tpu.memory_space<vmem>> -> memref<16x1536xf32, #tpu.memory_space<vmem>>
    %dma_start3A_828 = arith.constant 0 : i32
    %dma_start3A_829 = tpu.memref_slice %arg4[%add3A_822, %dma_start3A_828] : memref<16384x1536xf32, #tpu.memory_space<hbm>> -> memref<16x1536xf32, #tpu.memory_space<hbm>>
    %dma_start3A_830 = arith.constant 0 : i32
    %dma_start3A_831 = tpu.memref_slice %arg4[%add3A_822, %dma_start3A_830] : memref<16384x1536xf32, #tpu.memory_space<hbm>> -> memref<16x1536xf32, #tpu.memory_space<hbm>>
    %dma_start3A_832 = arith.constant 0 : i32
    %dma_start3A_833 = arith.constant 0 : i32
    %dma_start3A_834 = tpu.memref_slice %arg6[%dma_start3A_823, %dma_start3A_832, %dma_start3A_833] : memref<4x16x1536xf32, #tpu.memory_space<vmem>> -> memref<1x16x1536xf32, #tpu.memory_space<vmem>>
    %dma_start3A_835 = tpu.memref_squeeze %dma_start3A_834 : memref<1x16x1536xf32, #tpu.memory_space<vmem>> -> memref<16x1536xf32, #tpu.memory_space<vmem>>
    tpu.enqueue_dma source(%dma_start3A_835 : memref<16x1536xf32, #tpu.memory_space<vmem>>) target(%dma_start3A_831 : memref<16x1536xf32, #tpu.memory_space<hbm>>) target_semaphore(%arg8 : memref<!tpu.dma_semaphore, #tpu.memory_space<semaphore_mem>>)
    %dma_wait3A_836 = arith.constant 3 : i32
    %dma_wait3A_837 = arith.constant 0 : i32
    %dma_wait3A_838 = arith.constant 0 : i32
    %dma_wait3A_839 = tpu.memref_slice %arg6[%dma_wait3A_836, %dma_wait3A_837, %dma_wait3A_838] : memref<4x16x1536xf32, #tpu.memory_space<vmem>> -> memref<1x16x1536xf32, #tpu.memory_space<vmem>>
    %dma_wait3A_840 = tpu.memref_squeeze %dma_wait3A_839 : memref<1x16x1536xf32, #tpu.memory_space<vmem>> -> memref<16x1536xf32, #tpu.memory_space<vmem>>
    %dma_wait3A_841 = arith.constant 0 : i32
    %dma_wait3A_842 = tpu.memref_slice %arg4[%add3A_726, %dma_wait3A_841] : memref<16384x1536xf32, #tpu.memory_space<hbm>> -> memref<16x1536xf32, #tpu.memory_space<hbm>>
    %dma_wait3A_843 = arith.constant 0 : i32
    %dma_wait3A_844 = tpu.memref_slice %arg4[%add3A_726, %dma_wait3A_843] : memref<16384x1536xf32, #tpu.memory_space<hbm>> -> memref<16x1536xf32, #tpu.memory_space<hbm>>
    %dma_wait3A_845 = arith.constant 0 : i32
    %dma_wait3A_846 = arith.constant 0 : i32
    %dma_wait3A_847 = tpu.memref_slice %arg6[%dma_wait3A_836, %dma_wait3A_845, %dma_wait3A_846] : memref<4x16x1536xf32, #tpu.memory_space<vmem>> -> memref<1x16x1536xf32, #tpu.memory_space<vmem>>
    %dma_wait3A_848 = tpu.memref_squeeze %dma_wait3A_847 : memref<1x16x1536xf32, #tpu.memory_space<vmem>> -> memref<16x1536xf32, #tpu.memory_space<vmem>>
    tpu.wait_dma2 semaphore(%arg8 : memref<!tpu.dma_semaphore, #tpu.memory_space<semaphore_mem>>) src(%dma_wait3A_848 : memref<16x1536xf32, #tpu.memory_space<vmem>>) dst(%dma_wait3A_844 : memref<16x1536xf32, #tpu.memory_space<hbm>>)
    %dma_start3A_849 = arith.constant 3 : i32
    %dma_start3A_850 = arith.constant 0 : i32
    %dma_start3A_851 = arith.constant 0 : i32
    %dma_start3A_852 = tpu.memref_slice %arg6[%dma_start3A_849, %dma_start3A_850, %dma_start3A_851] : memref<4x16x1536xf32, #tpu.memory_space<vmem>> -> memref<1x16x1536xf32, #tpu.memory_space<vmem>>
    %dma_start3A_853 = tpu.memref_squeeze %dma_start3A_852 : memref<1x16x1536xf32, #tpu.memory_space<vmem>> -> memref<16x1536xf32, #tpu.memory_space<vmem>>
    %dma_start3A_854 = arith.constant 304 : i32
    %dma_start3A_855 = tpu.memref_slice %arg5[%dma_start3A_854] : memref<512xi32, #tpu.memory_space<vmem>> -> memref<16xi32, #tpu.memory_space<vmem>>
    %dma_start3A_856 = arith.constant 0 : i32
    %dma_start3A_857 = arith.constant 0 : i32
    %dma_start3A_858 = tpu.memref_slice %arg2[%dma_start3A_856, %dma_start3A_857] : memref<151936x1536xf32, #tpu.memory_space<hbm>> -> memref<151936x1536xf32, #tpu.memory_space<hbm>>
    tpu.enqueue_indirect_dma source(%dma_start3A_858 : memref<151936x1536xf32, #tpu.memory_space<hbm>>) target(%dma_start3A_853 : memref<16x1536xf32, #tpu.memory_space<vmem>>) offsets(%dma_start3A_855 : memref<16xi32, #tpu.memory_space<vmem>>) semaphore(%arg7 : memref<!tpu.dma_semaphore, #tpu.memory_space<semaphore_mem>>)
    %dma_wait3A_859 = arith.constant 2 : i32
    %dma_wait3A_860 = arith.constant 0 : i32
    %dma_wait3A_861 = arith.constant 0 : i32
    %dma_wait3A_862 = tpu.memref_slice %arg6[%dma_wait3A_859, %dma_wait3A_860, %dma_wait3A_861] : memref<4x16x1536xf32, #tpu.memory_space<vmem>> -> memref<1x16x1536xf32, #tpu.memory_space<vmem>>
    %dma_wait3A_863 = tpu.memref_squeeze %dma_wait3A_862 : memref<1x16x1536xf32, #tpu.memory_space<vmem>> -> memref<16x1536xf32, #tpu.memory_space<vmem>>
    %dma_wait3A_864 = arith.constant 288 : i32
    %dma_wait3A_865 = tpu.memref_slice %arg5[%dma_wait3A_864] : memref<512xi32, #tpu.memory_space<vmem>> -> memref<16xi32, #tpu.memory_space<vmem>>
    %dma_wait3A_866 = arith.constant 0 : i32
    %dma_wait3A_867 = arith.constant 0 : i32
    %dma_wait3A_868 = tpu.memref_slice %arg2[%dma_wait3A_866, %dma_wait3A_867] : memref<151936x1536xf32, #tpu.memory_space<hbm>> -> memref<151936x1536xf32, #tpu.memory_space<hbm>>
    tpu.wait_indirect_dma semaphore(%arg7 : memref<!tpu.dma_semaphore, #tpu.memory_space<semaphore_mem>>) src(%dma_wait3A_868 : memref<151936x1536xf32, #tpu.memory_space<hbm>>) dst(%dma_wait3A_863 : memref<16x1536xf32, #tpu.memory_space<vmem>>)
    %add3A_869 = arith.constant 288 : i32
    %add3A_870 = arith.addi %mul3A_2, %add3A_869 : i32
    %dma_start3A_871 = arith.constant 2 : i32
    %dma_start3A_872 = arith.constant 0 : i32
    %dma_start3A_873 = arith.constant 0 : i32
    %dma_start3A_874 = tpu.memref_slice %arg6[%dma_start3A_871, %dma_start3A_872, %dma_start3A_873] : memref<4x16x1536xf32, #tpu.memory_space<vmem>> -> memref<1x16x1536xf32, #tpu.memory_space<vmem>>
    %dma_start3A_875 = tpu.memref_squeeze %dma_start3A_874 : memref<1x16x1536xf32, #tpu.memory_space<vmem>> -> memref<16x1536xf32, #tpu.memory_space<vmem>>
    %dma_start3A_876 = arith.constant 0 : i32
    %dma_start3A_877 = tpu.memref_slice %arg4[%add3A_870, %dma_start3A_876] : memref<16384x1536xf32, #tpu.memory_space<hbm>> -> memref<16x1536xf32, #tpu.memory_space<hbm>>
    %dma_start3A_878 = arith.constant 0 : i32
    %dma_start3A_879 = tpu.memref_slice %arg4[%add3A_870, %dma_start3A_878] : memref<16384x1536xf32, #tpu.memory_space<hbm>> -> memref<16x1536xf32, #tpu.memory_space<hbm>>
    %dma_start3A_880 = arith.constant 0 : i32
    %dma_start3A_881 = arith.constant 0 : i32
    %dma_start3A_882 = tpu.memref_slice %arg6[%dma_start3A_871, %dma_start3A_880, %dma_start3A_881] : memref<4x16x1536xf32, #tpu.memory_space<vmem>> -> memref<1x16x1536xf32, #tpu.memory_space<vmem>>
    %dma_start3A_883 = tpu.memref_squeeze %dma_start3A_882 : memref<1x16x1536xf32, #tpu.memory_space<vmem>> -> memref<16x1536xf32, #tpu.memory_space<vmem>>
    tpu.enqueue_dma source(%dma_start3A_883 : memref<16x1536xf32, #tpu.memory_space<vmem>>) target(%dma_start3A_879 : memref<16x1536xf32, #tpu.memory_space<hbm>>) target_semaphore(%arg8 : memref<!tpu.dma_semaphore, #tpu.memory_space<semaphore_mem>>)
    %dma_wait3A_884 = arith.constant 0 : i32
    %dma_wait3A_885 = arith.constant 0 : i32
    %dma_wait3A_886 = arith.constant 0 : i32
    %dma_wait3A_887 = tpu.memref_slice %arg6[%dma_wait3A_884, %dma_wait3A_885, %dma_wait3A_886] : memref<4x16x1536xf32, #tpu.memory_space<vmem>> -> memref<1x16x1536xf32, #tpu.memory_space<vmem>>
    %dma_wait3A_888 = tpu.memref_squeeze %dma_wait3A_887 : memref<1x16x1536xf32, #tpu.memory_space<vmem>> -> memref<16x1536xf32, #tpu.memory_space<vmem>>
    %dma_wait3A_889 = arith.constant 0 : i32
    %dma_wait3A_890 = tpu.memref_slice %arg4[%add3A_774, %dma_wait3A_889] : memref<16384x1536xf32, #tpu.memory_space<hbm>> -> memref<16x1536xf32, #tpu.memory_space<hbm>>
    %dma_wait3A_891 = arith.constant 0 : i32
    %dma_wait3A_892 = tpu.memref_slice %arg4[%add3A_774, %dma_wait3A_891] : memref<16384x1536xf32, #tpu.memory_space<hbm>> -> memref<16x1536xf32, #tpu.memory_space<hbm>>
    %dma_wait3A_893 = arith.constant 0 : i32
    %dma_wait3A_894 = arith.constant 0 : i32
    %dma_wait3A_895 = tpu.memref_slice %arg6[%dma_wait3A_884, %dma_wait3A_893, %dma_wait3A_894] : memref<4x16x1536xf32, #tpu.memory_space<vmem>> -> memref<1x16x1536xf32, #tpu.memory_space<vmem>>
    %dma_wait3A_896 = tpu.memref_squeeze %dma_wait3A_895 : memref<1x16x1536xf32, #tpu.memory_space<vmem>> -> memref<16x1536xf32, #tpu.memory_space<vmem>>
    tpu.wait_dma2 semaphore(%arg8 : memref<!tpu.dma_semaphore, #tpu.memory_space<semaphore_mem>>) src(%dma_wait3A_896 : memref<16x1536xf32, #tpu.memory_space<vmem>>) dst(%dma_wait3A_892 : memref<16x1536xf32, #tpu.memory_space<hbm>>)
    %dma_start3A_897 = arith.constant 0 : i32
    %dma_start3A_898 = arith.constant 0 : i32
    %dma_start3A_899 = arith.constant 0 : i32
    %dma_start3A_900 = tpu.memref_slice %arg6[%dma_start3A_897, %dma_start3A_898, %dma_start3A_899] : memref<4x16x1536xf32, #tpu.memory_space<vmem>> -> memref<1x16x1536xf32, #tpu.memory_space<vmem>>
    %dma_start3A_901 = tpu.memref_squeeze %dma_start3A_900 : memref<1x16x1536xf32, #tpu.memory_space<vmem>> -> memref<16x1536xf32, #tpu.memory_space<vmem>>
    %dma_start3A_902 = arith.constant 320 : i32
    %dma_start3A_903 = tpu.memref_slice %arg5[%dma_start3A_902] : memref<512xi32, #tpu.memory_space<vmem>> -> memref<16xi32, #tpu.memory_space<vmem>>
    %dma_start3A_904 = arith.constant 0 : i32
    %dma_start3A_905 = arith.constant 0 : i32
    %dma_start3A_906 = tpu.memref_slice %arg2[%dma_start3A_904, %dma_start3A_905] : memref<151936x1536xf32, #tpu.memory_space<hbm>> -> memref<151936x1536xf32, #tpu.memory_space<hbm>>
    tpu.enqueue_indirect_dma source(%dma_start3A_906 : memref<151936x1536xf32, #tpu.memory_space<hbm>>) target(%dma_start3A_901 : memref<16x1536xf32, #tpu.memory_space<vmem>>) offsets(%dma_start3A_903 : memref<16xi32, #tpu.memory_space<vmem>>) semaphore(%arg7 : memref<!tpu.dma_semaphore, #tpu.memory_space<semaphore_mem>>)
    %dma_wait3A_907 = arith.constant 3 : i32
    %dma_wait3A_908 = arith.constant 0 : i32
    %dma_wait3A_909 = arith.constant 0 : i32
    %dma_wait3A_910 = tpu.memref_slice %arg6[%dma_wait3A_907, %dma_wait3A_908, %dma_wait3A_909] : memref<4x16x1536xf32, #tpu.memory_space<vmem>> -> memref<1x16x1536xf32, #tpu.memory_space<vmem>>
    %dma_wait3A_911 = tpu.memref_squeeze %dma_wait3A_910 : memref<1x16x1536xf32, #tpu.memory_space<vmem>> -> memref<16x1536xf32, #tpu.memory_space<vmem>>
    %dma_wait3A_912 = arith.constant 304 : i32
    %dma_wait3A_913 = tpu.memref_slice %arg5[%dma_wait3A_912] : memref<512xi32, #tpu.memory_space<vmem>> -> memref<16xi32, #tpu.memory_space<vmem>>
    %dma_wait3A_914 = arith.constant 0 : i32
    %dma_wait3A_915 = arith.constant 0 : i32
    %dma_wait3A_916 = tpu.memref_slice %arg2[%dma_wait3A_914, %dma_wait3A_915] : memref<151936x1536xf32, #tpu.memory_space<hbm>> -> memref<151936x1536xf32, #tpu.memory_space<hbm>>
    tpu.wait_indirect_dma semaphore(%arg7 : memref<!tpu.dma_semaphore, #tpu.memory_space<semaphore_mem>>) src(%dma_wait3A_916 : memref<151936x1536xf32, #tpu.memory_space<hbm>>) dst(%dma_wait3A_911 : memref<16x1536xf32, #tpu.memory_space<vmem>>)
    %add3A_917 = arith.constant 304 : i32
    %add3A_918 = arith.addi %mul3A_2, %add3A_917 : i32
    %dma_start3A_919 = arith.constant 3 : i32
    %dma_start3A_920 = arith.constant 0 : i32
    %dma_start3A_921 = arith.constant 0 : i32
    %dma_start3A_922 = tpu.memref_slice %arg6[%dma_start3A_919, %dma_start3A_920, %dma_start3A_921] : memref<4x16x1536xf32, #tpu.memory_space<vmem>> -> memref<1x16x1536xf32, #tpu.memory_space<vmem>>
    %dma_start3A_923 = tpu.memref_squeeze %dma_start3A_922 : memref<1x16x1536xf32, #tpu.memory_space<vmem>> -> memref<16x1536xf32, #tpu.memory_space<vmem>>
    %dma_start3A_924 = arith.constant 0 : i32
    %dma_start3A_925 = tpu.memref_slice %arg4[%add3A_918, %dma_start3A_924] : memref<16384x1536xf32, #tpu.memory_space<hbm>> -> memref<16x1536xf32, #tpu.memory_space<hbm>>
    %dma_start3A_926 = arith.constant 0 : i32
    %dma_start3A_927 = tpu.memref_slice %arg4[%add3A_918, %dma_start3A_926] : memref<16384x1536xf32, #tpu.memory_space<hbm>> -> memref<16x1536xf32, #tpu.memory_space<hbm>>
    %dma_start3A_928 = arith.constant 0 : i32
    %dma_start3A_929 = arith.constant 0 : i32
    %dma_start3A_930 = tpu.memref_slice %arg6[%dma_start3A_919, %dma_start3A_928, %dma_start3A_929] : memref<4x16x1536xf32, #tpu.memory_space<vmem>> -> memref<1x16x1536xf32, #tpu.memory_space<vmem>>
    %dma_start3A_931 = tpu.memref_squeeze %dma_start3A_930 : memref<1x16x1536xf32, #tpu.memory_space<vmem>> -> memref<16x1536xf32, #tpu.memory_space<vmem>>
    tpu.enqueue_dma source(%dma_start3A_931 : memref<16x1536xf32, #tpu.memory_space<vmem>>) target(%dma_start3A_927 : memref<16x1536xf32, #tpu.memory_space<hbm>>) target_semaphore(%arg8 : memref<!tpu.dma_semaphore, #tpu.memory_space<semaphore_mem>>)
    %dma_wait3A_932 = arith.constant 1 : i32
    %dma_wait3A_933 = arith.constant 0 : i32
    %dma_wait3A_934 = arith.constant 0 : i32
    %dma_wait3A_935 = tpu.memref_slice %arg6[%dma_wait3A_932, %dma_wait3A_933, %dma_wait3A_934] : memref<4x16x1536xf32, #tpu.memory_space<vmem>> -> memref<1x16x1536xf32, #tpu.memory_space<vmem>>
    %dma_wait3A_936 = tpu.memref_squeeze %dma_wait3A_935 : memref<1x16x1536xf32, #tpu.memory_space<vmem>> -> memref<16x1536xf32, #tpu.memory_space<vmem>>
    %dma_wait3A_937 = arith.constant 0 : i32
    %dma_wait3A_938 = tpu.memref_slice %arg4[%add3A_822, %dma_wait3A_937] : memref<16384x1536xf32, #tpu.memory_space<hbm>> -> memref<16x1536xf32, #tpu.memory_space<hbm>>
    %dma_wait3A_939 = arith.constant 0 : i32
    %dma_wait3A_940 = tpu.memref_slice %arg4[%add3A_822, %dma_wait3A_939] : memref<16384x1536xf32, #tpu.memory_space<hbm>> -> memref<16x1536xf32, #tpu.memory_space<hbm>>
    %dma_wait3A_941 = arith.constant 0 : i32
    %dma_wait3A_942 = arith.constant 0 : i32
    %dma_wait3A_943 = tpu.memref_slice %arg6[%dma_wait3A_932, %dma_wait3A_941, %dma_wait3A_942] : memref<4x16x1536xf32, #tpu.memory_space<vmem>> -> memref<1x16x1536xf32, #tpu.memory_space<vmem>>
    %dma_wait3A_944 = tpu.memref_squeeze %dma_wait3A_943 : memref<1x16x1536xf32, #tpu.memory_space<vmem>> -> memref<16x1536xf32, #tpu.memory_space<vmem>>
    tpu.wait_dma2 semaphore(%arg8 : memref<!tpu.dma_semaphore, #tpu.memory_space<semaphore_mem>>) src(%dma_wait3A_944 : memref<16x1536xf32, #tpu.memory_space<vmem>>) dst(%dma_wait3A_940 : memref<16x1536xf32, #tpu.memory_space<hbm>>)
    %dma_start3A_945 = arith.constant 1 : i32
    %dma_start3A_946 = arith.constant 0 : i32
    %dma_start3A_947 = arith.constant 0 : i32
    %dma_start3A_948 = tpu.memref_slice %arg6[%dma_start3A_945, %dma_start3A_946, %dma_start3A_947] : memref<4x16x1536xf32, #tpu.memory_space<vmem>> -> memref<1x16x1536xf32, #tpu.memory_space<vmem>>
    %dma_start3A_949 = tpu.memref_squeeze %dma_start3A_948 : memref<1x16x1536xf32, #tpu.memory_space<vmem>> -> memref<16x1536xf32, #tpu.memory_space<vmem>>
    %dma_start3A_950 = arith.constant 336 : i32
    %dma_start3A_951 = tpu.memref_slice %arg5[%dma_start3A_950] : memref<512xi32, #tpu.memory_space<vmem>> -> memref<16xi32, #tpu.memory_space<vmem>>
    %dma_start3A_952 = arith.constant 0 : i32
    %dma_start3A_953 = arith.constant 0 : i32
    %dma_start3A_954 = tpu.memref_slice %arg2[%dma_start3A_952, %dma_start3A_953] : memref<151936x1536xf32, #tpu.memory_space<hbm>> -> memref<151936x1536xf32, #tpu.memory_space<hbm>>
    tpu.enqueue_indirect_dma source(%dma_start3A_954 : memref<151936x1536xf32, #tpu.memory_space<hbm>>) target(%dma_start3A_949 : memref<16x1536xf32, #tpu.memory_space<vmem>>) offsets(%dma_start3A_951 : memref<16xi32, #tpu.memory_space<vmem>>) semaphore(%arg7 : memref<!tpu.dma_semaphore, #tpu.memory_space<semaphore_mem>>)
    %dma_wait3A_955 = arith.constant 0 : i32
    %dma_wait3A_956 = arith.constant 0 : i32
    %dma_wait3A_957 = arith.constant 0 : i32
    %dma_wait3A_958 = tpu.memref_slice %arg6[%dma_wait3A_955, %dma_wait3A_956, %dma_wait3A_957] : memref<4x16x1536xf32, #tpu.memory_space<vmem>> -> memref<1x16x1536xf32, #tpu.memory_space<vmem>>
    %dma_wait3A_959 = tpu.memref_squeeze %dma_wait3A_958 : memref<1x16x1536xf32, #tpu.memory_space<vmem>> -> memref<16x1536xf32, #tpu.memory_space<vmem>>
    %dma_wait3A_960 = arith.constant 320 : i32
    %dma_wait3A_961 = tpu.memref_slice %arg5[%dma_wait3A_960] : memref<512xi32, #tpu.memory_space<vmem>> -> memref<16xi32, #tpu.memory_space<vmem>>
    %dma_wait3A_962 = arith.constant 0 : i32
    %dma_wait3A_963 = arith.constant 0 : i32
    %dma_wait3A_964 = tpu.memref_slice %arg2[%dma_wait3A_962, %dma_wait3A_963] : memref<151936x1536xf32, #tpu.memory_space<hbm>> -> memref<151936x1536xf32, #tpu.memory_space<hbm>>
    tpu.wait_indirect_dma semaphore(%arg7 : memref<!tpu.dma_semaphore, #tpu.memory_space<semaphore_mem>>) src(%dma_wait3A_964 : memref<151936x1536xf32, #tpu.memory_space<hbm>>) dst(%dma_wait3A_959 : memref<16x1536xf32, #tpu.memory_space<vmem>>)
    %add3A_965 = arith.constant 320 : i32
    %add3A_966 = arith.addi %mul3A_2, %add3A_965 : i32
    %dma_start3A_967 = arith.constant 0 : i32
    %dma_start3A_968 = arith.constant 0 : i32
    %dma_start3A_969 = arith.constant 0 : i32
    %dma_start3A_970 = tpu.memref_slice %arg6[%dma_start3A_967, %dma_start3A_968, %dma_start3A_969] : memref<4x16x1536xf32, #tpu.memory_space<vmem>> -> memref<1x16x1536xf32, #tpu.memory_space<vmem>>
    %dma_start3A_971 = tpu.memref_squeeze %dma_start3A_970 : memref<1x16x1536xf32, #tpu.memory_space<vmem>> -> memref<16x1536xf32, #tpu.memory_space<vmem>>
    %dma_start3A_972 = arith.constant 0 : i32
    %dma_start3A_973 = tpu.memref_slice %arg4[%add3A_966, %dma_start3A_972] : memref<16384x1536xf32, #tpu.memory_space<hbm>> -> memref<16x1536xf32, #tpu.memory_space<hbm>>
    %dma_start3A_974 = arith.constant 0 : i32
    %dma_start3A_975 = tpu.memref_slice %arg4[%add3A_966, %dma_start3A_974] : memref<16384x1536xf32, #tpu.memory_space<hbm>> -> memref<16x1536xf32, #tpu.memory_space<hbm>>
    %dma_start3A_976 = arith.constant 0 : i32
    %dma_start3A_977 = arith.constant 0 : i32
    %dma_start3A_978 = tpu.memref_slice %arg6[%dma_start3A_967, %dma_start3A_976, %dma_start3A_977] : memref<4x16x1536xf32, #tpu.memory_space<vmem>> -> memref<1x16x1536xf32, #tpu.memory_space<vmem>>
    %dma_start3A_979 = tpu.memref_squeeze %dma_start3A_978 : memref<1x16x1536xf32, #tpu.memory_space<vmem>> -> memref<16x1536xf32, #tpu.memory_space<vmem>>
    tpu.enqueue_dma source(%dma_start3A_979 : memref<16x1536xf32, #tpu.memory_space<vmem>>) target(%dma_start3A_975 : memref<16x1536xf32, #tpu.memory_space<hbm>>) target_semaphore(%arg8 : memref<!tpu.dma_semaphore, #tpu.memory_space<semaphore_mem>>)
    %dma_wait3A_980 = arith.constant 2 : i32
    %dma_wait3A_981 = arith.constant 0 : i32
    %dma_wait3A_982 = arith.constant 0 : i32
    %dma_wait3A_983 = tpu.memref_slice %arg6[%dma_wait3A_980, %dma_wait3A_981, %dma_wait3A_982] : memref<4x16x1536xf32, #tpu.memory_space<vmem>> -> memref<1x16x1536xf32, #tpu.memory_space<vmem>>
    %dma_wait3A_984 = tpu.memref_squeeze %dma_wait3A_983 : memref<1x16x1536xf32, #tpu.memory_space<vmem>> -> memref<16x1536xf32, #tpu.memory_space<vmem>>
    %dma_wait3A_985 = arith.constant 0 : i32
    %dma_wait3A_986 = tpu.memref_slice %arg4[%add3A_870, %dma_wait3A_985] : memref<16384x1536xf32, #tpu.memory_space<hbm>> -> memref<16x1536xf32, #tpu.memory_space<hbm>>
    %dma_wait3A_987 = arith.constant 0 : i32
    %dma_wait3A_988 = tpu.memref_slice %arg4[%add3A_870, %dma_wait3A_987] : memref<16384x1536xf32, #tpu.memory_space<hbm>> -> memref<16x1536xf32, #tpu.memory_space<hbm>>
    %dma_wait3A_989 = arith.constant 0 : i32
    %dma_wait3A_990 = arith.constant 0 : i32
    %dma_wait3A_991 = tpu.memref_slice %arg6[%dma_wait3A_980, %dma_wait3A_989, %dma_wait3A_990] : memref<4x16x1536xf32, #tpu.memory_space<vmem>> -> memref<1x16x1536xf32, #tpu.memory_space<vmem>>
    %dma_wait3A_992 = tpu.memref_squeeze %dma_wait3A_991 : memref<1x16x1536xf32, #tpu.memory_space<vmem>> -> memref<16x1536xf32, #tpu.memory_space<vmem>>
    tpu.wait_dma2 semaphore(%arg8 : memref<!tpu.dma_semaphore, #tpu.memory_space<semaphore_mem>>) src(%dma_wait3A_992 : memref<16x1536xf32, #tpu.memory_space<vmem>>) dst(%dma_wait3A_988 : memref<16x1536xf32, #tpu.memory_space<hbm>>)
    %dma_start3A_993 = arith.constant 2 : i32
    %dma_start3A_994 = arith.constant 0 : i32
    %dma_start3A_995 = arith.constant 0 : i32
    %dma_start3A_996 = tpu.memref_slice %arg6[%dma_start3A_993, %dma_start3A_994, %dma_start3A_995] : memref<4x16x1536xf32, #tpu.memory_space<vmem>> -> memref<1x16x1536xf32, #tpu.memory_space<vmem>>
    %dma_start3A_997 = tpu.memref_squeeze %dma_start3A_996 : memref<1x16x1536xf32, #tpu.memory_space<vmem>> -> memref<16x1536xf32, #tpu.memory_space<vmem>>
    %dma_start3A_998 = arith.constant 352 : i32
    %dma_start3A_999 = tpu.memref_slice %arg5[%dma_start3A_998] : memref<512xi32, #tpu.memory_space<vmem>> -> memref<16xi32, #tpu.memory_space<vmem>>
    %dma_start3A_1000 = arith.constant 0 : i32
    %dma_start3A_1001 = arith.constant 0 : i32
    %dma_start3A_1002 = tpu.memref_slice %arg2[%dma_start3A_1000, %dma_start3A_1001] : memref<151936x1536xf32, #tpu.memory_space<hbm>> -> memref<151936x1536xf32, #tpu.memory_space<hbm>>
    tpu.enqueue_indirect_dma source(%dma_start3A_1002 : memref<151936x1536xf32, #tpu.memory_space<hbm>>) target(%dma_start3A_997 : memref<16x1536xf32, #tpu.memory_space<vmem>>) offsets(%dma_start3A_999 : memref<16xi32, #tpu.memory_space<vmem>>) semaphore(%arg7 : memref<!tpu.dma_semaphore, #tpu.memory_space<semaphore_mem>>)
    %dma_wait3A_1003 = arith.constant 1 : i32
    %dma_wait3A_1004 = arith.constant 0 : i32
    %dma_wait3A_1005 = arith.constant 0 : i32
    %dma_wait3A_1006 = tpu.memref_slice %arg6[%dma_wait3A_1003, %dma_wait3A_1004, %dma_wait3A_1005] : memref<4x16x1536xf32, #tpu.memory_space<vmem>> -> memref<1x16x1536xf32, #tpu.memory_space<vmem>>
    %dma_wait3A_1007 = tpu.memref_squeeze %dma_wait3A_1006 : memref<1x16x1536xf32, #tpu.memory_space<vmem>> -> memref<16x1536xf32, #tpu.memory_space<vmem>>
    %dma_wait3A_1008 = arith.constant 336 : i32
    %dma_wait3A_1009 = tpu.memref_slice %arg5[%dma_wait3A_1008] : memref<512xi32, #tpu.memory_space<vmem>> -> memref<16xi32, #tpu.memory_space<vmem>>
    %dma_wait3A_1010 = arith.constant 0 : i32
    %dma_wait3A_1011 = arith.constant 0 : i32
    %dma_wait3A_1012 = tpu.memref_slice %arg2[%dma_wait3A_1010, %dma_wait3A_1011] : memref<151936x1536xf32, #tpu.memory_space<hbm>> -> memref<151936x1536xf32, #tpu.memory_space<hbm>>
    tpu.wait_indirect_dma semaphore(%arg7 : memref<!tpu.dma_semaphore, #tpu.memory_space<semaphore_mem>>) src(%dma_wait3A_1012 : memref<151936x1536xf32, #tpu.memory_space<hbm>>) dst(%dma_wait3A_1007 : memref<16x1536xf32, #tpu.memory_space<vmem>>)
    %add3A_1013 = arith.constant 336 : i32
    %add3A_1014 = arith.addi %mul3A_2, %add3A_1013 : i32
    %dma_start3A_1015 = arith.constant 1 : i32
    %dma_start3A_1016 = arith.constant 0 : i32
    %dma_start3A_1017 = arith.constant 0 : i32
    %dma_start3A_1018 = tpu.memref_slice %arg6[%dma_start3A_1015, %dma_start3A_1016, %dma_start3A_1017] : memref<4x16x1536xf32, #tpu.memory_space<vmem>> -> memref<1x16x1536xf32, #tpu.memory_space<vmem>>
    %dma_start3A_1019 = tpu.memref_squeeze %dma_start3A_1018 : memref<1x16x1536xf32, #tpu.memory_space<vmem>> -> memref<16x1536xf32, #tpu.memory_space<vmem>>
    %dma_start3A_1020 = arith.constant 0 : i32
    %dma_start3A_1021 = tpu.memref_slice %arg4[%add3A_1014, %dma_start3A_1020] : memref<16384x1536xf32, #tpu.memory_space<hbm>> -> memref<16x1536xf32, #tpu.memory_space<hbm>>
    %dma_start3A_1022 = arith.constant 0 : i32
    %dma_start3A_1023 = tpu.memref_slice %arg4[%add3A_1014, %dma_start3A_1022] : memref<16384x1536xf32, #tpu.memory_space<hbm>> -> memref<16x1536xf32, #tpu.memory_space<hbm>>
    %dma_start3A_1024 = arith.constant 0 : i32
    %dma_start3A_1025 = arith.constant 0 : i32
    %dma_start3A_1026 = tpu.memref_slice %arg6[%dma_start3A_1015, %dma_start3A_1024, %dma_start3A_1025] : memref<4x16x1536xf32, #tpu.memory_space<vmem>> -> memref<1x16x1536xf32, #tpu.memory_space<vmem>>
    %dma_start3A_1027 = tpu.memref_squeeze %dma_start3A_1026 : memref<1x16x1536xf32, #tpu.memory_space<vmem>> -> memref<16x1536xf32, #tpu.memory_space<vmem>>
    tpu.enqueue_dma source(%dma_start3A_1027 : memref<16x1536xf32, #tpu.memory_space<vmem>>) target(%dma_start3A_1023 : memref<16x1536xf32, #tpu.memory_space<hbm>>) target_semaphore(%arg8 : memref<!tpu.dma_semaphore, #tpu.memory_space<semaphore_mem>>)
    %dma_wait3A_1028 = arith.constant 3 : i32
    %dma_wait3A_1029 = arith.constant 0 : i32
    %dma_wait3A_1030 = arith.constant 0 : i32
    %dma_wait3A_1031 = tpu.memref_slice %arg6[%dma_wait3A_1028, %dma_wait3A_1029, %dma_wait3A_1030] : memref<4x16x1536xf32, #tpu.memory_space<vmem>> -> memref<1x16x1536xf32, #tpu.memory_space<vmem>>
    %dma_wait3A_1032 = tpu.memref_squeeze %dma_wait3A_1031 : memref<1x16x1536xf32, #tpu.memory_space<vmem>> -> memref<16x1536xf32, #tpu.memory_space<vmem>>
    %dma_wait3A_1033 = arith.constant 0 : i32
    %dma_wait3A_1034 = tpu.memref_slice %arg4[%add3A_918, %dma_wait3A_1033] : memref<16384x1536xf32, #tpu.memory_space<hbm>> -> memref<16x1536xf32, #tpu.memory_space<hbm>>
    %dma_wait3A_1035 = arith.constant 0 : i32
    %dma_wait3A_1036 = tpu.memref_slice %arg4[%add3A_918, %dma_wait3A_1035] : memref<16384x1536xf32, #tpu.memory_space<hbm>> -> memref<16x1536xf32, #tpu.memory_space<hbm>>
    %dma_wait3A_1037 = arith.constant 0 : i32
    %dma_wait3A_1038 = arith.constant 0 : i32
    %dma_wait3A_1039 = tpu.memref_slice %arg6[%dma_wait3A_1028, %dma_wait3A_1037, %dma_wait3A_1038] : memref<4x16x1536xf32, #tpu.memory_space<vmem>> -> memref<1x16x1536xf32, #tpu.memory_space<vmem>>
    %dma_wait3A_1040 = tpu.memref_squeeze %dma_wait3A_1039 : memref<1x16x1536xf32, #tpu.memory_space<vmem>> -> memref<16x1536xf32, #tpu.memory_space<vmem>>
    tpu.wait_dma2 semaphore(%arg8 : memref<!tpu.dma_semaphore, #tpu.memory_space<semaphore_mem>>) src(%dma_wait3A_1040 : memref<16x1536xf32, #tpu.memory_space<vmem>>) dst(%dma_wait3A_1036 : memref<16x1536xf32, #tpu.memory_space<hbm>>)
    %dma_start3A_1041 = arith.constant 3 : i32
    %dma_start3A_1042 = arith.constant 0 : i32
    %dma_start3A_1043 = arith.constant 0 : i32
    %dma_start3A_1044 = tpu.memref_slice %arg6[%dma_start3A_1041, %dma_start3A_1042, %dma_start3A_1043] : memref<4x16x1536xf32, #tpu.memory_space<vmem>> -> memref<1x16x1536xf32, #tpu.memory_space<vmem>>
    %dma_start3A_1045 = tpu.memref_squeeze %dma_start3A_1044 : memref<1x16x1536xf32, #tpu.memory_space<vmem>> -> memref<16x1536xf32, #tpu.memory_space<vmem>>
    %dma_start3A_1046 = arith.constant 368 : i32
    %dma_start3A_1047 = tpu.memref_slice %arg5[%dma_start3A_1046] : memref<512xi32, #tpu.memory_space<vmem>> -> memref<16xi32, #tpu.memory_space<vmem>>
    %dma_start3A_1048 = arith.constant 0 : i32
    %dma_start3A_1049 = arith.constant 0 : i32
    %dma_start3A_1050 = tpu.memref_slice %arg2[%dma_start3A_1048, %dma_start3A_1049] : memref<151936x1536xf32, #tpu.memory_space<hbm>> -> memref<151936x1536xf32, #tpu.memory_space<hbm>>
    tpu.enqueue_indirect_dma source(%dma_start3A_1050 : memref<151936x1536xf32, #tpu.memory_space<hbm>>) target(%dma_start3A_1045 : memref<16x1536xf32, #tpu.memory_space<vmem>>) offsets(%dma_start3A_1047 : memref<16xi32, #tpu.memory_space<vmem>>) semaphore(%arg7 : memref<!tpu.dma_semaphore, #tpu.memory_space<semaphore_mem>>)
    %dma_wait3A_1051 = arith.constant 2 : i32
    %dma_wait3A_1052 = arith.constant 0 : i32
    %dma_wait3A_1053 = arith.constant 0 : i32
    %dma_wait3A_1054 = tpu.memref_slice %arg6[%dma_wait3A_1051, %dma_wait3A_1052, %dma_wait3A_1053] : memref<4x16x1536xf32, #tpu.memory_space<vmem>> -> memref<1x16x1536xf32, #tpu.memory_space<vmem>>
    %dma_wait3A_1055 = tpu.memref_squeeze %dma_wait3A_1054 : memref<1x16x1536xf32, #tpu.memory_space<vmem>> -> memref<16x1536xf32, #tpu.memory_space<vmem>>
    %dma_wait3A_1056 = arith.constant 352 : i32
    %dma_wait3A_1057 = tpu.memref_slice %arg5[%dma_wait3A_1056] : memref<512xi32, #tpu.memory_space<vmem>> -> memref<16xi32, #tpu.memory_space<vmem>>
    %dma_wait3A_1058 = arith.constant 0 : i32
    %dma_wait3A_1059 = arith.constant 0 : i32
    %dma_wait3A_1060 = tpu.memref_slice %arg2[%dma_wait3A_1058, %dma_wait3A_1059] : memref<151936x1536xf32, #tpu.memory_space<hbm>> -> memref<151936x1536xf32, #tpu.memory_space<hbm>>
    tpu.wait_indirect_dma semaphore(%arg7 : memref<!tpu.dma_semaphore, #tpu.memory_space<semaphore_mem>>) src(%dma_wait3A_1060 : memref<151936x1536xf32, #tpu.memory_space<hbm>>) dst(%dma_wait3A_1055 : memref<16x1536xf32, #tpu.memory_space<vmem>>)
    %add3A_1061 = arith.constant 352 : i32
    %add3A_1062 = arith.addi %mul3A_2, %add3A_1061 : i32
    %dma_start3A_1063 = arith.constant 2 : i32
    %dma_start3A_1064 = arith.constant 0 : i32
    %dma_start3A_1065 = arith.constant 0 : i32
    %dma_start3A_1066 = tpu.memref_slice %arg6[%dma_start3A_1063, %dma_start3A_1064, %dma_start3A_1065] : memref<4x16x1536xf32, #tpu.memory_space<vmem>> -> memref<1x16x1536xf32, #tpu.memory_space<vmem>>
    %dma_start3A_1067 = tpu.memref_squeeze %dma_start3A_1066 : memref<1x16x1536xf32, #tpu.memory_space<vmem>> -> memref<16x1536xf32, #tpu.memory_space<vmem>>
    %dma_start3A_1068 = arith.constant 0 : i32
    %dma_start3A_1069 = tpu.memref_slice %arg4[%add3A_1062, %dma_start3A_1068] : memref<16384x1536xf32, #tpu.memory_space<hbm>> -> memref<16x1536xf32, #tpu.memory_space<hbm>>
    %dma_start3A_1070 = arith.constant 0 : i32
    %dma_start3A_1071 = tpu.memref_slice %arg4[%add3A_1062, %dma_start3A_1070] : memref<16384x1536xf32, #tpu.memory_space<hbm>> -> memref<16x1536xf32, #tpu.memory_space<hbm>>
    %dma_start3A_1072 = arith.constant 0 : i32
    %dma_start3A_1073 = arith.constant 0 : i32
    %dma_start3A_1074 = tpu.memref_slice %arg6[%dma_start3A_1063, %dma_start3A_1072, %dma_start3A_1073] : memref<4x16x1536xf32, #tpu.memory_space<vmem>> -> memref<1x16x1536xf32, #tpu.memory_space<vmem>>
    %dma_start3A_1075 = tpu.memref_squeeze %dma_start3A_1074 : memref<1x16x1536xf32, #tpu.memory_space<vmem>> -> memref<16x1536xf32, #tpu.memory_space<vmem>>
    tpu.enqueue_dma source(%dma_start3A_1075 : memref<16x1536xf32, #tpu.memory_space<vmem>>) target(%dma_start3A_1071 : memref<16x1536xf32, #tpu.memory_space<hbm>>) target_semaphore(%arg8 : memref<!tpu.dma_semaphore, #tpu.memory_space<semaphore_mem>>)
    %dma_wait3A_1076 = arith.constant 0 : i32
    %dma_wait3A_1077 = arith.constant 0 : i32
    %dma_wait3A_1078 = arith.constant 0 : i32
    %dma_wait3A_1079 = tpu.memref_slice %arg6[%dma_wait3A_1076, %dma_wait3A_1077, %dma_wait3A_1078] : memref<4x16x1536xf32, #tpu.memory_space<vmem>> -> memref<1x16x1536xf32, #tpu.memory_space<vmem>>
    %dma_wait3A_1080 = tpu.memref_squeeze %dma_wait3A_1079 : memref<1x16x1536xf32, #tpu.memory_space<vmem>> -> memref<16x1536xf32, #tpu.memory_space<vmem>>
    %dma_wait3A_1081 = arith.constant 0 : i32
    %dma_wait3A_1082 = tpu.memref_slice %arg4[%add3A_966, %dma_wait3A_1081] : memref<16384x1536xf32, #tpu.memory_space<hbm>> -> memref<16x1536xf32, #tpu.memory_space<hbm>>
    %dma_wait3A_1083 = arith.constant 0 : i32
    %dma_wait3A_1084 = tpu.memref_slice %arg4[%add3A_966, %dma_wait3A_1083] : memref<16384x1536xf32, #tpu.memory_space<hbm>> -> memref<16x1536xf32, #tpu.memory_space<hbm>>
    %dma_wait3A_1085 = arith.constant 0 : i32
    %dma_wait3A_1086 = arith.constant 0 : i32
    %dma_wait3A_1087 = tpu.memref_slice %arg6[%dma_wait3A_1076, %dma_wait3A_1085, %dma_wait3A_1086] : memref<4x16x1536xf32, #tpu.memory_space<vmem>> -> memref<1x16x1536xf32, #tpu.memory_space<vmem>>
    %dma_wait3A_1088 = tpu.memref_squeeze %dma_wait3A_1087 : memref<1x16x1536xf32, #tpu.memory_space<vmem>> -> memref<16x1536xf32, #tpu.memory_space<vmem>>
    tpu.wait_dma2 semaphore(%arg8 : memref<!tpu.dma_semaphore, #tpu.memory_space<semaphore_mem>>) src(%dma_wait3A_1088 : memref<16x1536xf32, #tpu.memory_space<vmem>>) dst(%dma_wait3A_1084 : memref<16x1536xf32, #tpu.memory_space<hbm>>)
    %dma_start3A_1089 = arith.constant 0 : i32
    %dma_start3A_1090 = arith.constant 0 : i32
    %dma_start3A_1091 = arith.constant 0 : i32
    %dma_start3A_1092 = tpu.memref_slice %arg6[%dma_start3A_1089, %dma_start3A_1090, %dma_start3A_1091] : memref<4x16x1536xf32, #tpu.memory_space<vmem>> -> memref<1x16x1536xf32, #tpu.memory_space<vmem>>
    %dma_start3A_1093 = tpu.memref_squeeze %dma_start3A_1092 : memref<1x16x1536xf32, #tpu.memory_space<vmem>> -> memref<16x1536xf32, #tpu.memory_space<vmem>>
    %dma_start3A_1094 = arith.constant 384 : i32
    %dma_start3A_1095 = tpu.memref_slice %arg5[%dma_start3A_1094] : memref<512xi32, #tpu.memory_space<vmem>> -> memref<16xi32, #tpu.memory_space<vmem>>
    %dma_start3A_1096 = arith.constant 0 : i32
    %dma_start3A_1097 = arith.constant 0 : i32
    %dma_start3A_1098 = tpu.memref_slice %arg2[%dma_start3A_1096, %dma_start3A_1097] : memref<151936x1536xf32, #tpu.memory_space<hbm>> -> memref<151936x1536xf32, #tpu.memory_space<hbm>>
    tpu.enqueue_indirect_dma source(%dma_start3A_1098 : memref<151936x1536xf32, #tpu.memory_space<hbm>>) target(%dma_start3A_1093 : memref<16x1536xf32, #tpu.memory_space<vmem>>) offsets(%dma_start3A_1095 : memref<16xi32, #tpu.memory_space<vmem>>) semaphore(%arg7 : memref<!tpu.dma_semaphore, #tpu.memory_space<semaphore_mem>>)
    %dma_wait3A_1099 = arith.constant 3 : i32
    %dma_wait3A_1100 = arith.constant 0 : i32
    %dma_wait3A_1101 = arith.constant 0 : i32
    %dma_wait3A_1102 = tpu.memref_slice %arg6[%dma_wait3A_1099, %dma_wait3A_1100, %dma_wait3A_1101] : memref<4x16x1536xf32, #tpu.memory_space<vmem>> -> memref<1x16x1536xf32, #tpu.memory_space<vmem>>
    %dma_wait3A_1103 = tpu.memref_squeeze %dma_wait3A_1102 : memref<1x16x1536xf32, #tpu.memory_space<vmem>> -> memref<16x1536xf32, #tpu.memory_space<vmem>>
    %dma_wait3A_1104 = arith.constant 368 : i32
    %dma_wait3A_1105 = tpu.memref_slice %arg5[%dma_wait3A_1104] : memref<512xi32, #tpu.memory_space<vmem>> -> memref<16xi32, #tpu.memory_space<vmem>>
    %dma_wait3A_1106 = arith.constant 0 : i32
    %dma_wait3A_1107 = arith.constant 0 : i32
    %dma_wait3A_1108 = tpu.memref_slice %arg2[%dma_wait3A_1106, %dma_wait3A_1107] : memref<151936x1536xf32, #tpu.memory_space<hbm>> -> memref<151936x1536xf32, #tpu.memory_space<hbm>>
    tpu.wait_indirect_dma semaphore(%arg7 : memref<!tpu.dma_semaphore, #tpu.memory_space<semaphore_mem>>) src(%dma_wait3A_1108 : memref<151936x1536xf32, #tpu.memory_space<hbm>>) dst(%dma_wait3A_1103 : memref<16x1536xf32, #tpu.memory_space<vmem>>)
    %add3A_1109 = arith.constant 368 : i32
    %add3A_1110 = arith.addi %mul3A_2, %add3A_1109 : i32
    %dma_start3A_1111 = arith.constant 3 : i32
    %dma_start3A_1112 = arith.constant 0 : i32
    %dma_start3A_1113 = arith.constant 0 : i32
    %dma_start3A_1114 = tpu.memref_slice %arg6[%dma_start3A_1111, %dma_start3A_1112, %dma_start3A_1113] : memref<4x16x1536xf32, #tpu.memory_space<vmem>> -> memref<1x16x1536xf32, #tpu.memory_space<vmem>>
    %dma_start3A_1115 = tpu.memref_squeeze %dma_start3A_1114 : memref<1x16x1536xf32, #tpu.memory_space<vmem>> -> memref<16x1536xf32, #tpu.memory_space<vmem>>
    %dma_start3A_1116 = arith.constant 0 : i32
    %dma_start3A_1117 = tpu.memref_slice %arg4[%add3A_1110, %dma_start3A_1116] : memref<16384x1536xf32, #tpu.memory_space<hbm>> -> memref<16x1536xf32, #tpu.memory_space<hbm>>
    %dma_start3A_1118 = arith.constant 0 : i32
    %dma_start3A_1119 = tpu.memref_slice %arg4[%add3A_1110, %dma_start3A_1118] : memref<16384x1536xf32, #tpu.memory_space<hbm>> -> memref<16x1536xf32, #tpu.memory_space<hbm>>
    %dma_start3A_1120 = arith.constant 0 : i32
    %dma_start3A_1121 = arith.constant 0 : i32
    %dma_start3A_1122 = tpu.memref_slice %arg6[%dma_start3A_1111, %dma_start3A_1120, %dma_start3A_1121] : memref<4x16x1536xf32, #tpu.memory_space<vmem>> -> memref<1x16x1536xf32, #tpu.memory_space<vmem>>
    %dma_start3A_1123 = tpu.memref_squeeze %dma_start3A_1122 : memref<1x16x1536xf32, #tpu.memory_space<vmem>> -> memref<16x1536xf32, #tpu.memory_space<vmem>>
    tpu.enqueue_dma source(%dma_start3A_1123 : memref<16x1536xf32, #tpu.memory_space<vmem>>) target(%dma_start3A_1119 : memref<16x1536xf32, #tpu.memory_space<hbm>>) target_semaphore(%arg8 : memref<!tpu.dma_semaphore, #tpu.memory_space<semaphore_mem>>)
    %dma_wait3A_1124 = arith.constant 1 : i32
    %dma_wait3A_1125 = arith.constant 0 : i32
    %dma_wait3A_1126 = arith.constant 0 : i32
    %dma_wait3A_1127 = tpu.memref_slice %arg6[%dma_wait3A_1124, %dma_wait3A_1125, %dma_wait3A_1126] : memref<4x16x1536xf32, #tpu.memory_space<vmem>> -> memref<1x16x1536xf32, #tpu.memory_space<vmem>>
    %dma_wait3A_1128 = tpu.memref_squeeze %dma_wait3A_1127 : memref<1x16x1536xf32, #tpu.memory_space<vmem>> -> memref<16x1536xf32, #tpu.memory_space<vmem>>
    %dma_wait3A_1129 = arith.constant 0 : i32
    %dma_wait3A_1130 = tpu.memref_slice %arg4[%add3A_1014, %dma_wait3A_1129] : memref<16384x1536xf32, #tpu.memory_space<hbm>> -> memref<16x1536xf32, #tpu.memory_space<hbm>>
    %dma_wait3A_1131 = arith.constant 0 : i32
    %dma_wait3A_1132 = tpu.memref_slice %arg4[%add3A_1014, %dma_wait3A_1131] : memref<16384x1536xf32, #tpu.memory_space<hbm>> -> memref<16x1536xf32, #tpu.memory_space<hbm>>
    %dma_wait3A_1133 = arith.constant 0 : i32
    %dma_wait3A_1134 = arith.constant 0 : i32
    %dma_wait3A_1135 = tpu.memref_slice %arg6[%dma_wait3A_1124, %dma_wait3A_1133, %dma_wait3A_1134] : memref<4x16x1536xf32, #tpu.memory_space<vmem>> -> memref<1x16x1536xf32, #tpu.memory_space<vmem>>
    %dma_wait3A_1136 = tpu.memref_squeeze %dma_wait3A_1135 : memref<1x16x1536xf32, #tpu.memory_space<vmem>> -> memref<16x1536xf32, #tpu.memory_space<vmem>>
    tpu.wait_dma2 semaphore(%arg8 : memref<!tpu.dma_semaphore, #tpu.memory_space<semaphore_mem>>) src(%dma_wait3A_1136 : memref<16x1536xf32, #tpu.memory_space<vmem>>) dst(%dma_wait3A_1132 : memref<16x1536xf32, #tpu.memory_space<hbm>>)
    %dma_start3A_1137 = arith.constant 1 : i32
    %dma_start3A_1138 = arith.constant 0 : i32
    %dma_start3A_1139 = arith.constant 0 : i32
    %dma_start3A_1140 = tpu.memref_slice %arg6[%dma_start3A_1137, %dma_start3A_1138, %dma_start3A_1139] : memref<4x16x1536xf32, #tpu.memory_space<vmem>> -> memref<1x16x1536xf32, #tpu.memory_space<vmem>>
    %dma_start3A_1141 = tpu.memref_squeeze %dma_start3A_1140 : memref<1x16x1536xf32, #tpu.memory_space<vmem>> -> memref<16x1536xf32, #tpu.memory_space<vmem>>
    %dma_start3A_1142 = arith.constant 400 : i32
    %dma_start3A_1143 = tpu.memref_slice %arg5[%dma_start3A_1142] : memref<512xi32, #tpu.memory_space<vmem>> -> memref<16xi32, #tpu.memory_space<vmem>>
    %dma_start3A_1144 = arith.constant 0 : i32
    %dma_start3A_1145 = arith.constant 0 : i32
    %dma_start3A_1146 = tpu.memref_slice %arg2[%dma_start3A_1144, %dma_start3A_1145] : memref<151936x1536xf32, #tpu.memory_space<hbm>> -> memref<151936x1536xf32, #tpu.memory_space<hbm>>
    tpu.enqueue_indirect_dma source(%dma_start3A_1146 : memref<151936x1536xf32, #tpu.memory_space<hbm>>) target(%dma_start3A_1141 : memref<16x1536xf32, #tpu.memory_space<vmem>>) offsets(%dma_start3A_1143 : memref<16xi32, #tpu.memory_space<vmem>>) semaphore(%arg7 : memref<!tpu.dma_semaphore, #tpu.memory_space<semaphore_mem>>)
    %dma_wait3A_1147 = arith.constant 0 : i32
    %dma_wait3A_1148 = arith.constant 0 : i32
    %dma_wait3A_1149 = arith.constant 0 : i32
    %dma_wait3A_1150 = tpu.memref_slice %arg6[%dma_wait3A_1147, %dma_wait3A_1148, %dma_wait3A_1149] : memref<4x16x1536xf32, #tpu.memory_space<vmem>> -> memref<1x16x1536xf32, #tpu.memory_space<vmem>>
    %dma_wait3A_1151 = tpu.memref_squeeze %dma_wait3A_1150 : memref<1x16x1536xf32, #tpu.memory_space<vmem>> -> memref<16x1536xf32, #tpu.memory_space<vmem>>
    %dma_wait3A_1152 = arith.constant 384 : i32
    %dma_wait3A_1153 = tpu.memref_slice %arg5[%dma_wait3A_1152] : memref<512xi32, #tpu.memory_space<vmem>> -> memref<16xi32, #tpu.memory_space<vmem>>
    %dma_wait3A_1154 = arith.constant 0 : i32
    %dma_wait3A_1155 = arith.constant 0 : i32
    %dma_wait3A_1156 = tpu.memref_slice %arg2[%dma_wait3A_1154, %dma_wait3A_1155] : memref<151936x1536xf32, #tpu.memory_space<hbm>> -> memref<151936x1536xf32, #tpu.memory_space<hbm>>
    tpu.wait_indirect_dma semaphore(%arg7 : memref<!tpu.dma_semaphore, #tpu.memory_space<semaphore_mem>>) src(%dma_wait3A_1156 : memref<151936x1536xf32, #tpu.memory_space<hbm>>) dst(%dma_wait3A_1151 : memref<16x1536xf32, #tpu.memory_space<vmem>>)
    %add3A_1157 = arith.constant 384 : i32
    %add3A_1158 = arith.addi %mul3A_2, %add3A_1157 : i32
    %dma_start3A_1159 = arith.constant 0 : i32
    %dma_start3A_1160 = arith.constant 0 : i32
    %dma_start3A_1161 = arith.constant 0 : i32
    %dma_start3A_1162 = tpu.memref_slice %arg6[%dma_start3A_1159, %dma_start3A_1160, %dma_start3A_1161] : memref<4x16x1536xf32, #tpu.memory_space<vmem>> -> memref<1x16x1536xf32, #tpu.memory_space<vmem>>
    %dma_start3A_1163 = tpu.memref_squeeze %dma_start3A_1162 : memref<1x16x1536xf32, #tpu.memory_space<vmem>> -> memref<16x1536xf32, #tpu.memory_space<vmem>>
    %dma_start3A_1164 = arith.constant 0 : i32
    %dma_start3A_1165 = tpu.memref_slice %arg4[%add3A_1158, %dma_start3A_1164] : memref<16384x1536xf32, #tpu.memory_space<hbm>> -> memref<16x1536xf32, #tpu.memory_space<hbm>>
    %dma_start3A_1166 = arith.constant 0 : i32
    %dma_start3A_1167 = tpu.memref_slice %arg4[%add3A_1158, %dma_start3A_1166] : memref<16384x1536xf32, #tpu.memory_space<hbm>> -> memref<16x1536xf32, #tpu.memory_space<hbm>>
    %dma_start3A_1168 = arith.constant 0 : i32
    %dma_start3A_1169 = arith.constant 0 : i32
    %dma_start3A_1170 = tpu.memref_slice %arg6[%dma_start3A_1159, %dma_start3A_1168, %dma_start3A_1169] : memref<4x16x1536xf32, #tpu.memory_space<vmem>> -> memref<1x16x1536xf32, #tpu.memory_space<vmem>>
    %dma_start3A_1171 = tpu.memref_squeeze %dma_start3A_1170 : memref<1x16x1536xf32, #tpu.memory_space<vmem>> -> memref<16x1536xf32, #tpu.memory_space<vmem>>
    tpu.enqueue_dma source(%dma_start3A_1171 : memref<16x1536xf32, #tpu.memory_space<vmem>>) target(%dma_start3A_1167 : memref<16x1536xf32, #tpu.memory_space<hbm>>) target_semaphore(%arg8 : memref<!tpu.dma_semaphore, #tpu.memory_space<semaphore_mem>>)
    %dma_wait3A_1172 = arith.constant 2 : i32
    %dma_wait3A_1173 = arith.constant 0 : i32
    %dma_wait3A_1174 = arith.constant 0 : i32
    %dma_wait3A_1175 = tpu.memref_slice %arg6[%dma_wait3A_1172, %dma_wait3A_1173, %dma_wait3A_1174] : memref<4x16x1536xf32, #tpu.memory_space<vmem>> -> memref<1x16x1536xf32, #tpu.memory_space<vmem>>
    %dma_wait3A_1176 = tpu.memref_squeeze %dma_wait3A_1175 : memref<1x16x1536xf32, #tpu.memory_space<vmem>> -> memref<16x1536xf32, #tpu.memory_space<vmem>>
    %dma_wait3A_1177 = arith.constant 0 : i32
    %dma_wait3A_1178 = tpu.memref_slice %arg4[%add3A_1062, %dma_wait3A_1177] : memref<16384x1536xf32, #tpu.memory_space<hbm>> -> memref<16x1536xf32, #tpu.memory_space<hbm>>
    %dma_wait3A_1179 = arith.constant 0 : i32
    %dma_wait3A_1180 = tpu.memref_slice %arg4[%add3A_1062, %dma_wait3A_1179] : memref<16384x1536xf32, #tpu.memory_space<hbm>> -> memref<16x1536xf32, #tpu.memory_space<hbm>>
    %dma_wait3A_1181 = arith.constant 0 : i32
    %dma_wait3A_1182 = arith.constant 0 : i32
    %dma_wait3A_1183 = tpu.memref_slice %arg6[%dma_wait3A_1172, %dma_wait3A_1181, %dma_wait3A_1182] : memref<4x16x1536xf32, #tpu.memory_space<vmem>> -> memref<1x16x1536xf32, #tpu.memory_space<vmem>>
    %dma_wait3A_1184 = tpu.memref_squeeze %dma_wait3A_1183 : memref<1x16x1536xf32, #tpu.memory_space<vmem>> -> memref<16x1536xf32, #tpu.memory_space<vmem>>
    tpu.wait_dma2 semaphore(%arg8 : memref<!tpu.dma_semaphore, #tpu.memory_space<semaphore_mem>>) src(%dma_wait3A_1184 : memref<16x1536xf32, #tpu.memory_space<vmem>>) dst(%dma_wait3A_1180 : memref<16x1536xf32, #tpu.memory_space<hbm>>)
    %dma_start3A_1185 = arith.constant 2 : i32
    %dma_start3A_1186 = arith.constant 0 : i32
    %dma_start3A_1187 = arith.constant 0 : i32
    %dma_start3A_1188 = tpu.memref_slice %arg6[%dma_start3A_1185, %dma_start3A_1186, %dma_start3A_1187] : memref<4x16x1536xf32, #tpu.memory_space<vmem>> -> memref<1x16x1536xf32, #tpu.memory_space<vmem>>
    %dma_start3A_1189 = tpu.memref_squeeze %dma_start3A_1188 : memref<1x16x1536xf32, #tpu.memory_space<vmem>> -> memref<16x1536xf32, #tpu.memory_space<vmem>>
    %dma_start3A_1190 = arith.constant 416 : i32
    %dma_start3A_1191 = tpu.memref_slice %arg5[%dma_start3A_1190] : memref<512xi32, #tpu.memory_space<vmem>> -> memref<16xi32, #tpu.memory_space<vmem>>
    %dma_start3A_1192 = arith.constant 0 : i32
    %dma_start3A_1193 = arith.constant 0 : i32
    %dma_start3A_1194 = tpu.memref_slice %arg2[%dma_start3A_1192, %dma_start3A_1193] : memref<151936x1536xf32, #tpu.memory_space<hbm>> -> memref<151936x1536xf32, #tpu.memory_space<hbm>>
    tpu.enqueue_indirect_dma source(%dma_start3A_1194 : memref<151936x1536xf32, #tpu.memory_space<hbm>>) target(%dma_start3A_1189 : memref<16x1536xf32, #tpu.memory_space<vmem>>) offsets(%dma_start3A_1191 : memref<16xi32, #tpu.memory_space<vmem>>) semaphore(%arg7 : memref<!tpu.dma_semaphore, #tpu.memory_space<semaphore_mem>>)
    %dma_wait3A_1195 = arith.constant 1 : i32
    %dma_wait3A_1196 = arith.constant 0 : i32
    %dma_wait3A_1197 = arith.constant 0 : i32
    %dma_wait3A_1198 = tpu.memref_slice %arg6[%dma_wait3A_1195, %dma_wait3A_1196, %dma_wait3A_1197] : memref<4x16x1536xf32, #tpu.memory_space<vmem>> -> memref<1x16x1536xf32, #tpu.memory_space<vmem>>
    %dma_wait3A_1199 = tpu.memref_squeeze %dma_wait3A_1198 : memref<1x16x1536xf32, #tpu.memory_space<vmem>> -> memref<16x1536xf32, #tpu.memory_space<vmem>>
    %dma_wait3A_1200 = arith.constant 400 : i32
    %dma_wait3A_1201 = tpu.memref_slice %arg5[%dma_wait3A_1200] : memref<512xi32, #tpu.memory_space<vmem>> -> memref<16xi32, #tpu.memory_space<vmem>>
    %dma_wait3A_1202 = arith.constant 0 : i32
    %dma_wait3A_1203 = arith.constant 0 : i32
    %dma_wait3A_1204 = tpu.memref_slice %arg2[%dma_wait3A_1202, %dma_wait3A_1203] : memref<151936x1536xf32, #tpu.memory_space<hbm>> -> memref<151936x1536xf32, #tpu.memory_space<hbm>>
    tpu.wait_indirect_dma semaphore(%arg7 : memref<!tpu.dma_semaphore, #tpu.memory_space<semaphore_mem>>) src(%dma_wait3A_1204 : memref<151936x1536xf32, #tpu.memory_space<hbm>>) dst(%dma_wait3A_1199 : memref<16x1536xf32, #tpu.memory_space<vmem>>)
    %add3A_1205 = arith.constant 400 : i32
    %add3A_1206 = arith.addi %mul3A_2, %add3A_1205 : i32
    %dma_start3A_1207 = arith.constant 1 : i32
    %dma_start3A_1208 = arith.constant 0 : i32
    %dma_start3A_1209 = arith.constant 0 : i32
    %dma_start3A_1210 = tpu.memref_slice %arg6[%dma_start3A_1207, %dma_start3A_1208, %dma_start3A_1209] : memref<4x16x1536xf32, #tpu.memory_space<vmem>> -> memref<1x16x1536xf32, #tpu.memory_space<vmem>>
    %dma_start3A_1211 = tpu.memref_squeeze %dma_start3A_1210 : memref<1x16x1536xf32, #tpu.memory_space<vmem>> -> memref<16x1536xf32, #tpu.memory_space<vmem>>
    %dma_start3A_1212 = arith.constant 0 : i32
    %dma_start3A_1213 = tpu.memref_slice %arg4[%add3A_1206, %dma_start3A_1212] : memref<16384x1536xf32, #tpu.memory_space<hbm>> -> memref<16x1536xf32, #tpu.memory_space<hbm>>
    %dma_start3A_1214 = arith.constant 0 : i32
    %dma_start3A_1215 = tpu.memref_slice %arg4[%add3A_1206, %dma_start3A_1214] : memref<16384x1536xf32, #tpu.memory_space<hbm>> -> memref<16x1536xf32, #tpu.memory_space<hbm>>
    %dma_start3A_1216 = arith.constant 0 : i32
    %dma_start3A_1217 = arith.constant 0 : i32
    %dma_start3A_1218 = tpu.memref_slice %arg6[%dma_start3A_1207, %dma_start3A_1216, %dma_start3A_1217] : memref<4x16x1536xf32, #tpu.memory_space<vmem>> -> memref<1x16x1536xf32, #tpu.memory_space<vmem>>
    %dma_start3A_1219 = tpu.memref_squeeze %dma_start3A_1218 : memref<1x16x1536xf32, #tpu.memory_space<vmem>> -> memref<16x1536xf32, #tpu.memory_space<vmem>>
    tpu.enqueue_dma source(%dma_start3A_1219 : memref<16x1536xf32, #tpu.memory_space<vmem>>) target(%dma_start3A_1215 : memref<16x1536xf32, #tpu.memory_space<hbm>>) target_semaphore(%arg8 : memref<!tpu.dma_semaphore, #tpu.memory_space<semaphore_mem>>)
    %dma_wait3A_1220 = arith.constant 3 : i32
    %dma_wait3A_1221 = arith.constant 0 : i32
    %dma_wait3A_1222 = arith.constant 0 : i32
    %dma_wait3A_1223 = tpu.memref_slice %arg6[%dma_wait3A_1220, %dma_wait3A_1221, %dma_wait3A_1222] : memref<4x16x1536xf32, #tpu.memory_space<vmem>> -> memref<1x16x1536xf32, #tpu.memory_space<vmem>>
    %dma_wait3A_1224 = tpu.memref_squeeze %dma_wait3A_1223 : memref<1x16x1536xf32, #tpu.memory_space<vmem>> -> memref<16x1536xf32, #tpu.memory_space<vmem>>
    %dma_wait3A_1225 = arith.constant 0 : i32
    %dma_wait3A_1226 = tpu.memref_slice %arg4[%add3A_1110, %dma_wait3A_1225] : memref<16384x1536xf32, #tpu.memory_space<hbm>> -> memref<16x1536xf32, #tpu.memory_space<hbm>>
    %dma_wait3A_1227 = arith.constant 0 : i32
    %dma_wait3A_1228 = tpu.memref_slice %arg4[%add3A_1110, %dma_wait3A_1227] : memref<16384x1536xf32, #tpu.memory_space<hbm>> -> memref<16x1536xf32, #tpu.memory_space<hbm>>
    %dma_wait3A_1229 = arith.constant 0 : i32
    %dma_wait3A_1230 = arith.constant 0 : i32
    %dma_wait3A_1231 = tpu.memref_slice %arg6[%dma_wait3A_1220, %dma_wait3A_1229, %dma_wait3A_1230] : memref<4x16x1536xf32, #tpu.memory_space<vmem>> -> memref<1x16x1536xf32, #tpu.memory_space<vmem>>
    %dma_wait3A_1232 = tpu.memref_squeeze %dma_wait3A_1231 : memref<1x16x1536xf32, #tpu.memory_space<vmem>> -> memref<16x1536xf32, #tpu.memory_space<vmem>>
    tpu.wait_dma2 semaphore(%arg8 : memref<!tpu.dma_semaphore, #tpu.memory_space<semaphore_mem>>) src(%dma_wait3A_1232 : memref<16x1536xf32, #tpu.memory_space<vmem>>) dst(%dma_wait3A_1228 : memref<16x1536xf32, #tpu.memory_space<hbm>>)
    %dma_start3A_1233 = arith.constant 3 : i32
    %dma_start3A_1234 = arith.constant 0 : i32
    %dma_start3A_1235 = arith.constant 0 : i32
    %dma_start3A_1236 = tpu.memref_slice %arg6[%dma_start3A_1233, %dma_start3A_1234, %dma_start3A_1235] : memref<4x16x1536xf32, #tpu.memory_space<vmem>> -> memref<1x16x1536xf32, #tpu.memory_space<vmem>>
    %dma_start3A_1237 = tpu.memref_squeeze %dma_start3A_1236 : memref<1x16x1536xf32, #tpu.memory_space<vmem>> -> memref<16x1536xf32, #tpu.memory_space<vmem>>
    %dma_start3A_1238 = arith.constant 432 : i32
    %dma_start3A_1239 = tpu.memref_slice %arg5[%dma_start3A_1238] : memref<512xi32, #tpu.memory_space<vmem>> -> memref<16xi32, #tpu.memory_space<vmem>>
    %dma_start3A_1240 = arith.constant 0 : i32
    %dma_start3A_1241 = arith.constant 0 : i32
    %dma_start3A_1242 = tpu.memref_slice %arg2[%dma_start3A_1240, %dma_start3A_1241] : memref<151936x1536xf32, #tpu.memory_space<hbm>> -> memref<151936x1536xf32, #tpu.memory_space<hbm>>
    tpu.enqueue_indirect_dma source(%dma_start3A_1242 : memref<151936x1536xf32, #tpu.memory_space<hbm>>) target(%dma_start3A_1237 : memref<16x1536xf32, #tpu.memory_space<vmem>>) offsets(%dma_start3A_1239 : memref<16xi32, #tpu.memory_space<vmem>>) semaphore(%arg7 : memref<!tpu.dma_semaphore, #tpu.memory_space<semaphore_mem>>)
    %dma_wait3A_1243 = arith.constant 2 : i32
    %dma_wait3A_1244 = arith.constant 0 : i32
    %dma_wait3A_1245 = arith.constant 0 : i32
    %dma_wait3A_1246 = tpu.memref_slice %arg6[%dma_wait3A_1243, %dma_wait3A_1244, %dma_wait3A_1245] : memref<4x16x1536xf32, #tpu.memory_space<vmem>> -> memref<1x16x1536xf32, #tpu.memory_space<vmem>>
    %dma_wait3A_1247 = tpu.memref_squeeze %dma_wait3A_1246 : memref<1x16x1536xf32, #tpu.memory_space<vmem>> -> memref<16x1536xf32, #tpu.memory_space<vmem>>
    %dma_wait3A_1248 = arith.constant 416 : i32
    %dma_wait3A_1249 = tpu.memref_slice %arg5[%dma_wait3A_1248] : memref<512xi32, #tpu.memory_space<vmem>> -> memref<16xi32, #tpu.memory_space<vmem>>
    %dma_wait3A_1250 = arith.constant 0 : i32
    %dma_wait3A_1251 = arith.constant 0 : i32
    %dma_wait3A_1252 = tpu.memref_slice %arg2[%dma_wait3A_1250, %dma_wait3A_1251] : memref<151936x1536xf32, #tpu.memory_space<hbm>> -> memref<151936x1536xf32, #tpu.memory_space<hbm>>
    tpu.wait_indirect_dma semaphore(%arg7 : memref<!tpu.dma_semaphore, #tpu.memory_space<semaphore_mem>>) src(%dma_wait3A_1252 : memref<151936x1536xf32, #tpu.memory_space<hbm>>) dst(%dma_wait3A_1247 : memref<16x1536xf32, #tpu.memory_space<vmem>>)
    %add3A_1253 = arith.constant 416 : i32
    %add3A_1254 = arith.addi %mul3A_2, %add3A_1253 : i32
    %dma_start3A_1255 = arith.constant 2 : i32
    %dma_start3A_1256 = arith.constant 0 : i32
    %dma_start3A_1257 = arith.constant 0 : i32
    %dma_start3A_1258 = tpu.memref_slice %arg6[%dma_start3A_1255, %dma_start3A_1256, %dma_start3A_1257] : memref<4x16x1536xf32, #tpu.memory_space<vmem>> -> memref<1x16x1536xf32, #tpu.memory_space<vmem>>
    %dma_start3A_1259 = tpu.memref_squeeze %dma_start3A_1258 : memref<1x16x1536xf32, #tpu.memory_space<vmem>> -> memref<16x1536xf32, #tpu.memory_space<vmem>>
    %dma_start3A_1260 = arith.constant 0 : i32
    %dma_start3A_1261 = tpu.memref_slice %arg4[%add3A_1254, %dma_start3A_1260] : memref<16384x1536xf32, #tpu.memory_space<hbm>> -> memref<16x1536xf32, #tpu.memory_space<hbm>>
    %dma_start3A_1262 = arith.constant 0 : i32
    %dma_start3A_1263 = tpu.memref_slice %arg4[%add3A_1254, %dma_start3A_1262] : memref<16384x1536xf32, #tpu.memory_space<hbm>> -> memref<16x1536xf32, #tpu.memory_space<hbm>>
    %dma_start3A_1264 = arith.constant 0 : i32
    %dma_start3A_1265 = arith.constant 0 : i32
    %dma_start3A_1266 = tpu.memref_slice %arg6[%dma_start3A_1255, %dma_start3A_1264, %dma_start3A_1265] : memref<4x16x1536xf32, #tpu.memory_space<vmem>> -> memref<1x16x1536xf32, #tpu.memory_space<vmem>>
    %dma_start3A_1267 = tpu.memref_squeeze %dma_start3A_1266 : memref<1x16x1536xf32, #tpu.memory_space<vmem>> -> memref<16x1536xf32, #tpu.memory_space<vmem>>
    tpu.enqueue_dma source(%dma_start3A_1267 : memref<16x1536xf32, #tpu.memory_space<vmem>>) target(%dma_start3A_1263 : memref<16x1536xf32, #tpu.memory_space<hbm>>) target_semaphore(%arg8 : memref<!tpu.dma_semaphore, #tpu.memory_space<semaphore_mem>>)
    %dma_wait3A_1268 = arith.constant 0 : i32
    %dma_wait3A_1269 = arith.constant 0 : i32
    %dma_wait3A_1270 = arith.constant 0 : i32
    %dma_wait3A_1271 = tpu.memref_slice %arg6[%dma_wait3A_1268, %dma_wait3A_1269, %dma_wait3A_1270] : memref<4x16x1536xf32, #tpu.memory_space<vmem>> -> memref<1x16x1536xf32, #tpu.memory_space<vmem>>
    %dma_wait3A_1272 = tpu.memref_squeeze %dma_wait3A_1271 : memref<1x16x1536xf32, #tpu.memory_space<vmem>> -> memref<16x1536xf32, #tpu.memory_space<vmem>>
    %dma_wait3A_1273 = arith.constant 0 : i32
    %dma_wait3A_1274 = tpu.memref_slice %arg4[%add3A_1158, %dma_wait3A_1273] : memref<16384x1536xf32, #tpu.memory_space<hbm>> -> memref<16x1536xf32, #tpu.memory_space<hbm>>
    %dma_wait3A_1275 = arith.constant 0 : i32
    %dma_wait3A_1276 = tpu.memref_slice %arg4[%add3A_1158, %dma_wait3A_1275] : memref<16384x1536xf32, #tpu.memory_space<hbm>> -> memref<16x1536xf32, #tpu.memory_space<hbm>>
    %dma_wait3A_1277 = arith.constant 0 : i32
    %dma_wait3A_1278 = arith.constant 0 : i32
    %dma_wait3A_1279 = tpu.memref_slice %arg6[%dma_wait3A_1268, %dma_wait3A_1277, %dma_wait3A_1278] : memref<4x16x1536xf32, #tpu.memory_space<vmem>> -> memref<1x16x1536xf32, #tpu.memory_space<vmem>>
    %dma_wait3A_1280 = tpu.memref_squeeze %dma_wait3A_1279 : memref<1x16x1536xf32, #tpu.memory_space<vmem>> -> memref<16x1536xf32, #tpu.memory_space<vmem>>
    tpu.wait_dma2 semaphore(%arg8 : memref<!tpu.dma_semaphore, #tpu.memory_space<semaphore_mem>>) src(%dma_wait3A_1280 : memref<16x1536xf32, #tpu.memory_space<vmem>>) dst(%dma_wait3A_1276 : memref<16x1536xf32, #tpu.memory_space<hbm>>)
    %dma_start3A_1281 = arith.constant 0 : i32
    %dma_start3A_1282 = arith.constant 0 : i32
    %dma_start3A_1283 = arith.constant 0 : i32
    %dma_start3A_1284 = tpu.memref_slice %arg6[%dma_start3A_1281, %dma_start3A_1282, %dma_start3A_1283] : memref<4x16x1536xf32, #tpu.memory_space<vmem>> -> memref<1x16x1536xf32, #tpu.memory_space<vmem>>
    %dma_start3A_1285 = tpu.memref_squeeze %dma_start3A_1284 : memref<1x16x1536xf32, #tpu.memory_space<vmem>> -> memref<16x1536xf32, #tpu.memory_space<vmem>>
    %dma_start3A_1286 = arith.constant 448 : i32
    %dma_start3A_1287 = tpu.memref_slice %arg5[%dma_start3A_1286] : memref<512xi32, #tpu.memory_space<vmem>> -> memref<16xi32, #tpu.memory_space<vmem>>
    %dma_start3A_1288 = arith.constant 0 : i32
    %dma_start3A_1289 = arith.constant 0 : i32
    %dma_start3A_1290 = tpu.memref_slice %arg2[%dma_start3A_1288, %dma_start3A_1289] : memref<151936x1536xf32, #tpu.memory_space<hbm>> -> memref<151936x1536xf32, #tpu.memory_space<hbm>>
    tpu.enqueue_indirect_dma source(%dma_start3A_1290 : memref<151936x1536xf32, #tpu.memory_space<hbm>>) target(%dma_start3A_1285 : memref<16x1536xf32, #tpu.memory_space<vmem>>) offsets(%dma_start3A_1287 : memref<16xi32, #tpu.memory_space<vmem>>) semaphore(%arg7 : memref<!tpu.dma_semaphore, #tpu.memory_space<semaphore_mem>>)
    %dma_wait3A_1291 = arith.constant 3 : i32
    %dma_wait3A_1292 = arith.constant 0 : i32
    %dma_wait3A_1293 = arith.constant 0 : i32
    %dma_wait3A_1294 = tpu.memref_slice %arg6[%dma_wait3A_1291, %dma_wait3A_1292, %dma_wait3A_1293] : memref<4x16x1536xf32, #tpu.memory_space<vmem>> -> memref<1x16x1536xf32, #tpu.memory_space<vmem>>
    %dma_wait3A_1295 = tpu.memref_squeeze %dma_wait3A_1294 : memref<1x16x1536xf32, #tpu.memory_space<vmem>> -> memref<16x1536xf32, #tpu.memory_space<vmem>>
    %dma_wait3A_1296 = arith.constant 432 : i32
    %dma_wait3A_1297 = tpu.memref_slice %arg5[%dma_wait3A_1296] : memref<512xi32, #tpu.memory_space<vmem>> -> memref<16xi32, #tpu.memory_space<vmem>>
    %dma_wait3A_1298 = arith.constant 0 : i32
    %dma_wait3A_1299 = arith.constant 0 : i32
    %dma_wait3A_1300 = tpu.memref_slice %arg2[%dma_wait3A_1298, %dma_wait3A_1299] : memref<151936x1536xf32, #tpu.memory_space<hbm>> -> memref<151936x1536xf32, #tpu.memory_space<hbm>>
    tpu.wait_indirect_dma semaphore(%arg7 : memref<!tpu.dma_semaphore, #tpu.memory_space<semaphore_mem>>) src(%dma_wait3A_1300 : memref<151936x1536xf32, #tpu.memory_space<hbm>>) dst(%dma_wait3A_1295 : memref<16x1536xf32, #tpu.memory_space<vmem>>)
    %add3A_1301 = arith.constant 432 : i32
    %add3A_1302 = arith.addi %mul3A_2, %add3A_1301 : i32
    %dma_start3A_1303 = arith.constant 3 : i32
    %dma_start3A_1304 = arith.constant 0 : i32
    %dma_start3A_1305 = arith.constant 0 : i32
    %dma_start3A_1306 = tpu.memref_slice %arg6[%dma_start3A_1303, %dma_start3A_1304, %dma_start3A_1305] : memref<4x16x1536xf32, #tpu.memory_space<vmem>> -> memref<1x16x1536xf32, #tpu.memory_space<vmem>>
    %dma_start3A_1307 = tpu.memref_squeeze %dma_start3A_1306 : memref<1x16x1536xf32, #tpu.memory_space<vmem>> -> memref<16x1536xf32, #tpu.memory_space<vmem>>
    %dma_start3A_1308 = arith.constant 0 : i32
    %dma_start3A_1309 = tpu.memref_slice %arg4[%add3A_1302, %dma_start3A_1308] : memref<16384x1536xf32, #tpu.memory_space<hbm>> -> memref<16x1536xf32, #tpu.memory_space<hbm>>
    %dma_start3A_1310 = arith.constant 0 : i32
    %dma_start3A_1311 = tpu.memref_slice %arg4[%add3A_1302, %dma_start3A_1310] : memref<16384x1536xf32, #tpu.memory_space<hbm>> -> memref<16x1536xf32, #tpu.memory_space<hbm>>
    %dma_start3A_1312 = arith.constant 0 : i32
    %dma_start3A_1313 = arith.constant 0 : i32
    %dma_start3A_1314 = tpu.memref_slice %arg6[%dma_start3A_1303, %dma_start3A_1312, %dma_start3A_1313] : memref<4x16x1536xf32, #tpu.memory_space<vmem>> -> memref<1x16x1536xf32, #tpu.memory_space<vmem>>
    %dma_start3A_1315 = tpu.memref_squeeze %dma_start3A_1314 : memref<1x16x1536xf32, #tpu.memory_space<vmem>> -> memref<16x1536xf32, #tpu.memory_space<vmem>>
    tpu.enqueue_dma source(%dma_start3A_1315 : memref<16x1536xf32, #tpu.memory_space<vmem>>) target(%dma_start3A_1311 : memref<16x1536xf32, #tpu.memory_space<hbm>>) target_semaphore(%arg8 : memref<!tpu.dma_semaphore, #tpu.memory_space<semaphore_mem>>)
    %dma_wait3A_1316 = arith.constant 1 : i32
    %dma_wait3A_1317 = arith.constant 0 : i32
    %dma_wait3A_1318 = arith.constant 0 : i32
    %dma_wait3A_1319 = tpu.memref_slice %arg6[%dma_wait3A_1316, %dma_wait3A_1317, %dma_wait3A_1318] : memref<4x16x1536xf32, #tpu.memory_space<vmem>> -> memref<1x16x1536xf32, #tpu.memory_space<vmem>>
    %dma_wait3A_1320 = tpu.memref_squeeze %dma_wait3A_1319 : memref<1x16x1536xf32, #tpu.memory_space<vmem>> -> memref<16x1536xf32, #tpu.memory_space<vmem>>
    %dma_wait3A_1321 = arith.constant 0 : i32
    %dma_wait3A_1322 = tpu.memref_slice %arg4[%add3A_1206, %dma_wait3A_1321] : memref<16384x1536xf32, #tpu.memory_space<hbm>> -> memref<16x1536xf32, #tpu.memory_space<hbm>>
    %dma_wait3A_1323 = arith.constant 0 : i32
    %dma_wait3A_1324 = tpu.memref_slice %arg4[%add3A_1206, %dma_wait3A_1323] : memref<16384x1536xf32, #tpu.memory_space<hbm>> -> memref<16x1536xf32, #tpu.memory_space<hbm>>
    %dma_wait3A_1325 = arith.constant 0 : i32
    %dma_wait3A_1326 = arith.constant 0 : i32
    %dma_wait3A_1327 = tpu.memref_slice %arg6[%dma_wait3A_1316, %dma_wait3A_1325, %dma_wait3A_1326] : memref<4x16x1536xf32, #tpu.memory_space<vmem>> -> memref<1x16x1536xf32, #tpu.memory_space<vmem>>
    %dma_wait3A_1328 = tpu.memref_squeeze %dma_wait3A_1327 : memref<1x16x1536xf32, #tpu.memory_space<vmem>> -> memref<16x1536xf32, #tpu.memory_space<vmem>>
    tpu.wait_dma2 semaphore(%arg8 : memref<!tpu.dma_semaphore, #tpu.memory_space<semaphore_mem>>) src(%dma_wait3A_1328 : memref<16x1536xf32, #tpu.memory_space<vmem>>) dst(%dma_wait3A_1324 : memref<16x1536xf32, #tpu.memory_space<hbm>>)
    %dma_start3A_1329 = arith.constant 1 : i32
    %dma_start3A_1330 = arith.constant 0 : i32
    %dma_start3A_1331 = arith.constant 0 : i32
    %dma_start3A_1332 = tpu.memref_slice %arg6[%dma_start3A_1329, %dma_start3A_1330, %dma_start3A_1331] : memref<4x16x1536xf32, #tpu.memory_space<vmem>> -> memref<1x16x1536xf32, #tpu.memory_space<vmem>>
    %dma_start3A_1333 = tpu.memref_squeeze %dma_start3A_1332 : memref<1x16x1536xf32, #tpu.memory_space<vmem>> -> memref<16x1536xf32, #tpu.memory_space<vmem>>
    %dma_start3A_1334 = arith.constant 464 : i32
    %dma_start3A_1335 = tpu.memref_slice %arg5[%dma_start3A_1334] : memref<512xi32, #tpu.memory_space<vmem>> -> memref<16xi32, #tpu.memory_space<vmem>>
    %dma_start3A_1336 = arith.constant 0 : i32
    %dma_start3A_1337 = arith.constant 0 : i32
    %dma_start3A_1338 = tpu.memref_slice %arg2[%dma_start3A_1336, %dma_start3A_1337] : memref<151936x1536xf32, #tpu.memory_space<hbm>> -> memref<151936x1536xf32, #tpu.memory_space<hbm>>
    tpu.enqueue_indirect_dma source(%dma_start3A_1338 : memref<151936x1536xf32, #tpu.memory_space<hbm>>) target(%dma_start3A_1333 : memref<16x1536xf32, #tpu.memory_space<vmem>>) offsets(%dma_start3A_1335 : memref<16xi32, #tpu.memory_space<vmem>>) semaphore(%arg7 : memref<!tpu.dma_semaphore, #tpu.memory_space<semaphore_mem>>)
    %dma_wait3A_1339 = arith.constant 0 : i32
    %dma_wait3A_1340 = arith.constant 0 : i32
    %dma_wait3A_1341 = arith.constant 0 : i32
    %dma_wait3A_1342 = tpu.memref_slice %arg6[%dma_wait3A_1339, %dma_wait3A_1340, %dma_wait3A_1341] : memref<4x16x1536xf32, #tpu.memory_space<vmem>> -> memref<1x16x1536xf32, #tpu.memory_space<vmem>>
    %dma_wait3A_1343 = tpu.memref_squeeze %dma_wait3A_1342 : memref<1x16x1536xf32, #tpu.memory_space<vmem>> -> memref<16x1536xf32, #tpu.memory_space<vmem>>
    %dma_wait3A_1344 = arith.constant 448 : i32
    %dma_wait3A_1345 = tpu.memref_slice %arg5[%dma_wait3A_1344] : memref<512xi32, #tpu.memory_space<vmem>> -> memref<16xi32, #tpu.memory_space<vmem>>
    %dma_wait3A_1346 = arith.constant 0 : i32
    %dma_wait3A_1347 = arith.constant 0 : i32
    %dma_wait3A_1348 = tpu.memref_slice %arg2[%dma_wait3A_1346, %dma_wait3A_1347] : memref<151936x1536xf32, #tpu.memory_space<hbm>> -> memref<151936x1536xf32, #tpu.memory_space<hbm>>
    tpu.wait_indirect_dma semaphore(%arg7 : memref<!tpu.dma_semaphore, #tpu.memory_space<semaphore_mem>>) src(%dma_wait3A_1348 : memref<151936x1536xf32, #tpu.memory_space<hbm>>) dst(%dma_wait3A_1343 : memref<16x1536xf32, #tpu.memory_space<vmem>>)
    %add3A_1349 = arith.constant 448 : i32
    %add3A_1350 = arith.addi %mul3A_2, %add3A_1349 : i32
    %dma_start3A_1351 = arith.constant 0 : i32
    %dma_start3A_1352 = arith.constant 0 : i32
    %dma_start3A_1353 = arith.constant 0 : i32
    %dma_start3A_1354 = tpu.memref_slice %arg6[%dma_start3A_1351, %dma_start3A_1352, %dma_start3A_1353] : memref<4x16x1536xf32, #tpu.memory_space<vmem>> -> memref<1x16x1536xf32, #tpu.memory_space<vmem>>
    %dma_start3A_1355 = tpu.memref_squeeze %dma_start3A_1354 : memref<1x16x1536xf32, #tpu.memory_space<vmem>> -> memref<16x1536xf32, #tpu.memory_space<vmem>>
    %dma_start3A_1356 = arith.constant 0 : i32
    %dma_start3A_1357 = tpu.memref_slice %arg4[%add3A_1350, %dma_start3A_1356] : memref<16384x1536xf32, #tpu.memory_space<hbm>> -> memref<16x1536xf32, #tpu.memory_space<hbm>>
    %dma_start3A_1358 = arith.constant 0 : i32
    %dma_start3A_1359 = tpu.memref_slice %arg4[%add3A_1350, %dma_start3A_1358] : memref<16384x1536xf32, #tpu.memory_space<hbm>> -> memref<16x1536xf32, #tpu.memory_space<hbm>>
    %dma_start3A_1360 = arith.constant 0 : i32
    %dma_start3A_1361 = arith.constant 0 : i32
    %dma_start3A_1362 = tpu.memref_slice %arg6[%dma_start3A_1351, %dma_start3A_1360, %dma_start3A_1361] : memref<4x16x1536xf32, #tpu.memory_space<vmem>> -> memref<1x16x1536xf32, #tpu.memory_space<vmem>>
    %dma_start3A_1363 = tpu.memref_squeeze %dma_start3A_1362 : memref<1x16x1536xf32, #tpu.memory_space<vmem>> -> memref<16x1536xf32, #tpu.memory_space<vmem>>
    tpu.enqueue_dma source(%dma_start3A_1363 : memref<16x1536xf32, #tpu.memory_space<vmem>>) target(%dma_start3A_1359 : memref<16x1536xf32, #tpu.memory_space<hbm>>) target_semaphore(%arg8 : memref<!tpu.dma_semaphore, #tpu.memory_space<semaphore_mem>>)
    %dma_wait3A_1364 = arith.constant 2 : i32
    %dma_wait3A_1365 = arith.constant 0 : i32
    %dma_wait3A_1366 = arith.constant 0 : i32
    %dma_wait3A_1367 = tpu.memref_slice %arg6[%dma_wait3A_1364, %dma_wait3A_1365, %dma_wait3A_1366] : memref<4x16x1536xf32, #tpu.memory_space<vmem>> -> memref<1x16x1536xf32, #tpu.memory_space<vmem>>
    %dma_wait3A_1368 = tpu.memref_squeeze %dma_wait3A_1367 : memref<1x16x1536xf32, #tpu.memory_space<vmem>> -> memref<16x1536xf32, #tpu.memory_space<vmem>>
    %dma_wait3A_1369 = arith.constant 0 : i32
    %dma_wait3A_1370 = tpu.memref_slice %arg4[%add3A_1254, %dma_wait3A_1369] : memref<16384x1536xf32, #tpu.memory_space<hbm>> -> memref<16x1536xf32, #tpu.memory_space<hbm>>
    %dma_wait3A_1371 = arith.constant 0 : i32
    %dma_wait3A_1372 = tpu.memref_slice %arg4[%add3A_1254, %dma_wait3A_1371] : memref<16384x1536xf32, #tpu.memory_space<hbm>> -> memref<16x1536xf32, #tpu.memory_space<hbm>>
    %dma_wait3A_1373 = arith.constant 0 : i32
    %dma_wait3A_1374 = arith.constant 0 : i32
    %dma_wait3A_1375 = tpu.memref_slice %arg6[%dma_wait3A_1364, %dma_wait3A_1373, %dma_wait3A_1374] : memref<4x16x1536xf32, #tpu.memory_space<vmem>> -> memref<1x16x1536xf32, #tpu.memory_space<vmem>>
    %dma_wait3A_1376 = tpu.memref_squeeze %dma_wait3A_1375 : memref<1x16x1536xf32, #tpu.memory_space<vmem>> -> memref<16x1536xf32, #tpu.memory_space<vmem>>
    tpu.wait_dma2 semaphore(%arg8 : memref<!tpu.dma_semaphore, #tpu.memory_space<semaphore_mem>>) src(%dma_wait3A_1376 : memref<16x1536xf32, #tpu.memory_space<vmem>>) dst(%dma_wait3A_1372 : memref<16x1536xf32, #tpu.memory_space<hbm>>)
    %dma_start3A_1377 = arith.constant 2 : i32
    %dma_start3A_1378 = arith.constant 0 : i32
    %dma_start3A_1379 = arith.constant 0 : i32
    %dma_start3A_1380 = tpu.memref_slice %arg6[%dma_start3A_1377, %dma_start3A_1378, %dma_start3A_1379] : memref<4x16x1536xf32, #tpu.memory_space<vmem>> -> memref<1x16x1536xf32, #tpu.memory_space<vmem>>
    %dma_start3A_1381 = tpu.memref_squeeze %dma_start3A_1380 : memref<1x16x1536xf32, #tpu.memory_space<vmem>> -> memref<16x1536xf32, #tpu.memory_space<vmem>>
    %dma_start3A_1382 = arith.constant 480 : i32
    %dma_start3A_1383 = tpu.memref_slice %arg5[%dma_start3A_1382] : memref<512xi32, #tpu.memory_space<vmem>> -> memref<16xi32, #tpu.memory_space<vmem>>
    %dma_start3A_1384 = arith.constant 0 : i32
    %dma_start3A_1385 = arith.constant 0 : i32
    %dma_start3A_1386 = tpu.memref_slice %arg2[%dma_start3A_1384, %dma_start3A_1385] : memref<151936x1536xf32, #tpu.memory_space<hbm>> -> memref<151936x1536xf32, #tpu.memory_space<hbm>>
    tpu.enqueue_indirect_dma source(%dma_start3A_1386 : memref<151936x1536xf32, #tpu.memory_space<hbm>>) target(%dma_start3A_1381 : memref<16x1536xf32, #tpu.memory_space<vmem>>) offsets(%dma_start3A_1383 : memref<16xi32, #tpu.memory_space<vmem>>) semaphore(%arg7 : memref<!tpu.dma_semaphore, #tpu.memory_space<semaphore_mem>>)
    %dma_wait3A_1387 = arith.constant 1 : i32
    %dma_wait3A_1388 = arith.constant 0 : i32
    %dma_wait3A_1389 = arith.constant 0 : i32
    %dma_wait3A_1390 = tpu.memref_slice %arg6[%dma_wait3A_1387, %dma_wait3A_1388, %dma_wait3A_1389] : memref<4x16x1536xf32, #tpu.memory_space<vmem>> -> memref<1x16x1536xf32, #tpu.memory_space<vmem>>
    %dma_wait3A_1391 = tpu.memref_squeeze %dma_wait3A_1390 : memref<1x16x1536xf32, #tpu.memory_space<vmem>> -> memref<16x1536xf32, #tpu.memory_space<vmem>>
    %dma_wait3A_1392 = arith.constant 464 : i32
    %dma_wait3A_1393 = tpu.memref_slice %arg5[%dma_wait3A_1392] : memref<512xi32, #tpu.memory_space<vmem>> -> memref<16xi32, #tpu.memory_space<vmem>>
    %dma_wait3A_1394 = arith.constant 0 : i32
    %dma_wait3A_1395 = arith.constant 0 : i32
    %dma_wait3A_1396 = tpu.memref_slice %arg2[%dma_wait3A_1394, %dma_wait3A_1395] : memref<151936x1536xf32, #tpu.memory_space<hbm>> -> memref<151936x1536xf32, #tpu.memory_space<hbm>>
    tpu.wait_indirect_dma semaphore(%arg7 : memref<!tpu.dma_semaphore, #tpu.memory_space<semaphore_mem>>) src(%dma_wait3A_1396 : memref<151936x1536xf32, #tpu.memory_space<hbm>>) dst(%dma_wait3A_1391 : memref<16x1536xf32, #tpu.memory_space<vmem>>)
    %add3A_1397 = arith.constant 464 : i32
    %add3A_1398 = arith.addi %mul3A_2, %add3A_1397 : i32
    %dma_start3A_1399 = arith.constant 1 : i32
    %dma_start3A_1400 = arith.constant 0 : i32
    %dma_start3A_1401 = arith.constant 0 : i32
    %dma_start3A_1402 = tpu.memref_slice %arg6[%dma_start3A_1399, %dma_start3A_1400, %dma_start3A_1401] : memref<4x16x1536xf32, #tpu.memory_space<vmem>> -> memref<1x16x1536xf32, #tpu.memory_space<vmem>>
    %dma_start3A_1403 = tpu.memref_squeeze %dma_start3A_1402 : memref<1x16x1536xf32, #tpu.memory_space<vmem>> -> memref<16x1536xf32, #tpu.memory_space<vmem>>
    %dma_start3A_1404 = arith.constant 0 : i32
    %dma_start3A_1405 = tpu.memref_slice %arg4[%add3A_1398, %dma_start3A_1404] : memref<16384x1536xf32, #tpu.memory_space<hbm>> -> memref<16x1536xf32, #tpu.memory_space<hbm>>
    %dma_start3A_1406 = arith.constant 0 : i32
    %dma_start3A_1407 = tpu.memref_slice %arg4[%add3A_1398, %dma_start3A_1406] : memref<16384x1536xf32, #tpu.memory_space<hbm>> -> memref<16x1536xf32, #tpu.memory_space<hbm>>
    %dma_start3A_1408 = arith.constant 0 : i32
    %dma_start3A_1409 = arith.constant 0 : i32
    %dma_start3A_1410 = tpu.memref_slice %arg6[%dma_start3A_1399, %dma_start3A_1408, %dma_start3A_1409] : memref<4x16x1536xf32, #tpu.memory_space<vmem>> -> memref<1x16x1536xf32, #tpu.memory_space<vmem>>
    %dma_start3A_1411 = tpu.memref_squeeze %dma_start3A_1410 : memref<1x16x1536xf32, #tpu.memory_space<vmem>> -> memref<16x1536xf32, #tpu.memory_space<vmem>>
    tpu.enqueue_dma source(%dma_start3A_1411 : memref<16x1536xf32, #tpu.memory_space<vmem>>) target(%dma_start3A_1407 : memref<16x1536xf32, #tpu.memory_space<hbm>>) target_semaphore(%arg8 : memref<!tpu.dma_semaphore, #tpu.memory_space<semaphore_mem>>)
    %dma_wait3A_1412 = arith.constant 3 : i32
    %dma_wait3A_1413 = arith.constant 0 : i32
    %dma_wait3A_1414 = arith.constant 0 : i32
    %dma_wait3A_1415 = tpu.memref_slice %arg6[%dma_wait3A_1412, %dma_wait3A_1413, %dma_wait3A_1414] : memref<4x16x1536xf32, #tpu.memory_space<vmem>> -> memref<1x16x1536xf32, #tpu.memory_space<vmem>>
    %dma_wait3A_1416 = tpu.memref_squeeze %dma_wait3A_1415 : memref<1x16x1536xf32, #tpu.memory_space<vmem>> -> memref<16x1536xf32, #tpu.memory_space<vmem>>
    %dma_wait3A_1417 = arith.constant 0 : i32
    %dma_wait3A_1418 = tpu.memref_slice %arg4[%add3A_1302, %dma_wait3A_1417] : memref<16384x1536xf32, #tpu.memory_space<hbm>> -> memref<16x1536xf32, #tpu.memory_space<hbm>>
    %dma_wait3A_1419 = arith.constant 0 : i32
    %dma_wait3A_1420 = tpu.memref_slice %arg4[%add3A_1302, %dma_wait3A_1419] : memref<16384x1536xf32, #tpu.memory_space<hbm>> -> memref<16x1536xf32, #tpu.memory_space<hbm>>
    %dma_wait3A_1421 = arith.constant 0 : i32
    %dma_wait3A_1422 = arith.constant 0 : i32
    %dma_wait3A_1423 = tpu.memref_slice %arg6[%dma_wait3A_1412, %dma_wait3A_1421, %dma_wait3A_1422] : memref<4x16x1536xf32, #tpu.memory_space<vmem>> -> memref<1x16x1536xf32, #tpu.memory_space<vmem>>
    %dma_wait3A_1424 = tpu.memref_squeeze %dma_wait3A_1423 : memref<1x16x1536xf32, #tpu.memory_space<vmem>> -> memref<16x1536xf32, #tpu.memory_space<vmem>>
    tpu.wait_dma2 semaphore(%arg8 : memref<!tpu.dma_semaphore, #tpu.memory_space<semaphore_mem>>) src(%dma_wait3A_1424 : memref<16x1536xf32, #tpu.memory_space<vmem>>) dst(%dma_wait3A_1420 : memref<16x1536xf32, #tpu.memory_space<hbm>>)
    %dma_start3A_1425 = arith.constant 3 : i32
    %dma_start3A_1426 = arith.constant 0 : i32
    %dma_start3A_1427 = arith.constant 0 : i32
    %dma_start3A_1428 = tpu.memref_slice %arg6[%dma_start3A_1425, %dma_start3A_1426, %dma_start3A_1427] : memref<4x16x1536xf32, #tpu.memory_space<vmem>> -> memref<1x16x1536xf32, #tpu.memory_space<vmem>>
    %dma_start3A_1429 = tpu.memref_squeeze %dma_start3A_1428 : memref<1x16x1536xf32, #tpu.memory_space<vmem>> -> memref<16x1536xf32, #tpu.memory_space<vmem>>
    %dma_start3A_1430 = arith.constant 496 : i32
    %dma_start3A_1431 = tpu.memref_slice %arg5[%dma_start3A_1430] : memref<512xi32, #tpu.memory_space<vmem>> -> memref<16xi32, #tpu.memory_space<vmem>>
    %dma_start3A_1432 = arith.constant 0 : i32
    %dma_start3A_1433 = arith.constant 0 : i32
    %dma_start3A_1434 = tpu.memref_slice %arg2[%dma_start3A_1432, %dma_start3A_1433] : memref<151936x1536xf32, #tpu.memory_space<hbm>> -> memref<151936x1536xf32, #tpu.memory_space<hbm>>
    tpu.enqueue_indirect_dma source(%dma_start3A_1434 : memref<151936x1536xf32, #tpu.memory_space<hbm>>) target(%dma_start3A_1429 : memref<16x1536xf32, #tpu.memory_space<vmem>>) offsets(%dma_start3A_1431 : memref<16xi32, #tpu.memory_space<vmem>>) semaphore(%arg7 : memref<!tpu.dma_semaphore, #tpu.memory_space<semaphore_mem>>)
    %dma_wait3A_1435 = arith.constant 2 : i32
    %dma_wait3A_1436 = arith.constant 0 : i32
    %dma_wait3A_1437 = arith.constant 0 : i32
    %dma_wait3A_1438 = tpu.memref_slice %arg6[%dma_wait3A_1435, %dma_wait3A_1436, %dma_wait3A_1437] : memref<4x16x1536xf32, #tpu.memory_space<vmem>> -> memref<1x16x1536xf32, #tpu.memory_space<vmem>>
    %dma_wait3A_1439 = tpu.memref_squeeze %dma_wait3A_1438 : memref<1x16x1536xf32, #tpu.memory_space<vmem>> -> memref<16x1536xf32, #tpu.memory_space<vmem>>
    %dma_wait3A_1440 = arith.constant 480 : i32
    %dma_wait3A_1441 = tpu.memref_slice %arg5[%dma_wait3A_1440] : memref<512xi32, #tpu.memory_space<vmem>> -> memref<16xi32, #tpu.memory_space<vmem>>
    %dma_wait3A_1442 = arith.constant 0 : i32
    %dma_wait3A_1443 = arith.constant 0 : i32
    %dma_wait3A_1444 = tpu.memref_slice %arg2[%dma_wait3A_1442, %dma_wait3A_1443] : memref<151936x1536xf32, #tpu.memory_space<hbm>> -> memref<151936x1536xf32, #tpu.memory_space<hbm>>
    tpu.wait_indirect_dma semaphore(%arg7 : memref<!tpu.dma_semaphore, #tpu.memory_space<semaphore_mem>>) src(%dma_wait3A_1444 : memref<151936x1536xf32, #tpu.memory_space<hbm>>) dst(%dma_wait3A_1439 : memref<16x1536xf32, #tpu.memory_space<vmem>>)
    %add3A_1445 = arith.constant 480 : i32
    %add3A_1446 = arith.addi %mul3A_2, %add3A_1445 : i32
    %dma_start3A_1447 = arith.constant 2 : i32
    %dma_start3A_1448 = arith.constant 0 : i32
    %dma_start3A_1449 = arith.constant 0 : i32
    %dma_start3A_1450 = tpu.memref_slice %arg6[%dma_start3A_1447, %dma_start3A_1448, %dma_start3A_1449] : memref<4x16x1536xf32, #tpu.memory_space<vmem>> -> memref<1x16x1536xf32, #tpu.memory_space<vmem>>
    %dma_start3A_1451 = tpu.memref_squeeze %dma_start3A_1450 : memref<1x16x1536xf32, #tpu.memory_space<vmem>> -> memref<16x1536xf32, #tpu.memory_space<vmem>>
    %dma_start3A_1452 = arith.constant 0 : i32
    %dma_start3A_1453 = tpu.memref_slice %arg4[%add3A_1446, %dma_start3A_1452] : memref<16384x1536xf32, #tpu.memory_space<hbm>> -> memref<16x1536xf32, #tpu.memory_space<hbm>>
    %dma_start3A_1454 = arith.constant 0 : i32
    %dma_start3A_1455 = tpu.memref_slice %arg4[%add3A_1446, %dma_start3A_1454] : memref<16384x1536xf32, #tpu.memory_space<hbm>> -> memref<16x1536xf32, #tpu.memory_space<hbm>>
    %dma_start3A_1456 = arith.constant 0 : i32
    %dma_start3A_1457 = arith.constant 0 : i32
    %dma_start3A_1458 = tpu.memref_slice %arg6[%dma_start3A_1447, %dma_start3A_1456, %dma_start3A_1457] : memref<4x16x1536xf32, #tpu.memory_space<vmem>> -> memref<1x16x1536xf32, #tpu.memory_space<vmem>>
    %dma_start3A_1459 = tpu.memref_squeeze %dma_start3A_1458 : memref<1x16x1536xf32, #tpu.memory_space<vmem>> -> memref<16x1536xf32, #tpu.memory_space<vmem>>
    tpu.enqueue_dma source(%dma_start3A_1459 : memref<16x1536xf32, #tpu.memory_space<vmem>>) target(%dma_start3A_1455 : memref<16x1536xf32, #tpu.memory_space<hbm>>) target_semaphore(%arg8 : memref<!tpu.dma_semaphore, #tpu.memory_space<semaphore_mem>>)
    %dma_wait3A_1460 = arith.constant 3 : i32
    %dma_wait3A_1461 = arith.constant 0 : i32
    %dma_wait3A_1462 = arith.constant 0 : i32
    %dma_wait3A_1463 = tpu.memref_slice %arg6[%dma_wait3A_1460, %dma_wait3A_1461, %dma_wait3A_1462] : memref<4x16x1536xf32, #tpu.memory_space<vmem>> -> memref<1x16x1536xf32, #tpu.memory_space<vmem>>
    %dma_wait3A_1464 = tpu.memref_squeeze %dma_wait3A_1463 : memref<1x16x1536xf32, #tpu.memory_space<vmem>> -> memref<16x1536xf32, #tpu.memory_space<vmem>>
    %dma_wait3A_1465 = arith.constant 496 : i32
    %dma_wait3A_1466 = tpu.memref_slice %arg5[%dma_wait3A_1465] : memref<512xi32, #tpu.memory_space<vmem>> -> memref<16xi32, #tpu.memory_space<vmem>>
    %dma_wait3A_1467 = arith.constant 0 : i32
    %dma_wait3A_1468 = arith.constant 0 : i32
    %dma_wait3A_1469 = tpu.memref_slice %arg2[%dma_wait3A_1467, %dma_wait3A_1468] : memref<151936x1536xf32, #tpu.memory_space<hbm>> -> memref<151936x1536xf32, #tpu.memory_space<hbm>>
    tpu.wait_indirect_dma semaphore(%arg7 : memref<!tpu.dma_semaphore, #tpu.memory_space<semaphore_mem>>) src(%dma_wait3A_1469 : memref<151936x1536xf32, #tpu.memory_space<hbm>>) dst(%dma_wait3A_1464 : memref<16x1536xf32, #tpu.memory_space<vmem>>)
    %add3A_1470 = arith.constant 496 : i32
    %add3A_1471 = arith.addi %mul3A_2, %add3A_1470 : i32
    %dma_start3A_1472 = arith.constant 3 : i32
    %dma_start3A_1473 = arith.constant 0 : i32
    %dma_start3A_1474 = arith.constant 0 : i32
    %dma_start3A_1475 = tpu.memref_slice %arg6[%dma_start3A_1472, %dma_start3A_1473, %dma_start3A_1474] : memref<4x16x1536xf32, #tpu.memory_space<vmem>> -> memref<1x16x1536xf32, #tpu.memory_space<vmem>>
    %dma_start3A_1476 = tpu.memref_squeeze %dma_start3A_1475 : memref<1x16x1536xf32, #tpu.memory_space<vmem>> -> memref<16x1536xf32, #tpu.memory_space<vmem>>
    %dma_start3A_1477 = arith.constant 0 : i32
    %dma_start3A_1478 = tpu.memref_slice %arg4[%add3A_1471, %dma_start3A_1477] : memref<16384x1536xf32, #tpu.memory_space<hbm>> -> memref<16x1536xf32, #tpu.memory_space<hbm>>
    %dma_start3A_1479 = arith.constant 0 : i32
    %dma_start3A_1480 = tpu.memref_slice %arg4[%add3A_1471, %dma_start3A_1479] : memref<16384x1536xf32, #tpu.memory_space<hbm>> -> memref<16x1536xf32, #tpu.memory_space<hbm>>
    %dma_start3A_1481 = arith.constant 0 : i32
    %dma_start3A_1482 = arith.constant 0 : i32
    %dma_start3A_1483 = tpu.memref_slice %arg6[%dma_start3A_1472, %dma_start3A_1481, %dma_start3A_1482] : memref<4x16x1536xf32, #tpu.memory_space<vmem>> -> memref<1x16x1536xf32, #tpu.memory_space<vmem>>
    %dma_start3A_1484 = tpu.memref_squeeze %dma_start3A_1483 : memref<1x16x1536xf32, #tpu.memory_space<vmem>> -> memref<16x1536xf32, #tpu.memory_space<vmem>>
    tpu.enqueue_dma source(%dma_start3A_1484 : memref<16x1536xf32, #tpu.memory_space<vmem>>) target(%dma_start3A_1480 : memref<16x1536xf32, #tpu.memory_space<hbm>>) target_semaphore(%arg8 : memref<!tpu.dma_semaphore, #tpu.memory_space<semaphore_mem>>)
    %dma_wait3A_1485 = arith.constant 0 : i32
    %dma_wait3A_1486 = arith.constant 0 : i32
    %dma_wait3A_1487 = arith.constant 0 : i32
    %dma_wait3A_1488 = tpu.memref_slice %arg6[%dma_wait3A_1485, %dma_wait3A_1486, %dma_wait3A_1487] : memref<4x16x1536xf32, #tpu.memory_space<vmem>> -> memref<1x16x1536xf32, #tpu.memory_space<vmem>>
    %dma_wait3A_1489 = tpu.memref_squeeze %dma_wait3A_1488 : memref<1x16x1536xf32, #tpu.memory_space<vmem>> -> memref<16x1536xf32, #tpu.memory_space<vmem>>
    %dma_wait3A_1490 = arith.constant 0 : i32
    %dma_wait3A_1491 = tpu.memref_slice %arg4[%add3A_1350, %dma_wait3A_1490] : memref<16384x1536xf32, #tpu.memory_space<hbm>> -> memref<16x1536xf32, #tpu.memory_space<hbm>>
    %dma_wait3A_1492 = arith.constant 0 : i32
    %dma_wait3A_1493 = tpu.memref_slice %arg4[%add3A_1350, %dma_wait3A_1492] : memref<16384x1536xf32, #tpu.memory_space<hbm>> -> memref<16x1536xf32, #tpu.memory_space<hbm>>
    %dma_wait3A_1494 = arith.constant 0 : i32
    %dma_wait3A_1495 = arith.constant 0 : i32
    %dma_wait3A_1496 = tpu.memref_slice %arg6[%dma_wait3A_1485, %dma_wait3A_1494, %dma_wait3A_1495] : memref<4x16x1536xf32, #tpu.memory_space<vmem>> -> memref<1x16x1536xf32, #tpu.memory_space<vmem>>
    %dma_wait3A_1497 = tpu.memref_squeeze %dma_wait3A_1496 : memref<1x16x1536xf32, #tpu.memory_space<vmem>> -> memref<16x1536xf32, #tpu.memory_space<vmem>>
    tpu.wait_dma2 semaphore(%arg8 : memref<!tpu.dma_semaphore, #tpu.memory_space<semaphore_mem>>) src(%dma_wait3A_1497 : memref<16x1536xf32, #tpu.memory_space<vmem>>) dst(%dma_wait3A_1493 : memref<16x1536xf32, #tpu.memory_space<hbm>>)
    %dma_wait3A_1498 = arith.constant 1 : i32
    %dma_wait3A_1499 = arith.constant 0 : i32
    %dma_wait3A_1500 = arith.constant 0 : i32
    %dma_wait3A_1501 = tpu.memref_slice %arg6[%dma_wait3A_1498, %dma_wait3A_1499, %dma_wait3A_1500] : memref<4x16x1536xf32, #tpu.memory_space<vmem>> -> memref<1x16x1536xf32, #tpu.memory_space<vmem>>
    %dma_wait3A_1502 = tpu.memref_squeeze %dma_wait3A_1501 : memref<1x16x1536xf32, #tpu.memory_space<vmem>> -> memref<16x1536xf32, #tpu.memory_space<vmem>>
    %dma_wait3A_1503 = arith.constant 0 : i32
    %dma_wait3A_1504 = tpu.memref_slice %arg4[%add3A_1398, %dma_wait3A_1503] : memref<16384x1536xf32, #tpu.memory_space<hbm>> -> memref<16x1536xf32, #tpu.memory_space<hbm>>
    %dma_wait3A_1505 = arith.constant 0 : i32
    %dma_wait3A_1506 = tpu.memref_slice %arg4[%add3A_1398, %dma_wait3A_1505] : memref<16384x1536xf32, #tpu.memory_space<hbm>> -> memref<16x1536xf32, #tpu.memory_space<hbm>>
    %dma_wait3A_1507 = arith.constant 0 : i32
    %dma_wait3A_1508 = arith.constant 0 : i32
    %dma_wait3A_1509 = tpu.memref_slice %arg6[%dma_wait3A_1498, %dma_wait3A_1507, %dma_wait3A_1508] : memref<4x16x1536xf32, #tpu.memory_space<vmem>> -> memref<1x16x1536xf32, #tpu.memory_space<vmem>>
    %dma_wait3A_1510 = tpu.memref_squeeze %dma_wait3A_1509 : memref<1x16x1536xf32, #tpu.memory_space<vmem>> -> memref<16x1536xf32, #tpu.memory_space<vmem>>
    tpu.wait_dma2 semaphore(%arg8 : memref<!tpu.dma_semaphore, #tpu.memory_space<semaphore_mem>>) src(%dma_wait3A_1510 : memref<16x1536xf32, #tpu.memory_space<vmem>>) dst(%dma_wait3A_1506 : memref<16x1536xf32, #tpu.memory_space<hbm>>)
    %dma_wait3A_1511 = arith.constant 2 : i32
    %dma_wait3A_1512 = arith.constant 0 : i32
    %dma_wait3A_1513 = arith.constant 0 : i32
    %dma_wait3A_1514 = tpu.memref_slice %arg6[%dma_wait3A_1511, %dma_wait3A_1512, %dma_wait3A_1513] : memref<4x16x1536xf32, #tpu.memory_space<vmem>> -> memref<1x16x1536xf32, #tpu.memory_space<vmem>>
    %dma_wait3A_1515 = tpu.memref_squeeze %dma_wait3A_1514 : memref<1x16x1536xf32, #tpu.memory_space<vmem>> -> memref<16x1536xf32, #tpu.memory_space<vmem>>
    %dma_wait3A_1516 = arith.constant 0 : i32
    %dma_wait3A_1517 = tpu.memref_slice %arg4[%add3A_1446, %dma_wait3A_1516] : memref<16384x1536xf32, #tpu.memory_space<hbm>> -> memref<16x1536xf32, #tpu.memory_space<hbm>>
    %dma_wait3A_1518 = arith.constant 0 : i32
    %dma_wait3A_1519 = tpu.memref_slice %arg4[%add3A_1446, %dma_wait3A_1518] : memref<16384x1536xf32, #tpu.memory_space<hbm>> -> memref<16x1536xf32, #tpu.memory_space<hbm>>
    %dma_wait3A_1520 = arith.constant 0 : i32
    %dma_wait3A_1521 = arith.constant 0 : i32
    %dma_wait3A_1522 = tpu.memref_slice %arg6[%dma_wait3A_1511, %dma_wait3A_1520, %dma_wait3A_1521] : memref<4x16x1536xf32, #tpu.memory_space<vmem>> -> memref<1x16x1536xf32, #tpu.memory_space<vmem>>
    %dma_wait3A_1523 = tpu.memref_squeeze %dma_wait3A_1522 : memref<1x16x1536xf32, #tpu.memory_space<vmem>> -> memref<16x1536xf32, #tpu.memory_space<vmem>>
    tpu.wait_dma2 semaphore(%arg8 : memref<!tpu.dma_semaphore, #tpu.memory_space<semaphore_mem>>) src(%dma_wait3A_1523 : memref<16x1536xf32, #tpu.memory_space<vmem>>) dst(%dma_wait3A_1519 : memref<16x1536xf32, #tpu.memory_space<hbm>>)
    %dma_wait3A_1524 = arith.constant 3 : i32
    %dma_wait3A_1525 = arith.constant 0 : i32
    %dma_wait3A_1526 = arith.constant 0 : i32
    %dma_wait3A_1527 = tpu.memref_slice %arg6[%dma_wait3A_1524, %dma_wait3A_1525, %dma_wait3A_1526] : memref<4x16x1536xf32, #tpu.memory_space<vmem>> -> memref<1x16x1536xf32, #tpu.memory_space<vmem>>
    %dma_wait3A_1528 = tpu.memref_squeeze %dma_wait3A_1527 : memref<1x16x1536xf32, #tpu.memory_space<vmem>> -> memref<16x1536xf32, #tpu.memory_space<vmem>>
    %dma_wait3A_1529 = arith.constant 0 : i32
    %dma_wait3A_1530 = tpu.memref_slice %arg4[%add3A_1471, %dma_wait3A_1529] : memref<16384x1536xf32, #tpu.memory_space<hbm>> -> memref<16x1536xf32, #tpu.memory_space<hbm>>
    %dma_wait3A_1531 = arith.constant 0 : i32
    %dma_wait3A_1532 = tpu.memref_slice %arg4[%add3A_1471, %dma_wait3A_1531] : memref<16384x1536xf32, #tpu.memory_space<hbm>> -> memref<16x1536xf32, #tpu.memory_space<hbm>>
    %dma_wait3A_1533 = arith.constant 0 : i32
    %dma_wait3A_1534 = arith.constant 0 : i32
    %dma_wait3A_1535 = tpu.memref_slice %arg6[%dma_wait3A_1524, %dma_wait3A_1533, %dma_wait3A_1534] : memref<4x16x1536xf32, #tpu.memory_space<vmem>> -> memref<1x16x1536xf32, #tpu.memory_space<vmem>>
    %dma_wait3A_1536 = tpu.memref_squeeze %dma_wait3A_1535 : memref<1x16x1536xf32, #tpu.memory_space<vmem>> -> memref<16x1536xf32, #tpu.memory_space<vmem>>
    tpu.wait_dma2 semaphore(%arg8 : memref<!tpu.dma_semaphore, #tpu.memory_space<semaphore_mem>>) src(%dma_wait3A_1536 : memref<16x1536xf32, #tpu.memory_space<vmem>>) dst(%dma_wait3A_1532 : memref<16x1536xf32, #tpu.memory_space<hbm>>)
    return
  }
}

</mosaic_0001>

<sc_bundles>
// kernel: _gather.3.cloned.1.call-start
scs
__scs_entry_jumppad:
0x0: {  	(pc) =	sbr.rel $0x88, $3  }
0x1: {  	(tag) =	ssettag $0x0;
	lr =	simm.s32 $0x1  }
0x2: {  	[smem:$0x3F9F] =	sst lr;
	_ =	strace $0xD0000000  }
0x3: {  	_ = 	snop  }
0x4: {  	_ = 	snop  }
0x5: {  	_ = 	snop  }
0x6: {  	_ = 	snop  }
0x7: {  	_ = 	snop  }
__scs_overlays_trampoline_lowered:
0x8: {  	[smem:$0x3FAE] =	sst s0  }
0x9: {  	[smem:$0x3FAF] =	sst s1  }
0xa: {  	[smem:$0x3FB0] =	sst s2  }
0xb: {  	[smem:$0x3FB1] =	sst s3  }
0xc: {  	[smem:$0x3FB2] =	sst s4  }
0xd: {  	[smem:$0x3FB3] =	sst s5  }
0xe: {  	[smem:$0x3FB4] =	sst s6  }
0xf: {  	[smem:$0x3FB5] =	sst s7  }
0x10: {  	[smem:$0x3FB6] =	sst s8  }
0x11: {  	[smem:$0x3FB7] =	sst s9;
	s0 =	simm.s32 @!p0 $0x0  }
0x12: {  	s1 =	sld [smem:$0x3F9D];
	s0 =	simm.s32 @p0 $0x1  }
0x13: {  	[smem:$0x3FB8] =	sst s0;
	s0 =	simm.s32 @!p1 $0x0  }
0x14: {  	s2 =	sld [smem:$0x3F9C];
	s0 =	simm.s32 @p1 $0x1  }
0x15: {  	[smem:$0x3FB9] =	sst s0;
	s0 =	simm.s32 @!p2 $0x0  }
0x16: {  	s3 =	sld [smem:$0x3FDB];
	s0 =	simm.s32 @p2 $0x1  }
0x17: {  	s4 =	simm.s32 $0x1BF5;
	[smem:$0x3FBB] =	sst s0  }
0x18: {  	s0 =	sld [smem:$0x3F9E];
	_ =	swait.ge [sflag:s4], $0x0  }
0x19: {  	s7 =	sld [smem:$0x3F9F]  }
0x1a: {  	s8 =	sadd.s32 $0xFFFFE003, lr  }
0x1b: {  	s9 =	sadd.s32 $0xFFFFFEF7, lr;
	s5 =	simm.s32 $0xFFFFFFFF;
	p2 =	slt.u32 s8, $0xFFFFF086  }
0x1c: {  	p1 =	slt.u32 s9, $0xF7A;
	s5 =	simm.s32 @!p2 $0x0  }
0x1d: {  	s5 =	simm.s32 @p1 $0x1;
	p0 =	seq.s32 s7, s2  }
0x1e: {  	s7 =	smul.u32 @!p0 $0xF7A, s2;
	p2 =	seq.s32 @!p0 s5, $0x0  }
0x1f: {  	s9 =	smul.u32 $0xF7A, s1;
	s8 =	simm.s32 @!p0 $0x1BF5;
	p2 =	por !p2, p0  }
0x20: {  	[sflag:s8] =	ssyncset.s32 @!p0 $0xFFFFF086;
	s6 =	sadd.s32 @!p0 s3, s7;
	s7 =	simm.s32 @!p0 $0x108  }
0x21: {  	s3 =	sadd.s32 s3, s9;
	s6 =	sadd.s32 @!p0 $0x88, s6;
	s7 =	simm.s32 @p2 $0x1082  }
0x22: {  	[simem:s7], [sflag:s8] =	dma.local @!p0 [hbm:s6], $0xF7A  }
0x23: {  	s9 =	sor.u32 $0xD0000000, s2;
	s6 =	simm.s32 $0x108;
	_ =	swait.ge @!p0 [sflag:s8], $0x0  }
0x24: {  	s3 =	sadd.s32 $0x88, s3;
	s6 =	simm.s32 @!p1 $0x1082;
	[sflag:s4] =	ssyncset.s32 $0xFFFFF086  }
0x25: {  	[simem:s6], [sflag:s4] =	dma.local [hbm:s3], $0xF7A  }
0x26: {  	[smem:$0x3F9F] =	sst s1;
	(tag) =	ssettag s2;
	_ =	strace s9  }
0x27: {  	s1 =	sld [smem:$0x3FAF]  }
0x28: {  	s2 =	sld [smem:$0x3FB0]  }
0x29: {  	s4 =	sld [smem:$0x3FB2]  }
0x2a: {  	p0 =	seq.s32 s5, $0x0;
	s5 =	sld [smem:$0x3FB3]  }
0x2b: {  	s6 =	sld [smem:$0x3FB4]  }
0x2c: {  	s7 =	sld [smem:$0x3FB5]  }
0x2d: {  	s3 =	simm.s32 $0x108;
	s8 =	sld [smem:$0x3FB6]  }
0x2e: {  	s3 =	simm.s32 @!p0 $0x1082;
	s9 =	sld [smem:$0x3FB7]  }
0x2f: {  	lr =	sadd.s32 s0, s3;
	s0 =	sld [smem:$0x3FAE]  }
0x30: {  	s3 =	sld [smem:$0x3FB1]  }
0x31: {  	[smem:$0x3FBA] =	sst s10  }
0x32: {  	s10 =	sld [smem:$0x3FB8];
	_ =	sdelay $0x3  }
0x33: {  	p0 =	seq.s32 s10, $0x1;
	s10 =	sld [smem:$0x3FBA];
	_ =	sdelay $0x3  }
0x34: {  	[smem:$0x3FBA] =	sst s10  }
0x35: {  	s10 =	sld [smem:$0x3FB9];
	_ =	sdelay $0x3  }
0x36: {  	p1 =	seq.s32 s10, $0x1;
	s10 =	sld [smem:$0x3FBA];
	_ =	sdelay $0x3  }
0x37: {  	[smem:$0x3FBA] =	sst s10  }
0x38: {  	s10 =	sld [smem:$0x3FBB]  }
0x39: {  	_ = 	snop;
	(pc) =	sbr.ind lr, $3  }
0x3a: {  	_ = 	snop  }
0x3b: {  	_ = 	snop  }
0x3c: {  	p2 =	seq.s32 s10, $0x1;
	s10 =	sld [smem:$0x3FBA]  }
0x3d: {  	_ =	shalt  }
0x3e: {  	_ =	shalt  }
0x3f: {  	_ =	shalt  }
0x40: {  	_ =	shalt  }
0x41: {  	_ =	shalt  }
0x42: {  	_ =	shalt  }
0x43: {  	_ =	shalt  }
0x44: {  	_ =	shalt  }
0x45: {  	_ =	shalt  }
0x46: {  	_ =	shalt  }
0x47: {  	_ =	shalt  }
0x48: {  	_ =	shalt  }
0x49: {  	_ =	shalt  }
0x4a: {  	_ =	shalt  }
0x4b: {  	_ =	shalt  }
0x4c: {  	_ =	shalt  }
0x4d: {  	_ =	shalt  }
0x4e: {  	_ =	shalt  }
0x4f: {  	_ =	shalt  }
0x50: {  	_ =	shalt  }
0x51: {  	_ =	shalt  }
0x52: {  	_ =	shalt  }
0x53: {  	_ =	shalt  }
0x54: {  	_ =	shalt  }
0x55: {  	_ =	shalt  }
0x56: {  	_ =	shalt  }
0x57: {  	_ =	shalt  }
0x58: {  	_ =	shalt  }
0x59: {  	_ =	shalt  }
0x5a: {  	_ =	shalt  }
0x5b: {  	_ =	shalt  }
0x5c: {  	_ =	shalt  }
0x5d: {  	_ =	shalt  }
0x5e: {  	_ =	shalt  }
0x5f: {  	_ =	shalt  }
0x60: {  	_ =	shalt  }
0x61: {  	_ =	shalt  }
0x62: {  	_ =	shalt  }
0x63: {  	_ =	shalt  }
0x64: {  	_ =	shalt  }
0x65: {  	_ =	shalt  }
0x66: {  	_ =	shalt  }
0x67: {  	_ =	shalt  }
0x68: {  	_ =	shalt  }
0x69: {  	_ =	shalt  }
0x6a: {  	_ =	shalt  }
0x6b: {  	_ =	shalt  }
0x6c: {  	_ =	shalt  }
0x6d: {  	_ =	shalt  }
0x6e: {  	_ =	shalt  }
0x6f: {  	_ =	shalt  }
0x70: {  	_ =	shalt  }
0x71: {  	_ =	shalt  }
0x72: {  	_ =	shalt  }
0x73: {  	_ =	shalt  }
0x74: {  	_ =	shalt  }
0x75: {  	_ =	shalt  }
0x76: {  	_ =	shalt  }
0x77: {  	_ =	shalt  }
0x78: {  	_ =	shalt  }
0x79: {  	_ =	shalt  }
0x7a: {  	_ =	shalt  }
0x7b: {  	_ =	shalt  }
0x7c: {  	_ =	shalt  }
0x7d: {  	_ =	shalt  }
0x7e: {  	_ =	shalt  }
0x7f: {  	_ =	shalt  }
0x80: {  	_ =	shalt  }
0x81: {  	_ =	shalt  }
0x82: {  	_ =	shalt  }
0x83: {  	_ =	shalt  }
0x84: {  	_ =	shalt  }
0x85: {  	_ =	shalt  }
0x86: {  	_ =	shalt  }
0x87: {  	_ =	shalt  }
.Lfunc_end0:
.L_simem_size_0:
called_computation_lowered:
.L_overlay_start_0:
0x88: {  	s2 =	sld [smem:$0x3FD9]  }
0x89: {  	s3 =	sld [smem:$0x3FFE];
	_ =	sdelay $0x1  }
0x8a: {  	s1 =	srdreg.scid  }
0x8b: {  	s0 =	sand.u32 $0x1, s1  }
0x8c: {  	s18 =	sshll.u32 s0, $0xA;
	s2 =	sadd.s32 s3, s2  }
0x8d: {  	s2 =	sadd.s32 s2, s18  }
0x8e: {  	[smem:$0x3FC6] =	sst s2  }
0x8f: {  	_ = 	snop  }
0x90: {  	s2 =	sld [smem:$0x3FC9]  }
0x91: {  	s19 =	sld [smem:$0x3FC8]  }
0x92: {  	s4 =	sld [smem:$0x3FD0];
	(tm) =	ssettm $0x1  }
0x93: {  	s5 =	sld [smem:$0x3FFB];
	_ =	sdelay $0x3  }
0x94: {  	_ =	strace s5  }
0x95: {  	s5 =	sld [smem:$0x3FFC];
	_ =	sdelay $0x3  }
0x96: {  	_ =	strace s5  }
0x97: {  	s5 =	sld [smem:$0x3FFD];
	_ =	sdelay $0x3  }
0x98: {  	_ =	strace s5  }
0x99: {  	_ =	strace $0x8FFFFFFF  }
0x9a: {  	s20 =	sld [smem:$0x3FDB];
	_ =	sdelay $0x1  }
0x9b: {  	s6 =	simm.s32 $_scs_section_size  }
0x9c: {  	s7 =	simm.s32 $_size__tile_overlayer_lowered;
	s8 =	simm.s32 $_tile_overlayer_lowered  }
0x9d: {  	s23 =	simm.s32 $0x1BFF;
	s22 =	sshll.u32 s8, $0x1;
	s5 =	sadd.s32 s6, s20  }
0x9e: {  	s9 =	simm.s32 $0x0;
	s21 =	sshll.u32 s7, $0x1;
	s7 =	sadd.s32 s22, s5  }
0x9f: {  	[timem:s9], [sflag:s23] =	dma.local [hbm:s7], s21  }
0xa0: {  	_ =	swait.ge [sflag:s23], s21  }
0xa1: {  	s6 =	ssub.s32 $0x0, s21;
	[sflag:s23] =	ssyncset.done $0x0  }
0xa2: {  	[sflag:s23] =	ssyncadd.s32 s6;
	_ =	sdelay $0x1  }
0xa3: {  	s24 =	simm.s32 $0x1B8B  }
0xa4: {  	_ =	swait.ge [sflag:s24], $0x1  }
0xa5: {  	[sflag:s24] =	ssyncset.done $0x0  }
0xa6: {  	s25 =	simm.s32 $0x1B8E;
	[sflag:s24] =	ssyncadd.s32 $0xFFFFFFFF  }
0xa7: {  	s26 =	simm.s32 $execute0_lowered;
	[smem:$0x3FD2] =	sst s25  }
0xa8: {  	s6 =	sshll.u32 s26, $0x1;
	_ =	strace $0x80000046;
	[dreg:$0x1] =	wrdreg $0xFFFFFFFF  }
0xa9: {  	s28 =	simm.s32 $_size_execute0_lowered;
	s5 =	sadd.s32 s5, s6;
	[dreg:$0x0] =	wrdreg $0x0  }
0xaa: {  	s6 =	sshll.u32 s28, $0x1;
	[dreg:$0x2] =	wrdreg s5  }
0xab: {  	[dreg:$0x3] =	wrdreg s6  }
0xac: {  	[dreg:$0x4] =	wrdreg $0xC0  }
0xad: {  	_ =	task [dreg:s9], $0x5FFFF  }
0xae: {  	[dreg:$0x1] =	wrdreg $0xFFFFFFFF  }
0xaf: {  	[dreg:$0x0] =	wrdreg $0x60  }
0xb0: {  	[dreg:$0x2] =	wrdreg s2  }
0xb1: {  	[dreg:$0x3] =	wrdreg s19  }
0xb2: {  	[dreg:$0x4] =	wrdreg s4  }
0xb3: {  	[dreg:$0x5] =	wrdreg $0x9  }
0xb4: {  	_ =	task.clear_ibuf [dreg:s9], $0x6FFFF;
	_ =	strace $0x90000046  }
0xb5: {  	s29 =	simm.s32 $0x9;
	_ =	strace $0x80000048  }
0xb6: {  	_ =	swait.ge [sflag:s29], $0x1  }
0xb7: {  	[sflag:s29] =	ssyncadd.s32 $0xFFFFFFFF  }
0xb8: {  	_ =	strace $0x90000048  }
0xb9: {  	_ =	sfence  }
0xba: {  	s30 =	sld [smem:$0x0];
	_ =	sdelay $0x2  }
0xbb: {  	s31 =	sshll.u32 s1, $0xD;
	s1 =	sshrl.u32 s1, $0x2  }
0xbc: {  	s3 =	sand.u32 $0x4000, s31;
	s1 =	sadd.s32 s1, s30  }
0xbd: {  	s0 =	sor.u32 s3, s0;
	s1 =	sshll.u32 s1, $0x11  }
0xbe: {  	s0 =	sor.u32 s1, s0  }
0xbf: {  	s0 =	sadd.s32 $0x8F2B, s0  }
0xc0: {  	[sflag:s0] =	ssyncadd.remote.s32 $0x1  }
0xc1: {  	_ =	sfence.sel $0xFFFF  }
0xc2: {  	[dreg:$0x0] =	wrdreg $0xFFFFFFFF;
	(pc) =	sbr.abs _section_cstart, $3  }
0xc3: {  	[dreg:$0x1] =	wrdreg $0xFFFFFFFF  }
0xc4: {  	_ =	task.clear_ibuf [dreg:s9], $0x2FFFF;
	_ =	strace $0x9FFFFFFF  }
0xc5: {  	(tm) =	ssettm $0x7FFFFFFF  }
tec
execute0_lowered:
.L_overlay_start_1:
0x0: {  	(tag) =	ssettag $0x1  }
0x1: {  	s0 =	srdreg.scid  }
0x2: {  	s3 =	stileid.u32;
	s0 =	sand.u32 $0x1, s0  }
0x3: {  	s1 =	rddreg [dreg:$0x0];
	s3 =	sshll.u32 s3, $0x7;
	s4 =	sshll.u32 s0, $0x6  }
0x4: {  	s2 =	rddreg [dreg:$0x1];
	s4 =	sor.u32 s4, s3  }
0x5: {  	s5 =	rddreg [dreg:$0x2];
	s3 =	simm.s32 $0x0;
	s6 =	smul.u32 $0x600, s4  }
0x6: {  	[smem:$0x7FF] =	sst s3;
	s2 =	sadd.s32 s2, s4  }
0x7: {  	_ =	strace $0x80000047;
	[dreg:$0x4] =	wrdreg s2;
	s6 =	sadd.s32 s5, s6  }
0x8: {  	s23 =	sadd.s32 $0xC00, s6;
	[smem:$0x7F9] =	sst s6  }
0x9: {  	s24 =	sadd.s32 $0x1800, s6;
	[dreg:$0x5] =	wrdreg s23  }
0xa: {  	s25 =	sadd.s32 $0x2400, s6;
	[dreg:$0x6] =	wrdreg s24  }
0xb: {  	s26 =	sadd.s32 $0x3000, s6;
	[dreg:$0x7] =	wrdreg s25  }
0xc: {  	s28 =	sadd.s32 $0x3C00, s6;
	[dreg:$0x8] =	wrdreg s26  }
0xd: {  	s29 =	sadd.s32 $0x4800, s6;
	[dreg:$0x9] =	wrdreg s28  }
0xe: {  	s4 =	smul.u32 $0x3000, s4;
	s30 =	sadd.s32 $0x5400, s6;
	[dreg:$0xa] =	wrdreg s29  }
0xf: {  	s31 =	sadd.s32 $0x6000, s6;
	[dreg:$0xb] =	wrdreg s30  }
0x10: {  	s4 =	sshrl.u32 s4, $0x3;
	s7 =	sadd.s32 $0x6C00, s6;
	[dreg:$0xc] =	wrdreg s31  }
0x11: {  	s8 =	sadd.s32 $0x7800, s6;
	s4 =	sadd.s32 s5, s4;
	[dreg:$0xd] =	wrdreg s7  }
0x12: {  	[dreg:$0xe] =	wrdreg s8;
	s9 =	sadd.s32 $0x8400, s4  }
0x13: {  	s10 =	sadd.s32 $0x9000, s4;
	[dreg:$0xf] =	wrdreg s9  }
0x14: {  	s11 =	sadd.s32 $0x9C00, s4;
	[dreg:$0x10] =	wrdreg s10  }
0x15: {  	s12 =	sadd.s32 $0xA800, s4;
	[dreg:$0x11] =	wrdreg s11  }
0x16: {  	s13 =	sadd.s32 $0xB400, s4;
	[dreg:$0x12] =	wrdreg s12  }
0x17: {  	s14 =	sadd.s32 $0xC000, s4;
	[dreg:$0x13] =	wrdreg s13  }
0x18: {  	s15 =	sadd.s32 $0xCC00, s4;
	[dreg:$0x14] =	wrdreg s14  }
0x19: {  	s16 =	sadd.s32 $0xD800, s4;
	[dreg:$0x15] =	wrdreg s15  }
0x1a: {  	s17 =	sadd.s32 $0xE400, s4;
	[dreg:$0x16] =	wrdreg s16  }
0x1b: {  	s18 =	sadd.s32 $0xF000, s4;
	[dreg:$0x17] =	wrdreg s17  }
0x1c: {  	s19 =	sadd.s32 $0xFC00, s4;
	[dreg:$0x18] =	wrdreg s18  }
0x1d: {  	s20 =	sadd.s32 $0x10800, s4;
	[dreg:$0x19] =	wrdreg s19  }
0x1e: {  	s21 =	sadd.s32 $0x11400, s4;
	[dreg:$0x1a] =	wrdreg s20  }
0x1f: {  	s22 =	sadd.s32 $0x12000, s4;
	[dreg:$0x1b] =	wrdreg s21  }
0x20: {  	s23 =	sadd.s32 $0x12C00, s4;
	[dreg:$0x1c] =	wrdreg s22  }
0x21: {  	s0 =	ssub.s32 $0x2, s0;
	s25 =	sadd.s32 $0x13800, s4;
	[dreg:$0x1d] =	wrdreg s23  }
0x22: {  	s5 =	sadd.s32 $0x100, s1;
	s26 =	sadd.s32 $0x14400, s4;
	[dreg:$0x1e] =	wrdreg s25  }
0x23: {  	s6 =	sadd.s32 $0x200, s1;
	s28 =	sadd.s32 $0x15000, s4;
	[dreg:$0x1f] =	wrdreg s26  }
0x24: {  	s24 =	sshrl.u32 s0, $0x1;
	s29 =	sadd.s32 $0x15C00, s4;
	[smem:$0x7FA] =	sst s28  }
0x25: {  	s7 =	sadd.s32 $0x300, s1;
	s30 =	sadd.s32 $0x16800, s4;
	[smem:$0x7FB] =	sst s29  }
0x26: {  	v2 =	vlaneseq.u32;
	s8 =	sadd.s32 $0x400, s1;
	s31 =	sadd.s32 $0x17400, s4;
	[smem:$0x7FC] =	sst s30  }
0x27: {  	vm0 =	vmmov $0xffff;
	v1 =	vshrl.u32 v2, $0x3;
	s0 =	ssub.s32 s0, s24;
	s9 =	sadd.s32 $0x500, s1;
	[smem:$0x7FD] =	sst s31  }
0x28: {  	v0 =	vand.u32 $0x7, v2;
	v2 =	vor.u32 $0x8, v2;
	v1 =	vmul.u32 $0x8, v1;
	s14 =	simm.s32 $0x1;
	s20 =	simm.s32 $0x2;
	s0 =	smax.u32 s0, $0x1  }
.LBB2_1:
0x29: {  	[smem:$0x7F8] =	sst s0  }
0x2a: {  	s21 =	rddreg [dreg:$0x4];
	s17 =	simm.s32 $0x3  }
0x2b: {  	[tilespmem:s3], [sflag:$0x3] =	stream.linear.gather [hbm4b:s21+s3], $0x200, $0x38;
	[tilespmem:$0x18200] =	vst v63  }
0x2c: {  	_ =	swait.ge [sflag:s17], $0x200  }
0x2d: {  	[sflag:s17] =	ssyncset.done $0x0  }
0x2e: {  	[sflag:s17] =	ssyncadd.s32 $0xFFFFFE00  }
0x2f: {  	v3 =	vld [tilespmem:$0x0];
	_ =	sdelay $0x4  }
0x30: {  	v4 =	vshrl.u32 v3, $0x3  }
0x31: {  	v4 =	vmul.u32 $0x60, v4  }
0x32: {  	v3 =	vand.u32 $0x7, v3  }
0x33: {  	v3 =	vor.u32 v3, v4  }
0x34: {  	v4 =	vperm.xlane v3, v0;
	_ =	sdelay $0x1  }
0x35: {  	v4 =	vadd.s32 v1, v4;
	_ =	sdelay $0x3  }
0x36: {  	s18 =	simm.s32 $0x200  }
0x37: {  	[tilespmem:s18], [sflag:$0x1] =	stream.indirect_vreg.gather [hbm4b:s1+s3], $0x80, v4, vm0, $0xb8;
	[tilespmem:$0x18200] =	vst v63  }
0x38: {  	s19 =	simm.s32 $0xA00  }
0x39: {  	[tilespmem:s19], [sflag:$0x1] =	stream.indirect_vreg.gather [hbm4b:s5+s3], $0x80, v4, vm0, $0xb8;
	[tilespmem:$0x18200] =	vst v63  }
0x3a: {  	s21 =	simm.s32 $0x1200  }
0x3b: {  	[tilespmem:s21], [sflag:$0x1] =	stream.indirect_vreg.gather [hbm4b:s6+s3], $0x80, v4, vm0, $0xb8;
	[tilespmem:$0x18200] =	vst v63  }
0x3c: {  	s22 =	simm.s32 $0x1A00;
	v3 =	vperm.xlane v3, v2  }
0x3d: {  	[tilespmem:s22], [sflag:$0x1] =	stream.indirect_vreg.gather [hbm4b:s7+s3], $0x80, v4, vm0, $0xb8;
	[tilespmem:$0x18200] =	vst v63  }
0x3e: {  	s23 =	simm.s32 $0x2200;
	v3 =	vadd.s32 v1, v3  }
0x3f: {  	[tilespmem:s23], [sflag:$0x1] =	stream.indirect_vreg.gather [hbm4b:s8+s3], $0x80, v4, vm0, $0xb8;
	[tilespmem:$0x18200] =	vst v63  }
0x40: {  	s24 =	simm.s32 $0x2A00  }
0x41: {  	[tilespmem:s24], [sflag:$0x1] =	stream.indirect_vreg.gather [hbm4b:s9+s3], $0x80, v4, vm0, $0xb8;
	[tilespmem:$0x18200] =	vst v63  }
0x42: {  	s25 =	simm.s32 $0x3200  }
0x43: {  	[tilespmem:s25], [sflag:$0x1] =	stream.indirect_vreg.gather [hbm4b:s1+s3], $0x80, v3, vm0, $0xb8;
	[tilespmem:$0x18200] =	vst v63  }
0x44: {  	s26 =	simm.s32 $0x3A00  }
0x45: {  	[tilespmem:s26], [sflag:$0x1] =	stream.indirect_vreg.gather [hbm4b:s5+s3], $0x80, v3, vm0, $0xb8;
	[tilespmem:$0x18200] =	vst v63  }
0x46: {  	s28 =	simm.s32 $0x4200  }
0x47: {  	[tilespmem:s28], [sflag:$0x1] =	stream.indirect_vreg.gather [hbm4b:s6+s3], $0x80, v3, vm0, $0xb8;
	[tilespmem:$0x18200] =	vst v63  }
0x48: {  	s29 =	simm.s32 $0x4A00  }
0x49: {  	[tilespmem:s29], [sflag:$0x1] =	stream.indirect_vreg.gather [hbm4b:s7+s3], $0x80, v3, vm0, $0xb8;
	[tilespmem:$0x18200] =	vst v63  }
0x4a: {  	s30 =	simm.s32 $0x5200  }
0x4b: {  	[tilespmem:s30], [sflag:$0x1] =	stream.indirect_vreg.gather [hbm4b:s8+s3], $0x80, v3, vm0, $0xb8;
	[tilespmem:$0x18200] =	vst v63  }
0x4c: {  	s31 =	simm.s32 $0x5A00  }
0x4d: {  	[tilespmem:s31], [sflag:$0x1] =	stream.indirect_vreg.gather [hbm4b:s9+s3], $0x80, v3, vm0, $0xb8;
	[tilespmem:$0x18200] =	vst v63  }
0x4e: {  	v3 =	vld [tilespmem:$0x10];
	_ =	sdelay $0x4  }
0x4f: {  	v33 =	vshrl.u32 v3, $0x3  }
0x50: {  	v4 =	vmul.u32 $0x60, v33  }
0x51: {  	v3 =	vand.u32 $0x7, v3  }
0x52: {  	v3 =	vor.u32 v3, v4  }
0x53: {  	v4 =	vperm.xlane v3, v0;
	_ =	sdelay $0x1  }
0x54: {  	v4 =	vadd.s32 v1, v4;
	_ =	sdelay $0x3  }
0x55: {  	s4 =	simm.s32 $0x6200  }
0x56: {  	[tilespmem:s4], [sflag:$0x1] =	stream.indirect_vreg.gather [hbm4b:s1+s3], $0x80, v4, vm0, $0xb8;
	[tilespmem:$0x18200] =	vst v63  }
0x57: {  	s10 =	simm.s32 $0x6A00  }
0x58: {  	[tilespmem:s10], [sflag:$0x1] =	stream.indirect_vreg.gather [hbm4b:s5+s3], $0x80, v4, vm0, $0xb8;
	[tilespmem:$0x18200] =	vst v63  }
0x59: {  	s11 =	simm.s32 $0x7200  }
0x5a: {  	[tilespmem:s11], [sflag:$0x1] =	stream.indirect_vreg.gather [hbm4b:s6+s3], $0x80, v4, vm0, $0xb8;
	[tilespmem:$0x18200] =	vst v63  }
0x5b: {  	s13 =	simm.s32 $0x7A00;
	v3 =	vperm.xlane v3, v2  }
0x5c: {  	[tilespmem:s13], [sflag:$0x1] =	stream.indirect_vreg.gather [hbm4b:s7+s3], $0x80, v4, vm0, $0xb8;
	[tilespmem:$0x18200] =	vst v63  }
0x5d: {  	s19 =	simm.s32 $0x8200;
	v3 =	vadd.s32 v1, v3  }
0x5e: {  	[tilespmem:s19], [sflag:$0x1] =	stream.indirect_vreg.gather [hbm4b:s8+s3], $0x80, v4, vm0, $0xb8;
	[tilespmem:$0x18200] =	vst v63  }
0x5f: {  	s21 =	simm.s32 $0x8A00  }
0x60: {  	[tilespmem:s21], [sflag:$0x1] =	stream.indirect_vreg.gather [hbm4b:s9+s3], $0x80, v4, vm0, $0xb8;
	[tilespmem:$0x18200] =	vst v63  }
0x61: {  	s22 =	simm.s32 $0x9200  }
0x62: {  	[tilespmem:s22], [sflag:$0x1] =	stream.indirect_vreg.gather [hbm4b:s1+s3], $0x80, v3, vm0, $0xb8;
	[tilespmem:$0x18200] =	vst v63  }
0x63: {  	s24 =	simm.s32 $0x9A00  }
0x64: {  	[tilespmem:s24], [sflag:$0x1] =	stream.indirect_vreg.gather [hbm4b:s5+s3], $0x80, v3, vm0, $0xb8;
	[tilespmem:$0x18200] =	vst v63  }
0x65: {  	s25 =	simm.s32 $0xA200  }
0x66: {  	[tilespmem:s25], [sflag:$0x1] =	stream.indirect_vreg.gather [hbm4b:s6+s3], $0x80, v3, vm0, $0xb8;
	[tilespmem:$0x18200] =	vst v63  }
0x67: {  	s29 =	simm.s32 $0xAA00  }
0x68: {  	[tilespmem:s29], [sflag:$0x1] =	stream.indirect_vreg.gather [hbm4b:s7+s3], $0x80, v3, vm0, $0xb8;
	[tilespmem:$0x18200] =	vst v63  }
0x69: {  	s11 =	simm.s32 $0xB200  }
0x6a: {  	[tilespmem:s11], [sflag:$0x1] =	stream.indirect_vreg.gather [hbm4b:s8+s3], $0x80, v3, vm0, $0xb8;
	[tilespmem:$0x18200] =	vst v63  }
0x6b: {  	s13 =	simm.s32 $0xBA00  }
0x6c: {  	[tilespmem:s13], [sflag:$0x1] =	stream.indirect_vreg.gather [hbm4b:s9+s3], $0x80, v3, vm0, $0xb8;
	[tilespmem:$0x18200] =	vst v63  }
0x6d: {  	_ =	swait.ge [sflag:s14], $0x6000  }
0x6e: {  	s19 =	sld [smem:$0x7F9]  }
0x6f: {  	[sflag:s14] =	ssyncset.done $0x0  }
0x70: {  	s2 =	simm.s32 $0x200;
	[sflag:s14] =	ssyncadd.s32 $0xFFFFA000  }
0x71: {  	[hbm4b:s19+s3] =	stream.linear.scatter [tilespmem:s2], [sflag:$0x2], $0x6000, $0x38;
	[tilespmem:$0x18200] =	vst v63  }
0x72: {  	v3 =	vld [tilespmem:$0x20];
	_ =	sdelay $0x4  }
0x73: {  	v34 =	vshrl.u32 v3, $0x3  }
0x74: {  	v4 =	vmul.u32 $0x60, v34  }
0x75: {  	v3 =	vand.u32 $0x7, v3  }
0x76: {  	v3 =	vor.u32 v3, v4  }
0x77: {  	v4 =	vperm.xlane v3, v0;
	_ =	sdelay $0x1  }
0x78: {  	v4 =	vadd.s32 v1, v4;
	_ =	sdelay $0x3  }
0x79: {  	s21 =	simm.s32 $0xC200  }
0x7a: {  	[tilespmem:s21], [sflag:$0x1] =	stream.indirect_vreg.gather [hbm4b:s1+s3], $0x80, v4, vm0, $0xb8;
	[tilespmem:$0x18200] =	vst v63  }
0x7b: {  	s22 =	simm.s32 $0xCA00  }
0x7c: {  	[tilespmem:s22], [sflag:$0x1] =	stream.indirect_vreg.gather [hbm4b:s5+s3], $0x80, v4, vm0, $0xb8;
	[tilespmem:$0x18200] =	vst v63  }
0x7d: {  	s24 =	simm.s32 $0xD200  }
0x7e: {  	[tilespmem:s24], [sflag:$0x1] =	stream.indirect_vreg.gather [hbm4b:s6+s3], $0x80, v4, vm0, $0xb8;
	[tilespmem:$0x18200] =	vst v63  }
0x7f: {  	s25 =	simm.s32 $0xDA00;
	v3 =	vperm.xlane v3, v2  }
0x80: {  	[tilespmem:s25], [sflag:$0x1] =	stream.indirect_vreg.gather [hbm4b:s7+s3], $0x80, v4, vm0, $0xb8;
	[tilespmem:$0x18200] =	vst v63  }
0x81: {  	s2 =	simm.s32 $0xE200;
	v3 =	vadd.s32 v1, v3  }
0x82: {  	[tilespmem:s2], [sflag:$0x1] =	stream.indirect_vreg.gather [hbm4b:s8+s3], $0x80, v4, vm0, $0xb8;
	[tilespmem:$0x18200] =	vst v63  }
0x83: {  	s11 =	simm.s32 $0xEA00  }
0x84: {  	[tilespmem:s11], [sflag:$0x1] =	stream.indirect_vreg.gather [hbm4b:s9+s3], $0x80, v4, vm0, $0xb8;
	[tilespmem:$0x18200] =	vst v63  }
0x85: {  	s19 =	simm.s32 $0xF200  }
0x86: {  	[tilespmem:s19], [sflag:$0x1] =	stream.indirect_vreg.gather [hbm4b:s1+s3], $0x80, v3, vm0, $0xb8;
	[tilespmem:$0x18200] =	vst v63  }
0x87: {  	s21 =	simm.s32 $0xFA00  }
0x88: {  	[tilespmem:s21], [sflag:$0x1] =	stream.indirect_vreg.gather [hbm4b:s5+s3], $0x80, v3, vm0, $0xb8;
	[tilespmem:$0x18200] =	vst v63  }
0x89: {  	s22 =	simm.s32 $0x10200  }
0x8a: {  	[tilespmem:s22], [sflag:$0x1] =	stream.indirect_vreg.gather [hbm4b:s6+s3], $0x80, v3, vm0, $0xb8;
	[tilespmem:$0x18200] =	vst v63  }
0x8b: {  	s24 =	simm.s32 $0x10A00  }
0x8c: {  	[tilespmem:s24], [sflag:$0x1] =	stream.indirect_vreg.gather [hbm4b:s7+s3], $0x80, v3, vm0, $0xb8;
	[tilespmem:$0x18200] =	vst v63  }
0x8d: {  	s2 =	simm.s32 $0x11200  }
0x8e: {  	[tilespmem:s2], [sflag:$0x1] =	stream.indirect_vreg.gather [hbm4b:s8+s3], $0x80, v3, vm0, $0xb8;
	[tilespmem:$0x18200] =	vst v63  }
0x8f: {  	s11 =	simm.s32 $0x11A00  }
0x90: {  	[tilespmem:s11], [sflag:$0x1] =	stream.indirect_vreg.gather [hbm4b:s9+s3], $0x80, v3, vm0, $0xb8;
	[tilespmem:$0x18200] =	vst v63  }
0x91: {  	_ =	swait.ge [sflag:s14], $0x6000  }
0x92: {  	[sflag:s14] =	ssyncset.done $0x0  }
0x93: {  	s15 =	simm.s32 $0x6200;
	s19 =	rddreg [dreg:$0x5];
	[sflag:s14] =	ssyncadd.s32 $0xFFFFA000  }
0x94: {  	[hbm4b:s19+s3] =	stream.linear.scatter [tilespmem:s15], [sflag:$0x2], $0x6000, $0x38;
	[tilespmem:$0x18200] =	vst v63  }
0x95: {  	v3 =	vld [tilespmem:$0x30];
	_ =	sdelay $0x4  }
0x96: {  	v35 =	vshrl.u32 v3, $0x3  }
0x97: {  	v4 =	vmul.u32 $0x60, v35  }
0x98: {  	v3 =	vand.u32 $0x7, v3  }
0x99: {  	v3 =	vor.u32 v3, v4  }
0x9a: {  	v4 =	vperm.xlane v3, v0;
	_ =	sdelay $0x1  }
0x9b: {  	v4 =	vadd.s32 v1, v4;
	_ =	sdelay $0x3  }
0x9c: {  	s22 =	simm.s32 $0x12200  }
0x9d: {  	[tilespmem:s22], [sflag:$0x1] =	stream.indirect_vreg.gather [hbm4b:s1+s3], $0x80, v4, vm0, $0xb8;
	[tilespmem:$0x18200] =	vst v63  }
0x9e: {  	s24 =	simm.s32 $0x12A00  }
0x9f: {  	[tilespmem:s24], [sflag:$0x1] =	stream.indirect_vreg.gather [hbm4b:s5+s3], $0x80, v4, vm0, $0xb8;
	[tilespmem:$0x18200] =	vst v63  }
0xa0: {  	s2 =	simm.s32 $0x13200  }
0xa1: {  	[tilespmem:s2], [sflag:$0x1] =	stream.indirect_vreg.gather [hbm4b:s6+s3], $0x80, v4, vm0, $0xb8;
	[tilespmem:$0x18200] =	vst v63  }
0xa2: {  	s15 =	simm.s32 $0x13A00;
	v3 =	vperm.xlane v3, v2  }
0xa3: {  	[tilespmem:s15], [sflag:$0x1] =	stream.indirect_vreg.gather [hbm4b:s7+s3], $0x80, v4, vm0, $0xb8;
	[tilespmem:$0x18200] =	vst v63  }
0xa4: {  	s19 =	simm.s32 $0x14200;
	v3 =	vadd.s32 v1, v3  }
0xa5: {  	[tilespmem:s19], [sflag:$0x1] =	stream.indirect_vreg.gather [hbm4b:s8+s3], $0x80, v4, vm0, $0xb8;
	[tilespmem:$0x18200] =	vst v63  }
0xa6: {  	s22 =	simm.s32 $0x14A00  }
0xa7: {  	[tilespmem:s22], [sflag:$0x1] =	stream.indirect_vreg.gather [hbm4b:s9+s3], $0x80, v4, vm0, $0xb8;
	[tilespmem:$0x18200] =	vst v63  }
0xa8: {  	s24 =	simm.s32 $0x15200  }
0xa9: {  	[tilespmem:s24], [sflag:$0x1] =	stream.indirect_vreg.gather [hbm4b:s1+s3], $0x80, v3, vm0, $0xb8;
	[tilespmem:$0x18200] =	vst v63  }
0xaa: {  	s2 =	simm.s32 $0x15A00  }
0xab: {  	[tilespmem:s2], [sflag:$0x1] =	stream.indirect_vreg.gather [hbm4b:s5+s3], $0x80, v3, vm0, $0xb8;
	[tilespmem:$0x18200] =	vst v63  }
0xac: {  	s15 =	simm.s32 $0x16200  }
0xad: {  	[tilespmem:s15], [sflag:$0x1] =	stream.indirect_vreg.gather [hbm4b:s6+s3], $0x80, v3, vm0, $0xb8;
	[tilespmem:$0x18200] =	vst v63  }
0xae: {  	s19 =	simm.s32 $0x16A00  }
0xaf: {  	[tilespmem:s19], [sflag:$0x1] =	stream.indirect_vreg.gather [hbm4b:s7+s3], $0x80, v3, vm0, $0xb8;
	[tilespmem:$0x18200] =	vst v63  }
0xb0: {  	s22 =	simm.s32 $0x17200  }
0xb1: {  	[tilespmem:s22], [sflag:$0x1] =	stream.indirect_vreg.gather [hbm4b:s8+s3], $0x80, v3, vm0, $0xb8;
	[tilespmem:$0x18200] =	vst v63  }
0xb2: {  	s24 =	simm.s32 $0x17A00  }
0xb3: {  	[tilespmem:s24], [sflag:$0x1] =	stream.indirect_vreg.gather [hbm4b:s9+s3], $0x80, v3, vm0, $0xb8;
	[tilespmem:$0x18200] =	vst v63  }
0xb4: {  	_ =	swait.ge [sflag:s14], $0x6000  }
0xb5: {  	[sflag:s14] =	ssyncset.done $0x0  }
0xb6: {  	s13 =	simm.s32 $0xC200;
	s2 =	rddreg [dreg:$0x6];
	[sflag:s14] =	ssyncadd.s32 $0xFFFFA000  }
0xb7: {  	[hbm4b:s2+s3] =	stream.linear.scatter [tilespmem:s13], [sflag:$0x2], $0x6000, $0x38;
	[tilespmem:$0x18200] =	vst v63  }
0xb8: {  	_ =	swait.ge [sflag:s20], $0x6000  }
0xb9: {  	[sflag:s20] =	ssyncset.done $0x0  }
0xba: {  	[sflag:s20] =	ssyncadd.s32 $0xFFFFA000  }
0xbb: {  	v3 =	vld [tilespmem:$0x40];
	_ =	sdelay $0x4  }
0xbc: {  	v36 =	vshrl.u32 v3, $0x3  }
0xbd: {  	v4 =	vmul.u32 $0x60, v36  }
0xbe: {  	v3 =	vand.u32 $0x7, v3  }
0xbf: {  	v3 =	vor.u32 v3, v4  }
0xc0: {  	v4 =	vperm.xlane v3, v0;
	_ =	sdelay $0x1  }
0xc1: {  	v4 =	vadd.s32 v1, v4;
	_ =	sdelay $0x3  }
0xc2: {  	s24 =	simm.s32 $0x200  }
0xc3: {  	[tilespmem:s24], [sflag:$0x1] =	stream.indirect_vreg.gather [hbm4b:s1+s3], $0x80, v4, vm0, $0xb8;
	[tilespmem:$0x18200] =	vst v63  }
0xc4: {  	s18 =	simm.s32 $0xA00  }
0xc5: {  	[tilespmem:s18], [sflag:$0x1] =	stream.indirect_vreg.gather [hbm4b:s5+s3], $0x80, v4, vm0, $0xb8;
	[tilespmem:$0x18200] =	vst v63  }
0xc6: {  	s16 =	simm.s32 $0x1200  }
0xc7: {  	[tilespmem:s16], [sflag:$0x1] =	stream.indirect_vreg.gather [hbm4b:s6+s3], $0x80, v4, vm0, $0xb8;
	[tilespmem:$0x18200] =	vst v63  }
0xc8: {  	s17 =	simm.s32 $0x1A00;
	v3 =	vperm.xlane v3, v2  }
0xc9: {  	[tilespmem:s17], [sflag:$0x1] =	stream.indirect_vreg.gather [hbm4b:s7+s3], $0x80, v4, vm0, $0xb8;
	[tilespmem:$0x18200] =	vst v63  }
0xca: {  	s12 =	simm.s32 $0x2200;
	v3 =	vadd.s32 v1, v3  }
0xcb: {  	[tilespmem:s12], [sflag:$0x1] =	stream.indirect_vreg.gather [hbm4b:s8+s3], $0x80, v4, vm0, $0xb8;
	[tilespmem:$0x18200] =	vst v63  }
0xcc: {  	s13 =	simm.s32 $0x2A00  }
0xcd: {  	[tilespmem:s13], [sflag:$0x1] =	stream.indirect_vreg.gather [hbm4b:s9+s3], $0x80, v4, vm0, $0xb8;
	[tilespmem:$0x18200] =	vst v63  }
0xce: {  	s17 =	simm.s32 $0x3200  }
0xcf: {  	[tilespmem:s17], [sflag:$0x1] =	stream.indirect_vreg.gather [hbm4b:s1+s3], $0x80, v3, vm0, $0xb8;
	[tilespmem:$0x18200] =	vst v63  }
0xd0: {  	s18 =	simm.s32 $0x3A00  }
0xd1: {  	[tilespmem:s18], [sflag:$0x1] =	stream.indirect_vreg.gather [hbm4b:s5+s3], $0x80, v3, vm0, $0xb8;
	[tilespmem:$0x18200] =	vst v63  }
0xd2: {  	s19 =	simm.s32 $0x4200  }
0xd3: {  	[tilespmem:s19], [sflag:$0x1] =	stream.indirect_vreg.gather [hbm4b:s6+s3], $0x80, v3, vm0, $0xb8;
	[tilespmem:$0x18200] =	vst v63  }
0xd4: {  	s22 =	simm.s32 $0x4A00  }
0xd5: {  	[tilespmem:s22], [sflag:$0x1] =	stream.indirect_vreg.gather [hbm4b:s7+s3], $0x80, v3, vm0, $0xb8;
	[tilespmem:$0x18200] =	vst v63  }
0xd6: {  	s16 =	simm.s32 $0x5200  }
0xd7: {  	[tilespmem:s16], [sflag:$0x1] =	stream.indirect_vreg.gather [hbm4b:s8+s3], $0x80, v3, vm0, $0xb8;
	[tilespmem:$0x18200] =	vst v63  }
0xd8: {  	s15 =	simm.s32 $0x5A00  }
0xd9: {  	[tilespmem:s15], [sflag:$0x1] =	stream.indirect_vreg.gather [hbm4b:s9+s3], $0x80, v3, vm0, $0xb8;
	[tilespmem:$0x18200] =	vst v63  }
0xda: {  	_ =	swait.ge [sflag:s14], $0x6000  }
0xdb: {  	[sflag:s14] =	ssyncset.done $0x0  }
0xdc: {  	s0 =	simm.s32 $0x12200;
	s12 =	rddreg [dreg:$0x7];
	[sflag:s14] =	ssyncadd.s32 $0xFFFFA000  }
0xdd: {  	[hbm4b:s12+s3] =	stream.linear.scatter [tilespmem:s0], [sflag:$0x2], $0x6000, $0x38;
	[tilespmem:$0x18200] =	vst v63  }
0xde: {  	_ =	swait.ge [sflag:s20], $0x6000  }
0xdf: {  	[sflag:s20] =	ssyncset.done $0x0  }
0xe0: {  	[sflag:s20] =	ssyncadd.s32 $0xFFFFA000  }
0xe1: {  	v3 =	vld [tilespmem:$0x50];
	_ =	sdelay $0x4  }
0xe2: {  	v37 =	vshrl.u32 v3, $0x3  }
0xe3: {  	v4 =	vmul.u32 $0x60, v37  }
0xe4: {  	v3 =	vand.u32 $0x7, v3  }
0xe5: {  	v3 =	vor.u32 v3, v4  }
0xe6: {  	v4 =	vperm.xlane v3, v0;
	_ =	sdelay $0x1  }
0xe7: {  	v4 =	vadd.s32 v1, v4;
	_ =	sdelay $0x3  }
0xe8: {  	s11 =	simm.s32 $0x6200  }
0xe9: {  	[tilespmem:s11], [sflag:$0x1] =	stream.indirect_vreg.gather [hbm4b:s1+s3], $0x80, v4, vm0, $0xb8;
	[tilespmem:$0x18200] =	vst v63  }
0xea: {  	s23 =	simm.s32 $0x6A00  }
0xeb: {  	[tilespmem:s23], [sflag:$0x1] =	stream.indirect_vreg.gather [hbm4b:s5+s3], $0x80, v4, vm0, $0xb8;
	[tilespmem:$0x18200] =	vst v63  }
0xec: {  	s4 =	simm.s32 $0x7200  }
0xed: {  	[tilespmem:s4], [sflag:$0x1] =	stream.indirect_vreg.gather [hbm4b:s6+s3], $0x80, v4, vm0, $0xb8;
	[tilespmem:$0x18200] =	vst v63  }
0xee: {  	s10 =	simm.s32 $0x7A00;
	v3 =	vperm.xlane v3, v2  }
0xef: {  	[tilespmem:s10], [sflag:$0x1] =	stream.indirect_vreg.gather [hbm4b:s7+s3], $0x80, v4, vm0, $0xb8;
	[tilespmem:$0x18200] =	vst v63  }
0xf0: {  	s26 =	simm.s32 $0x8200;
	v3 =	vadd.s32 v1, v3  }
0xf1: {  	[tilespmem:s26], [sflag:$0x1] =	stream.indirect_vreg.gather [hbm4b:s8+s3], $0x80, v4, vm0, $0xb8;
	[tilespmem:$0x18200] =	vst v63  }
0xf2: {  	s28 =	simm.s32 $0x8A00  }
0xf3: {  	[tilespmem:s28], [sflag:$0x1] =	stream.indirect_vreg.gather [hbm4b:s9+s3], $0x80, v4, vm0, $0xb8;
	[tilespmem:$0x18200] =	vst v63  }
0xf4: {  	s30 =	simm.s32 $0x9200  }
0xf5: {  	[tilespmem:s30], [sflag:$0x1] =	stream.indirect_vreg.gather [hbm4b:s1+s3], $0x80, v3, vm0, $0xb8;
	[tilespmem:$0x18200] =	vst v63  }
0xf6: {  	s31 =	simm.s32 $0x9A00  }
0xf7: {  	[tilespmem:s31], [sflag:$0x1] =	stream.indirect_vreg.gather [hbm4b:s5+s3], $0x80, v3, vm0, $0xb8;
	[tilespmem:$0x18200] =	vst v63  }
0xf8: {  	s12 =	simm.s32 $0xA200  }
0xf9: {  	[tilespmem:s12], [sflag:$0x1] =	stream.indirect_vreg.gather [hbm4b:s6+s3], $0x80, v3, vm0, $0xb8;
	[tilespmem:$0x18200] =	vst v63  }
0xfa: {  	s4 =	simm.s32 $0xAA00  }
0xfb: {  	[tilespmem:s4], [sflag:$0x1] =	stream.indirect_vreg.gather [hbm4b:s7+s3], $0x80, v3, vm0, $0xb8;
	[tilespmem:$0x18200] =	vst v63  }
0xfc: {  	s10 =	simm.s32 $0xB200  }
0xfd: {  	[tilespmem:s10], [sflag:$0x1] =	stream.indirect_vreg.gather [hbm4b:s8+s3], $0x80, v3, vm0, $0xb8;
	[tilespmem:$0x18200] =	vst v63  }
0xfe: {  	s11 =	simm.s32 $0xBA00  }
0xff: {  	[tilespmem:s11], [sflag:$0x1] =	stream.indirect_vreg.gather [hbm4b:s9+s3], $0x80, v3, vm0, $0xb8;
	[tilespmem:$0x18200] =	vst v63  }
0x100: {  	_ =	swait.ge [sflag:s14], $0x6000  }
0x101: {  	[sflag:s14] =	ssyncset.done $0x0  }
0x102: {  	s31 =	rddreg [dreg:$0x8];
	[sflag:s14] =	ssyncadd.s32 $0xFFFFA000  }
0x103: {  	[hbm4b:s31+s3] =	stream.linear.scatter [tilespmem:s24], [sflag:$0x2], $0x6000, $0x38;
	[tilespmem:$0x18200] =	vst v63  }
0x104: {  	_ =	swait.ge [sflag:s20], $0x6000  }
0x105: {  	[sflag:s20] =	ssyncset.done $0x0  }
0x106: {  	[sflag:s20] =	ssyncadd.s32 $0xFFFFA000  }
0x107: {  	v3 =	vld [tilespmem:$0x60];
	_ =	sdelay $0x4  }
0x108: {  	v38 =	vshrl.u32 v3, $0x3  }
0x109: {  	v4 =	vmul.u32 $0x60, v38  }
0x10a: {  	v3 =	vand.u32 $0x7, v3  }
0x10b: {  	v3 =	vor.u32 v3, v4  }
0x10c: {  	v4 =	vperm.xlane v3, v0;
	_ =	sdelay $0x1  }
0x10d: {  	v4 =	vadd.s32 v1, v4;
	_ =	sdelay $0x3  }
0x10e: {  	s2 =	simm.s32 $0xC200  }
0x10f: {  	[tilespmem:s2], [sflag:$0x1] =	stream.indirect_vreg.gather [hbm4b:s1+s3], $0x80, v4, vm0, $0xb8;
	[tilespmem:$0x18200] =	vst v63  }
0x110: {  	s23 =	simm.s32 $0xCA00  }
0x111: {  	[tilespmem:s23], [sflag:$0x1] =	stream.indirect_vreg.gather [hbm4b:s5+s3], $0x80, v4, vm0, $0xb8;
	[tilespmem:$0x18200] =	vst v63  }
0x112: {  	s29 =	simm.s32 $0xD200  }
0x113: {  	[tilespmem:s29], [sflag:$0x1] =	stream.indirect_vreg.gather [hbm4b:s6+s3], $0x80, v4, vm0, $0xb8;
	[tilespmem:$0x18200] =	vst v63  }
0x114: {  	s25 =	simm.s32 $0xDA00;
	v3 =	vperm.xlane v3, v2  }
0x115: {  	[tilespmem:s25], [sflag:$0x1] =	stream.indirect_vreg.gather [hbm4b:s7+s3], $0x80, v4, vm0, $0xb8;
	[tilespmem:$0x18200] =	vst v63  }
0x116: {  	v3 =	vadd.s32 v1, v3;
	s25 =	simm.s32 $0xE200  }
0x117: {  	[tilespmem:s25], [sflag:$0x1] =	stream.indirect_vreg.gather [hbm4b:s8+s3], $0x80, v4, vm0, $0xb8;
	[tilespmem:$0x18200] =	vst v63  }
0x118: {  	s26 =	simm.s32 $0xEA00  }
0x119: {  	[tilespmem:s26], [sflag:$0x1] =	stream.indirect_vreg.gather [hbm4b:s9+s3], $0x80, v4, vm0, $0xb8;
	[tilespmem:$0x18200] =	vst v63  }
0x11a: {  	s28 =	simm.s32 $0xF200  }
0x11b: {  	[tilespmem:s28], [sflag:$0x1] =	stream.indirect_vreg.gather [hbm4b:s1+s3], $0x80, v3, vm0, $0xb8;
	[tilespmem:$0x18200] =	vst v63  }
0x11c: {  	s30 =	simm.s32 $0xFA00  }
0x11d: {  	[tilespmem:s30], [sflag:$0x1] =	stream.indirect_vreg.gather [hbm4b:s5+s3], $0x80, v3, vm0, $0xb8;
	[tilespmem:$0x18200] =	vst v63  }
0x11e: {  	s31 =	simm.s32 $0x10200  }
0x11f: {  	[tilespmem:s31], [sflag:$0x1] =	stream.indirect_vreg.gather [hbm4b:s6+s3], $0x80, v3, vm0, $0xb8;
	[tilespmem:$0x18200] =	vst v63  }
0x120: {  	s24 =	simm.s32 $0x10A00  }
0x121: {  	[tilespmem:s24], [sflag:$0x1] =	stream.indirect_vreg.gather [hbm4b:s7+s3], $0x80, v3, vm0, $0xb8;
	[tilespmem:$0x18200] =	vst v63  }
0x122: {  	s29 =	simm.s32 $0x11200  }
0x123: {  	[tilespmem:s29], [sflag:$0x1] =	stream.indirect_vreg.gather [hbm4b:s8+s3], $0x80, v3, vm0, $0xb8;
	[tilespmem:$0x18200] =	vst v63  }
0x124: {  	s21 =	simm.s32 $0x11A00  }
0x125: {  	[tilespmem:s21], [sflag:$0x1] =	stream.indirect_vreg.gather [hbm4b:s9+s3], $0x80, v3, vm0, $0xb8;
	[tilespmem:$0x18200] =	vst v63  }
0x126: {  	_ =	swait.ge [sflag:s14], $0x6000  }
0x127: {  	[sflag:s14] =	ssyncset.done $0x0  }
0x128: {  	s0 =	simm.s32 $0x6200;
	s21 =	rddreg [dreg:$0x9];
	[sflag:s14] =	ssyncadd.s32 $0xFFFFA000  }
0x129: {  	[hbm4b:s21+s3] =	stream.linear.scatter [tilespmem:s0], [sflag:$0x2], $0x6000, $0x38;
	[tilespmem:$0x18200] =	vst v63  }
0x12a: {  	_ =	swait.ge [sflag:s20], $0x6000  }
0x12b: {  	[sflag:s20] =	ssyncset.done $0x0  }
0x12c: {  	[sflag:s20] =	ssyncadd.s32 $0xFFFFA000  }
0x12d: {  	v3 =	vld [tilespmem:$0x70];
	_ =	sdelay $0x4  }
0x12e: {  	v39 =	vshrl.u32 v3, $0x3  }
0x12f: {  	v4 =	vmul.u32 $0x60, v39  }
0x130: {  	v3 =	vand.u32 $0x7, v3  }
0x131: {  	v3 =	vor.u32 v3, v4  }
0x132: {  	v4 =	vperm.xlane v3, v0;
	_ =	sdelay $0x1  }
0x133: {  	v4 =	vadd.s32 v1, v4;
	_ =	sdelay $0x3  }
0x134: {  	s0 =	simm.s32 $0x12200  }
0x135: {  	[tilespmem:s0], [sflag:$0x1] =	stream.indirect_vreg.gather [hbm4b:s1+s3], $0x80, v4, vm0, $0xb8;
	[tilespmem:$0x18200] =	vst v63  }
0x136: {  	s21 =	simm.s32 $0x12A00  }
0x137: {  	[tilespmem:s21], [sflag:$0x1] =	stream.indirect_vreg.gather [hbm4b:s5+s3], $0x80, v4, vm0, $0xb8;
	[tilespmem:$0x18200] =	vst v63  }
0x138: {  	s21 =	simm.s32 $0x13200  }
0x139: {  	[tilespmem:s21], [sflag:$0x1] =	stream.indirect_vreg.gather [hbm4b:s6+s3], $0x80, v4, vm0, $0xb8;
	[tilespmem:$0x18200] =	vst v63  }
0x13a: {  	v3 =	vperm.xlane v3, v2;
	s21 =	simm.s32 $0x13A00  }
0x13b: {  	[tilespmem:s21], [sflag:$0x1] =	stream.indirect_vreg.gather [hbm4b:s7+s3], $0x80, v4, vm0, $0xb8;
	[tilespmem:$0x18200] =	vst v63  }
0x13c: {  	v3 =	vadd.s32 v1, v3;
	s21 =	simm.s32 $0x14200  }
0x13d: {  	[tilespmem:s21], [sflag:$0x1] =	stream.indirect_vreg.gather [hbm4b:s8+s3], $0x80, v4, vm0, $0xb8;
	[tilespmem:$0x18200] =	vst v63  }
0x13e: {  	s21 =	simm.s32 $0x14A00  }
0x13f: {  	[tilespmem:s21], [sflag:$0x1] =	stream.indirect_vreg.gather [hbm4b:s9+s3], $0x80, v4, vm0, $0xb8;
	[tilespmem:$0x18200] =	vst v63  }
0x140: {  	s21 =	simm.s32 $0x15200  }
0x141: {  	[tilespmem:s21], [sflag:$0x1] =	stream.indirect_vreg.gather [hbm4b:s1+s3], $0x80, v3, vm0, $0xb8;
	[tilespmem:$0x18200] =	vst v63  }
0x142: {  	s21 =	simm.s32 $0x15A00  }
0x143: {  	[tilespmem:s21], [sflag:$0x1] =	stream.indirect_vreg.gather [hbm4b:s5+s3], $0x80, v3, vm0, $0xb8;
	[tilespmem:$0x18200] =	vst v63  }
0x144: {  	s21 =	simm.s32 $0x16200  }
0x145: {  	[tilespmem:s21], [sflag:$0x1] =	stream.indirect_vreg.gather [hbm4b:s6+s3], $0x80, v3, vm0, $0xb8;
	[tilespmem:$0x18200] =	vst v63  }
0x146: {  	s21 =	simm.s32 $0x16A00  }
0x147: {  	[tilespmem:s21], [sflag:$0x1] =	stream.indirect_vreg.gather [hbm4b:s7+s3], $0x80, v3, vm0, $0xb8;
	[tilespmem:$0x18200] =	vst v63  }
0x148: {  	s21 =	simm.s32 $0x17200  }
0x149: {  	[tilespmem:s21], [sflag:$0x1] =	stream.indirect_vreg.gather [hbm4b:s8+s3], $0x80, v3, vm0, $0xb8;
	[tilespmem:$0x18200] =	vst v63  }
0x14a: {  	s21 =	simm.s32 $0x17A00  }
0x14b: {  	[tilespmem:s21], [sflag:$0x1] =	stream.indirect_vreg.gather [hbm4b:s9+s3], $0x80, v3, vm0, $0xb8;
	[tilespmem:$0x18200] =	vst v63  }
0x14c: {  	_ =	swait.ge [sflag:s14], $0x6000  }
0x14d: {  	[sflag:s14] =	ssyncset.done $0x0  }
0x14e: {  	s2 =	simm.s32 $0xC200;
	s21 =	rddreg [dreg:$0xa];
	[sflag:s14] =	ssyncadd.s32 $0xFFFFA000  }
0x14f: {  	[hbm4b:s21+s3] =	stream.linear.scatter [tilespmem:s2], [sflag:$0x2], $0x6000, $0x38;
	[tilespmem:$0x18200] =	vst v63  }
0x150: {  	_ =	swait.ge [sflag:s20], $0x6000  }
0x151: {  	[sflag:s20] =	ssyncset.done $0x0  }
0x152: {  	[sflag:s20] =	ssyncadd.s32 $0xFFFFA000  }
0x153: {  	v3 =	vld [tilespmem:$0x80];
	_ =	sdelay $0x4  }
0x154: {  	v40 =	vshrl.u32 v3, $0x3  }
0x155: {  	v4 =	vmul.u32 $0x60, v40  }
0x156: {  	v3 =	vand.u32 $0x7, v3  }
0x157: {  	v3 =	vor.u32 v3, v4  }
0x158: {  	v4 =	vperm.xlane v3, v0;
	_ =	sdelay $0x1  }
0x159: {  	v4 =	vadd.s32 v1, v4;
	_ =	sdelay $0x3  }
0x15a: {  	s2 =	simm.s32 $0x200  }
0x15b: {  	[tilespmem:s2], [sflag:$0x1] =	stream.indirect_vreg.gather [hbm4b:s1+s3], $0x80, v4, vm0, $0xb8;
	[tilespmem:$0x18200] =	vst v63  }
0x15c: {  	s21 =	simm.s32 $0xA00  }
0x15d: {  	[tilespmem:s21], [sflag:$0x1] =	stream.indirect_vreg.gather [hbm4b:s5+s3], $0x80, v4, vm0, $0xb8;
	[tilespmem:$0x18200] =	vst v63  }
0x15e: {  	s21 =	simm.s32 $0x1200  }
0x15f: {  	[tilespmem:s21], [sflag:$0x1] =	stream.indirect_vreg.gather [hbm4b:s6+s3], $0x80, v4, vm0, $0xb8;
	[tilespmem:$0x18200] =	vst v63  }
0x160: {  	v3 =	vperm.xlane v3, v2;
	s21 =	simm.s32 $0x1A00  }
0x161: {  	[tilespmem:s21], [sflag:$0x1] =	stream.indirect_vreg.gather [hbm4b:s7+s3], $0x80, v4, vm0, $0xb8;
	[tilespmem:$0x18200] =	vst v63  }
0x162: {  	v3 =	vadd.s32 v1, v3;
	s21 =	simm.s32 $0x2200  }
0x163: {  	[tilespmem:s21], [sflag:$0x1] =	stream.indirect_vreg.gather [hbm4b:s8+s3], $0x80, v4, vm0, $0xb8;
	[tilespmem:$0x18200] =	vst v63  }
0x164: {  	_ = 	snop  }
0x165: {  	[tilespmem:s13], [sflag:$0x1] =	stream.indirect_vreg.gather [hbm4b:s9+s3], $0x80, v4, vm0, $0xb8;
	[tilespmem:$0x18200] =	vst v63  }
0x166: {  	_ = 	snop  }
0x167: {  	[tilespmem:s17], [sflag:$0x1] =	stream.indirect_vreg.gather [hbm4b:s1+s3], $0x80, v3, vm0, $0xb8;
	[tilespmem:$0x18200] =	vst v63  }
0x168: {  	_ = 	snop  }
0x169: {  	[tilespmem:s18], [sflag:$0x1] =	stream.indirect_vreg.gather [hbm4b:s5+s3], $0x80, v3, vm0, $0xb8;
	[tilespmem:$0x18200] =	vst v63  }
0x16a: {  	_ = 	snop  }
0x16b: {  	[tilespmem:s19], [sflag:$0x1] =	stream.indirect_vreg.gather [hbm4b:s6+s3], $0x80, v3, vm0, $0xb8;
	[tilespmem:$0x18200] =	vst v63  }
0x16c: {  	_ = 	snop  }
0x16d: {  	[tilespmem:s22], [sflag:$0x1] =	stream.indirect_vreg.gather [hbm4b:s7+s3], $0x80, v3, vm0, $0xb8;
	[tilespmem:$0x18200] =	vst v63  }
0x16e: {  	_ = 	snop  }
0x16f: {  	[tilespmem:s16], [sflag:$0x1] =	stream.indirect_vreg.gather [hbm4b:s8+s3], $0x80, v3, vm0, $0xb8;
	[tilespmem:$0x18200] =	vst v63  }
0x170: {  	_ = 	snop  }
0x171: {  	[tilespmem:s15], [sflag:$0x1] =	stream.indirect_vreg.gather [hbm4b:s9+s3], $0x80, v3, vm0, $0xb8;
	[tilespmem:$0x18200] =	vst v63  }
0x172: {  	_ =	swait.ge [sflag:s14], $0x6000  }
0x173: {  	[sflag:s14] =	ssyncset.done $0x0  }
0x174: {  	s19 =	rddreg [dreg:$0xb];
	[sflag:s14] =	ssyncadd.s32 $0xFFFFA000  }
0x175: {  	[hbm4b:s19+s3] =	stream.linear.scatter [tilespmem:s0], [sflag:$0x2], $0x6000, $0x38;
	[tilespmem:$0x18200] =	vst v63  }
0x176: {  	_ =	swait.ge [sflag:s20], $0x6000  }
0x177: {  	[sflag:s20] =	ssyncset.done $0x0  }
0x178: {  	[sflag:s20] =	ssyncadd.s32 $0xFFFFA000  }
0x179: {  	v3 =	vld [tilespmem:$0x90];
	_ =	sdelay $0x4  }
0x17a: {  	v41 =	vshrl.u32 v3, $0x3  }
0x17b: {  	v4 =	vmul.u32 $0x60, v41  }
0x17c: {  	v3 =	vand.u32 $0x7, v3  }
0x17d: {  	v3 =	vor.u32 v3, v4  }
0x17e: {  	v4 =	vperm.xlane v3, v0;
	_ =	sdelay $0x1  }
0x17f: {  	v4 =	vadd.s32 v1, v4;
	_ =	sdelay $0x3  }
0x180: {  	s13 =	simm.s32 $0x6200  }
0x181: {  	[tilespmem:s13], [sflag:$0x1] =	stream.indirect_vreg.gather [hbm4b:s1+s3], $0x80, v4, vm0, $0xb8;
	[tilespmem:$0x18200] =	vst v63  }
0x182: {  	s22 =	simm.s32 $0x6A00  }
0x183: {  	[tilespmem:s22], [sflag:$0x1] =	stream.indirect_vreg.gather [hbm4b:s5+s3], $0x80, v4, vm0, $0xb8;
	[tilespmem:$0x18200] =	vst v63  }
0x184: {  	s21 =	simm.s32 $0x7200  }
0x185: {  	[tilespmem:s21], [sflag:$0x1] =	stream.indirect_vreg.gather [hbm4b:s6+s3], $0x80, v4, vm0, $0xb8;
	[tilespmem:$0x18200] =	vst v63  }
0x186: {  	s16 =	simm.s32 $0x7A00;
	v3 =	vperm.xlane v3, v2  }
0x187: {  	[tilespmem:s16], [sflag:$0x1] =	stream.indirect_vreg.gather [hbm4b:s7+s3], $0x80, v4, vm0, $0xb8;
	[tilespmem:$0x18200] =	vst v63  }
0x188: {  	s17 =	simm.s32 $0x8200;
	v3 =	vadd.s32 v1, v3  }
0x189: {  	[tilespmem:s17], [sflag:$0x1] =	stream.indirect_vreg.gather [hbm4b:s8+s3], $0x80, v4, vm0, $0xb8;
	[tilespmem:$0x18200] =	vst v63  }
0x18a: {  	s18 =	simm.s32 $0x8A00  }
0x18b: {  	[tilespmem:s18], [sflag:$0x1] =	stream.indirect_vreg.gather [hbm4b:s9+s3], $0x80, v4, vm0, $0xb8;
	[tilespmem:$0x18200] =	vst v63  }
0x18c: {  	s19 =	simm.s32 $0x9200  }
0x18d: {  	[tilespmem:s19], [sflag:$0x1] =	stream.indirect_vreg.gather [hbm4b:s1+s3], $0x80, v3, vm0, $0xb8;
	[tilespmem:$0x18200] =	vst v63  }
0x18e: {  	s21 =	simm.s32 $0x9A00  }
0x18f: {  	[tilespmem:s21], [sflag:$0x1] =	stream.indirect_vreg.gather [hbm4b:s5+s3], $0x80, v3, vm0, $0xb8;
	[tilespmem:$0x18200] =	vst v63  }
0x190: {  	_ = 	snop  }
0x191: {  	[tilespmem:s12], [sflag:$0x1] =	stream.indirect_vreg.gather [hbm4b:s6+s3], $0x80, v3, vm0, $0xb8;
	[tilespmem:$0x18200] =	vst v63  }
0x192: {  	_ = 	snop  }
0x193: {  	[tilespmem:s4], [sflag:$0x1] =	stream.indirect_vreg.gather [hbm4b:s7+s3], $0x80, v3, vm0, $0xb8;
	[tilespmem:$0x18200] =	vst v63  }
0x194: {  	_ = 	snop  }
0x195: {  	[tilespmem:s10], [sflag:$0x1] =	stream.indirect_vreg.gather [hbm4b:s8+s3], $0x80, v3, vm0, $0xb8;
	[tilespmem:$0x18200] =	vst v63  }
0x196: {  	_ = 	snop  }
0x197: {  	[tilespmem:s11], [sflag:$0x1] =	stream.indirect_vreg.gather [hbm4b:s9+s3], $0x80, v3, vm0, $0xb8;
	[tilespmem:$0x18200] =	vst v63  }
0x198: {  	_ =	swait.ge [sflag:s14], $0x6000  }
0x199: {  	[sflag:s14] =	ssyncset.done $0x0  }
0x19a: {  	s10 =	rddreg [dreg:$0xc];
	[sflag:s14] =	ssyncadd.s32 $0xFFFFA000  }
0x19b: {  	[hbm4b:s10+s3] =	stream.linear.scatter [tilespmem:s2], [sflag:$0x2], $0x6000, $0x38;
	[tilespmem:$0x18200] =	vst v63  }
0x19c: {  	_ =	swait.ge [sflag:s20], $0x6000  }
0x19d: {  	[sflag:s20] =	ssyncset.done $0x0  }
0x19e: {  	[sflag:s20] =	ssyncadd.s32 $0xFFFFA000  }
0x19f: {  	v3 =	vld [tilespmem:$0xA0];
	_ =	sdelay $0x4  }
0x1a0: {  	v42 =	vshrl.u32 v3, $0x3  }
0x1a1: {  	v4 =	vmul.u32 $0x60, v42  }
0x1a2: {  	v3 =	vand.u32 $0x7, v3  }
0x1a3: {  	v3 =	vor.u32 v3, v4  }
0x1a4: {  	v4 =	vperm.xlane v3, v0;
	_ =	sdelay $0x1  }
0x1a5: {  	v4 =	vadd.s32 v1, v4;
	_ =	sdelay $0x3  }
0x1a6: {  	s11 =	simm.s32 $0xC200  }
0x1a7: {  	[tilespmem:s11], [sflag:$0x1] =	stream.indirect_vreg.gather [hbm4b:s1+s3], $0x80, v4, vm0, $0xb8;
	[tilespmem:$0x18200] =	vst v63  }
0x1a8: {  	_ = 	snop  }
0x1a9: {  	[tilespmem:s23], [sflag:$0x1] =	stream.indirect_vreg.gather [hbm4b:s5+s3], $0x80, v4, vm0, $0xb8;
	[tilespmem:$0x18200] =	vst v63  }
0x1aa: {  	s17 =	simm.s32 $0xD200  }
0x1ab: {  	[tilespmem:s17], [sflag:$0x1] =	stream.indirect_vreg.gather [hbm4b:s6+s3], $0x80, v4, vm0, $0xb8;
	[tilespmem:$0x18200] =	vst v63  }
0x1ac: {  	s18 =	simm.s32 $0xDA00;
	v3 =	vperm.xlane v3, v2  }
0x1ad: {  	[tilespmem:s18], [sflag:$0x1] =	stream.indirect_vreg.gather [hbm4b:s7+s3], $0x80, v4, vm0, $0xb8;
	[tilespmem:$0x18200] =	vst v63  }
0x1ae: {  	v3 =	vadd.s32 v1, v3  }
0x1af: {  	[tilespmem:s25], [sflag:$0x1] =	stream.indirect_vreg.gather [hbm4b:s8+s3], $0x80, v4, vm0, $0xb8;
	[tilespmem:$0x18200] =	vst v63  }
0x1b0: {  	_ = 	snop  }
0x1b1: {  	[tilespmem:s26], [sflag:$0x1] =	stream.indirect_vreg.gather [hbm4b:s9+s3], $0x80, v4, vm0, $0xb8;
	[tilespmem:$0x18200] =	vst v63  }
0x1b2: {  	_ = 	snop  }
0x1b3: {  	[tilespmem:s28], [sflag:$0x1] =	stream.indirect_vreg.gather [hbm4b:s1+s3], $0x80, v3, vm0, $0xb8;
	[tilespmem:$0x18200] =	vst v63  }
0x1b4: {  	_ = 	snop  }
0x1b5: {  	[tilespmem:s30], [sflag:$0x1] =	stream.indirect_vreg.gather [hbm4b:s5+s3], $0x80, v3, vm0, $0xb8;
	[tilespmem:$0x18200] =	vst v63  }
0x1b6: {  	_ = 	snop  }
0x1b7: {  	[tilespmem:s31], [sflag:$0x1] =	stream.indirect_vreg.gather [hbm4b:s6+s3], $0x80, v3, vm0, $0xb8;
	[tilespmem:$0x18200] =	vst v63  }
0x1b8: {  	_ = 	snop  }
0x1b9: {  	[tilespmem:s24], [sflag:$0x1] =	stream.indirect_vreg.gather [hbm4b:s7+s3], $0x80, v3, vm0, $0xb8;
	[tilespmem:$0x18200] =	vst v63  }
0x1ba: {  	_ = 	snop  }
0x1bb: {  	[tilespmem:s29], [sflag:$0x1] =	stream.indirect_vreg.gather [hbm4b:s8+s3], $0x80, v3, vm0, $0xb8;
	[tilespmem:$0x18200] =	vst v63  }
0x1bc: {  	s19 =	simm.s32 $0x11A00  }
0x1bd: {  	[tilespmem:s19], [sflag:$0x1] =	stream.indirect_vreg.gather [hbm4b:s9+s3], $0x80, v3, vm0, $0xb8;
	[tilespmem:$0x18200] =	vst v63  }
0x1be: {  	_ =	swait.ge [sflag:s14], $0x6000  }
0x1bf: {  	[sflag:s14] =	ssyncset.done $0x0  }
0x1c0: {  	s12 =	rddreg [dreg:$0xd];
	[sflag:s14] =	ssyncadd.s32 $0xFFFFA000  }
0x1c1: {  	[hbm4b:s12+s3] =	stream.linear.scatter [tilespmem:s13], [sflag:$0x2], $0x6000, $0x38;
	[tilespmem:$0x18200] =	vst v63  }
0x1c2: {  	_ =	swait.ge [sflag:s20], $0x6000  }
0x1c3: {  	[sflag:s20] =	ssyncset.done $0x0  }
0x1c4: {  	[sflag:s20] =	ssyncadd.s32 $0xFFFFA000  }
0x1c5: {  	v3 =	vld [tilespmem:$0xB0];
	_ =	sdelay $0x4  }
0x1c6: {  	v43 =	vshrl.u32 v3, $0x3  }
0x1c7: {  	v4 =	vmul.u32 $0x60, v43  }
0x1c8: {  	v3 =	vand.u32 $0x7, v3  }
0x1c9: {  	v3 =	vor.u32 v3, v4  }
0x1ca: {  	v4 =	vperm.xlane v3, v0;
	_ =	sdelay $0x1  }
0x1cb: {  	v4 =	vadd.s32 v1, v4;
	_ =	sdelay $0x3  }
0x1cc: {  	s15 =	simm.s32 $0x12200  }
0x1cd: {  	[tilespmem:s15], [sflag:$0x1] =	stream.indirect_vreg.gather [hbm4b:s1+s3], $0x80, v4, vm0, $0xb8;
	[tilespmem:$0x18200] =	vst v63  }
0x1ce: {  	s15 =	simm.s32 $0x12A00  }
0x1cf: {  	[tilespmem:s15], [sflag:$0x1] =	stream.indirect_vreg.gather [hbm4b:s5+s3], $0x80, v4, vm0, $0xb8;
	[tilespmem:$0x18200] =	vst v63  }
0x1d0: {  	s23 =	simm.s32 $0x13200  }
0x1d1: {  	[tilespmem:s23], [sflag:$0x1] =	stream.indirect_vreg.gather [hbm4b:s6+s3], $0x80, v4, vm0, $0xb8;
	[tilespmem:$0x18200] =	vst v63  }
0x1d2: {  	s13 =	simm.s32 $0x13A00;
	v3 =	vperm.xlane v3, v2  }
0x1d3: {  	[tilespmem:s13], [sflag:$0x1] =	stream.indirect_vreg.gather [hbm4b:s7+s3], $0x80, v4, vm0, $0xb8;
	[tilespmem:$0x18200] =	vst v63  }
0x1d4: {  	s24 =	simm.s32 $0x14200;
	v3 =	vadd.s32 v1, v3  }
0x1d5: {  	[tilespmem:s24], [sflag:$0x1] =	stream.indirect_vreg.gather [hbm4b:s8+s3], $0x80, v4, vm0, $0xb8;
	[tilespmem:$0x18200] =	vst v63  }
0x1d6: {  	s29 =	simm.s32 $0x14A00  }
0x1d7: {  	[tilespmem:s29], [sflag:$0x1] =	stream.indirect_vreg.gather [hbm4b:s9+s3], $0x80, v4, vm0, $0xb8;
	[tilespmem:$0x18200] =	vst v63  }
0x1d8: {  	s31 =	simm.s32 $0x15200  }
0x1d9: {  	[tilespmem:s31], [sflag:$0x1] =	stream.indirect_vreg.gather [hbm4b:s1+s3], $0x80, v3, vm0, $0xb8;
	[tilespmem:$0x18200] =	vst v63  }
0x1da: {  	s16 =	simm.s32 $0x15A00  }
0x1db: {  	[tilespmem:s16], [sflag:$0x1] =	stream.indirect_vreg.gather [hbm4b:s5+s3], $0x80, v3, vm0, $0xb8;
	[tilespmem:$0x18200] =	vst v63  }
0x1dc: {  	s21 =	simm.s32 $0x16200  }
0x1dd: {  	[tilespmem:s21], [sflag:$0x1] =	stream.indirect_vreg.gather [hbm4b:s6+s3], $0x80, v3, vm0, $0xb8;
	[tilespmem:$0x18200] =	vst v63  }
0x1de: {  	s25 =	simm.s32 $0x16A00  }
0x1df: {  	[tilespmem:s25], [sflag:$0x1] =	stream.indirect_vreg.gather [hbm4b:s7+s3], $0x80, v3, vm0, $0xb8;
	[tilespmem:$0x18200] =	vst v63  }
0x1e0: {  	s12 =	simm.s32 $0x17200  }
0x1e1: {  	[tilespmem:s12], [sflag:$0x1] =	stream.indirect_vreg.gather [hbm4b:s8+s3], $0x80, v3, vm0, $0xb8;
	[tilespmem:$0x18200] =	vst v63  }
0x1e2: {  	s16 =	simm.s32 $0x17A00  }
0x1e3: {  	[tilespmem:s16], [sflag:$0x1] =	stream.indirect_vreg.gather [hbm4b:s9+s3], $0x80, v3, vm0, $0xb8;
	[tilespmem:$0x18200] =	vst v63  }
0x1e4: {  	_ =	swait.ge [sflag:s14], $0x6000  }
0x1e5: {  	[sflag:s14] =	ssyncset.done $0x0  }
0x1e6: {  	s28 =	rddreg [dreg:$0xe];
	[sflag:s14] =	ssyncadd.s32 $0xFFFFA000  }
0x1e7: {  	[hbm4b:s28+s3] =	stream.linear.scatter [tilespmem:s11], [sflag:$0x2], $0x6000, $0x38;
	[tilespmem:$0x18200] =	vst v63  }
0x1e8: {  	_ =	swait.ge [sflag:s20], $0x6000  }
0x1e9: {  	[sflag:s20] =	ssyncset.done $0x0  }
0x1ea: {  	[sflag:s20] =	ssyncadd.s32 $0xFFFFA000  }
0x1eb: {  	v3 =	vld [tilespmem:$0xC0];
	_ =	sdelay $0x4  }
0x1ec: {  	v44 =	vshrl.u32 v3, $0x3  }
0x1ed: {  	v4 =	vmul.u32 $0x60, v44  }
0x1ee: {  	v3 =	vand.u32 $0x7, v3  }
0x1ef: {  	v3 =	vor.u32 v3, v4  }
0x1f0: {  	v4 =	vperm.xlane v3, v0;
	_ =	sdelay $0x1  }
0x1f1: {  	v4 =	vadd.s32 v1, v4;
	_ =	sdelay $0x3  }
0x1f2: {  	s4 =	simm.s32 $0x200  }
0x1f3: {  	[tilespmem:s4], [sflag:$0x1] =	stream.indirect_vreg.gather [hbm4b:s1+s3], $0x80, v4, vm0, $0xb8;
	[tilespmem:$0x18200] =	vst v63  }
0x1f4: {  	s30 =	simm.s32 $0xA00  }
0x1f5: {  	[tilespmem:s30], [sflag:$0x1] =	stream.indirect_vreg.gather [hbm4b:s5+s3], $0x80, v4, vm0, $0xb8;
	[tilespmem:$0x18200] =	vst v63  }
0x1f6: {  	s10 =	simm.s32 $0x1200  }
0x1f7: {  	[tilespmem:s10], [sflag:$0x1] =	stream.indirect_vreg.gather [hbm4b:s6+s3], $0x80, v4, vm0, $0xb8;
	[tilespmem:$0x18200] =	vst v63  }
0x1f8: {  	s11 =	simm.s32 $0x1A00;
	v3 =	vperm.xlane v3, v2  }
0x1f9: {  	[tilespmem:s11], [sflag:$0x1] =	stream.indirect_vreg.gather [hbm4b:s7+s3], $0x80, v4, vm0, $0xb8;
	[tilespmem:$0x18200] =	vst v63  }
0x1fa: {  	s21 =	simm.s32 $0x2200;
	v3 =	vadd.s32 v1, v3  }
0x1fb: {  	[tilespmem:s21], [sflag:$0x1] =	stream.indirect_vreg.gather [hbm4b:s8+s3], $0x80, v4, vm0, $0xb8;
	[tilespmem:$0x18200] =	vst v63  }
0x1fc: {  	s11 =	simm.s32 $0x2A00  }
0x1fd: {  	[tilespmem:s11], [sflag:$0x1] =	stream.indirect_vreg.gather [hbm4b:s9+s3], $0x80, v4, vm0, $0xb8;
	[tilespmem:$0x18200] =	vst v63  }
0x1fe: {  	s28 =	simm.s32 $0x3200  }
0x1ff: {  	[tilespmem:s28], [sflag:$0x1] =	stream.indirect_vreg.gather [hbm4b:s1+s3], $0x80, v3, vm0, $0xb8;
	[tilespmem:$0x18200] =	vst v63  }
0x200: {  	s30 =	simm.s32 $0x3A00  }
0x201: {  	[tilespmem:s30], [sflag:$0x1] =	stream.indirect_vreg.gather [hbm4b:s5+s3], $0x80, v3, vm0, $0xb8;
	[tilespmem:$0x18200] =	vst v63  }
0x202: {  	s10 =	simm.s32 $0x4200  }
0x203: {  	[tilespmem:s10], [sflag:$0x1] =	stream.indirect_vreg.gather [hbm4b:s6+s3], $0x80, v3, vm0, $0xb8;
	[tilespmem:$0x18200] =	vst v63  }
0x204: {  	s21 =	simm.s32 $0x4A00  }
0x205: {  	[tilespmem:s21], [sflag:$0x1] =	stream.indirect_vreg.gather [hbm4b:s7+s3], $0x80, v3, vm0, $0xb8;
	[tilespmem:$0x18200] =	vst v63  }
0x206: {  	s28 =	simm.s32 $0x5200  }
0x207: {  	[tilespmem:s28], [sflag:$0x1] =	stream.indirect_vreg.gather [hbm4b:s8+s3], $0x80, v3, vm0, $0xb8;
	[tilespmem:$0x18200] =	vst v63  }
0x208: {  	s30 =	simm.s32 $0x5A00  }
0x209: {  	[tilespmem:s30], [sflag:$0x1] =	stream.indirect_vreg.gather [hbm4b:s9+s3], $0x80, v3, vm0, $0xb8;
	[tilespmem:$0x18200] =	vst v63  }
0x20a: {  	_ =	swait.ge [sflag:s14], $0x6000  }
0x20b: {  	[sflag:s14] =	ssyncset.done $0x0  }
0x20c: {  	s2 =	simm.s32 $0x12200;
	s10 =	rddreg [dreg:$0xf];
	[sflag:s14] =	ssyncadd.s32 $0xFFFFA000  }
0x20d: {  	[hbm4b:s10+s3] =	stream.linear.scatter [tilespmem:s2], [sflag:$0x2], $0x6000, $0x38;
	[tilespmem:$0x18200] =	vst v63  }
0x20e: {  	_ =	swait.ge [sflag:s20], $0x6000  }
0x20f: {  	[sflag:s20] =	ssyncset.done $0x0  }
0x210: {  	[sflag:s20] =	ssyncadd.s32 $0xFFFFA000  }
0x211: {  	v3 =	vld [tilespmem:$0xD0];
	_ =	sdelay $0x4  }
0x212: {  	v45 =	vshrl.u32 v3, $0x3  }
0x213: {  	v4 =	vmul.u32 $0x60, v45  }
0x214: {  	v3 =	vand.u32 $0x7, v3  }
0x215: {  	v3 =	vor.u32 v3, v4  }
0x216: {  	v4 =	vperm.xlane v3, v0;
	_ =	sdelay $0x1  }
0x217: {  	v4 =	vadd.s32 v1, v4;
	_ =	sdelay $0x3  }
0x218: {  	s26 =	simm.s32 $0x6200  }
0x219: {  	[tilespmem:s26], [sflag:$0x1] =	stream.indirect_vreg.gather [hbm4b:s1+s3], $0x80, v4, vm0, $0xb8;
	[tilespmem:$0x18200] =	vst v63  }
0x21a: {  	_ = 	snop  }
0x21b: {  	[tilespmem:s22], [sflag:$0x1] =	stream.indirect_vreg.gather [hbm4b:s5+s3], $0x80, v4, vm0, $0xb8;
	[tilespmem:$0x18200] =	vst v63  }
0x21c: {  	s26 =	simm.s32 $0x7200  }
0x21d: {  	[tilespmem:s26], [sflag:$0x1] =	stream.indirect_vreg.gather [hbm4b:s6+s3], $0x80, v4, vm0, $0xb8;
	[tilespmem:$0x18200] =	vst v63  }
0x21e: {  	s28 =	simm.s32 $0x7A00;
	v3 =	vperm.xlane v3, v2  }
0x21f: {  	[tilespmem:s28], [sflag:$0x1] =	stream.indirect_vreg.gather [hbm4b:s7+s3], $0x80, v4, vm0, $0xb8;
	[tilespmem:$0x18200] =	vst v63  }
0x220: {  	s30 =	simm.s32 $0x8200;
	v3 =	vadd.s32 v1, v3  }
0x221: {  	[tilespmem:s30], [sflag:$0x1] =	stream.indirect_vreg.gather [hbm4b:s8+s3], $0x80, v4, vm0, $0xb8;
	[tilespmem:$0x18200] =	vst v63  }
0x222: {  	s10 =	simm.s32 $0x8A00  }
0x223: {  	[tilespmem:s10], [sflag:$0x1] =	stream.indirect_vreg.gather [hbm4b:s9+s3], $0x80, v4, vm0, $0xb8;
	[tilespmem:$0x18200] =	vst v63  }
0x224: {  	s21 =	simm.s32 $0x9200  }
0x225: {  	[tilespmem:s21], [sflag:$0x1] =	stream.indirect_vreg.gather [hbm4b:s1+s3], $0x80, v3, vm0, $0xb8;
	[tilespmem:$0x18200] =	vst v63  }
0x226: {  	s22 =	simm.s32 $0x9A00  }
0x227: {  	[tilespmem:s22], [sflag:$0x1] =	stream.indirect_vreg.gather [hbm4b:s5+s3], $0x80, v3, vm0, $0xb8;
	[tilespmem:$0x18200] =	vst v63  }
0x228: {  	s10 =	simm.s32 $0xA200  }
0x229: {  	[tilespmem:s10], [sflag:$0x1] =	stream.indirect_vreg.gather [hbm4b:s6+s3], $0x80, v3, vm0, $0xb8;
	[tilespmem:$0x18200] =	vst v63  }
0x22a: {  	s26 =	simm.s32 $0xAA00  }
0x22b: {  	[tilespmem:s26], [sflag:$0x1] =	stream.indirect_vreg.gather [hbm4b:s7+s3], $0x80, v3, vm0, $0xb8;
	[tilespmem:$0x18200] =	vst v63  }
0x22c: {  	s28 =	simm.s32 $0xB200  }
0x22d: {  	[tilespmem:s28], [sflag:$0x1] =	stream.indirect_vreg.gather [hbm4b:s8+s3], $0x80, v3, vm0, $0xb8;
	[tilespmem:$0x18200] =	vst v63  }
0x22e: {  	s30 =	simm.s32 $0xBA00  }
0x22f: {  	[tilespmem:s30], [sflag:$0x1] =	stream.indirect_vreg.gather [hbm4b:s9+s3], $0x80, v3, vm0, $0xb8;
	[tilespmem:$0x18200] =	vst v63  }
0x230: {  	_ =	swait.ge [sflag:s14], $0x6000  }
0x231: {  	[sflag:s14] =	ssyncset.done $0x0  }
0x232: {  	s0 =	simm.s32 $0x200;
	s4 =	rddreg [dreg:$0x10];
	[sflag:s14] =	ssyncadd.s32 $0xFFFFA000  }
0x233: {  	[hbm4b:s4+s3] =	stream.linear.scatter [tilespmem:s0], [sflag:$0x2], $0x6000, $0x38;
	[tilespmem:$0x18200] =	vst v63  }
0x234: {  	_ =	swait.ge [sflag:s20], $0x6000  }
0x235: {  	[sflag:s20] =	ssyncset.done $0x0  }
0x236: {  	[sflag:s20] =	ssyncadd.s32 $0xFFFFA000  }
0x237: {  	v3 =	vld [tilespmem:$0xE0];
	_ =	sdelay $0x4  }
0x238: {  	v46 =	vshrl.u32 v3, $0x3  }
0x239: {  	v4 =	vmul.u32 $0x60, v46  }
0x23a: {  	v3 =	vand.u32 $0x7, v3  }
0x23b: {  	v3 =	vor.u32 v3, v4  }
0x23c: {  	v4 =	vperm.xlane v3, v0;
	_ =	sdelay $0x1  }
0x23d: {  	v4 =	vadd.s32 v1, v4;
	_ =	sdelay $0x3  }
0x23e: {  	s25 =	simm.s32 $0xC200  }
0x23f: {  	[tilespmem:s25], [sflag:$0x1] =	stream.indirect_vreg.gather [hbm4b:s1+s3], $0x80, v4, vm0, $0xb8;
	[tilespmem:$0x18200] =	vst v63  }
0x240: {  	s30 =	simm.s32 $0xCA00  }
0x241: {  	[tilespmem:s30], [sflag:$0x1] =	stream.indirect_vreg.gather [hbm4b:s5+s3], $0x80, v4, vm0, $0xb8;
	[tilespmem:$0x18200] =	vst v63  }
0x242: {  	_ = 	snop  }
0x243: {  	[tilespmem:s17], [sflag:$0x1] =	stream.indirect_vreg.gather [hbm4b:s6+s3], $0x80, v4, vm0, $0xb8;
	[tilespmem:$0x18200] =	vst v63  }
0x244: {  	v3 =	vperm.xlane v3, v2  }
0x245: {  	[tilespmem:s18], [sflag:$0x1] =	stream.indirect_vreg.gather [hbm4b:s7+s3], $0x80, v4, vm0, $0xb8;
	[tilespmem:$0x18200] =	vst v63  }
0x246: {  	v3 =	vadd.s32 v1, v3;
	s18 =	simm.s32 $0xE200  }
0x247: {  	[tilespmem:s18], [sflag:$0x1] =	stream.indirect_vreg.gather [hbm4b:s8+s3], $0x80, v4, vm0, $0xb8;
	[tilespmem:$0x18200] =	vst v63  }
0x248: {  	s17 =	simm.s32 $0xEA00  }
0x249: {  	[tilespmem:s17], [sflag:$0x1] =	stream.indirect_vreg.gather [hbm4b:s9+s3], $0x80, v4, vm0, $0xb8;
	[tilespmem:$0x18200] =	vst v63  }
0x24a: {  	s18 =	simm.s32 $0xF200  }
0x24b: {  	[tilespmem:s18], [sflag:$0x1] =	stream.indirect_vreg.gather [hbm4b:s1+s3], $0x80, v3, vm0, $0xb8;
	[tilespmem:$0x18200] =	vst v63  }
0x24c: {  	s22 =	simm.s32 $0xFA00  }
0x24d: {  	[tilespmem:s22], [sflag:$0x1] =	stream.indirect_vreg.gather [hbm4b:s5+s3], $0x80, v3, vm0, $0xb8;
	[tilespmem:$0x18200] =	vst v63  }
0x24e: {  	s25 =	simm.s32 $0x10200  }
0x24f: {  	[tilespmem:s25], [sflag:$0x1] =	stream.indirect_vreg.gather [hbm4b:s6+s3], $0x80, v3, vm0, $0xb8;
	[tilespmem:$0x18200] =	vst v63  }
0x250: {  	s26 =	simm.s32 $0x10A00  }
0x251: {  	[tilespmem:s26], [sflag:$0x1] =	stream.indirect_vreg.gather [hbm4b:s7+s3], $0x80, v3, vm0, $0xb8;
	[tilespmem:$0x18200] =	vst v63  }
0x252: {  	s28 =	simm.s32 $0x11200  }
0x253: {  	[tilespmem:s28], [sflag:$0x1] =	stream.indirect_vreg.gather [hbm4b:s8+s3], $0x80, v3, vm0, $0xb8;
	[tilespmem:$0x18200] =	vst v63  }
0x254: {  	_ = 	snop  }
0x255: {  	[tilespmem:s19], [sflag:$0x1] =	stream.indirect_vreg.gather [hbm4b:s9+s3], $0x80, v3, vm0, $0xb8;
	[tilespmem:$0x18200] =	vst v63  }
0x256: {  	_ =	swait.ge [sflag:s14], $0x6000  }
0x257: {  	[sflag:s14] =	ssyncset.done $0x0  }
0x258: {  	s2 =	simm.s32 $0x6200;
	s19 =	rddreg [dreg:$0x11];
	[sflag:s14] =	ssyncadd.s32 $0xFFFFA000  }
0x259: {  	[hbm4b:s19+s3] =	stream.linear.scatter [tilespmem:s2], [sflag:$0x2], $0x6000, $0x38;
	[tilespmem:$0x18200] =	vst v63  }
0x25a: {  	_ =	swait.ge [sflag:s20], $0x6000  }
0x25b: {  	[sflag:s20] =	ssyncset.done $0x0  }
0x25c: {  	[sflag:s20] =	ssyncadd.s32 $0xFFFFA000  }
0x25d: {  	v3 =	vld [tilespmem:$0xF0];
	_ =	sdelay $0x4  }
0x25e: {  	v47 =	vshrl.u32 v3, $0x3  }
0x25f: {  	v4 =	vmul.u32 $0x60, v47  }
0x260: {  	v3 =	vand.u32 $0x7, v3  }
0x261: {  	v3 =	vor.u32 v3, v4  }
0x262: {  	v4 =	vperm.xlane v3, v0;
	_ =	sdelay $0x1  }
0x263: {  	v4 =	vadd.s32 v1, v4;
	_ =	sdelay $0x3  }
0x264: {  	s0 =	simm.s32 $0x12200  }
0x265: {  	[tilespmem:s0], [sflag:$0x1] =	stream.indirect_vreg.gather [hbm4b:s1+s3], $0x80, v4, vm0, $0xb8;
	[tilespmem:$0x18200] =	vst v63  }
0x266: {  	_ = 	snop  }
0x267: {  	[tilespmem:s15], [sflag:$0x1] =	stream.indirect_vreg.gather [hbm4b:s5+s3], $0x80, v4, vm0, $0xb8;
	[tilespmem:$0x18200] =	vst v63  }
0x268: {  	_ = 	snop  }
0x269: {  	[tilespmem:s23], [sflag:$0x1] =	stream.indirect_vreg.gather [hbm4b:s6+s3], $0x80, v4, vm0, $0xb8;
	[tilespmem:$0x18200] =	vst v63  }
0x26a: {  	v3 =	vperm.xlane v3, v2  }
0x26b: {  	[tilespmem:s13], [sflag:$0x1] =	stream.indirect_vreg.gather [hbm4b:s7+s3], $0x80, v4, vm0, $0xb8;
	[tilespmem:$0x18200] =	vst v63  }
0x26c: {  	v3 =	vadd.s32 v1, v3  }
0x26d: {  	[tilespmem:s24], [sflag:$0x1] =	stream.indirect_vreg.gather [hbm4b:s8+s3], $0x80, v4, vm0, $0xb8;
	[tilespmem:$0x18200] =	vst v63  }
0x26e: {  	_ = 	snop  }
0x26f: {  	[tilespmem:s29], [sflag:$0x1] =	stream.indirect_vreg.gather [hbm4b:s9+s3], $0x80, v4, vm0, $0xb8;
	[tilespmem:$0x18200] =	vst v63  }
0x270: {  	_ = 	snop  }
0x271: {  	[tilespmem:s31], [sflag:$0x1] =	stream.indirect_vreg.gather [hbm4b:s1+s3], $0x80, v3, vm0, $0xb8;
	[tilespmem:$0x18200] =	vst v63  }
0x272: {  	s31 =	simm.s32 $0x15A00  }
0x273: {  	[tilespmem:s31], [sflag:$0x1] =	stream.indirect_vreg.gather [hbm4b:s5+s3], $0x80, v3, vm0, $0xb8;
	[tilespmem:$0x18200] =	vst v63  }
0x274: {  	s13 =	simm.s32 $0x16200  }
0x275: {  	[tilespmem:s13], [sflag:$0x1] =	stream.indirect_vreg.gather [hbm4b:s6+s3], $0x80, v3, vm0, $0xb8;
	[tilespmem:$0x18200] =	vst v63  }
0x276: {  	s15 =	simm.s32 $0x16A00  }
0x277: {  	[tilespmem:s15], [sflag:$0x1] =	stream.indirect_vreg.gather [hbm4b:s7+s3], $0x80, v3, vm0, $0xb8;
	[tilespmem:$0x18200] =	vst v63  }
0x278: {  	_ = 	snop  }
0x279: {  	[tilespmem:s12], [sflag:$0x1] =	stream.indirect_vreg.gather [hbm4b:s8+s3], $0x80, v3, vm0, $0xb8;
	[tilespmem:$0x18200] =	vst v63  }
0x27a: {  	_ = 	snop  }
0x27b: {  	[tilespmem:s16], [sflag:$0x1] =	stream.indirect_vreg.gather [hbm4b:s9+s3], $0x80, v3, vm0, $0xb8;
	[tilespmem:$0x18200] =	vst v63  }
0x27c: {  	_ =	swait.ge [sflag:s14], $0x6000  }
0x27d: {  	[sflag:s14] =	ssyncset.done $0x0  }
0x27e: {  	s4 =	simm.s32 $0xC200;
	s16 =	rddreg [dreg:$0x12];
	[sflag:s14] =	ssyncadd.s32 $0xFFFFA000  }
0x27f: {  	[hbm4b:s16+s3] =	stream.linear.scatter [tilespmem:s4], [sflag:$0x2], $0x6000, $0x38;
	[tilespmem:$0x18200] =	vst v63  }
0x280: {  	_ =	swait.ge [sflag:s20], $0x6000  }
0x281: {  	[sflag:s20] =	ssyncset.done $0x0  }
0x282: {  	[sflag:s20] =	ssyncadd.s32 $0xFFFFA000  }
0x283: {  	v3 =	vld [tilespmem:$0x100];
	_ =	sdelay $0x4  }
0x284: {  	v48 =	vshrl.u32 v3, $0x3  }
0x285: {  	v4 =	vmul.u32 $0x60, v48  }
0x286: {  	v3 =	vand.u32 $0x7, v3  }
0x287: {  	v3 =	vor.u32 v3, v4  }
0x288: {  	v4 =	vperm.xlane v3, v0;
	_ =	sdelay $0x1  }
0x289: {  	v4 =	vadd.s32 v1, v4;
	_ =	sdelay $0x3  }
0x28a: {  	s4 =	simm.s32 $0x200  }
0x28b: {  	[tilespmem:s4], [sflag:$0x1] =	stream.indirect_vreg.gather [hbm4b:s1+s3], $0x80, v4, vm0, $0xb8;
	[tilespmem:$0x18200] =	vst v63  }
0x28c: {  	s23 =	simm.s32 $0xA00  }
0x28d: {  	[tilespmem:s23], [sflag:$0x1] =	stream.indirect_vreg.gather [hbm4b:s5+s3], $0x80, v4, vm0, $0xb8;
	[tilespmem:$0x18200] =	vst v63  }
0x28e: {  	s24 =	simm.s32 $0x1200  }
0x28f: {  	[tilespmem:s24], [sflag:$0x1] =	stream.indirect_vreg.gather [hbm4b:s6+s3], $0x80, v4, vm0, $0xb8;
	[tilespmem:$0x18200] =	vst v63  }
0x290: {  	s29 =	simm.s32 $0x1A00;
	v3 =	vperm.xlane v3, v2  }
0x291: {  	[tilespmem:s29], [sflag:$0x1] =	stream.indirect_vreg.gather [hbm4b:s7+s3], $0x80, v4, vm0, $0xb8;
	[tilespmem:$0x18200] =	vst v63  }
0x292: {  	s31 =	simm.s32 $0x2200;
	v3 =	vadd.s32 v1, v3  }
0x293: {  	[tilespmem:s31], [sflag:$0x1] =	stream.indirect_vreg.gather [hbm4b:s8+s3], $0x80, v4, vm0, $0xb8;
	[tilespmem:$0x18200] =	vst v63  }
0x294: {  	_ = 	snop  }
0x295: {  	[tilespmem:s11], [sflag:$0x1] =	stream.indirect_vreg.gather [hbm4b:s9+s3], $0x80, v4, vm0, $0xb8;
	[tilespmem:$0x18200] =	vst v63  }
0x296: {  	s12 =	simm.s32 $0x3200  }
0x297: {  	[tilespmem:s12], [sflag:$0x1] =	stream.indirect_vreg.gather [hbm4b:s1+s3], $0x80, v3, vm0, $0xb8;
	[tilespmem:$0x18200] =	vst v63  }
0x298: {  	s13 =	simm.s32 $0x3A00  }
0x299: {  	[tilespmem:s13], [sflag:$0x1] =	stream.indirect_vreg.gather [hbm4b:s5+s3], $0x80, v3, vm0, $0xb8;
	[tilespmem:$0x18200] =	vst v63  }
0x29a: {  	s15 =	simm.s32 $0x4200  }
0x29b: {  	[tilespmem:s15], [sflag:$0x1] =	stream.indirect_vreg.gather [hbm4b:s6+s3], $0x80, v3, vm0, $0xb8;
	[tilespmem:$0x18200] =	vst v63  }
0x29c: {  	s16 =	simm.s32 $0x4A00  }
0x29d: {  	[tilespmem:s16], [sflag:$0x1] =	stream.indirect_vreg.gather [hbm4b:s7+s3], $0x80, v3, vm0, $0xb8;
	[tilespmem:$0x18200] =	vst v63  }
0x29e: {  	s21 =	simm.s32 $0x5200  }
0x29f: {  	[tilespmem:s21], [sflag:$0x1] =	stream.indirect_vreg.gather [hbm4b:s8+s3], $0x80, v3, vm0, $0xb8;
	[tilespmem:$0x18200] =	vst v63  }
0x2a0: {  	s23 =	simm.s32 $0x5A00  }
0x2a1: {  	[tilespmem:s23], [sflag:$0x1] =	stream.indirect_vreg.gather [hbm4b:s9+s3], $0x80, v3, vm0, $0xb8;
	[tilespmem:$0x18200] =	vst v63  }
0x2a2: {  	_ =	swait.ge [sflag:s14], $0x6000  }
0x2a3: {  	[sflag:s14] =	ssyncset.done $0x0  }
0x2a4: {  	s24 =	rddreg [dreg:$0x13];
	[sflag:s14] =	ssyncadd.s32 $0xFFFFA000  }
0x2a5: {  	[hbm4b:s24+s3] =	stream.linear.scatter [tilespmem:s0], [sflag:$0x2], $0x6000, $0x38;
	[tilespmem:$0x18200] =	vst v63  }
0x2a6: {  	_ =	swait.ge [sflag:s20], $0x6000  }
0x2a7: {  	[sflag:s20] =	ssyncset.done $0x0  }
0x2a8: {  	[sflag:s20] =	ssyncadd.s32 $0xFFFFA000  }
0x2a9: {  	v3 =	vld [tilespmem:$0x110];
	_ =	sdelay $0x4  }
0x2aa: {  	v49 =	vshrl.u32 v3, $0x3  }
0x2ab: {  	v4 =	vmul.u32 $0x60, v49  }
0x2ac: {  	v3 =	vand.u32 $0x7, v3  }
0x2ad: {  	v3 =	vor.u32 v3, v4  }
0x2ae: {  	v4 =	vperm.xlane v3, v0;
	_ =	sdelay $0x1  }
0x2af: {  	v4 =	vadd.s32 v1, v4;
	_ =	sdelay $0x3  }
0x2b0: {  	s19 =	simm.s32 $0x6200  }
0x2b1: {  	[tilespmem:s19], [sflag:$0x1] =	stream.indirect_vreg.gather [hbm4b:s1+s3], $0x80, v4, vm0, $0xb8;
	[tilespmem:$0x18200] =	vst v63  }
0x2b2: {  	s24 =	simm.s32 $0x6A00  }
0x2b3: {  	[tilespmem:s24], [sflag:$0x1] =	stream.indirect_vreg.gather [hbm4b:s5+s3], $0x80, v4, vm0, $0xb8;
	[tilespmem:$0x18200] =	vst v63  }
0x2b4: {  	s29 =	simm.s32 $0x7200  }
0x2b5: {  	[tilespmem:s29], [sflag:$0x1] =	stream.indirect_vreg.gather [hbm4b:s6+s3], $0x80, v4, vm0, $0xb8;
	[tilespmem:$0x18200] =	vst v63  }
0x2b6: {  	s31 =	simm.s32 $0x7A00;
	v3 =	vperm.xlane v3, v2  }
0x2b7: {  	[tilespmem:s31], [sflag:$0x1] =	stream.indirect_vreg.gather [hbm4b:s7+s3], $0x80, v4, vm0, $0xb8;
	[tilespmem:$0x18200] =	vst v63  }
0x2b8: {  	v3 =	vadd.s32 v1, v3;
	s19 =	simm.s32 $0x8200  }
0x2b9: {  	[tilespmem:s19], [sflag:$0x1] =	stream.indirect_vreg.gather [hbm4b:s8+s3], $0x80, v4, vm0, $0xb8;
	[tilespmem:$0x18200] =	vst v63  }
0x2ba: {  	s23 =	simm.s32 $0x8A00  }
0x2bb: {  	[tilespmem:s23], [sflag:$0x1] =	stream.indirect_vreg.gather [hbm4b:s9+s3], $0x80, v4, vm0, $0xb8;
	[tilespmem:$0x18200] =	vst v63  }
0x2bc: {  	s29 =	simm.s32 $0x9200  }
0x2bd: {  	[tilespmem:s29], [sflag:$0x1] =	stream.indirect_vreg.gather [hbm4b:s1+s3], $0x80, v3, vm0, $0xb8;
	[tilespmem:$0x18200] =	vst v63  }
0x2be: {  	s31 =	simm.s32 $0x9A00  }
0x2bf: {  	[tilespmem:s31], [sflag:$0x1] =	stream.indirect_vreg.gather [hbm4b:s5+s3], $0x80, v3, vm0, $0xb8;
	[tilespmem:$0x18200] =	vst v63  }
0x2c0: {  	_ = 	snop  }
0x2c1: {  	[tilespmem:s10], [sflag:$0x1] =	stream.indirect_vreg.gather [hbm4b:s6+s3], $0x80, v3, vm0, $0xb8;
	[tilespmem:$0x18200] =	vst v63  }
0x2c2: {  	s10 =	simm.s32 $0xAA00  }
0x2c3: {  	[tilespmem:s10], [sflag:$0x1] =	stream.indirect_vreg.gather [hbm4b:s7+s3], $0x80, v3, vm0, $0xb8;
	[tilespmem:$0x18200] =	vst v63  }
0x2c4: {  	s13 =	simm.s32 $0xB200  }
0x2c5: {  	[tilespmem:s13], [sflag:$0x1] =	stream.indirect_vreg.gather [hbm4b:s8+s3], $0x80, v3, vm0, $0xb8;
	[tilespmem:$0x18200] =	vst v63  }
0x2c6: {  	s15 =	simm.s32 $0xBA00  }
0x2c7: {  	[tilespmem:s15], [sflag:$0x1] =	stream.indirect_vreg.gather [hbm4b:s9+s3], $0x80, v3, vm0, $0xb8;
	[tilespmem:$0x18200] =	vst v63  }
0x2c8: {  	_ =	swait.ge [sflag:s14], $0x6000  }
0x2c9: {  	[sflag:s14] =	ssyncset.done $0x0  }
0x2ca: {  	s16 =	rddreg [dreg:$0x14];
	[sflag:s14] =	ssyncadd.s32 $0xFFFFA000  }
0x2cb: {  	[hbm4b:s16+s3] =	stream.linear.scatter [tilespmem:s4], [sflag:$0x2], $0x6000, $0x38;
	[tilespmem:$0x18200] =	vst v63  }
0x2cc: {  	_ =	swait.ge [sflag:s20], $0x6000  }
0x2cd: {  	[sflag:s20] =	ssyncset.done $0x0  }
0x2ce: {  	[sflag:s20] =	ssyncadd.s32 $0xFFFFA000  }
0x2cf: {  	v3 =	vld [tilespmem:$0x120];
	_ =	sdelay $0x4  }
0x2d0: {  	v50 =	vshrl.u32 v3, $0x3  }
0x2d1: {  	v4 =	vmul.u32 $0x60, v50  }
0x2d2: {  	v3 =	vand.u32 $0x7, v3  }
0x2d3: {  	v3 =	vor.u32 v3, v4  }
0x2d4: {  	v4 =	vperm.xlane v3, v0;
	_ =	sdelay $0x1  }
0x2d5: {  	v4 =	vadd.s32 v1, v4;
	_ =	sdelay $0x3  }
0x2d6: {  	s2 =	simm.s32 $0xC200  }
0x2d7: {  	[tilespmem:s2], [sflag:$0x1] =	stream.indirect_vreg.gather [hbm4b:s1+s3], $0x80, v4, vm0, $0xb8;
	[tilespmem:$0x18200] =	vst v63  }
0x2d8: {  	_ = 	snop  }
0x2d9: {  	[tilespmem:s30], [sflag:$0x1] =	stream.indirect_vreg.gather [hbm4b:s5+s3], $0x80, v4, vm0, $0xb8;
	[tilespmem:$0x18200] =	vst v63  }
0x2da: {  	s13 =	simm.s32 $0xD200  }
0x2db: {  	[tilespmem:s13], [sflag:$0x1] =	stream.indirect_vreg.gather [hbm4b:s6+s3], $0x80, v4, vm0, $0xb8;
	[tilespmem:$0x18200] =	vst v63  }
0x2dc: {  	v3 =	vperm.xlane v3, v2;
	s30 =	simm.s32 $0xDA00  }
0x2dd: {  	[tilespmem:s30], [sflag:$0x1] =	stream.indirect_vreg.gather [hbm4b:s7+s3], $0x80, v4, vm0, $0xb8;
	[tilespmem:$0x18200] =	vst v63  }
0x2de: {  	s4 =	simm.s32 $0xE200;
	v3 =	vadd.s32 v1, v3  }
0x2df: {  	[tilespmem:s4], [sflag:$0x1] =	stream.indirect_vreg.gather [hbm4b:s8+s3], $0x80, v4, vm0, $0xb8;
	[tilespmem:$0x18200] =	vst v63  }
0x2e0: {  	_ = 	snop  }
0x2e1: {  	[tilespmem:s17], [sflag:$0x1] =	stream.indirect_vreg.gather [hbm4b:s9+s3], $0x80, v4, vm0, $0xb8;
	[tilespmem:$0x18200] =	vst v63  }
0x2e2: {  	_ = 	snop  }
0x2e3: {  	[tilespmem:s18], [sflag:$0x1] =	stream.indirect_vreg.gather [hbm4b:s1+s3], $0x80, v3, vm0, $0xb8;
	[tilespmem:$0x18200] =	vst v63  }
0x2e4: {  	_ = 	snop  }
0x2e5: {  	[tilespmem:s22], [sflag:$0x1] =	stream.indirect_vreg.gather [hbm4b:s5+s3], $0x80, v3, vm0, $0xb8;
	[tilespmem:$0x18200] =	vst v63  }
0x2e6: {  	_ = 	snop  }
0x2e7: {  	[tilespmem:s25], [sflag:$0x1] =	stream.indirect_vreg.gather [hbm4b:s6+s3], $0x80, v3, vm0, $0xb8;
	[tilespmem:$0x18200] =	vst v63  }
0x2e8: {  	_ = 	snop  }
0x2e9: {  	[tilespmem:s26], [sflag:$0x1] =	stream.indirect_vreg.gather [hbm4b:s7+s3], $0x80, v3, vm0, $0xb8;
	[tilespmem:$0x18200] =	vst v63  }
0x2ea: {  	_ = 	snop  }
0x2eb: {  	[tilespmem:s28], [sflag:$0x1] =	stream.indirect_vreg.gather [hbm4b:s8+s3], $0x80, v3, vm0, $0xb8;
	[tilespmem:$0x18200] =	vst v63  }
0x2ec: {  	s15 =	simm.s32 $0x11A00  }
0x2ed: {  	[tilespmem:s15], [sflag:$0x1] =	stream.indirect_vreg.gather [hbm4b:s9+s3], $0x80, v3, vm0, $0xb8;
	[tilespmem:$0x18200] =	vst v63  }
0x2ee: {  	_ =	swait.ge [sflag:s14], $0x6000  }
0x2ef: {  	[sflag:s14] =	ssyncset.done $0x0  }
0x2f0: {  	s12 =	simm.s32 $0x6200;
	s10 =	rddreg [dreg:$0x15];
	[sflag:s14] =	ssyncadd.s32 $0xFFFFA000  }
0x2f1: {  	[hbm4b:s10+s3] =	stream.linear.scatter [tilespmem:s12], [sflag:$0x2], $0x6000, $0x38;
	[tilespmem:$0x18200] =	vst v63  }
0x2f2: {  	_ =	swait.ge [sflag:s20], $0x6000  }
0x2f3: {  	[sflag:s20] =	ssyncset.done $0x0  }
0x2f4: {  	[sflag:s20] =	ssyncadd.s32 $0xFFFFA000  }
0x2f5: {  	v3 =	vld [tilespmem:$0x130];
	_ =	sdelay $0x4  }
0x2f6: {  	v51 =	vshrl.u32 v3, $0x3  }
0x2f7: {  	v4 =	vmul.u32 $0x60, v51  }
0x2f8: {  	v3 =	vand.u32 $0x7, v3  }
0x2f9: {  	v3 =	vor.u32 v3, v4  }
0x2fa: {  	v4 =	vperm.xlane v3, v0;
	_ =	sdelay $0x1  }
0x2fb: {  	v4 =	vadd.s32 v1, v4;
	_ =	sdelay $0x3  }
0x2fc: {  	s11 =	simm.s32 $0x12200  }
0x2fd: {  	[tilespmem:s11], [sflag:$0x1] =	stream.indirect_vreg.gather [hbm4b:s1+s3], $0x80, v4, vm0, $0xb8;
	[tilespmem:$0x18200] =	vst v63  }
0x2fe: {  	s28 =	simm.s32 $0x12A00  }
0x2ff: {  	[tilespmem:s28], [sflag:$0x1] =	stream.indirect_vreg.gather [hbm4b:s5+s3], $0x80, v4, vm0, $0xb8;
	[tilespmem:$0x18200] =	vst v63  }
0x300: {  	s18 =	simm.s32 $0x13200  }
0x301: {  	[tilespmem:s18], [sflag:$0x1] =	stream.indirect_vreg.gather [hbm4b:s6+s3], $0x80, v4, vm0, $0xb8;
	[tilespmem:$0x18200] =	vst v63  }
0x302: {  	s12 =	simm.s32 $0x13A00;
	v3 =	vperm.xlane v3, v2  }
0x303: {  	[tilespmem:s12], [sflag:$0x1] =	stream.indirect_vreg.gather [hbm4b:s7+s3], $0x80, v4, vm0, $0xb8;
	[tilespmem:$0x18200] =	vst v63  }
0x304: {  	s30 =	simm.s32 $0x14200;
	v3 =	vadd.s32 v1, v3  }
0x305: {  	[tilespmem:s30], [sflag:$0x1] =	stream.indirect_vreg.gather [hbm4b:s8+s3], $0x80, v4, vm0, $0xb8;
	[tilespmem:$0x18200] =	vst v63  }
0x306: {  	s16 =	simm.s32 $0x14A00  }
0x307: {  	[tilespmem:s16], [sflag:$0x1] =	stream.indirect_vreg.gather [hbm4b:s9+s3], $0x80, v4, vm0, $0xb8;
	[tilespmem:$0x18200] =	vst v63  }
0x308: {  	s11 =	simm.s32 $0x15200  }
0x309: {  	[tilespmem:s11], [sflag:$0x1] =	stream.indirect_vreg.gather [hbm4b:s1+s3], $0x80, v3, vm0, $0xb8;
	[tilespmem:$0x18200] =	vst v63  }
0x30a: {  	s12 =	simm.s32 $0x15A00  }
0x30b: {  	[tilespmem:s12], [sflag:$0x1] =	stream.indirect_vreg.gather [hbm4b:s5+s3], $0x80, v3, vm0, $0xb8;
	[tilespmem:$0x18200] =	vst v63  }
0x30c: {  	s17 =	simm.s32 $0x16200  }
0x30d: {  	[tilespmem:s17], [sflag:$0x1] =	stream.indirect_vreg.gather [hbm4b:s6+s3], $0x80, v3, vm0, $0xb8;
	[tilespmem:$0x18200] =	vst v63  }
0x30e: {  	s21 =	simm.s32 $0x16A00  }
0x30f: {  	[tilespmem:s21], [sflag:$0x1] =	stream.indirect_vreg.gather [hbm4b:s7+s3], $0x80, v3, vm0, $0xb8;
	[tilespmem:$0x18200] =	vst v63  }
0x310: {  	s16 =	simm.s32 $0x17200  }
0x311: {  	[tilespmem:s16], [sflag:$0x1] =	stream.indirect_vreg.gather [hbm4b:s8+s3], $0x80, v3, vm0, $0xb8;
	[tilespmem:$0x18200] =	vst v63  }
0x312: {  	s17 =	simm.s32 $0x17A00  }
0x313: {  	[tilespmem:s17], [sflag:$0x1] =	stream.indirect_vreg.gather [hbm4b:s9+s3], $0x80, v3, vm0, $0xb8;
	[tilespmem:$0x18200] =	vst v63  }
0x314: {  	_ =	swait.ge [sflag:s14], $0x6000  }
0x315: {  	[sflag:s14] =	ssyncset.done $0x0  }
0x316: {  	s0 =	simm.s32 $0xC200;
	s22 =	rddreg [dreg:$0x16];
	[sflag:s14] =	ssyncadd.s32 $0xFFFFA000  }
0x317: {  	[hbm4b:s22+s3] =	stream.linear.scatter [tilespmem:s0], [sflag:$0x2], $0x6000, $0x38;
	[tilespmem:$0x18200] =	vst v63  }
0x318: {  	_ =	swait.ge [sflag:s20], $0x6000  }
0x319: {  	[sflag:s20] =	ssyncset.done $0x0  }
0x31a: {  	[sflag:s20] =	ssyncadd.s32 $0xFFFFA000  }
0x31b: {  	v3 =	vld [tilespmem:$0x140];
	_ =	sdelay $0x4  }
0x31c: {  	v52 =	vshrl.u32 v3, $0x3  }
0x31d: {  	v4 =	vmul.u32 $0x60, v52  }
0x31e: {  	v3 =	vand.u32 $0x7, v3  }
0x31f: {  	v3 =	vor.u32 v3, v4  }
0x320: {  	v4 =	vperm.xlane v3, v0;
	_ =	sdelay $0x1  }
0x321: {  	v4 =	vadd.s32 v1, v4;
	_ =	sdelay $0x3  }
0x322: {  	s2 =	simm.s32 $0x200  }
0x323: {  	[tilespmem:s2], [sflag:$0x1] =	stream.indirect_vreg.gather [hbm4b:s1+s3], $0x80, v4, vm0, $0xb8;
	[tilespmem:$0x18200] =	vst v63  }
0x324: {  	s22 =	simm.s32 $0xA00  }
0x325: {  	[tilespmem:s22], [sflag:$0x1] =	stream.indirect_vreg.gather [hbm4b:s5+s3], $0x80, v4, vm0, $0xb8;
	[tilespmem:$0x18200] =	vst v63  }
0x326: {  	s26 =	simm.s32 $0x1200  }
0x327: {  	[tilespmem:s26], [sflag:$0x1] =	stream.indirect_vreg.gather [hbm4b:s6+s3], $0x80, v4, vm0, $0xb8;
	[tilespmem:$0x18200] =	vst v63  }
0x328: {  	s25 =	simm.s32 $0x1A00;
	v3 =	vperm.xlane v3, v2  }
0x329: {  	[tilespmem:s25], [sflag:$0x1] =	stream.indirect_vreg.gather [hbm4b:s7+s3], $0x80, v4, vm0, $0xb8;
	[tilespmem:$0x18200] =	vst v63  }
0x32a: {  	v3 =	vadd.s32 v1, v3;
	s25 =	simm.s32 $0x2200  }
0x32b: {  	[tilespmem:s25], [sflag:$0x1] =	stream.indirect_vreg.gather [hbm4b:s8+s3], $0x80, v4, vm0, $0xb8;
	[tilespmem:$0x18200] =	vst v63  }
0x32c: {  	s21 =	simm.s32 $0x2A00  }
0x32d: {  	[tilespmem:s21], [sflag:$0x1] =	stream.indirect_vreg.gather [hbm4b:s9+s3], $0x80, v4, vm0, $0xb8;
	[tilespmem:$0x18200] =	vst v63  }
0x32e: {  	s21 =	simm.s32 $0x3200  }
0x32f: {  	[tilespmem:s21], [sflag:$0x1] =	stream.indirect_vreg.gather [hbm4b:s1+s3], $0x80, v3, vm0, $0xb8;
	[tilespmem:$0x18200] =	vst v63  }
0x330: {  	s21 =	simm.s32 $0x3A00  }
0x331: {  	[tilespmem:s21], [sflag:$0x1] =	stream.indirect_vreg.gather [hbm4b:s5+s3], $0x80, v3, vm0, $0xb8;
	[tilespmem:$0x18200] =	vst v63  }
0x332: {  	s21 =	simm.s32 $0x4200  }
0x333: {  	[tilespmem:s21], [sflag:$0x1] =	stream.indirect_vreg.gather [hbm4b:s6+s3], $0x80, v3, vm0, $0xb8;
	[tilespmem:$0x18200] =	vst v63  }
0x334: {  	s21 =	simm.s32 $0x4A00  }
0x335: {  	[tilespmem:s21], [sflag:$0x1] =	stream.indirect_vreg.gather [hbm4b:s7+s3], $0x80, v3, vm0, $0xb8;
	[tilespmem:$0x18200] =	vst v63  }
0x336: {  	s21 =	simm.s32 $0x5200  }
0x337: {  	[tilespmem:s21], [sflag:$0x1] =	stream.indirect_vreg.gather [hbm4b:s8+s3], $0x80, v3, vm0, $0xb8;
	[tilespmem:$0x18200] =	vst v63  }
0x338: {  	s21 =	simm.s32 $0x5A00  }
0x339: {  	[tilespmem:s21], [sflag:$0x1] =	stream.indirect_vreg.gather [hbm4b:s9+s3], $0x80, v3, vm0, $0xb8;
	[tilespmem:$0x18200] =	vst v63  }
0x33a: {  	_ =	swait.ge [sflag:s14], $0x6000  }
0x33b: {  	[sflag:s14] =	ssyncset.done $0x0  }
0x33c: {  	s4 =	simm.s32 $0x12200;
	s0 =	rddreg [dreg:$0x17];
	[sflag:s14] =	ssyncadd.s32 $0xFFFFA000  }
0x33d: {  	[hbm4b:s0+s3] =	stream.linear.scatter [tilespmem:s4], [sflag:$0x2], $0x6000, $0x38;
	[tilespmem:$0x18200] =	vst v63  }
0x33e: {  	_ =	swait.ge [sflag:s20], $0x6000  }
0x33f: {  	[sflag:s20] =	ssyncset.done $0x0  }
0x340: {  	[sflag:s20] =	ssyncadd.s32 $0xFFFFA000  }
0x341: {  	v3 =	vld [tilespmem:$0x150];
	_ =	sdelay $0x4  }
0x342: {  	v53 =	vshrl.u32 v3, $0x3  }
0x343: {  	v4 =	vmul.u32 $0x60, v53  }
0x344: {  	v3 =	vand.u32 $0x7, v3  }
0x345: {  	v3 =	vor.u32 v3, v4  }
0x346: {  	v4 =	vperm.xlane v3, v0;
	_ =	sdelay $0x1  }
0x347: {  	v4 =	vadd.s32 v1, v4;
	_ =	sdelay $0x3  }
0x348: {  	s10 =	simm.s32 $0x6200  }
0x349: {  	[tilespmem:s10], [sflag:$0x1] =	stream.indirect_vreg.gather [hbm4b:s1+s3], $0x80, v4, vm0, $0xb8;
	[tilespmem:$0x18200] =	vst v63  }
0x34a: {  	_ = 	snop  }
0x34b: {  	[tilespmem:s24], [sflag:$0x1] =	stream.indirect_vreg.gather [hbm4b:s5+s3], $0x80, v4, vm0, $0xb8;
	[tilespmem:$0x18200] =	vst v63  }
0x34c: {  	s21 =	simm.s32 $0x7200  }
0x34d: {  	[tilespmem:s21], [sflag:$0x1] =	stream.indirect_vreg.gather [hbm4b:s6+s3], $0x80, v4, vm0, $0xb8;
	[tilespmem:$0x18200] =	vst v63  }
0x34e: {  	v3 =	vperm.xlane v3, v2;
	s24 =	simm.s32 $0x7A00  }
0x34f: {  	[tilespmem:s24], [sflag:$0x1] =	stream.indirect_vreg.gather [hbm4b:s7+s3], $0x80, v4, vm0, $0xb8;
	[tilespmem:$0x18200] =	vst v63  }
0x350: {  	v3 =	vadd.s32 v1, v3  }
0x351: {  	[tilespmem:s19], [sflag:$0x1] =	stream.indirect_vreg.gather [hbm4b:s8+s3], $0x80, v4, vm0, $0xb8;
	[tilespmem:$0x18200] =	vst v63  }
0x352: {  	_ = 	snop  }
0x353: {  	[tilespmem:s23], [sflag:$0x1] =	stream.indirect_vreg.gather [hbm4b:s9+s3], $0x80, v4, vm0, $0xb8;
	[tilespmem:$0x18200] =	vst v63  }
0x354: {  	_ = 	snop  }
0x355: {  	[tilespmem:s29], [sflag:$0x1] =	stream.indirect_vreg.gather [hbm4b:s1+s3], $0x80, v3, vm0, $0xb8;
	[tilespmem:$0x18200] =	vst v63  }
0x356: {  	_ = 	snop  }
0x357: {  	[tilespmem:s31], [sflag:$0x1] =	stream.indirect_vreg.gather [hbm4b:s5+s3], $0x80, v3, vm0, $0xb8;
	[tilespmem:$0x18200] =	vst v63  }
0x358: {  	s24 =	simm.s32 $0xA200  }
0x359: {  	[tilespmem:s24], [sflag:$0x1] =	stream.indirect_vreg.gather [hbm4b:s6+s3], $0x80, v3, vm0, $0xb8;
	[tilespmem:$0x18200] =	vst v63  }
0x35a: {  	s29 =	simm.s32 $0xAA00  }
0x35b: {  	[tilespmem:s29], [sflag:$0x1] =	stream.indirect_vreg.gather [hbm4b:s7+s3], $0x80, v3, vm0, $0xb8;
	[tilespmem:$0x18200] =	vst v63  }
0x35c: {  	s19 =	simm.s32 $0xB200  }
0x35d: {  	[tilespmem:s19], [sflag:$0x1] =	stream.indirect_vreg.gather [hbm4b:s8+s3], $0x80, v3, vm0, $0xb8;
	[tilespmem:$0x18200] =	vst v63  }
0x35e: {  	s23 =	simm.s32 $0xBA00  }
0x35f: {  	[tilespmem:s23], [sflag:$0x1] =	stream.indirect_vreg.gather [hbm4b:s9+s3], $0x80, v3, vm0, $0xb8;
	[tilespmem:$0x18200] =	vst v63  }
0x360: {  	_ =	swait.ge [sflag:s14], $0x6000  }
0x361: {  	[sflag:s14] =	ssyncset.done $0x0  }
0x362: {  	s0 =	rddreg [dreg:$0x18];
	[sflag:s14] =	ssyncadd.s32 $0xFFFFA000  }
0x363: {  	[hbm4b:s0+s3] =	stream.linear.scatter [tilespmem:s2], [sflag:$0x2], $0x6000, $0x38;
	[tilespmem:$0x18200] =	vst v63  }
0x364: {  	_ =	swait.ge [sflag:s20], $0x6000  }
0x365: {  	[sflag:s20] =	ssyncset.done $0x0  }
0x366: {  	[sflag:s20] =	ssyncadd.s32 $0xFFFFA000  }
0x367: {  	v3 =	vld [tilespmem:$0x160];
	_ =	sdelay $0x4  }
0x368: {  	v54 =	vshrl.u32 v3, $0x3  }
0x369: {  	v4 =	vmul.u32 $0x60, v54  }
0x36a: {  	v3 =	vand.u32 $0x7, v3  }
0x36b: {  	v3 =	vor.u32 v3, v4  }
0x36c: {  	v4 =	vperm.xlane v3, v0;
	_ =	sdelay $0x1  }
0x36d: {  	v4 =	vadd.s32 v1, v4;
	_ =	sdelay $0x3  }
0x36e: {  	s0 =	simm.s32 $0xC200  }
0x36f: {  	[tilespmem:s0], [sflag:$0x1] =	stream.indirect_vreg.gather [hbm4b:s1+s3], $0x80, v4, vm0, $0xb8;
	[tilespmem:$0x18200] =	vst v63  }
0x370: {  	s21 =	simm.s32 $0xCA00  }
0x371: {  	[tilespmem:s21], [sflag:$0x1] =	stream.indirect_vreg.gather [hbm4b:s5+s3], $0x80, v4, vm0, $0xb8;
	[tilespmem:$0x18200] =	vst v63  }
0x372: {  	_ = 	snop  }
0x373: {  	[tilespmem:s13], [sflag:$0x1] =	stream.indirect_vreg.gather [hbm4b:s6+s3], $0x80, v4, vm0, $0xb8;
	[tilespmem:$0x18200] =	vst v63  }
0x374: {  	v3 =	vperm.xlane v3, v2;
	s13 =	simm.s32 $0xDA00  }
0x375: {  	[tilespmem:s13], [sflag:$0x1] =	stream.indirect_vreg.gather [hbm4b:s7+s3], $0x80, v4, vm0, $0xb8;
	[tilespmem:$0x18200] =	vst v63  }
0x376: {  	v3 =	vadd.s32 v1, v3;
	s21 =	simm.s32 $0xE200  }
0x377: {  	[tilespmem:s21], [sflag:$0x1] =	stream.indirect_vreg.gather [hbm4b:s8+s3], $0x80, v4, vm0, $0xb8;
	[tilespmem:$0x18200] =	vst v63  }
0x378: {  	s13 =	simm.s32 $0xEA00  }
0x379: {  	[tilespmem:s13], [sflag:$0x1] =	stream.indirect_vreg.gather [hbm4b:s9+s3], $0x80, v4, vm0, $0xb8;
	[tilespmem:$0x18200] =	vst v63  }
0x37a: {  	s21 =	simm.s32 $0xF200  }
0x37b: {  	[tilespmem:s21], [sflag:$0x1] =	stream.indirect_vreg.gather [hbm4b:s1+s3], $0x80, v3, vm0, $0xb8;
	[tilespmem:$0x18200] =	vst v63  }
0x37c: {  	s13 =	simm.s32 $0xFA00  }
0x37d: {  	[tilespmem:s13], [sflag:$0x1] =	stream.indirect_vreg.gather [hbm4b:s5+s3], $0x80, v3, vm0, $0xb8;
	[tilespmem:$0x18200] =	vst v63  }
0x37e: {  	s21 =	simm.s32 $0x10200  }
0x37f: {  	[tilespmem:s21], [sflag:$0x1] =	stream.indirect_vreg.gather [hbm4b:s6+s3], $0x80, v3, vm0, $0xb8;
	[tilespmem:$0x18200] =	vst v63  }
0x380: {  	s13 =	simm.s32 $0x10A00  }
0x381: {  	[tilespmem:s13], [sflag:$0x1] =	stream.indirect_vreg.gather [hbm4b:s7+s3], $0x80, v3, vm0, $0xb8;
	[tilespmem:$0x18200] =	vst v63  }
0x382: {  	s21 =	simm.s32 $0x11200  }
0x383: {  	[tilespmem:s21], [sflag:$0x1] =	stream.indirect_vreg.gather [hbm4b:s8+s3], $0x80, v3, vm0, $0xb8;
	[tilespmem:$0x18200] =	vst v63  }
0x384: {  	_ = 	snop  }
0x385: {  	[tilespmem:s15], [sflag:$0x1] =	stream.indirect_vreg.gather [hbm4b:s9+s3], $0x80, v3, vm0, $0xb8;
	[tilespmem:$0x18200] =	vst v63  }
0x386: {  	_ =	swait.ge [sflag:s14], $0x6000  }
0x387: {  	[sflag:s14] =	ssyncset.done $0x0  }
0x388: {  	s13 =	rddreg [dreg:$0x19];
	[sflag:s14] =	ssyncadd.s32 $0xFFFFA000  }
0x389: {  	[hbm4b:s13+s3] =	stream.linear.scatter [tilespmem:s10], [sflag:$0x2], $0x6000, $0x38;
	[tilespmem:$0x18200] =	vst v63  }
0x38a: {  	_ =	swait.ge [sflag:s20], $0x6000  }
0x38b: {  	[sflag:s20] =	ssyncset.done $0x0  }
0x38c: {  	[sflag:s20] =	ssyncadd.s32 $0xFFFFA000  }
0x38d: {  	v3 =	vld [tilespmem:$0x170];
	_ =	sdelay $0x4  }
0x38e: {  	v55 =	vshrl.u32 v3, $0x3  }
0x38f: {  	v4 =	vmul.u32 $0x60, v55  }
0x390: {  	v3 =	vand.u32 $0x7, v3  }
0x391: {  	v3 =	vor.u32 v3, v4  }
0x392: {  	v4 =	vperm.xlane v3, v0;
	_ =	sdelay $0x1  }
0x393: {  	v4 =	vadd.s32 v1, v4;
	_ =	sdelay $0x3  }
0x394: {  	s4 =	simm.s32 $0x12200  }
0x395: {  	[tilespmem:s4], [sflag:$0x1] =	stream.indirect_vreg.gather [hbm4b:s1+s3], $0x80, v4, vm0, $0xb8;
	[tilespmem:$0x18200] =	vst v63  }
0x396: {  	_ = 	snop  }
0x397: {  	[tilespmem:s28], [sflag:$0x1] =	stream.indirect_vreg.gather [hbm4b:s5+s3], $0x80, v4, vm0, $0xb8;
	[tilespmem:$0x18200] =	vst v63  }
0x398: {  	_ = 	snop  }
0x399: {  	[tilespmem:s18], [sflag:$0x1] =	stream.indirect_vreg.gather [hbm4b:s6+s3], $0x80, v4, vm0, $0xb8;
	[tilespmem:$0x18200] =	vst v63  }
0x39a: {  	v3 =	vperm.xlane v3, v2;
	s18 =	simm.s32 $0x13A00  }
0x39b: {  	[tilespmem:s18], [sflag:$0x1] =	stream.indirect_vreg.gather [hbm4b:s7+s3], $0x80, v4, vm0, $0xb8;
	[tilespmem:$0x18200] =	vst v63  }
0x39c: {  	v3 =	vadd.s32 v1, v3  }
0x39d: {  	[tilespmem:s30], [sflag:$0x1] =	stream.indirect_vreg.gather [hbm4b:s8+s3], $0x80, v4, vm0, $0xb8;
	[tilespmem:$0x18200] =	vst v63  }
0x39e: {  	s15 =	simm.s32 $0x14A00  }
0x39f: {  	[tilespmem:s15], [sflag:$0x1] =	stream.indirect_vreg.gather [hbm4b:s9+s3], $0x80, v4, vm0, $0xb8;
	[tilespmem:$0x18200] =	vst v63  }
0x3a0: {  	_ = 	snop  }
0x3a1: {  	[tilespmem:s11], [sflag:$0x1] =	stream.indirect_vreg.gather [hbm4b:s1+s3], $0x80, v3, vm0, $0xb8;
	[tilespmem:$0x18200] =	vst v63  }
0x3a2: {  	_ = 	snop  }
0x3a3: {  	[tilespmem:s12], [sflag:$0x1] =	stream.indirect_vreg.gather [hbm4b:s5+s3], $0x80, v3, vm0, $0xb8;
	[tilespmem:$0x18200] =	vst v63  }
0x3a4: {  	s21 =	simm.s32 $0x16200  }
0x3a5: {  	[tilespmem:s21], [sflag:$0x1] =	stream.indirect_vreg.gather [hbm4b:s6+s3], $0x80, v3, vm0, $0xb8;
	[tilespmem:$0x18200] =	vst v63  }
0x3a6: {  	s28 =	simm.s32 $0x16A00  }
0x3a7: {  	[tilespmem:s28], [sflag:$0x1] =	stream.indirect_vreg.gather [hbm4b:s7+s3], $0x80, v3, vm0, $0xb8;
	[tilespmem:$0x18200] =	vst v63  }
0x3a8: {  	_ = 	snop  }
0x3a9: {  	[tilespmem:s16], [sflag:$0x1] =	stream.indirect_vreg.gather [hbm4b:s8+s3], $0x80, v3, vm0, $0xb8;
	[tilespmem:$0x18200] =	vst v63  }
0x3aa: {  	_ = 	snop  }
0x3ab: {  	[tilespmem:s17], [sflag:$0x1] =	stream.indirect_vreg.gather [hbm4b:s9+s3], $0x80, v3, vm0, $0xb8;
	[tilespmem:$0x18200] =	vst v63  }
0x3ac: {  	_ =	swait.ge [sflag:s14], $0x6000  }
0x3ad: {  	[sflag:s14] =	ssyncset.done $0x0  }
0x3ae: {  	s30 =	rddreg [dreg:$0x1a];
	[sflag:s14] =	ssyncadd.s32 $0xFFFFA000  }
0x3af: {  	[hbm4b:s30+s3] =	stream.linear.scatter [tilespmem:s0], [sflag:$0x2], $0x6000, $0x38;
	[tilespmem:$0x18200] =	vst v63  }
0x3b0: {  	_ =	swait.ge [sflag:s20], $0x6000  }
0x3b1: {  	[sflag:s20] =	ssyncset.done $0x0  }
0x3b2: {  	[sflag:s20] =	ssyncadd.s32 $0xFFFFA000  }
0x3b3: {  	v3 =	vld [tilespmem:$0x180];
	_ =	sdelay $0x4  }
0x3b4: {  	v56 =	vshrl.u32 v3, $0x3  }
0x3b5: {  	v4 =	vmul.u32 $0x60, v56  }
0x3b6: {  	v3 =	vand.u32 $0x7, v3  }
0x3b7: {  	v3 =	vor.u32 v3, v4  }
0x3b8: {  	v4 =	vperm.xlane v3, v0;
	_ =	sdelay $0x1  }
0x3b9: {  	v4 =	vadd.s32 v1, v4;
	_ =	sdelay $0x3  }
0x3ba: {  	s31 =	simm.s32 $0x200  }
0x3bb: {  	[tilespmem:s31], [sflag:$0x1] =	stream.indirect_vreg.gather [hbm4b:s1+s3], $0x80, v4, vm0, $0xb8;
	[tilespmem:$0x18200] =	vst v63  }
0x3bc: {  	_ = 	snop  }
0x3bd: {  	[tilespmem:s22], [sflag:$0x1] =	stream.indirect_vreg.gather [hbm4b:s5+s3], $0x80, v4, vm0, $0xb8;
	[tilespmem:$0x18200] =	vst v63  }
0x3be: {  	_ = 	snop  }
0x3bf: {  	[tilespmem:s26], [sflag:$0x1] =	stream.indirect_vreg.gather [hbm4b:s6+s3], $0x80, v4, vm0, $0xb8;
	[tilespmem:$0x18200] =	vst v63  }
0x3c0: {  	v3 =	vperm.xlane v3, v2;
	s31 =	simm.s32 $0x1A00  }
0x3c1: {  	[tilespmem:s31], [sflag:$0x1] =	stream.indirect_vreg.gather [hbm4b:s7+s3], $0x80, v4, vm0, $0xb8;
	[tilespmem:$0x18200] =	vst v63  }
0x3c2: {  	v3 =	vadd.s32 v1, v3  }
0x3c3: {  	[tilespmem:s25], [sflag:$0x1] =	stream.indirect_vreg.gather [hbm4b:s8+s3], $0x80, v4, vm0, $0xb8;
	[tilespmem:$0x18200] =	vst v63  }
0x3c4: {  	s2 =	simm.s32 $0x2A00  }
0x3c5: {  	[tilespmem:s2], [sflag:$0x1] =	stream.indirect_vreg.gather [hbm4b:s9+s3], $0x80, v4, vm0, $0xb8;
	[tilespmem:$0x18200] =	vst v63  }
0x3c6: {  	s4 =	simm.s32 $0x3200  }
0x3c7: {  	[tilespmem:s4], [sflag:$0x1] =	stream.indirect_vreg.gather [hbm4b:s1+s3], $0x80, v3, vm0, $0xb8;
	[tilespmem:$0x18200] =	vst v63  }
0x3c8: {  	s10 =	simm.s32 $0x3A00  }
0x3c9: {  	[tilespmem:s10], [sflag:$0x1] =	stream.indirect_vreg.gather [hbm4b:s5+s3], $0x80, v3, vm0, $0xb8;
	[tilespmem:$0x18200] =	vst v63  }
0x3ca: {  	s11 =	simm.s32 $0x4200  }
0x3cb: {  	[tilespmem:s11], [sflag:$0x1] =	stream.indirect_vreg.gather [hbm4b:s6+s3], $0x80, v3, vm0, $0xb8;
	[tilespmem:$0x18200] =	vst v63  }
0x3cc: {  	s12 =	simm.s32 $0x4A00  }
0x3cd: {  	[tilespmem:s12], [sflag:$0x1] =	stream.indirect_vreg.gather [hbm4b:s7+s3], $0x80, v3, vm0, $0xb8;
	[tilespmem:$0x18200] =	vst v63  }
0x3ce: {  	s13 =	simm.s32 $0x5200  }
0x3cf: {  	[tilespmem:s13], [sflag:$0x1] =	stream.indirect_vreg.gather [hbm4b:s8+s3], $0x80, v3, vm0, $0xb8;
	[tilespmem:$0x18200] =	vst v63  }
0x3d0: {  	s15 =	simm.s32 $0x5A00  }
0x3d1: {  	[tilespmem:s15], [sflag:$0x1] =	stream.indirect_vreg.gather [hbm4b:s9+s3], $0x80, v3, vm0, $0xb8;
	[tilespmem:$0x18200] =	vst v63  }
0x3d2: {  	_ =	swait.ge [sflag:s14], $0x6000  }
0x3d3: {  	[sflag:s14] =	ssyncset.done $0x0  }
0x3d4: {  	s4 =	simm.s32 $0x12200;
	s16 =	rddreg [dreg:$0x1b];
	[sflag:s14] =	ssyncadd.s32 $0xFFFFA000  }
0x3d5: {  	[hbm4b:s16+s3] =	stream.linear.scatter [tilespmem:s4], [sflag:$0x2], $0x6000, $0x38;
	[tilespmem:$0x18200] =	vst v63  }
0x3d6: {  	_ =	swait.ge [sflag:s20], $0x6000  }
0x3d7: {  	[sflag:s20] =	ssyncset.done $0x0  }
0x3d8: {  	[sflag:s20] =	ssyncadd.s32 $0xFFFFA000  }
0x3d9: {  	v3 =	vld [tilespmem:$0x190];
	_ =	sdelay $0x4  }
0x3da: {  	v57 =	vshrl.u32 v3, $0x3  }
0x3db: {  	v4 =	vmul.u32 $0x60, v57  }
0x3dc: {  	v3 =	vand.u32 $0x7, v3  }
0x3dd: {  	v3 =	vor.u32 v3, v4  }
0x3de: {  	v4 =	vperm.xlane v3, v0;
	_ =	sdelay $0x1  }
0x3df: {  	v4 =	vadd.s32 v1, v4;
	_ =	sdelay $0x3  }
0x3e0: {  	s0 =	simm.s32 $0x6200  }
0x3e1: {  	[tilespmem:s0], [sflag:$0x1] =	stream.indirect_vreg.gather [hbm4b:s1+s3], $0x80, v4, vm0, $0xb8;
	[tilespmem:$0x18200] =	vst v63  }
0x3e2: {  	s11 =	simm.s32 $0x6A00  }
0x3e3: {  	[tilespmem:s11], [sflag:$0x1] =	stream.indirect_vreg.gather [hbm4b:s5+s3], $0x80, v4, vm0, $0xb8;
	[tilespmem:$0x18200] =	vst v63  }
0x3e4: {  	s16 =	simm.s32 $0x7200  }
0x3e5: {  	[tilespmem:s16], [sflag:$0x1] =	stream.indirect_vreg.gather [hbm4b:s6+s3], $0x80, v4, vm0, $0xb8;
	[tilespmem:$0x18200] =	vst v63  }
0x3e6: {  	s21 =	simm.s32 $0x7A00;
	v3 =	vperm.xlane v3, v2  }
0x3e7: {  	[tilespmem:s21], [sflag:$0x1] =	stream.indirect_vreg.gather [hbm4b:s7+s3], $0x80, v4, vm0, $0xb8;
	[tilespmem:$0x18200] =	vst v63  }
0x3e8: {  	s12 =	simm.s32 $0x8200;
	v3 =	vadd.s32 v1, v3  }
0x3e9: {  	[tilespmem:s12], [sflag:$0x1] =	stream.indirect_vreg.gather [hbm4b:s8+s3], $0x80, v4, vm0, $0xb8;
	[tilespmem:$0x18200] =	vst v63  }
0x3ea: {  	s13 =	simm.s32 $0x8A00  }
0x3eb: {  	[tilespmem:s13], [sflag:$0x1] =	stream.indirect_vreg.gather [hbm4b:s9+s3], $0x80, v4, vm0, $0xb8;
	[tilespmem:$0x18200] =	vst v63  }
0x3ec: {  	s15 =	simm.s32 $0x9200  }
0x3ed: {  	[tilespmem:s15], [sflag:$0x1] =	stream.indirect_vreg.gather [hbm4b:s1+s3], $0x80, v3, vm0, $0xb8;
	[tilespmem:$0x18200] =	vst v63  }
0x3ee: {  	s28 =	simm.s32 $0x9A00  }
0x3ef: {  	[tilespmem:s28], [sflag:$0x1] =	stream.indirect_vreg.gather [hbm4b:s5+s3], $0x80, v3, vm0, $0xb8;
	[tilespmem:$0x18200] =	vst v63  }
0x3f0: {  	_ = 	snop  }
0x3f1: {  	[tilespmem:s24], [sflag:$0x1] =	stream.indirect_vreg.gather [hbm4b:s6+s3], $0x80, v3, vm0, $0xb8;
	[tilespmem:$0x18200] =	vst v63  }
0x3f2: {  	_ = 	snop  }
0x3f3: {  	[tilespmem:s29], [sflag:$0x1] =	stream.indirect_vreg.gather [hbm4b:s7+s3], $0x80, v3, vm0, $0xb8;
	[tilespmem:$0x18200] =	vst v63  }
0x3f4: {  	_ = 	snop  }
0x3f5: {  	[tilespmem:s19], [sflag:$0x1] =	stream.indirect_vreg.gather [hbm4b:s8+s3], $0x80, v3, vm0, $0xb8;
	[tilespmem:$0x18200] =	vst v63  }
0x3f6: {  	_ = 	snop  }
0x3f7: {  	[tilespmem:s23], [sflag:$0x1] =	stream.indirect_vreg.gather [hbm4b:s9+s3], $0x80, v3, vm0, $0xb8;
	[tilespmem:$0x18200] =	vst v63  }
0x3f8: {  	_ =	swait.ge [sflag:s14], $0x6000  }
0x3f9: {  	[sflag:s14] =	ssyncset.done $0x0  }
0x3fa: {  	s2 =	simm.s32 $0x200;
	s10 =	rddreg [dreg:$0x1c];
	[sflag:s14] =	ssyncadd.s32 $0xFFFFA000  }
0x3fb: {  	[hbm4b:s10+s3] =	stream.linear.scatter [tilespmem:s2], [sflag:$0x2], $0x6000, $0x38;
	[tilespmem:$0x18200] =	vst v63  }
0x3fc: {  	_ =	swait.ge [sflag:s20], $0x6000  }
0x3fd: {  	[sflag:s20] =	ssyncset.done $0x0  }
0x3fe: {  	[sflag:s20] =	ssyncadd.s32 $0xFFFFA000  }
0x3ff: {  	v3 =	vld [tilespmem:$0x1A0];
	_ =	sdelay $0x4  }
0x400: {  	v58 =	vshrl.u32 v3, $0x3  }
0x401: {  	v4 =	vmul.u32 $0x60, v58  }
0x402: {  	v3 =	vand.u32 $0x7, v3  }
0x403: {  	v3 =	vor.u32 v3, v4  }
0x404: {  	v4 =	vperm.xlane v3, v0;
	_ =	sdelay $0x1  }
0x405: {  	v4 =	vadd.s32 v1, v4;
	_ =	sdelay $0x3  }
0x406: {  	s17 =	simm.s32 $0xC200  }
0x407: {  	[tilespmem:s17], [sflag:$0x1] =	stream.indirect_vreg.gather [hbm4b:s1+s3], $0x80, v4, vm0, $0xb8;
	[tilespmem:$0x18200] =	vst v63  }
0x408: {  	s29 =	simm.s32 $0xCA00  }
0x409: {  	[tilespmem:s29], [sflag:$0x1] =	stream.indirect_vreg.gather [hbm4b:s5+s3], $0x80, v4, vm0, $0xb8;
	[tilespmem:$0x18200] =	vst v63  }
0x40a: {  	s21 =	simm.s32 $0xD200  }
0x40b: {  	[tilespmem:s21], [sflag:$0x1] =	stream.indirect_vreg.gather [hbm4b:s6+s3], $0x80, v4, vm0, $0xb8;
	[tilespmem:$0x18200] =	vst v63  }
0x40c: {  	v3 =	vperm.xlane v3, v2;
	s29 =	simm.s32 $0xDA00  }
0x40d: {  	[tilespmem:s29], [sflag:$0x1] =	stream.indirect_vreg.gather [hbm4b:s7+s3], $0x80, v4, vm0, $0xb8;
	[tilespmem:$0x18200] =	vst v63  }
0x40e: {  	v3 =	vadd.s32 v1, v3;
	s21 =	simm.s32 $0xE200  }
0x40f: {  	[tilespmem:s21], [sflag:$0x1] =	stream.indirect_vreg.gather [hbm4b:s8+s3], $0x80, v4, vm0, $0xb8;
	[tilespmem:$0x18200] =	vst v63  }
0x410: {  	s29 =	simm.s32 $0xEA00  }
0x411: {  	[tilespmem:s29], [sflag:$0x1] =	stream.indirect_vreg.gather [hbm4b:s9+s3], $0x80, v4, vm0, $0xb8;
	[tilespmem:$0x18200] =	vst v63  }
0x412: {  	s21 =	simm.s32 $0xF200  }
0x413: {  	[tilespmem:s21], [sflag:$0x1] =	stream.indirect_vreg.gather [hbm4b:s1+s3], $0x80, v3, vm0, $0xb8;
	[tilespmem:$0x18200] =	vst v63  }
0x414: {  	s29 =	simm.s32 $0xFA00  }
0x415: {  	[tilespmem:s29], [sflag:$0x1] =	stream.indirect_vreg.gather [hbm4b:s5+s3], $0x80, v3, vm0, $0xb8;
	[tilespmem:$0x18200] =	vst v63  }
0x416: {  	s21 =	simm.s32 $0x10200  }
0x417: {  	[tilespmem:s21], [sflag:$0x1] =	stream.indirect_vreg.gather [hbm4b:s6+s3], $0x80, v3, vm0, $0xb8;
	[tilespmem:$0x18200] =	vst v63  }
0x418: {  	s29 =	simm.s32 $0x10A00  }
0x419: {  	[tilespmem:s29], [sflag:$0x1] =	stream.indirect_vreg.gather [hbm4b:s7+s3], $0x80, v3, vm0, $0xb8;
	[tilespmem:$0x18200] =	vst v63  }
0x41a: {  	s21 =	simm.s32 $0x11200  }
0x41b: {  	[tilespmem:s21], [sflag:$0x1] =	stream.indirect_vreg.gather [hbm4b:s8+s3], $0x80, v3, vm0, $0xb8;
	[tilespmem:$0x18200] =	vst v63  }
0x41c: {  	s29 =	simm.s32 $0x11A00  }
0x41d: {  	[tilespmem:s29], [sflag:$0x1] =	stream.indirect_vreg.gather [hbm4b:s9+s3], $0x80, v3, vm0, $0xb8;
	[tilespmem:$0x18200] =	vst v63  }
0x41e: {  	_ =	swait.ge [sflag:s14], $0x6000  }
0x41f: {  	[sflag:s14] =	ssyncset.done $0x0  }
0x420: {  	s10 =	rddreg [dreg:$0x1d];
	[sflag:s14] =	ssyncadd.s32 $0xFFFFA000  }
0x421: {  	[hbm4b:s10+s3] =	stream.linear.scatter [tilespmem:s0], [sflag:$0x2], $0x6000, $0x38;
	[tilespmem:$0x18200] =	vst v63  }
0x422: {  	_ =	swait.ge [sflag:s20], $0x6000  }
0x423: {  	[sflag:s20] =	ssyncset.done $0x0  }
0x424: {  	[sflag:s20] =	ssyncadd.s32 $0xFFFFA000  }
0x425: {  	v3 =	vld [tilespmem:$0x1B0];
	_ =	sdelay $0x4  }
0x426: {  	v59 =	vshrl.u32 v3, $0x3  }
0x427: {  	v4 =	vmul.u32 $0x60, v59  }
0x428: {  	v3 =	vand.u32 $0x7, v3  }
0x429: {  	v3 =	vor.u32 v3, v4  }
0x42a: {  	v4 =	vperm.xlane v3, v0;
	_ =	sdelay $0x1  }
0x42b: {  	v4 =	vadd.s32 v1, v4;
	_ =	sdelay $0x4  }
0x42c: {  	[tilespmem:s4], [sflag:$0x1] =	stream.indirect_vreg.gather [hbm4b:s1+s3], $0x80, v4, vm0, $0xb8;
	[tilespmem:$0x18200] =	vst v63  }
0x42d: {  	s29 =	simm.s32 $0x12A00  }
0x42e: {  	[tilespmem:s29], [sflag:$0x1] =	stream.indirect_vreg.gather [hbm4b:s5+s3], $0x80, v4, vm0, $0xb8;
	[tilespmem:$0x18200] =	vst v63  }
0x42f: {  	s21 =	simm.s32 $0x13200  }
0x430: {  	[tilespmem:s21], [sflag:$0x1] =	stream.indirect_vreg.gather [hbm4b:s6+s3], $0x80, v4, vm0, $0xb8;
	[tilespmem:$0x18200] =	vst v63  }
0x431: {  	v3 =	vperm.xlane v3, v2  }
0x432: {  	[tilespmem:s18], [sflag:$0x1] =	stream.indirect_vreg.gather [hbm4b:s7+s3], $0x80, v4, vm0, $0xb8;
	[tilespmem:$0x18200] =	vst v63  }
0x433: {  	v3 =	vadd.s32 v1, v3;
	s21 =	simm.s32 $0x14200  }
0x434: {  	[tilespmem:s21], [sflag:$0x1] =	stream.indirect_vreg.gather [hbm4b:s8+s3], $0x80, v4, vm0, $0xb8;
	[tilespmem:$0x18200] =	vst v63  }
0x435: {  	s21 =	simm.s32 $0x14A00  }
0x436: {  	[tilespmem:s21], [sflag:$0x1] =	stream.indirect_vreg.gather [hbm4b:s9+s3], $0x80, v4, vm0, $0xb8;
	[tilespmem:$0x18200] =	vst v63  }
0x437: {  	s21 =	simm.s32 $0x15200  }
0x438: {  	[tilespmem:s21], [sflag:$0x1] =	stream.indirect_vreg.gather [hbm4b:s1+s3], $0x80, v3, vm0, $0xb8;
	[tilespmem:$0x18200] =	vst v63  }
0x439: {  	s21 =	simm.s32 $0x15A00  }
0x43a: {  	[tilespmem:s21], [sflag:$0x1] =	stream.indirect_vreg.gather [hbm4b:s5+s3], $0x80, v3, vm0, $0xb8;
	[tilespmem:$0x18200] =	vst v63  }
0x43b: {  	s21 =	simm.s32 $0x16200  }
0x43c: {  	[tilespmem:s21], [sflag:$0x1] =	stream.indirect_vreg.gather [hbm4b:s6+s3], $0x80, v3, vm0, $0xb8;
	[tilespmem:$0x18200] =	vst v63  }
0x43d: {  	s21 =	simm.s32 $0x16A00  }
0x43e: {  	[tilespmem:s21], [sflag:$0x1] =	stream.indirect_vreg.gather [hbm4b:s7+s3], $0x80, v3, vm0, $0xb8;
	[tilespmem:$0x18200] =	vst v63  }
0x43f: {  	s21 =	simm.s32 $0x17200  }
0x440: {  	[tilespmem:s21], [sflag:$0x1] =	stream.indirect_vreg.gather [hbm4b:s8+s3], $0x80, v3, vm0, $0xb8;
	[tilespmem:$0x18200] =	vst v63  }
0x441: {  	s21 =	simm.s32 $0x17A00  }
0x442: {  	[tilespmem:s21], [sflag:$0x1] =	stream.indirect_vreg.gather [hbm4b:s9+s3], $0x80, v3, vm0, $0xb8;
	[tilespmem:$0x18200] =	vst v63  }
0x443: {  	_ =	swait.ge [sflag:s14], $0x6000  }
0x444: {  	[sflag:s14] =	ssyncset.done $0x0  }
0x445: {  	s0 =	rddreg [dreg:$0x1e];
	[sflag:s14] =	ssyncadd.s32 $0xFFFFA000  }
0x446: {  	[hbm4b:s0+s3] =	stream.linear.scatter [tilespmem:s17], [sflag:$0x2], $0x6000, $0x38;
	[tilespmem:$0x18200] =	vst v63  }
0x447: {  	_ =	swait.ge [sflag:s20], $0x6000  }
0x448: {  	[sflag:s20] =	ssyncset.done $0x0  }
0x449: {  	[sflag:s20] =	ssyncadd.s32 $0xFFFFA000  }
0x44a: {  	v3 =	vld [tilespmem:$0x1C0];
	_ =	sdelay $0x4  }
0x44b: {  	v60 =	vshrl.u32 v3, $0x3  }
0x44c: {  	v4 =	vmul.u32 $0x60, v60  }
0x44d: {  	v3 =	vand.u32 $0x7, v3  }
0x44e: {  	v3 =	vor.u32 v3, v4  }
0x44f: {  	v4 =	vperm.xlane v3, v0;
	_ =	sdelay $0x1  }
0x450: {  	v4 =	vadd.s32 v1, v4;
	_ =	sdelay $0x4  }
0x451: {  	[tilespmem:s2], [sflag:$0x1] =	stream.indirect_vreg.gather [hbm4b:s1+s3], $0x80, v4, vm0, $0xb8;
	[tilespmem:$0x18200] =	vst v63  }
0x452: {  	s30 =	simm.s32 $0xA00  }
0x453: {  	[tilespmem:s30], [sflag:$0x1] =	stream.indirect_vreg.gather [hbm4b:s5+s3], $0x80, v4, vm0, $0xb8;
	[tilespmem:$0x18200] =	vst v63  }
0x454: {  	s22 =	simm.s32 $0x1200  }
0x455: {  	[tilespmem:s22], [sflag:$0x1] =	stream.indirect_vreg.gather [hbm4b:s6+s3], $0x80, v4, vm0, $0xb8;
	[tilespmem:$0x18200] =	vst v63  }
0x456: {  	s26 =	simm.s32 $0x1A00;
	v3 =	vperm.xlane v3, v2  }
0x457: {  	[tilespmem:s26], [sflag:$0x1] =	stream.indirect_vreg.gather [hbm4b:s7+s3], $0x80, v4, vm0, $0xb8;
	[tilespmem:$0x18200] =	vst v63  }
0x458: {  	s21 =	simm.s32 $0x2200;
	v3 =	vadd.s32 v1, v3  }
0x459: {  	[tilespmem:s21], [sflag:$0x1] =	stream.indirect_vreg.gather [hbm4b:s8+s3], $0x80, v4, vm0, $0xb8;
	[tilespmem:$0x18200] =	vst v63  }
0x45a: {  	s25 =	simm.s32 $0x2A00  }
0x45b: {  	[tilespmem:s25], [sflag:$0x1] =	stream.indirect_vreg.gather [hbm4b:s9+s3], $0x80, v4, vm0, $0xb8;
	[tilespmem:$0x18200] =	vst v63  }
0x45c: {  	s31 =	simm.s32 $0x3200  }
0x45d: {  	[tilespmem:s31], [sflag:$0x1] =	stream.indirect_vreg.gather [hbm4b:s1+s3], $0x80, v3, vm0, $0xb8;
	[tilespmem:$0x18200] =	vst v63  }
0x45e: {  	s22 =	simm.s32 $0x3A00  }
0x45f: {  	[tilespmem:s22], [sflag:$0x1] =	stream.indirect_vreg.gather [hbm4b:s5+s3], $0x80, v3, vm0, $0xb8;
	[tilespmem:$0x18200] =	vst v63  }
0x460: {  	s25 =	simm.s32 $0x4200  }
0x461: {  	[tilespmem:s25], [sflag:$0x1] =	stream.indirect_vreg.gather [hbm4b:s6+s3], $0x80, v3, vm0, $0xb8;
	[tilespmem:$0x18200] =	vst v63  }
0x462: {  	s26 =	simm.s32 $0x4A00  }
0x463: {  	[tilespmem:s26], [sflag:$0x1] =	stream.indirect_vreg.gather [hbm4b:s7+s3], $0x80, v3, vm0, $0xb8;
	[tilespmem:$0x18200] =	vst v63  }
0x464: {  	s30 =	simm.s32 $0x5200  }
0x465: {  	[tilespmem:s30], [sflag:$0x1] =	stream.indirect_vreg.gather [hbm4b:s8+s3], $0x80, v3, vm0, $0xb8;
	[tilespmem:$0x18200] =	vst v63  }
0x466: {  	s31 =	simm.s32 $0x5A00  }
0x467: {  	[tilespmem:s31], [sflag:$0x1] =	stream.indirect_vreg.gather [hbm4b:s9+s3], $0x80, v3, vm0, $0xb8;
	[tilespmem:$0x18200] =	vst v63  }
0x468: {  	_ =	swait.ge [sflag:s14], $0x6000  }
0x469: {  	[sflag:s14] =	ssyncset.done $0x0  }
0x46a: {  	s4 =	simm.s32 $0x12200;
	s2 =	rddreg [dreg:$0x1f];
	[sflag:s14] =	ssyncadd.s32 $0xFFFFA000  }
0x46b: {  	[hbm4b:s2+s3] =	stream.linear.scatter [tilespmem:s4], [sflag:$0x2], $0x6000, $0x38;
	[tilespmem:$0x18200] =	vst v63  }
0x46c: {  	_ =	swait.ge [sflag:s20], $0x6000  }
0x46d: {  	[sflag:s20] =	ssyncset.done $0x0  }
0x46e: {  	[sflag:s20] =	ssyncadd.s32 $0xFFFFA000  }
0x46f: {  	v3 =	vld [tilespmem:$0x1D0];
	_ =	sdelay $0x4  }
0x470: {  	v61 =	vshrl.u32 v3, $0x3  }
0x471: {  	v4 =	vmul.u32 $0x60, v61  }
0x472: {  	v3 =	vand.u32 $0x7, v3  }
0x473: {  	v3 =	vor.u32 v3, v4  }
0x474: {  	v4 =	vperm.xlane v3, v0;
	_ =	sdelay $0x1  }
0x475: {  	v4 =	vadd.s32 v1, v4;
	_ =	sdelay $0x3  }
0x476: {  	s10 =	simm.s32 $0x6200  }
0x477: {  	[tilespmem:s10], [sflag:$0x1] =	stream.indirect_vreg.gather [hbm4b:s1+s3], $0x80, v4, vm0, $0xb8;
	[tilespmem:$0x18200] =	vst v63  }
0x478: {  	_ = 	snop  }
0x479: {  	[tilespmem:s11], [sflag:$0x1] =	stream.indirect_vreg.gather [hbm4b:s5+s3], $0x80, v4, vm0, $0xb8;
	[tilespmem:$0x18200] =	vst v63  }
0x47a: {  	_ = 	snop  }
0x47b: {  	[tilespmem:s16], [sflag:$0x1] =	stream.indirect_vreg.gather [hbm4b:s6+s3], $0x80, v4, vm0, $0xb8;
	[tilespmem:$0x18200] =	vst v63  }
0x47c: {  	v3 =	vperm.xlane v3, v2;
	s16 =	simm.s32 $0x7A00  }
0x47d: {  	[tilespmem:s16], [sflag:$0x1] =	stream.indirect_vreg.gather [hbm4b:s7+s3], $0x80, v4, vm0, $0xb8;
	[tilespmem:$0x18200] =	vst v63  }
0x47e: {  	v3 =	vadd.s32 v1, v3  }
0x47f: {  	[tilespmem:s12], [sflag:$0x1] =	stream.indirect_vreg.gather [hbm4b:s8+s3], $0x80, v4, vm0, $0xb8;
	[tilespmem:$0x18200] =	vst v63  }
0x480: {  	_ = 	snop  }
0x481: {  	[tilespmem:s13], [sflag:$0x1] =	stream.indirect_vreg.gather [hbm4b:s9+s3], $0x80, v4, vm0, $0xb8;
	[tilespmem:$0x18200] =	vst v63  }
0x482: {  	_ = 	snop  }
0x483: {  	[tilespmem:s15], [sflag:$0x1] =	stream.indirect_vreg.gather [hbm4b:s1+s3], $0x80, v3, vm0, $0xb8;
	[tilespmem:$0x18200] =	vst v63  }
0x484: {  	s21 =	simm.s32 $0x9A00  }
0x485: {  	[tilespmem:s21], [sflag:$0x1] =	stream.indirect_vreg.gather [hbm4b:s5+s3], $0x80, v3, vm0, $0xb8;
	[tilespmem:$0x18200] =	vst v63  }
0x486: {  	s24 =	simm.s32 $0xA200  }
0x487: {  	[tilespmem:s24], [sflag:$0x1] =	stream.indirect_vreg.gather [hbm4b:s6+s3], $0x80, v3, vm0, $0xb8;
	[tilespmem:$0x18200] =	vst v63  }
0x488: {  	s28 =	simm.s32 $0xAA00  }
0x489: {  	[tilespmem:s28], [sflag:$0x1] =	stream.indirect_vreg.gather [hbm4b:s7+s3], $0x80, v3, vm0, $0xb8;
	[tilespmem:$0x18200] =	vst v63  }
0x48a: {  	s19 =	simm.s32 $0xB200  }
0x48b: {  	[tilespmem:s19], [sflag:$0x1] =	stream.indirect_vreg.gather [hbm4b:s8+s3], $0x80, v3, vm0, $0xb8;
	[tilespmem:$0x18200] =	vst v63  }
0x48c: {  	s23 =	simm.s32 $0xBA00  }
0x48d: {  	[tilespmem:s23], [sflag:$0x1] =	stream.indirect_vreg.gather [hbm4b:s9+s3], $0x80, v3, vm0, $0xb8;
	[tilespmem:$0x18200] =	vst v63  }
0x48e: {  	_ =	swait.ge [sflag:s14], $0x6000  }
0x48f: {  	s22 =	sld [smem:$0x7FA]  }
0x490: {  	[sflag:s14] =	ssyncset.done $0x0  }
0x491: {  	s0 =	simm.s32 $0x200;
	[sflag:s14] =	ssyncadd.s32 $0xFFFFA000  }
0x492: {  	[hbm4b:s22+s3] =	stream.linear.scatter [tilespmem:s0], [sflag:$0x2], $0x6000, $0x38;
	[tilespmem:$0x18200] =	vst v63  }
0x493: {  	_ =	swait.ge [sflag:s20], $0x6000  }
0x494: {  	[sflag:s20] =	ssyncset.done $0x0  }
0x495: {  	[sflag:s20] =	ssyncadd.s32 $0xFFFFA000  }
0x496: {  	v3 =	vld [tilespmem:$0x1E0];
	_ =	sdelay $0x4  }
0x497: {  	v62 =	vshrl.u32 v3, $0x3  }
0x498: {  	v4 =	vmul.u32 $0x60, v62  }
0x499: {  	v3 =	vand.u32 $0x7, v3  }
0x49a: {  	v3 =	vor.u32 v3, v4  }
0x49b: {  	v4 =	vperm.xlane v3, v0;
	_ =	sdelay $0x1  }
0x49c: {  	v4 =	vadd.s32 v1, v4;
	_ =	sdelay $0x4  }
0x49d: {  	[tilespmem:s17], [sflag:$0x1] =	stream.indirect_vreg.gather [hbm4b:s1+s3], $0x80, v4, vm0, $0xb8;
	[tilespmem:$0x18200] =	vst v63  }
0x49e: {  	s23 =	simm.s32 $0xCA00  }
0x49f: {  	[tilespmem:s23], [sflag:$0x1] =	stream.indirect_vreg.gather [hbm4b:s5+s3], $0x80, v4, vm0, $0xb8;
	[tilespmem:$0x18200] =	vst v63  }
0x4a0: {  	s24 =	simm.s32 $0xD200  }
0x4a1: {  	[tilespmem:s24], [sflag:$0x1] =	stream.indirect_vreg.gather [hbm4b:s6+s3], $0x80, v4, vm0, $0xb8;
	[tilespmem:$0x18200] =	vst v63  }
0x4a2: {  	s25 =	simm.s32 $0xDA00;
	v3 =	vperm.xlane v3, v2  }
0x4a3: {  	[tilespmem:s25], [sflag:$0x1] =	stream.indirect_vreg.gather [hbm4b:s7+s3], $0x80, v4, vm0, $0xb8;
	[tilespmem:$0x18200] =	vst v63  }
0x4a4: {  	s26 =	simm.s32 $0xE200;
	v3 =	vadd.s32 v1, v3  }
0x4a5: {  	[tilespmem:s26], [sflag:$0x1] =	stream.indirect_vreg.gather [hbm4b:s8+s3], $0x80, v4, vm0, $0xb8;
	[tilespmem:$0x18200] =	vst v63  }
0x4a6: {  	s28 =	simm.s32 $0xEA00  }
0x4a7: {  	[tilespmem:s28], [sflag:$0x1] =	stream.indirect_vreg.gather [hbm4b:s9+s3], $0x80, v4, vm0, $0xb8;
	[tilespmem:$0x18200] =	vst v63  }
0x4a8: {  	s30 =	simm.s32 $0xF200  }
0x4a9: {  	[tilespmem:s30], [sflag:$0x1] =	stream.indirect_vreg.gather [hbm4b:s1+s3], $0x80, v3, vm0, $0xb8;
	[tilespmem:$0x18200] =	vst v63  }
0x4aa: {  	s31 =	simm.s32 $0xFA00  }
0x4ab: {  	[tilespmem:s31], [sflag:$0x1] =	stream.indirect_vreg.gather [hbm4b:s5+s3], $0x80, v3, vm0, $0xb8;
	[tilespmem:$0x18200] =	vst v63  }
0x4ac: {  	s2 =	simm.s32 $0x10200  }
0x4ad: {  	[tilespmem:s2], [sflag:$0x1] =	stream.indirect_vreg.gather [hbm4b:s6+s3], $0x80, v3, vm0, $0xb8;
	[tilespmem:$0x18200] =	vst v63  }
0x4ae: {  	s11 =	simm.s32 $0x10A00  }
0x4af: {  	[tilespmem:s11], [sflag:$0x1] =	stream.indirect_vreg.gather [hbm4b:s7+s3], $0x80, v3, vm0, $0xb8;
	[tilespmem:$0x18200] =	vst v63  }
0x4b0: {  	s12 =	simm.s32 $0x11200  }
0x4b1: {  	[tilespmem:s12], [sflag:$0x1] =	stream.indirect_vreg.gather [hbm4b:s8+s3], $0x80, v3, vm0, $0xb8;
	[tilespmem:$0x18200] =	vst v63  }
0x4b2: {  	s13 =	simm.s32 $0x11A00  }
0x4b3: {  	[tilespmem:s13], [sflag:$0x1] =	stream.indirect_vreg.gather [hbm4b:s9+s3], $0x80, v3, vm0, $0xb8;
	[tilespmem:$0x18200] =	vst v63  }
0x4b4: {  	_ =	swait.ge [sflag:s14], $0x6000  }
0x4b5: {  	s15 =	sld [smem:$0x7FB]  }
0x4b6: {  	[sflag:s14] =	ssyncset.done $0x0  }
0x4b7: {  	[sflag:s14] =	ssyncadd.s32 $0xFFFFA000  }
0x4b8: {  	[hbm4b:s15+s3] =	stream.linear.scatter [tilespmem:s10], [sflag:$0x2], $0x6000, $0x38;
	[tilespmem:$0x18200] =	vst v63  }
0x4b9: {  	_ =	swait.ge [sflag:s20], $0x6000  }
0x4ba: {  	[sflag:s20] =	ssyncset.done $0x0  }
0x4bb: {  	[sflag:s20] =	ssyncadd.s32 $0xFFFFA000  }
0x4bc: {  	v3 =	vld [tilespmem:$0x1F0];
	_ =	sdelay $0x4  }
0x4bd: {  	v63 =	vshrl.u32 v3, $0x3  }
0x4be: {  	v4 =	vmul.u32 $0x60, v63  }
0x4bf: {  	v3 =	vand.u32 $0x7, v3  }
0x4c0: {  	v3 =	vor.u32 v3, v4  }
0x4c1: {  	v4 =	vperm.xlane v3, v0;
	_ =	sdelay $0x1  }
0x4c2: {  	v4 =	vadd.s32 v1, v4;
	_ =	sdelay $0x4  }
0x4c3: {  	[tilespmem:s4], [sflag:$0x1] =	stream.indirect_vreg.gather [hbm4b:s1+s3], $0x80, v4, vm0, $0xb8;
	[tilespmem:$0x18200] =	vst v63  }
0x4c4: {  	s29 =	simm.s32 $0x12A00  }
0x4c5: {  	[tilespmem:s29], [sflag:$0x1] =	stream.indirect_vreg.gather [hbm4b:s5+s3], $0x80, v4, vm0, $0xb8;
	[tilespmem:$0x18200] =	vst v63  }
0x4c6: {  	s16 =	simm.s32 $0x13200  }
0x4c7: {  	[tilespmem:s16], [sflag:$0x1] =	stream.indirect_vreg.gather [hbm4b:s6+s3], $0x80, v4, vm0, $0xb8;
	[tilespmem:$0x18200] =	vst v63  }
0x4c8: {  	s18 =	simm.s32 $0x13A00;
	v3 =	vperm.xlane v3, v2  }
0x4c9: {  	[tilespmem:s18], [sflag:$0x1] =	stream.indirect_vreg.gather [hbm4b:s7+s3], $0x80, v4, vm0, $0xb8;
	[tilespmem:$0x18200] =	vst v63  }
0x4ca: {  	v3 =	vadd.s32 v1, v3;
	s18 =	simm.s32 $0x14200  }
0x4cb: {  	[tilespmem:s18], [sflag:$0x1] =	stream.indirect_vreg.gather [hbm4b:s8+s3], $0x80, v4, vm0, $0xb8;
	[tilespmem:$0x18200] =	vst v63  }
0x4cc: {  	s22 =	simm.s32 $0x14A00  }
0x4cd: {  	[tilespmem:s22], [sflag:$0x1] =	stream.indirect_vreg.gather [hbm4b:s9+s3], $0x80, v4, vm0, $0xb8;
	[tilespmem:$0x18200] =	vst v63  }
0x4ce: {  	s23 =	simm.s32 $0x15200  }
0x4cf: {  	[tilespmem:s23], [sflag:$0x1] =	stream.indirect_vreg.gather [hbm4b:s1+s3], $0x80, v3, vm0, $0xb8;
	[tilespmem:$0x18200] =	vst v63  }
0x4d0: {  	s24 =	simm.s32 $0x15A00  }
0x4d1: {  	[tilespmem:s24], [sflag:$0x1] =	stream.indirect_vreg.gather [hbm4b:s5+s3], $0x80, v3, vm0, $0xb8;
	[tilespmem:$0x18200] =	vst v63  }
0x4d2: {  	s25 =	simm.s32 $0x16200  }
0x4d3: {  	[tilespmem:s25], [sflag:$0x1] =	stream.indirect_vreg.gather [hbm4b:s6+s3], $0x80, v3, vm0, $0xb8;
	[tilespmem:$0x18200] =	vst v63  }
0x4d4: {  	s26 =	simm.s32 $0x16A00  }
0x4d5: {  	[tilespmem:s26], [sflag:$0x1] =	stream.indirect_vreg.gather [hbm4b:s7+s3], $0x80, v3, vm0, $0xb8;
	[tilespmem:$0x18200] =	vst v63  }
0x4d6: {  	s28 =	simm.s32 $0x17200  }
0x4d7: {  	[tilespmem:s28], [sflag:$0x1] =	stream.indirect_vreg.gather [hbm4b:s8+s3], $0x80, v3, vm0, $0xb8;
	[tilespmem:$0x18200] =	vst v63  }
0x4d8: {  	s29 =	simm.s32 $0x17A00  }
0x4d9: {  	[tilespmem:s29], [sflag:$0x1] =	stream.indirect_vreg.gather [hbm4b:s9+s3], $0x80, v3, vm0, $0xb8;
	[tilespmem:$0x18200] =	vst v63  }
0x4da: {  	s19 =	sld [smem:$0x7F8];
	_ =	swait.ge [sflag:s14], $0x6000  }
0x4db: {  	s30 =	sld [smem:$0x7FC]  }
0x4dc: {  	[sflag:s14] =	ssyncset.done $0x0  }
0x4dd: {  	[sflag:s14] =	ssyncadd.s32 $0xFFFFA000  }
0x4de: {  	[hbm4b:s30+s3] =	stream.linear.scatter [tilespmem:s17], [sflag:$0x2], $0x6000, $0x38;
	[tilespmem:$0x18200] =	vst v63  }
0x4df: {  	_ =	swait.ge [sflag:s14], $0x6000  }
0x4e0: {  	s31 =	sld [smem:$0x7FD]  }
0x4e1: {  	[sflag:s14] =	ssyncset.done $0x0  }
0x4e2: {  	[sflag:s14] =	ssyncadd.s32 $0xFFFFA000  }
0x4e3: {  	[hbm4b:s31+s3] =	stream.linear.scatter [tilespmem:s4], [sflag:$0x2], $0x6000, $0x38;
	[tilespmem:$0x18200] =	vst v63  }
0x4e4: {  	_ =	swait.ge [sflag:s20], $0x6000  }
0x4e5: {  	[sflag:s20] =	ssyncset.done $0x0  }
0x4e6: {  	[sflag:s20] =	ssyncadd.s32 $0xFFFFA000  }
0x4e7: {  	_ =	swait.ge [sflag:s20], $0x6000  }
0x4e8: {  	[sflag:s20] =	ssyncset.done $0x0  }
0x4e9: {  	[sflag:s20] =	ssyncadd.s32 $0xFFFFA000  }
0x4ea: {  	p0 =	sne.s32 s19, $0x1;
	_ =	swait.ge [sflag:s20], $0x6000  }
.Ltmp0:
0x4eb: {  	[sflag:s20] =	ssyncset.done $0x0;
	(pc) =	sbr.rel @p0 .LBB2_1-.Ltmp0, $4  }
0x4ec: {  	[sflag:s20] =	ssyncadd.s32 $0xFFFFA000  }
0x4ed: {  	_ =	swait.ge [sflag:s20], $0x6000  }
0x4ee: {  	[sflag:s20] =	ssyncset.done $0x0  }
0x4ef: {  	s0 =	sadd.s32 $0xFFFFFFFF, s19;
	[sflag:s20] =	ssyncadd.s32 $0xFFFFA000  }
0x4f0: {  	_ =	sfence.sel $0x180000  }
0x4f1: {  	[bflag:$0x0] =	sbarrier.arrive $0xFFFF  }
0x4f2: {  	_ =	strace $0x90000047  }
0x4f3: {  	s0 =	stileid.u32;
	[bflag:$0x2] =	sbarrier.arrive $0xFFFF  }
0x4f4: {  	p0 =	sne.s32 s0, $0x0;
	s0 =	rddreg [dreg:$0x3]  }
0x4f5: {  	s0 =	sadd.s32 @!p0 $0x100000, s0  }
0x4f6: {  	[sflag:s0] =	ssyncadd.tile.s32 @!p0 $0x1;
	_ =	shalt  }
.Lfunc_end2:
_tile_overlayer_lowered:
.L_overlay_start_2:
0x4f7: {  	(tag) =	ssettag $0x2  }
0x4f8: {  	s0 =	rddreg [dreg:$0x0];
	s2 =	stileid.u32  }
0x4f9: {  	s1 =	rddreg [dreg:$0x1];
	p0 =	sne.s32 s2, $0x0  }
0x4fa: {  	s3 =	rddreg [dreg:$0x2];
	[bflag:$0x3] =	sbarrier.arrive $0xFFFF;
	s2 =	simm.s32 @!p0 $0x1C03  }
0x4fb: {  	[timem:s3], [sflag:s2] =	dma.local @!p0 [hbm:s0], s1  }
0x4fc: {  	s0 =	simm.s32 @!p0 $0x3  }
0x4fd: {  	_ =	swait.ge @!p0 [sflag:s0], s1  }
0x4fe: {  	s1 =	ssub.s32 @!p0 $0x0, s1;
	[sflag:s0] =	ssyncset.done @!p0 $0x0  }
0x4ff: {  	[sflag:s0] =	ssyncadd.s32 @!p0 s1  }
0x500: {  	[bflag:$0x3] =	sbarrier.arrive $0xFFFF  }
0x501: {  	_ =	shalt  }

</sc_bundles>
